<compile_context>
chip_gen: v7x
topology: tpu7x:2x2x1
jax: 0.10.2.dev20260603
libtpu: 0.0.44.dev20260713+nightly
codegen_flags: <defaults>
</compile_context>

<pallas_src>
import functools

import jax
import jax.numpy as jnp
from jax import lax
from jax.experimental import pallas as pl
from jax.experimental.pallas import tpu as pltpu
from jax.experimental.pallas import tpu_sc as plsc

N = 8192
D_NODE = 1024
D_EDGE = 512
D_OUT = 1024
J = 16

BM = 512
NB = N // BM

BMG = 512
NBG = N // BMG
WORK = NBG + J - 1


_SC_CHUNK = 64


@functools.cache
def _make_row_gather(n, d):
    info = plsc.get_sparse_core_info()
    nw = info.num_cores * info.num_subcores
    rows_per_w = n // nw
    nchunks = rows_per_w // _SC_CHUNK
    mesh = plsc.VectorSubcoreMesh(core_axis_name="c", subcore_axis_name="s")

    @functools.partial(
        pl.kernel,
        mesh=mesh,
        out_type=jax.ShapeDtypeStruct((n, d), jnp.float32),
        scratch_types=[
            pltpu.VMEM((_SC_CHUNK,), jnp.int32),
            pltpu.VMEM((_SC_CHUNK, d), jnp.float32),
            pltpu.SemaphoreType.DMA,
        ],
    )
    def gather1(tbl, idx, out, idx_v, rows_v, sem):
        wid = lax.axis_index("s") * info.num_cores + lax.axis_index("c")
        base = wid * rows_per_w
        for c in range(nchunks):
            off = base + c * _SC_CHUNK
            pltpu.sync_copy(idx.at[pl.ds(off, _SC_CHUNK)], idx_v)
            pltpu.async_copy(tbl.at[idx_v], rows_v, sem).wait()
            pltpu.sync_copy(rows_v, out.at[pl.ds(off, _SC_CHUNK)])

    return gather1


def _row_gather(tbl, idx):
    return _make_row_gather(tbl.shape[0], tbl.shape[1])(tbl, idx)


@functools.cache
def _make_row_gather2(n, d):
    info = plsc.get_sparse_core_info()
    nw = info.num_cores * info.num_subcores
    rows_per_w = n // nw
    nchunks = rows_per_w // _SC_CHUNK
    mesh = plsc.VectorSubcoreMesh(core_axis_name="c", subcore_axis_name="s")

    @functools.partial(
        pl.kernel,
        mesh=mesh,
        out_type=[jax.ShapeDtypeStruct((n, d), jnp.float32)] * 2,
        scratch_types=[
            pltpu.VMEM((_SC_CHUNK,), jnp.int32),
            pltpu.VMEM((_SC_CHUNK, d), jnp.float32),
            pltpu.SemaphoreType.DMA,
        ],
    )
    def gather2(t1, i1, t2, i2, o1, o2, idx_v, rows_v, sem):
        wid = lax.axis_index("s") * info.num_cores + lax.axis_index("c")
        base = wid * rows_per_w
        for tbl, idx, out in ((t1, i1, o1), (t2, i2, o2)):
            for c in range(nchunks):
                off = base + c * _SC_CHUNK
                pltpu.sync_copy(idx.at[pl.ds(off, _SC_CHUNK)], idx_v)
                pltpu.async_copy(tbl.at[idx_v], rows_v, sem).wait()
                pltpu.sync_copy(rows_v, out.at[pl.ds(off, _SC_CHUNK)])

    return gather2


def _row_gather2(t1, i1, t2, i2):
    return _make_row_gather2(t1.shape[0], t1.shape[1])(t1, i1, t2, i2)



def _perm_metadata(types):
    t32 = types.astype(jnp.int32)
    order = jnp.argsort(t32, stable=True).astype(jnp.int32)
    types_sorted = jnp.take(t32, order)
    rank = jnp.zeros((N,), jnp.int32).at[order].set(
        jnp.arange(N, dtype=jnp.int32))
    return order, rank, types_sorted


def _routing(types_sorted):
    ts = types_sorted.reshape(NBG, BMG)
    tmin = ts[:, 0]
    tmax = ts[:, -1]
    counts = (tmax - tmin + 1).astype(jnp.int32)
    starts = jnp.concatenate(
        [jnp.zeros((1,), jnp.int32), jnp.cumsum(counts)[:-1].astype(jnp.int32)])
    total = starts[-1] + counts[-1]
    s = jnp.arange(WORK, dtype=jnp.int32)
    bid = jnp.searchsorted(starts, s, side="right").astype(jnp.int32) - 1
    tid = tmin[bid] + (s - starts[bid])
    valid = (s < total).astype(jnp.int32)
    bid = jnp.where(valid == 1, bid, NBG - 1)
    tid = jnp.where(valid == 1, tid, tmax[NBG - 1])
    return bid, tid, valid



def _gmm_body(bid_ref, tid_ref, valid_ref, x_ref, w_ref, b_ref, t_ref, o_ref):
    s = pl.program_id(0)
    bid = bid_ref[s]
    prev_bid = bid_ref[jnp.maximum(s - 1, 0)]
    first = jnp.logical_or(s == 0, bid != prev_bid)
    t = tid_ref[s]
    valid = valid_ref[s] != 0
    mask = jnp.logical_and(t_ref[...] == t, valid)
    y = jnp.dot(x_ref[...], w_ref[0], preferred_element_type=jnp.float32)
    y = y + b_ref[0, 0, :][None, :]
    contrib = jnp.where(mask, y, 0.0)
    o_ref[...] = jnp.where(first, 0.0, o_ref[...]) + contrib


def _grouped_linear(xs, W, b, ts, bid, tid, valid, interpret=False):
    grid_spec = pltpu.PrefetchScalarGridSpec(
        num_scalar_prefetch=3,
        grid=(WORK,),
        in_specs=[
            pl.BlockSpec((BMG, D_NODE), lambda s, bids, tids, vs: (bids[s], 0)),
            pl.BlockSpec((1, D_NODE, D_OUT), lambda s, bids, tids, vs: (tids[s], 0, 0)),
            pl.BlockSpec((1, 1, D_OUT), lambda s, bids, tids, vs: (tids[s], 0, 0)),
            pl.BlockSpec((BMG, 1), lambda s, bids, tids, vs: (bids[s], 0)),
        ],
        out_specs=pl.BlockSpec((BMG, D_OUT), lambda s, bids, tids, vs: (bids[s], 0)),
    )
    return pl.pallas_call(
        _gmm_body,
        grid_spec=grid_spec,
        out_shape=jax.ShapeDtypeStruct((N, D_OUT), jnp.float32),
        interpret=interpret,
    )(bid, tid, valid, xs, W, b.reshape(J, 1, D_OUT), ts.reshape(N, 1))



def _edge_part_body(e_ref, we_ref, be_ref, wc_ref, bo_ref, o_ref):
    e = jnp.dot(e_ref[...], we_ref[...], preferred_element_type=jnp.float32)
    e = e + be_ref[...]
    acc = jnp.dot(jnp.maximum(e, 0.0), wc_ref[...],
                  preferred_element_type=jnp.float32)
    o_ref[...] = acc + bo_ref[...]


def _edge_part(edges, We, be, WoC, bo, interpret=False):
    row = lambda i: (i, 0)
    full = lambda i: (0, 0)
    return pl.pallas_call(
        _edge_part_body,
        grid=(NB,),
        in_specs=[
            pl.BlockSpec((BM, D_EDGE), row),
            pl.BlockSpec((D_EDGE, D_OUT), full),
            pl.BlockSpec((1, D_OUT), full),
            pl.BlockSpec((D_OUT, D_OUT), full),
            pl.BlockSpec((1, D_OUT), full),
        ],
        out_specs=pl.BlockSpec((BM, D_OUT), row),
        out_shape=jax.ShapeDtypeStruct((N, D_OUT), jnp.float32),
        interpret=interpret,
    )(edges, We, be.reshape(1, D_OUT), WoC, bo.reshape(1, D_OUT))


def _final_body(t1_ref, t2_ref, eacc_ref, wa_ref, wb_ref, o_ref):
    acc = jnp.dot(jnp.maximum(t1_ref[...], 0.0), wa_ref[...],
                  preferred_element_type=jnp.float32)
    acc += jnp.dot(jnp.maximum(t2_ref[...], 0.0), wb_ref[...],
                   preferred_element_type=jnp.float32)
    o_ref[...] = jnp.maximum(acc + eacc_ref[...], 0.0)


def _final(tmp1, tmp2, eacc, WoA, WoB, interpret=False):
    row = lambda i: (i, 0)
    full = lambda i: (0, 0)
    return pl.pallas_call(
        _final_body,
        grid=(NB,),
        in_specs=[
            pl.BlockSpec((BM, D_OUT), row),
            pl.BlockSpec((BM, D_OUT), row),
            pl.BlockSpec((BM, D_OUT), row),
            pl.BlockSpec((D_OUT, D_OUT), full),
            pl.BlockSpec((D_OUT, D_OUT), full),
        ],
        out_specs=pl.BlockSpec((BM, D_OUT), row),
        out_shape=jax.ShapeDtypeStruct((N, D_OUT), jnp.float32),
        interpret=interpret,
    )(tmp1, tmp2, eacc, WoA, WoB)



def kernel(nodes_1, nodes_2, edges, node_types_1, node_types_2,
           W1, b1, W2, b2, We, be, Wo, bo):
    order1, rank1, t1s = _perm_metadata(node_types_1)
    order2, rank2, t2s = _perm_metadata(node_types_2)

    r1 = _routing(t1s)
    r2 = _routing(t2s)

    WoA = Wo[:D_OUT]
    WoB = Wo[D_OUT:2 * D_OUT]
    WoC = Wo[2 * D_OUT:]

    x1s, x2s = _row_gather2(nodes_1, order1, nodes_2, order2)
    eacc = _edge_part(edges, We, be, WoC, bo)
    tmp1s = _grouped_linear(x1s, W1, b1, t1s, *r1)
    tmp1 = _row_gather(tmp1s, rank1)
    tmp2s = _grouped_linear(x2s, W2, b2, t2s, *r2)
    tmp2 = _row_gather(tmp2s, rank2)
    return _final(tmp1, tmp2, eacc, WoA, WoB)

# --- scband reference (transcript-rebuilt; emitter-appended) ---
"""Pipeline reference for scband-type-aware-edge-update-24223615550200 (READ-ONLY COPY).

The authoritative reference and input builder live on the scoring server;
editing this copy changes nothing except your own understanding.
"""

import jax, jax.numpy as jnp
import numpy as np

N = 8192
D_NODE = 1024
D_EDGE = 512
D_OUT = 1024
J = 16


def setup_inputs(seed: int = 0) -> dict:
    key = jax.random.key(seed)
    ks = jax.random.split(key, 12)
    s_node = 1.0 / np.sqrt(D_NODE)
    s_edge = 1.0 / np.sqrt(D_EDGE)
    s_out = 1.0 / np.sqrt(3 * D_OUT)
    return {
        "nodes_1": jax.random.normal(ks[0], (N, D_NODE), dtype=jnp.float32),
        "nodes_2": jax.random.normal(ks[1], (N, D_NODE), dtype=jnp.float32),
        "edges": jax.random.normal(ks[2], (N, D_EDGE), dtype=jnp.float32),
        "node_types_1": jax.random.randint(ks[3], (N,), 0, J, dtype=jnp.int32),
        "node_types_2": jax.random.randint(ks[4], (N,), 0, J, dtype=jnp.int32),
        "W1": jax.random.uniform(ks[5], (J, D_NODE, D_OUT), jnp.float32, -s_node, s_node),
        "b1": jax.random.uniform(ks[6], (J, D_OUT), jnp.float32, -s_node, s_node),
        "W2": jax.random.uniform(ks[7], (J, D_NODE, D_OUT), jnp.float32, -s_node, s_node),
        "b2": jax.random.uniform(ks[8], (J, D_OUT), jnp.float32, -s_node, s_node),
        "We": jax.random.uniform(ks[9], (D_EDGE, D_OUT), jnp.float32, -s_edge, s_edge),
        "be": jax.random.uniform(ks[9], (D_OUT,), jnp.float32, -s_edge, s_edge),
        "Wo": jax.random.uniform(ks[10], (3 * D_OUT, D_OUT), jnp.float32, -s_out, s_out),
        "bo": jax.random.uniform(ks[11], (D_OUT,), jnp.float32, -s_out, s_out),
    }


def reference(nodes_1, nodes_2, edges, node_types_1, node_types_2,
              W1, b1, W2, b2, We, be, Wo, bo):
    # Type-aware per-node linear: gather each node's expert weight by its type id,
    # equivalent to the torch loop `tmp[types==i] = layer[i](nodes[types==i])`.
    tmp_1 = jnp.einsum("nd,ndo->no", nodes_1, jnp.take(W1, node_types_1, axis=0)) \
            + jnp.take(b1, node_types_1, axis=0)
    tmp_2 = jnp.einsum("nd,ndo->no", nodes_2, jnp.take(W2, node_types_2, axis=0)) \
            + jnp.take(b2, node_types_2, axis=0)
    e = edges @ We + be
    cat_inp = jnp.concatenate([tmp_1, tmp_2, e], axis=1)
    h = jax.nn.relu(cat_inp)
    out = jax.nn.relu(h @ Wo + bo)
    return out

if __name__ == "__main__":
    import jax
    _d = setup_inputs()
    print(jax.jit(kernel)(*tuple(_d.values())))

</pallas_src>

<mosaic_0001>
#map = affine_map<(d0, d1) -> (0, 0)>
#map1 = affine_map<(d0, d1) -> (0)>
module attributes {stable_mosaic.version = 14 : i64} {
  func.func @gather1(%arg0: i32, %arg1: i32, %arg2: memref<8192x1024xf32, #tpu.memory_space<hbm>>, %arg3: memref<8192xi32, #tpu.memory_space<hbm>>, %arg4: memref<8192x1024xf32, #tpu.memory_space<hbm>>, %arg5: memref<64xi32, #tpu.memory_space<vmem>>, %arg6: memref<64x1024xf32, #tpu.memory_space<vmem>>, %arg7: memref<!tpu.dma_semaphore, #tpu.memory_space<semaphore_mem>>) attributes {dimension_semantics = [#tpu.dimension_semantics<core_parallel>, #tpu.dimension_semantics<subcore_parallel>], iteration_bounds = array<i64: 2, 16>, scalar_prefetch = 0 : i64, scratch_operands = 3 : i64, tpu.core_type = #tpu.core_type<sc_vector_subcore>, window_params = [{transform_indices = #map}, {transform_indices = #map1}, {transform_indices = #map}]} {
    %mul3A = arith.constant 2 : i32
    %mul3A_0 = arith.muli %arg1, %mul3A : i32
    %add3A = arith.addi %mul3A_0, %arg0 : i32
    %mul3A_1 = arith.constant 256 : i32
    %mul3A_2 = arith.muli %add3A, %mul3A_1 : i32
    %add3A_3 = arith.constant 0 : i32
    %add3A_4 = arith.addi %mul3A_2, %add3A_3 : i32
    "tpu.region"() ({
      %run_scoped3A = tpu.sem_alloc : memref<!tpu.dma_semaphore, #tpu.memory_space<semaphore_mem>>
      %dma_start3A_33 = tpu.memref_slice %arg3[%add3A_4] : memref<8192xi32, #tpu.memory_space<hbm>> -> memref<64xi32, #tpu.memory_space<hbm>>
      %dma_start3A_34 = tpu.memref_slice %arg3[%add3A_4] : memref<8192xi32, #tpu.memory_space<hbm>> -> memref<64xi32, #tpu.memory_space<hbm>>
      tpu.enqueue_dma source(%dma_start3A_34 : memref<64xi32, #tpu.memory_space<hbm>>) target(%arg5 : memref<64xi32, #tpu.memory_space<vmem>>) target_semaphore(%run_scoped3A : memref<!tpu.dma_semaphore, #tpu.memory_space<semaphore_mem>>)
      %dma_wait3A_35 = tpu.memref_slice %arg3[%add3A_4] : memref<8192xi32, #tpu.memory_space<hbm>> -> memref<64xi32, #tpu.memory_space<hbm>>
      %dma_wait3A_36 = tpu.memref_slice %arg3[%add3A_4] : memref<8192xi32, #tpu.memory_space<hbm>> -> memref<64xi32, #tpu.memory_space<hbm>>
      tpu.wait_dma2 semaphore(%run_scoped3A : memref<!tpu.dma_semaphore, #tpu.memory_space<semaphore_mem>>) src(%dma_wait3A_36 : memref<64xi32, #tpu.memory_space<hbm>>) dst(%arg5 : memref<64xi32, #tpu.memory_space<vmem>>)
      tpu.yield
    }) : () -> ()
    %dma_start3A = arith.constant 0 : i32
    %dma_start3A_5 = arith.constant 0 : i32
    %dma_start3A_6 = tpu.memref_slice %arg2[%dma_start3A, %dma_start3A_5] : memref<8192x1024xf32, #tpu.memory_space<hbm>> -> memref<8192x1024xf32, #tpu.memory_space<hbm>>
    tpu.enqueue_indirect_dma source(%dma_start3A_6 : memref<8192x1024xf32, #tpu.memory_space<hbm>>) target(%arg6 : memref<64x1024xf32, #tpu.memory_space<vmem>>) offsets(%arg5 : memref<64xi32, #tpu.memory_space<vmem>>) semaphore(%arg7 : memref<!tpu.dma_semaphore, #tpu.memory_space<semaphore_mem>>)
    %dma_wait3A = arith.constant 0 : i32
    %dma_wait3A_7 = arith.constant 0 : i32
    %dma_wait3A_8 = tpu.memref_slice %arg2[%dma_wait3A, %dma_wait3A_7] : memref<8192x1024xf32, #tpu.memory_space<hbm>> -> memref<8192x1024xf32, #tpu.memory_space<hbm>>
    tpu.wait_indirect_dma semaphore(%arg7 : memref<!tpu.dma_semaphore, #tpu.memory_space<semaphore_mem>>) src(%dma_wait3A_8 : memref<8192x1024xf32, #tpu.memory_space<hbm>>) dst(%arg6 : memref<64x1024xf32, #tpu.memory_space<vmem>>)
    "tpu.region"() ({
      %run_scoped3A = tpu.sem_alloc : memref<!tpu.dma_semaphore, #tpu.memory_space<semaphore_mem>>
      %dma_start3A_33 = arith.constant 0 : i32
      %dma_start3A_34 = tpu.memref_slice %arg4[%add3A_4, %dma_start3A_33] : memref<8192x1024xf32, #tpu.memory_space<hbm>> -> memref<64x1024xf32, #tpu.memory_space<hbm>>
      %dma_start3A_35 = arith.constant 0 : i32
      %dma_start3A_36 = tpu.memref_slice %arg4[%add3A_4, %dma_start3A_35] : memref<8192x1024xf32, #tpu.memory_space<hbm>> -> memref<64x1024xf32, #tpu.memory_space<hbm>>
      tpu.enqueue_dma source(%arg6 : memref<64x1024xf32, #tpu.memory_space<vmem>>) target(%dma_start3A_36 : memref<64x1024xf32, #tpu.memory_space<hbm>>) target_semaphore(%run_scoped3A : memref<!tpu.dma_semaphore, #tpu.memory_space<semaphore_mem>>)
      %dma_wait3A_37 = arith.constant 0 : i32
      %dma_wait3A_38 = tpu.memref_slice %arg4[%add3A_4, %dma_wait3A_37] : memref<8192x1024xf32, #tpu.memory_space<hbm>> -> memref<64x1024xf32, #tpu.memory_space<hbm>>
      %dma_wait3A_39 = arith.constant 0 : i32
      %dma_wait3A_40 = tpu.memref_slice %arg4[%add3A_4, %dma_wait3A_39] : memref<8192x1024xf32, #tpu.memory_space<hbm>> -> memref<64x1024xf32, #tpu.memory_space<hbm>>
      tpu.wait_dma2 semaphore(%run_scoped3A : memref<!tpu.dma_semaphore, #tpu.memory_space<semaphore_mem>>) src(%arg6 : memref<64x1024xf32, #tpu.memory_space<vmem>>) dst(%dma_wait3A_40 : memref<64x1024xf32, #tpu.memory_space<hbm>>)
      tpu.yield
    }) : () -> ()
    %add3A_9 = arith.constant 64 : i32
    %add3A_10 = arith.addi %mul3A_2, %add3A_9 : i32
    "tpu.region"() ({
      %run_scoped3A = tpu.sem_alloc : memref<!tpu.dma_semaphore, #tpu.memory_space<semaphore_mem>>
      %dma_start3A_33 = tpu.memref_slice %arg3[%add3A_10] : memref<8192xi32, #tpu.memory_space<hbm>> -> memref<64xi32, #tpu.memory_space<hbm>>
      %dma_start3A_34 = tpu.memref_slice %arg3[%add3A_10] : memref<8192xi32, #tpu.memory_space<hbm>> -> memref<64xi32, #tpu.memory_space<hbm>>
      tpu.enqueue_dma source(%dma_start3A_34 : memref<64xi32, #tpu.memory_space<hbm>>) target(%arg5 : memref<64xi32, #tpu.memory_space<vmem>>) target_semaphore(%run_scoped3A : memref<!tpu.dma_semaphore, #tpu.memory_space<semaphore_mem>>)
      %dma_wait3A_35 = tpu.memref_slice %arg3[%add3A_10] : memref<8192xi32, #tpu.memory_space<hbm>> -> memref<64xi32, #tpu.memory_space<hbm>>
      %dma_wait3A_36 = tpu.memref_slice %arg3[%add3A_10] : memref<8192xi32, #tpu.memory_space<hbm>> -> memref<64xi32, #tpu.memory_space<hbm>>
      tpu.wait_dma2 semaphore(%run_scoped3A : memref<!tpu.dma_semaphore, #tpu.memory_space<semaphore_mem>>) src(%dma_wait3A_36 : memref<64xi32, #tpu.memory_space<hbm>>) dst(%arg5 : memref<64xi32, #tpu.memory_space<vmem>>)
      tpu.yield
    }) : () -> ()
    %dma_start3A_11 = arith.constant 0 : i32
    %dma_start3A_12 = arith.constant 0 : i32
    %dma_start3A_13 = tpu.memref_slice %arg2[%dma_start3A_11, %dma_start3A_12] : memref<8192x1024xf32, #tpu.memory_space<hbm>> -> memref<8192x1024xf32, #tpu.memory_space<hbm>>
    tpu.enqueue_indirect_dma source(%dma_start3A_13 : memref<8192x1024xf32, #tpu.memory_space<hbm>>) target(%arg6 : memref<64x1024xf32, #tpu.memory_space<vmem>>) offsets(%arg5 : memref<64xi32, #tpu.memory_space<vmem>>) semaphore(%arg7 : memref<!tpu.dma_semaphore, #tpu.memory_space<semaphore_mem>>)
    %dma_wait3A_14 = arith.constant 0 : i32
    %dma_wait3A_15 = arith.constant 0 : i32
    %dma_wait3A_16 = tpu.memref_slice %arg2[%dma_wait3A_14, %dma_wait3A_15] : memref<8192x1024xf32, #tpu.memory_space<hbm>> -> memref<8192x1024xf32, #tpu.memory_space<hbm>>
    tpu.wait_indirect_dma semaphore(%arg7 : memref<!tpu.dma_semaphore, #tpu.memory_space<semaphore_mem>>) src(%dma_wait3A_16 : memref<8192x1024xf32, #tpu.memory_space<hbm>>) dst(%arg6 : memref<64x1024xf32, #tpu.memory_space<vmem>>)
    "tpu.region"() ({
      %run_scoped3A = tpu.sem_alloc : memref<!tpu.dma_semaphore, #tpu.memory_space<semaphore_mem>>
      %dma_start3A_33 = arith.constant 0 : i32
      %dma_start3A_34 = tpu.memref_slice %arg4[%add3A_10, %dma_start3A_33] : memref<8192x1024xf32, #tpu.memory_space<hbm>> -> memref<64x1024xf32, #tpu.memory_space<hbm>>
      %dma_start3A_35 = arith.constant 0 : i32
      %dma_start3A_36 = tpu.memref_slice %arg4[%add3A_10, %dma_start3A_35] : memref<8192x1024xf32, #tpu.memory_space<hbm>> -> memref<64x1024xf32, #tpu.memory_space<hbm>>
      tpu.enqueue_dma source(%arg6 : memref<64x1024xf32, #tpu.memory_space<vmem>>) target(%dma_start3A_36 : memref<64x1024xf32, #tpu.memory_space<hbm>>) target_semaphore(%run_scoped3A : memref<!tpu.dma_semaphore, #tpu.memory_space<semaphore_mem>>)
      %dma_wait3A_37 = arith.constant 0 : i32
      %dma_wait3A_38 = tpu.memref_slice %arg4[%add3A_10, %dma_wait3A_37] : memref<8192x1024xf32, #tpu.memory_space<hbm>> -> memref<64x1024xf32, #tpu.memory_space<hbm>>
      %dma_wait3A_39 = arith.constant 0 : i32
      %dma_wait3A_40 = tpu.memref_slice %arg4[%add3A_10, %dma_wait3A_39] : memref<8192x1024xf32, #tpu.memory_space<hbm>> -> memref<64x1024xf32, #tpu.memory_space<hbm>>
      tpu.wait_dma2 semaphore(%run_scoped3A : memref<!tpu.dma_semaphore, #tpu.memory_space<semaphore_mem>>) src(%arg6 : memref<64x1024xf32, #tpu.memory_space<vmem>>) dst(%dma_wait3A_40 : memref<64x1024xf32, #tpu.memory_space<hbm>>)
      tpu.yield
    }) : () -> ()
    %add3A_17 = arith.constant 128 : i32
    %add3A_18 = arith.addi %mul3A_2, %add3A_17 : i32
    "tpu.region"() ({
      %run_scoped3A = tpu.sem_alloc : memref<!tpu.dma_semaphore, #tpu.memory_space<semaphore_mem>>
      %dma_start3A_33 = tpu.memref_slice %arg3[%add3A_18] : memref<8192xi32, #tpu.memory_space<hbm>> -> memref<64xi32, #tpu.memory_space<hbm>>
      %dma_start3A_34 = tpu.memref_slice %arg3[%add3A_18] : memref<8192xi32, #tpu.memory_space<hbm>> -> memref<64xi32, #tpu.memory_space<hbm>>
      tpu.enqueue_dma source(%dma_start3A_34 : memref<64xi32, #tpu.memory_space<hbm>>) target(%arg5 : memref<64xi32, #tpu.memory_space<vmem>>) target_semaphore(%run_scoped3A : memref<!tpu.dma_semaphore, #tpu.memory_space<semaphore_mem>>)
      %dma_wait3A_35 = tpu.memref_slice %arg3[%add3A_18] : memref<8192xi32, #tpu.memory_space<hbm>> -> memref<64xi32, #tpu.memory_space<hbm>>
      %dma_wait3A_36 = tpu.memref_slice %arg3[%add3A_18] : memref<8192xi32, #tpu.memory_space<hbm>> -> memref<64xi32, #tpu.memory_space<hbm>>
      tpu.wait_dma2 semaphore(%run_scoped3A : memref<!tpu.dma_semaphore, #tpu.memory_space<semaphore_mem>>) src(%dma_wait3A_36 : memref<64xi32, #tpu.memory_space<hbm>>) dst(%arg5 : memref<64xi32, #tpu.memory_space<vmem>>)
      tpu.yield
    }) : () -> ()
    %dma_start3A_19 = arith.constant 0 : i32
    %dma_start3A_20 = arith.constant 0 : i32
    %dma_start3A_21 = tpu.memref_slice %arg2[%dma_start3A_19, %dma_start3A_20] : memref<8192x1024xf32, #tpu.memory_space<hbm>> -> memref<8192x1024xf32, #tpu.memory_space<hbm>>
    tpu.enqueue_indirect_dma source(%dma_start3A_21 : memref<8192x1024xf32, #tpu.memory_space<hbm>>) target(%arg6 : memref<64x1024xf32, #tpu.memory_space<vmem>>) offsets(%arg5 : memref<64xi32, #tpu.memory_space<vmem>>) semaphore(%arg7 : memref<!tpu.dma_semaphore, #tpu.memory_space<semaphore_mem>>)
    %dma_wait3A_22 = arith.constant 0 : i32
    %dma_wait3A_23 = arith.constant 0 : i32
    %dma_wait3A_24 = tpu.memref_slice %arg2[%dma_wait3A_22, %dma_wait3A_23] : memref<8192x1024xf32, #tpu.memory_space<hbm>> -> memref<8192x1024xf32, #tpu.memory_space<hbm>>
    tpu.wait_indirect_dma semaphore(%arg7 : memref<!tpu.dma_semaphore, #tpu.memory_space<semaphore_mem>>) src(%dma_wait3A_24 : memref<8192x1024xf32, #tpu.memory_space<hbm>>) dst(%arg6 : memref<64x1024xf32, #tpu.memory_space<vmem>>)
    "tpu.region"() ({
      %run_scoped3A = tpu.sem_alloc : memref<!tpu.dma_semaphore, #tpu.memory_space<semaphore_mem>>
      %dma_start3A_33 = arith.constant 0 : i32
      %dma_start3A_34 = tpu.memref_slice %arg4[%add3A_18, %dma_start3A_33] : memref<8192x1024xf32, #tpu.memory_space<hbm>> -> memref<64x1024xf32, #tpu.memory_space<hbm>>
      %dma_start3A_35 = arith.constant 0 : i32
      %dma_start3A_36 = tpu.memref_slice %arg4[%add3A_18, %dma_start3A_35] : memref<8192x1024xf32, #tpu.memory_space<hbm>> -> memref<64x1024xf32, #tpu.memory_space<hbm>>
      tpu.enqueue_dma source(%arg6 : memref<64x1024xf32, #tpu.memory_space<vmem>>) target(%dma_start3A_36 : memref<64x1024xf32, #tpu.memory_space<hbm>>) target_semaphore(%run_scoped3A : memref<!tpu.dma_semaphore, #tpu.memory_space<semaphore_mem>>)
      %dma_wait3A_37 = arith.constant 0 : i32
      %dma_wait3A_38 = tpu.memref_slice %arg4[%add3A_18, %dma_wait3A_37] : memref<8192x1024xf32, #tpu.memory_space<hbm>> -> memref<64x1024xf32, #tpu.memory_space<hbm>>
      %dma_wait3A_39 = arith.constant 0 : i32
      %dma_wait3A_40 = tpu.memref_slice %arg4[%add3A_18, %dma_wait3A_39] : memref<8192x1024xf32, #tpu.memory_space<hbm>> -> memref<64x1024xf32, #tpu.memory_space<hbm>>
      tpu.wait_dma2 semaphore(%run_scoped3A : memref<!tpu.dma_semaphore, #tpu.memory_space<semaphore_mem>>) src(%arg6 : memref<64x1024xf32, #tpu.memory_space<vmem>>) dst(%dma_wait3A_40 : memref<64x1024xf32, #tpu.memory_space<hbm>>)
      tpu.yield
    }) : () -> ()
    %add3A_25 = arith.constant 192 : i32
    %add3A_26 = arith.addi %mul3A_2, %add3A_25 : i32
    "tpu.region"() ({
      %run_scoped3A = tpu.sem_alloc : memref<!tpu.dma_semaphore, #tpu.memory_space<semaphore_mem>>
      %dma_start3A_33 = tpu.memref_slice %arg3[%add3A_26] : memref<8192xi32, #tpu.memory_space<hbm>> -> memref<64xi32, #tpu.memory_space<hbm>>
      %dma_start3A_34 = tpu.memref_slice %arg3[%add3A_26] : memref<8192xi32, #tpu.memory_space<hbm>> -> memref<64xi32, #tpu.memory_space<hbm>>
      tpu.enqueue_dma source(%dma_start3A_34 : memref<64xi32, #tpu.memory_space<hbm>>) target(%arg5 : memref<64xi32, #tpu.memory_space<vmem>>) target_semaphore(%run_scoped3A : memref<!tpu.dma_semaphore, #tpu.memory_space<semaphore_mem>>)
      %dma_wait3A_35 = tpu.memref_slice %arg3[%add3A_26] : memref<8192xi32, #tpu.memory_space<hbm>> -> memref<64xi32, #tpu.memory_space<hbm>>
      %dma_wait3A_36 = tpu.memref_slice %arg3[%add3A_26] : memref<8192xi32, #tpu.memory_space<hbm>> -> memref<64xi32, #tpu.memory_space<hbm>>
      tpu.wait_dma2 semaphore(%run_scoped3A : memref<!tpu.dma_semaphore, #tpu.memory_space<semaphore_mem>>) src(%dma_wait3A_36 : memref<64xi32, #tpu.memory_space<hbm>>) dst(%arg5 : memref<64xi32, #tpu.memory_space<vmem>>)
      tpu.yield
    }) : () -> ()
    %dma_start3A_27 = arith.constant 0 : i32
    %dma_start3A_28 = arith.constant 0 : i32
    %dma_start3A_29 = tpu.memref_slice %arg2[%dma_start3A_27, %dma_start3A_28] : memref<8192x1024xf32, #tpu.memory_space<hbm>> -> memref<8192x1024xf32, #tpu.memory_space<hbm>>
    tpu.enqueue_indirect_dma source(%dma_start3A_29 : memref<8192x1024xf32, #tpu.memory_space<hbm>>) target(%arg6 : memref<64x1024xf32, #tpu.memory_space<vmem>>) offsets(%arg5 : memref<64xi32, #tpu.memory_space<vmem>>) semaphore(%arg7 : memref<!tpu.dma_semaphore, #tpu.memory_space<semaphore_mem>>)
    %dma_wait3A_30 = arith.constant 0 : i32
    %dma_wait3A_31 = arith.constant 0 : i32
    %dma_wait3A_32 = tpu.memref_slice %arg2[%dma_wait3A_30, %dma_wait3A_31] : memref<8192x1024xf32, #tpu.memory_space<hbm>> -> memref<8192x1024xf32, #tpu.memory_space<hbm>>
    tpu.wait_indirect_dma semaphore(%arg7 : memref<!tpu.dma_semaphore, #tpu.memory_space<semaphore_mem>>) src(%dma_wait3A_32 : memref<8192x1024xf32, #tpu.memory_space<hbm>>) dst(%arg6 : memref<64x1024xf32, #tpu.memory_space<vmem>>)
    "tpu.region"() ({
      %run_scoped3A = tpu.sem_alloc : memref<!tpu.dma_semaphore, #tpu.memory_space<semaphore_mem>>
      %dma_start3A_33 = arith.constant 0 : i32
      %dma_start3A_34 = tpu.memref_slice %arg4[%add3A_26, %dma_start3A_33] : memref<8192x1024xf32, #tpu.memory_space<hbm>> -> memref<64x1024xf32, #tpu.memory_space<hbm>>
      %dma_start3A_35 = arith.constant 0 : i32
      %dma_start3A_36 = tpu.memref_slice %arg4[%add3A_26, %dma_start3A_35] : memref<8192x1024xf32, #tpu.memory_space<hbm>> -> memref<64x1024xf32, #tpu.memory_space<hbm>>
      tpu.enqueue_dma source(%arg6 : memref<64x1024xf32, #tpu.memory_space<vmem>>) target(%dma_start3A_36 : memref<64x1024xf32, #tpu.memory_space<hbm>>) target_semaphore(%run_scoped3A : memref<!tpu.dma_semaphore, #tpu.memory_space<semaphore_mem>>)
      %dma_wait3A_37 = arith.constant 0 : i32
      %dma_wait3A_38 = tpu.memref_slice %arg4[%add3A_26, %dma_wait3A_37] : memref<8192x1024xf32, #tpu.memory_space<hbm>> -> memref<64x1024xf32, #tpu.memory_space<hbm>>
      %dma_wait3A_39 = arith.constant 0 : i32
      %dma_wait3A_40 = tpu.memref_slice %arg4[%add3A_26, %dma_wait3A_39] : memref<8192x1024xf32, #tpu.memory_space<hbm>> -> memref<64x1024xf32, #tpu.memory_space<hbm>>
      tpu.wait_dma2 semaphore(%run_scoped3A : memref<!tpu.dma_semaphore, #tpu.memory_space<semaphore_mem>>) src(%arg6 : memref<64x1024xf32, #tpu.memory_space<vmem>>) dst(%dma_wait3A_40 : memref<64x1024xf32, #tpu.memory_space<hbm>>)
      tpu.yield
    }) : () -> ()
    return
  }
}

#map = affine_map<(d0, d1) -> (0, 0)>
#map1 = affine_map<(d0, d1) -> (0)>
module attributes {stable_mosaic.version = 14 : i64} {
  func.func @gather2(%arg0: i32, %arg1: i32, %arg2: memref<8192x1024xf32, #tpu.memory_space<hbm>>, %arg3: memref<8192xi32, #tpu.memory_space<hbm>>, %arg4: memref<8192x1024xf32, #tpu.memory_space<hbm>>, %arg5: memref<8192xi32, #tpu.memory_space<hbm>>, %arg6: memref<8192x1024xf32, #tpu.memory_space<hbm>>, %arg7: memref<8192x1024xf32, #tpu.memory_space<hbm>>, %arg8: memref<64xi32, #tpu.memory_space<vmem>>, %arg9: memref<64x1024xf32, #tpu.memory_space<vmem>>, %arg10: memref<!tpu.dma_semaphore, #tpu.memory_space<semaphore_mem>>) attributes {dimension_semantics = [#tpu.dimension_semantics<core_parallel>, #tpu.dimension_semantics<subcore_parallel>], iteration_bounds = array<i64: 2, 16>, scalar_prefetch = 0 : i64, scratch_operands = 3 : i64, tpu.core_type = #tpu.core_type<sc_vector_subcore>, window_params = [{transform_indices = #map}, {transform_indices = #map1}, {transform_indices = #map}, {transform_indices = #map1}, {transform_indices = #map}, {transform_indices = #map}]} {
    %mul3A = arith.constant 2 : i32
    %mul3A_0 = arith.muli %arg1, %mul3A : i32
    %add3A = arith.addi %mul3A_0, %arg0 : i32
    %mul3A_1 = arith.constant 256 : i32
    %mul3A_2 = arith.muli %add3A, %mul3A_1 : i32
    %add3A_3 = arith.constant 0 : i32
    %add3A_4 = arith.addi %mul3A_2, %add3A_3 : i32
    "tpu.region"() ({
      %run_scoped3A = tpu.sem_alloc : memref<!tpu.dma_semaphore, #tpu.memory_space<semaphore_mem>>
      %dma_start3A_65 = tpu.memref_slice %arg3[%add3A_4] : memref<8192xi32, #tpu.memory_space<hbm>> -> memref<64xi32, #tpu.memory_space<hbm>>
      %dma_start3A_66 = tpu.memref_slice %arg3[%add3A_4] : memref<8192xi32, #tpu.memory_space<hbm>> -> memref<64xi32, #tpu.memory_space<hbm>>
      tpu.enqueue_dma source(%dma_start3A_66 : memref<64xi32, #tpu.memory_space<hbm>>) target(%arg8 : memref<64xi32, #tpu.memory_space<vmem>>) target_semaphore(%run_scoped3A : memref<!tpu.dma_semaphore, #tpu.memory_space<semaphore_mem>>)
      %dma_wait3A_67 = tpu.memref_slice %arg3[%add3A_4] : memref<8192xi32, #tpu.memory_space<hbm>> -> memref<64xi32, #tpu.memory_space<hbm>>
      %dma_wait3A_68 = tpu.memref_slice %arg3[%add3A_4] : memref<8192xi32, #tpu.memory_space<hbm>> -> memref<64xi32, #tpu.memory_space<hbm>>
      tpu.wait_dma2 semaphore(%run_scoped3A : memref<!tpu.dma_semaphore, #tpu.memory_space<semaphore_mem>>) src(%dma_wait3A_68 : memref<64xi32, #tpu.memory_space<hbm>>) dst(%arg8 : memref<64xi32, #tpu.memory_space<vmem>>)
      tpu.yield
    }) : () -> ()
    %dma_start3A = arith.constant 0 : i32
    %dma_start3A_5 = arith.constant 0 : i32
    %dma_start3A_6 = tpu.memref_slice %arg2[%dma_start3A, %dma_start3A_5] : memref<8192x1024xf32, #tpu.memory_space<hbm>> -> memref<8192x1024xf32, #tpu.memory_space<hbm>>
    tpu.enqueue_indirect_dma source(%dma_start3A_6 : memref<8192x1024xf32, #tpu.memory_space<hbm>>) target(%arg9 : memref<64x1024xf32, #tpu.memory_space<vmem>>) offsets(%arg8 : memref<64xi32, #tpu.memory_space<vmem>>) semaphore(%arg10 : memref<!tpu.dma_semaphore, #tpu.memory_space<semaphore_mem>>)
    %dma_wait3A = arith.constant 0 : i32
    %dma_wait3A_7 = arith.constant 0 : i32
    %dma_wait3A_8 = tpu.memref_slice %arg2[%dma_wait3A, %dma_wait3A_7] : memref<8192x1024xf32, #tpu.memory_space<hbm>> -> memref<8192x1024xf32, #tpu.memory_space<hbm>>
    tpu.wait_indirect_dma semaphore(%arg10 : memref<!tpu.dma_semaphore, #tpu.memory_space<semaphore_mem>>) src(%dma_wait3A_8 : memref<8192x1024xf32, #tpu.memory_space<hbm>>) dst(%arg9 : memref<64x1024xf32, #tpu.memory_space<vmem>>)
    "tpu.region"() ({
      %run_scoped3A = tpu.sem_alloc : memref<!tpu.dma_semaphore, #tpu.memory_space<semaphore_mem>>
      %dma_start3A_65 = arith.constant 0 : i32
      %dma_start3A_66 = tpu.memref_slice %arg6[%add3A_4, %dma_start3A_65] : memref<8192x1024xf32, #tpu.memory_space<hbm>> -> memref<64x1024xf32, #tpu.memory_space<hbm>>
      %dma_start3A_67 = arith.constant 0 : i32
      %dma_start3A_68 = tpu.memref_slice %arg6[%add3A_4, %dma_start3A_67] : memref<8192x1024xf32, #tpu.memory_space<hbm>> -> memref<64x1024xf32, #tpu.memory_space<hbm>>
      tpu.enqueue_dma source(%arg9 : memref<64x1024xf32, #tpu.memory_space<vmem>>) target(%dma_start3A_68 : memref<64x1024xf32, #tpu.memory_space<hbm>>) target_semaphore(%run_scoped3A : memref<!tpu.dma_semaphore, #tpu.memory_space<semaphore_mem>>)
      %dma_wait3A_69 = arith.constant 0 : i32
      %dma_wait3A_70 = tpu.memref_slice %arg6[%add3A_4, %dma_wait3A_69] : memref<8192x1024xf32, #tpu.memory_space<hbm>> -> memref<64x1024xf32, #tpu.memory_space<hbm>>
      %dma_wait3A_71 = arith.constant 0 : i32
      %dma_wait3A_72 = tpu.memref_slice %arg6[%add3A_4, %dma_wait3A_71] : memref<8192x1024xf32, #tpu.memory_space<hbm>> -> memref<64x1024xf32, #tpu.memory_space<hbm>>
      tpu.wait_dma2 semaphore(%run_scoped3A : memref<!tpu.dma_semaphore, #tpu.memory_space<semaphore_mem>>) src(%arg9 : memref<64x1024xf32, #tpu.memory_space<vmem>>) dst(%dma_wait3A_72 : memref<64x1024xf32, #tpu.memory_space<hbm>>)
      tpu.yield
    }) : () -> ()
    %add3A_9 = arith.constant 64 : i32
    %add3A_10 = arith.addi %mul3A_2, %add3A_9 : i32
    "tpu.region"() ({
      %run_scoped3A = tpu.sem_alloc : memref<!tpu.dma_semaphore, #tpu.memory_space<semaphore_mem>>
      %dma_start3A_65 = tpu.memref_slice %arg3[%add3A_10] : memref<8192xi32, #tpu.memory_space<hbm>> -> memref<64xi32, #tpu.memory_space<hbm>>
      %dma_start3A_66 = tpu.memref_slice %arg3[%add3A_10] : memref<8192xi32, #tpu.memory_space<hbm>> -> memref<64xi32, #tpu.memory_space<hbm>>
      tpu.enqueue_dma source(%dma_start3A_66 : memref<64xi32, #tpu.memory_space<hbm>>) target(%arg8 : memref<64xi32, #tpu.memory_space<vmem>>) target_semaphore(%run_scoped3A : memref<!tpu.dma_semaphore, #tpu.memory_space<semaphore_mem>>)
      %dma_wait3A_67 = tpu.memref_slice %arg3[%add3A_10] : memref<8192xi32, #tpu.memory_space<hbm>> -> memref<64xi32, #tpu.memory_space<hbm>>
      %dma_wait3A_68 = tpu.memref_slice %arg3[%add3A_10] : memref<8192xi32, #tpu.memory_space<hbm>> -> memref<64xi32, #tpu.memory_space<hbm>>
      tpu.wait_dma2 semaphore(%run_scoped3A : memref<!tpu.dma_semaphore, #tpu.memory_space<semaphore_mem>>) src(%dma_wait3A_68 : memref<64xi32, #tpu.memory_space<hbm>>) dst(%arg8 : memref<64xi32, #tpu.memory_space<vmem>>)
      tpu.yield
    }) : () -> ()
    %dma_start3A_11 = arith.constant 0 : i32
    %dma_start3A_12 = arith.constant 0 : i32
    %dma_start3A_13 = tpu.memref_slice %arg2[%dma_start3A_11, %dma_start3A_12] : memref<8192x1024xf32, #tpu.memory_space<hbm>> -> memref<8192x1024xf32, #tpu.memory_space<hbm>>
    tpu.enqueue_indirect_dma source(%dma_start3A_13 : memref<8192x1024xf32, #tpu.memory_space<hbm>>) target(%arg9 : memref<64x1024xf32, #tpu.memory_space<vmem>>) offsets(%arg8 : memref<64xi32, #tpu.memory_space<vmem>>) semaphore(%arg10 : memref<!tpu.dma_semaphore, #tpu.memory_space<semaphore_mem>>)
    %dma_wait3A_14 = arith.constant 0 : i32
    %dma_wait3A_15 = arith.constant 0 : i32
    %dma_wait3A_16 = tpu.memref_slice %arg2[%dma_wait3A_14, %dma_wait3A_15] : memref<8192x1024xf32, #tpu.memory_space<hbm>> -> memref<8192x1024xf32, #tpu.memory_space<hbm>>
    tpu.wait_indirect_dma semaphore(%arg10 : memref<!tpu.dma_semaphore, #tpu.memory_space<semaphore_mem>>) src(%dma_wait3A_16 : memref<8192x1024xf32, #tpu.memory_space<hbm>>) dst(%arg9 : memref<64x1024xf32, #tpu.memory_space<vmem>>)
    "tpu.region"() ({
      %run_scoped3A = tpu.sem_alloc : memref<!tpu.dma_semaphore, #tpu.memory_space<semaphore_mem>>
      %dma_start3A_65 = arith.constant 0 : i32
      %dma_start3A_66 = tpu.memref_slice %arg6[%add3A_10, %dma_start3A_65] : memref<8192x1024xf32, #tpu.memory_space<hbm>> -> memref<64x1024xf32, #tpu.memory_space<hbm>>
      %dma_start3A_67 = arith.constant 0 : i32
      %dma_start3A_68 = tpu.memref_slice %arg6[%add3A_10, %dma_start3A_67] : memref<8192x1024xf32, #tpu.memory_space<hbm>> -> memref<64x1024xf32, #tpu.memory_space<hbm>>
      tpu.enqueue_dma source(%arg9 : memref<64x1024xf32, #tpu.memory_space<vmem>>) target(%dma_start3A_68 : memref<64x1024xf32, #tpu.memory_space<hbm>>) target_semaphore(%run_scoped3A : memref<!tpu.dma_semaphore, #tpu.memory_space<semaphore_mem>>)
      %dma_wait3A_69 = arith.constant 0 : i32
      %dma_wait3A_70 = tpu.memref_slice %arg6[%add3A_10, %dma_wait3A_69] : memref<8192x1024xf32, #tpu.memory_space<hbm>> -> memref<64x1024xf32, #tpu.memory_space<hbm>>
      %dma_wait3A_71 = arith.constant 0 : i32
      %dma_wait3A_72 = tpu.memref_slice %arg6[%add3A_10, %dma_wait3A_71] : memref<8192x1024xf32, #tpu.memory_space<hbm>> -> memref<64x1024xf32, #tpu.memory_space<hbm>>
      tpu.wait_dma2 semaphore(%run_scoped3A : memref<!tpu.dma_semaphore, #tpu.memory_space<semaphore_mem>>) src(%arg9 : memref<64x1024xf32, #tpu.memory_space<vmem>>) dst(%dma_wait3A_72 : memref<64x1024xf32, #tpu.memory_space<hbm>>)
      tpu.yield
    }) : () -> ()
    %add3A_17 = arith.constant 128 : i32
    %add3A_18 = arith.addi %mul3A_2, %add3A_17 : i32
    "tpu.region"() ({
      %run_scoped3A = tpu.sem_alloc : memref<!tpu.dma_semaphore, #tpu.memory_space<semaphore_mem>>
      %dma_start3A_65 = tpu.memref_slice %arg3[%add3A_18] : memref<8192xi32, #tpu.memory_space<hbm>> -> memref<64xi32, #tpu.memory_space<hbm>>
      %dma_start3A_66 = tpu.memref_slice %arg3[%add3A_18] : memref<8192xi32, #tpu.memory_space<hbm>> -> memref<64xi32, #tpu.memory_space<hbm>>
      tpu.enqueue_dma source(%dma_start3A_66 : memref<64xi32, #tpu.memory_space<hbm>>) target(%arg8 : memref<64xi32, #tpu.memory_space<vmem>>) target_semaphore(%run_scoped3A : memref<!tpu.dma_semaphore, #tpu.memory_space<semaphore_mem>>)
      %dma_wait3A_67 = tpu.memref_slice %arg3[%add3A_18] : memref<8192xi32, #tpu.memory_space<hbm>> -> memref<64xi32, #tpu.memory_space<hbm>>
      %dma_wait3A_68 = tpu.memref_slice %arg3[%add3A_18] : memref<8192xi32, #tpu.memory_space<hbm>> -> memref<64xi32, #tpu.memory_space<hbm>>
      tpu.wait_dma2 semaphore(%run_scoped3A : memref<!tpu.dma_semaphore, #tpu.memory_space<semaphore_mem>>) src(%dma_wait3A_68 : memref<64xi32, #tpu.memory_space<hbm>>) dst(%arg8 : memref<64xi32, #tpu.memory_space<vmem>>)
      tpu.yield
    }) : () -> ()
    %dma_start3A_19 = arith.constant 0 : i32
    %dma_start3A_20 = arith.constant 0 : i32
    %dma_start3A_21 = tpu.memref_slice %arg2[%dma_start3A_19, %dma_start3A_20] : memref<8192x1024xf32, #tpu.memory_space<hbm>> -> memref<8192x1024xf32, #tpu.memory_space<hbm>>
    tpu.enqueue_indirect_dma source(%dma_start3A_21 : memref<8192x1024xf32, #tpu.memory_space<hbm>>) target(%arg9 : memref<64x1024xf32, #tpu.memory_space<vmem>>) offsets(%arg8 : memref<64xi32, #tpu.memory_space<vmem>>) semaphore(%arg10 : memref<!tpu.dma_semaphore, #tpu.memory_space<semaphore_mem>>)
    %dma_wait3A_22 = arith.constant 0 : i32
    %dma_wait3A_23 = arith.constant 0 : i32
    %dma_wait3A_24 = tpu.memref_slice %arg2[%dma_wait3A_22, %dma_wait3A_23] : memref<8192x1024xf32, #tpu.memory_space<hbm>> -> memref<8192x1024xf32, #tpu.memory_space<hbm>>
    tpu.wait_indirect_dma semaphore(%arg10 : memref<!tpu.dma_semaphore, #tpu.memory_space<semaphore_mem>>) src(%dma_wait3A_24 : memref<8192x1024xf32, #tpu.memory_space<hbm>>) dst(%arg9 : memref<64x1024xf32, #tpu.memory_space<vmem>>)
    "tpu.region"() ({
      %run_scoped3A = tpu.sem_alloc : memref<!tpu.dma_semaphore, #tpu.memory_space<semaphore_mem>>
      %dma_start3A_65 = arith.constant 0 : i32
      %dma_start3A_66 = tpu.memref_slice %arg6[%add3A_18, %dma_start3A_65] : memref<8192x1024xf32, #tpu.memory_space<hbm>> -> memref<64x1024xf32, #tpu.memory_space<hbm>>
      %dma_start3A_67 = arith.constant 0 : i32
      %dma_start3A_68 = tpu.memref_slice %arg6[%add3A_18, %dma_start3A_67] : memref<8192x1024xf32, #tpu.memory_space<hbm>> -> memref<64x1024xf32, #tpu.memory_space<hbm>>
      tpu.enqueue_dma source(%arg9 : memref<64x1024xf32, #tpu.memory_space<vmem>>) target(%dma_start3A_68 : memref<64x1024xf32, #tpu.memory_space<hbm>>) target_semaphore(%run_scoped3A : memref<!tpu.dma_semaphore, #tpu.memory_space<semaphore_mem>>)
      %dma_wait3A_69 = arith.constant 0 : i32
      %dma_wait3A_70 = tpu.memref_slice %arg6[%add3A_18, %dma_wait3A_69] : memref<8192x1024xf32, #tpu.memory_space<hbm>> -> memref<64x1024xf32, #tpu.memory_space<hbm>>
      %dma_wait3A_71 = arith.constant 0 : i32
      %dma_wait3A_72 = tpu.memref_slice %arg6[%add3A_18, %dma_wait3A_71] : memref<8192x1024xf32, #tpu.memory_space<hbm>> -> memref<64x1024xf32, #tpu.memory_space<hbm>>
      tpu.wait_dma2 semaphore(%run_scoped3A : memref<!tpu.dma_semaphore, #tpu.memory_space<semaphore_mem>>) src(%arg9 : memref<64x1024xf32, #tpu.memory_space<vmem>>) dst(%dma_wait3A_72 : memref<64x1024xf32, #tpu.memory_space<hbm>>)
      tpu.yield
    }) : () -> ()
    %add3A_25 = arith.constant 192 : i32
    %add3A_26 = arith.addi %mul3A_2, %add3A_25 : i32
    "tpu.region"() ({
      %run_scoped3A = tpu.sem_alloc : memref<!tpu.dma_semaphore, #tpu.memory_space<semaphore_mem>>
      %dma_start3A_65 = tpu.memref_slice %arg3[%add3A_26] : memref<8192xi32, #tpu.memory_space<hbm>> -> memref<64xi32, #tpu.memory_space<hbm>>
      %dma_start3A_66 = tpu.memref_slice %arg3[%add3A_26] : memref<8192xi32, #tpu.memory_space<hbm>> -> memref<64xi32, #tpu.memory_space<hbm>>
      tpu.enqueue_dma source(%dma_start3A_66 : memref<64xi32, #tpu.memory_space<hbm>>) target(%arg8 : memref<64xi32, #tpu.memory_space<vmem>>) target_semaphore(%run_scoped3A : memref<!tpu.dma_semaphore, #tpu.memory_space<semaphore_mem>>)
      %dma_wait3A_67 = tpu.memref_slice %arg3[%add3A_26] : memref<8192xi32, #tpu.memory_space<hbm>> -> memref<64xi32, #tpu.memory_space<hbm>>
      %dma_wait3A_68 = tpu.memref_slice %arg3[%add3A_26] : memref<8192xi32, #tpu.memory_space<hbm>> -> memref<64xi32, #tpu.memory_space<hbm>>
      tpu.wait_dma2 semaphore(%run_scoped3A : memref<!tpu.dma_semaphore, #tpu.memory_space<semaphore_mem>>) src(%dma_wait3A_68 : memref<64xi32, #tpu.memory_space<hbm>>) dst(%arg8 : memref<64xi32, #tpu.memory_space<vmem>>)
      tpu.yield
    }) : () -> ()
    %dma_start3A_27 = arith.constant 0 : i32
    %dma_start3A_28 = arith.constant 0 : i32
    %dma_start3A_29 = tpu.memref_slice %arg2[%dma_start3A_27, %dma_start3A_28] : memref<8192x1024xf32, #tpu.memory_space<hbm>> -> memref<8192x1024xf32, #tpu.memory_space<hbm>>
    tpu.enqueue_indirect_dma source(%dma_start3A_29 : memref<8192x1024xf32, #tpu.memory_space<hbm>>) target(%arg9 : memref<64x1024xf32, #tpu.memory_space<vmem>>) offsets(%arg8 : memref<64xi32, #tpu.memory_space<vmem>>) semaphore(%arg10 : memref<!tpu.dma_semaphore, #tpu.memory_space<semaphore_mem>>)
    %dma_wait3A_30 = arith.constant 0 : i32
    %dma_wait3A_31 = arith.constant 0 : i32
    %dma_wait3A_32 = tpu.memref_slice %arg2[%dma_wait3A_30, %dma_wait3A_31] : memref<8192x1024xf32, #tpu.memory_space<hbm>> -> memref<8192x1024xf32, #tpu.memory_space<hbm>>
    tpu.wait_indirect_dma semaphore(%arg10 : memref<!tpu.dma_semaphore, #tpu.memory_space<semaphore_mem>>) src(%dma_wait3A_32 : memref<8192x1024xf32, #tpu.memory_space<hbm>>) dst(%arg9 : memref<64x1024xf32, #tpu.memory_space<vmem>>)
    "tpu.region"() ({
      %run_scoped3A = tpu.sem_alloc : memref<!tpu.dma_semaphore, #tpu.memory_space<semaphore_mem>>
      %dma_start3A_65 = arith.constant 0 : i32
      %dma_start3A_66 = tpu.memref_slice %arg6[%add3A_26, %dma_start3A_65] : memref<8192x1024xf32, #tpu.memory_space<hbm>> -> memref<64x1024xf32, #tpu.memory_space<hbm>>
      %dma_start3A_67 = arith.constant 0 : i32
      %dma_start3A_68 = tpu.memref_slice %arg6[%add3A_26, %dma_start3A_67] : memref<8192x1024xf32, #tpu.memory_space<hbm>> -> memref<64x1024xf32, #tpu.memory_space<hbm>>
      tpu.enqueue_dma source(%arg9 : memref<64x1024xf32, #tpu.memory_space<vmem>>) target(%dma_start3A_68 : memref<64x1024xf32, #tpu.memory_space<hbm>>) target_semaphore(%run_scoped3A : memref<!tpu.dma_semaphore, #tpu.memory_space<semaphore_mem>>)
      %dma_wait3A_69 = arith.constant 0 : i32
      %dma_wait3A_70 = tpu.memref_slice %arg6[%add3A_26, %dma_wait3A_69] : memref<8192x1024xf32, #tpu.memory_space<hbm>> -> memref<64x1024xf32, #tpu.memory_space<hbm>>
      %dma_wait3A_71 = arith.constant 0 : i32
      %dma_wait3A_72 = tpu.memref_slice %arg6[%add3A_26, %dma_wait3A_71] : memref<8192x1024xf32, #tpu.memory_space<hbm>> -> memref<64x1024xf32, #tpu.memory_space<hbm>>
      tpu.wait_dma2 semaphore(%run_scoped3A : memref<!tpu.dma_semaphore, #tpu.memory_space<semaphore_mem>>) src(%arg9 : memref<64x1024xf32, #tpu.memory_space<vmem>>) dst(%dma_wait3A_72 : memref<64x1024xf32, #tpu.memory_space<hbm>>)
      tpu.yield
    }) : () -> ()
    %add3A_33 = arith.constant 0 : i32
    %add3A_34 = arith.addi %mul3A_2, %add3A_33 : i32
    "tpu.region"() ({
      %run_scoped3A = tpu.sem_alloc : memref<!tpu.dma_semaphore, #tpu.memory_space<semaphore_mem>>
      %dma_start3A_65 = tpu.memref_slice %arg5[%add3A_34] : memref<8192xi32, #tpu.memory_space<hbm>> -> memref<64xi32, #tpu.memory_space<hbm>>
      %dma_start3A_66 = tpu.memref_slice %arg5[%add3A_34] : memref<8192xi32, #tpu.memory_space<hbm>> -> memref<64xi32, #tpu.memory_space<hbm>>
      tpu.enqueue_dma source(%dma_start3A_66 : memref<64xi32, #tpu.memory_space<hbm>>) target(%arg8 : memref<64xi32, #tpu.memory_space<vmem>>) target_semaphore(%run_scoped3A : memref<!tpu.dma_semaphore, #tpu.memory_space<semaphore_mem>>)
      %dma_wait3A_67 = tpu.memref_slice %arg5[%add3A_34] : memref<8192xi32, #tpu.memory_space<hbm>> -> memref<64xi32, #tpu.memory_space<hbm>>
      %dma_wait3A_68 = tpu.memref_slice %arg5[%add3A_34] : memref<8192xi32, #tpu.memory_space<hbm>> -> memref<64xi32, #tpu.memory_space<hbm>>
      tpu.wait_dma2 semaphore(%run_scoped3A : memref<!tpu.dma_semaphore, #tpu.memory_space<semaphore_mem>>) src(%dma_wait3A_68 : memref<64xi32, #tpu.memory_space<hbm>>) dst(%arg8 : memref<64xi32, #tpu.memory_space<vmem>>)
      tpu.yield
    }) : () -> ()
    %dma_start3A_35 = arith.constant 0 : i32
    %dma_start3A_36 = arith.constant 0 : i32
    %dma_start3A_37 = tpu.memref_slice %arg4[%dma_start3A_35, %dma_start3A_36] : memref<8192x1024xf32, #tpu.memory_space<hbm>> -> memref<8192x1024xf32, #tpu.memory_space<hbm>>
    tpu.enqueue_indirect_dma source(%dma_start3A_37 : memref<8192x1024xf32, #tpu.memory_space<hbm>>) target(%arg9 : memref<64x1024xf32, #tpu.memory_space<vmem>>) offsets(%arg8 : memref<64xi32, #tpu.memory_space<vmem>>) semaphore(%arg10 : memref<!tpu.dma_semaphore, #tpu.memory_space<semaphore_mem>>)
    %dma_wait3A_38 = arith.constant 0 : i32
    %dma_wait3A_39 = arith.constant 0 : i32
    %dma_wait3A_40 = tpu.memref_slice %arg4[%dma_wait3A_38, %dma_wait3A_39] : memref<8192x1024xf32, #tpu.memory_space<hbm>> -> memref<8192x1024xf32, #tpu.memory_space<hbm>>
    tpu.wait_indirect_dma semaphore(%arg10 : memref<!tpu.dma_semaphore, #tpu.memory_space<semaphore_mem>>) src(%dma_wait3A_40 : memref<8192x1024xf32, #tpu.memory_space<hbm>>) dst(%arg9 : memref<64x1024xf32, #tpu.memory_space<vmem>>)
    "tpu.region"() ({
      %run_scoped3A = tpu.sem_alloc : memref<!tpu.dma_semaphore, #tpu.memory_space<semaphore_mem>>
      %dma_start3A_65 = arith.constant 0 : i32
      %dma_start3A_66 = tpu.memref_slice %arg7[%add3A_34, %dma_start3A_65] : memref<8192x1024xf32, #tpu.memory_space<hbm>> -> memref<64x1024xf32, #tpu.memory_space<hbm>>
      %dma_start3A_67 = arith.constant 0 : i32
      %dma_start3A_68 = tpu.memref_slice %arg7[%add3A_34, %dma_start3A_67] : memref<8192x1024xf32, #tpu.memory_space<hbm>> -> memref<64x1024xf32, #tpu.memory_space<hbm>>
      tpu.enqueue_dma source(%arg9 : memref<64x1024xf32, #tpu.memory_space<vmem>>) target(%dma_start3A_68 : memref<64x1024xf32, #tpu.memory_space<hbm>>) target_semaphore(%run_scoped3A : memref<!tpu.dma_semaphore, #tpu.memory_space<semaphore_mem>>)
      %dma_wait3A_69 = arith.constant 0 : i32
      %dma_wait3A_70 = tpu.memref_slice %arg7[%add3A_34, %dma_wait3A_69] : memref<8192x1024xf32, #tpu.memory_space<hbm>> -> memref<64x1024xf32, #tpu.memory_space<hbm>>
      %dma_wait3A_71 = arith.constant 0 : i32
      %dma_wait3A_72 = tpu.memref_slice %arg7[%add3A_34, %dma_wait3A_71] : memref<8192x1024xf32, #tpu.memory_space<hbm>> -> memref<64x1024xf32, #tpu.memory_space<hbm>>
      tpu.wait_dma2 semaphore(%run_scoped3A : memref<!tpu.dma_semaphore, #tpu.memory_space<semaphore_mem>>) src(%arg9 : memref<64x1024xf32, #tpu.memory_space<vmem>>) dst(%dma_wait3A_72 : memref<64x1024xf32, #tpu.memory_space<hbm>>)
      tpu.yield
    }) : () -> ()
    %add3A_41 = arith.constant 64 : i32
    %add3A_42 = arith.addi %mul3A_2, %add3A_41 : i32
    "tpu.region"() ({
      %run_scoped3A = tpu.sem_alloc : memref<!tpu.dma_semaphore, #tpu.memory_space<semaphore_mem>>
      %dma_start3A_65 = tpu.memref_slice %arg5[%add3A_42] : memref<8192xi32, #tpu.memory_space<hbm>> -> memref<64xi32, #tpu.memory_space<hbm>>
      %dma_start3A_66 = tpu.memref_slice %arg5[%add3A_42] : memref<8192xi32, #tpu.memory_space<hbm>> -> memref<64xi32, #tpu.memory_space<hbm>>
      tpu.enqueue_dma source(%dma_start3A_66 : memref<64xi32, #tpu.memory_space<hbm>>) target(%arg8 : memref<64xi32, #tpu.memory_space<vmem>>) target_semaphore(%run_scoped3A : memref<!tpu.dma_semaphore, #tpu.memory_space<semaphore_mem>>)
      %dma_wait3A_67 = tpu.memref_slice %arg5[%add3A_42] : memref<8192xi32, #tpu.memory_space<hbm>> -> memref<64xi32, #tpu.memory_space<hbm>>
      %dma_wait3A_68 = tpu.memref_slice %arg5[%add3A_42] : memref<8192xi32, #tpu.memory_space<hbm>> -> memref<64xi32, #tpu.memory_space<hbm>>
      tpu.wait_dma2 semaphore(%run_scoped3A : memref<!tpu.dma_semaphore, #tpu.memory_space<semaphore_mem>>) src(%dma_wait3A_68 : memref<64xi32, #tpu.memory_space<hbm>>) dst(%arg8 : memref<64xi32, #tpu.memory_space<vmem>>)
      tpu.yield
    }) : () -> ()
    %dma_start3A_43 = arith.constant 0 : i32
    %dma_start3A_44 = arith.constant 0 : i32
    %dma_start3A_45 = tpu.memref_slice %arg4[%dma_start3A_43, %dma_start3A_44] : memref<8192x1024xf32, #tpu.memory_space<hbm>> -> memref<8192x1024xf32, #tpu.memory_space<hbm>>
    tpu.enqueue_indirect_dma source(%dma_start3A_45 : memref<8192x1024xf32, #tpu.memory_space<hbm>>) target(%arg9 : memref<64x1024xf32, #tpu.memory_space<vmem>>) offsets(%arg8 : memref<64xi32, #tpu.memory_space<vmem>>) semaphore(%arg10 : memref<!tpu.dma_semaphore, #tpu.memory_space<semaphore_mem>>)
    %dma_wait3A_46 = arith.constant 0 : i32
    %dma_wait3A_47 = arith.constant 0 : i32
    %dma_wait3A_48 = tpu.memref_slice %arg4[%dma_wait3A_46, %dma_wait3A_47] : memref<8192x1024xf32, #tpu.memory_space<hbm>> -> memref<8192x1024xf32, #tpu.memory_space<hbm>>
    tpu.wait_indirect_dma semaphore(%arg10 : memref<!tpu.dma_semaphore, #tpu.memory_space<semaphore_mem>>) src(%dma_wait3A_48 : memref<8192x1024xf32, #tpu.memory_space<hbm>>) dst(%arg9 : memref<64x1024xf32, #tpu.memory_space<vmem>>)
    "tpu.region"() ({
      %run_scoped3A = tpu.sem_alloc : memref<!tpu.dma_semaphore, #tpu.memory_space<semaphore_mem>>
      %dma_start3A_65 = arith.constant 0 : i32
      %dma_start3A_66 = tpu.memref_slice %arg7[%add3A_42, %dma_start3A_65] : memref<8192x1024xf32, #tpu.memory_space<hbm>> -> memref<64x1024xf32, #tpu.memory_space<hbm>>
      %dma_start3A_67 = arith.constant 0 : i32
      %dma_start3A_68 = tpu.memref_slice %arg7[%add3A_42, %dma_start3A_67] : memref<8192x1024xf32, #tpu.memory_space<hbm>> -> memref<64x1024xf32, #tpu.memory_space<hbm>>
      tpu.enqueue_dma source(%arg9 : memref<64x1024xf32, #tpu.memory_space<vmem>>) target(%dma_start3A_68 : memref<64x1024xf32, #tpu.memory_space<hbm>>) target_semaphore(%run_scoped3A : memref<!tpu.dma_semaphore, #tpu.memory_space<semaphore_mem>>)
      %dma_wait3A_69 = arith.constant 0 : i32
      %dma_wait3A_70 = tpu.memref_slice %arg7[%add3A_42, %dma_wait3A_69] : memref<8192x1024xf32, #tpu.memory_space<hbm>> -> memref<64x1024xf32, #tpu.memory_space<hbm>>
      %dma_wait3A_71 = arith.constant 0 : i32
      %dma_wait3A_72 = tpu.memref_slice %arg7[%add3A_42, %dma_wait3A_71] : memref<8192x1024xf32, #tpu.memory_space<hbm>> -> memref<64x1024xf32, #tpu.memory_space<hbm>>
      tpu.wait_dma2 semaphore(%run_scoped3A : memref<!tpu.dma_semaphore, #tpu.memory_space<semaphore_mem>>) src(%arg9 : memref<64x1024xf32, #tpu.memory_space<vmem>>) dst(%dma_wait3A_72 : memref<64x1024xf32, #tpu.memory_space<hbm>>)
      tpu.yield
    }) : () -> ()
    %add3A_49 = arith.constant 128 : i32
    %add3A_50 = arith.addi %mul3A_2, %add3A_49 : i32
    "tpu.region"() ({
      %run_scoped3A = tpu.sem_alloc : memref<!tpu.dma_semaphore, #tpu.memory_space<semaphore_mem>>
      %dma_start3A_65 = tpu.memref_slice %arg5[%add3A_50] : memref<8192xi32, #tpu.memory_space<hbm>> -> memref<64xi32, #tpu.memory_space<hbm>>
      %dma_start3A_66 = tpu.memref_slice %arg5[%add3A_50] : memref<8192xi32, #tpu.memory_space<hbm>> -> memref<64xi32, #tpu.memory_space<hbm>>
      tpu.enqueue_dma source(%dma_start3A_66 : memref<64xi32, #tpu.memory_space<hbm>>) target(%arg8 : memref<64xi32, #tpu.memory_space<vmem>>) target_semaphore(%run_scoped3A : memref<!tpu.dma_semaphore, #tpu.memory_space<semaphore_mem>>)
      %dma_wait3A_67 = tpu.memref_slice %arg5[%add3A_50] : memref<8192xi32, #tpu.memory_space<hbm>> -> memref<64xi32, #tpu.memory_space<hbm>>
      %dma_wait3A_68 = tpu.memref_slice %arg5[%add3A_50] : memref<8192xi32, #tpu.memory_space<hbm>> -> memref<64xi32, #tpu.memory_space<hbm>>
      tpu.wait_dma2 semaphore(%run_scoped3A : memref<!tpu.dma_semaphore, #tpu.memory_space<semaphore_mem>>) src(%dma_wait3A_68 : memref<64xi32, #tpu.memory_space<hbm>>) dst(%arg8 : memref<64xi32, #tpu.memory_space<vmem>>)
      tpu.yield
    }) : () -> ()
    %dma_start3A_51 = arith.constant 0 : i32
    %dma_start3A_52 = arith.constant 0 : i32
    %dma_start3A_53 = tpu.memref_slice %arg4[%dma_start3A_51, %dma_start3A_52] : memref<8192x1024xf32, #tpu.memory_space<hbm>> -> memref<8192x1024xf32, #tpu.memory_space<hbm>>
    tpu.enqueue_indirect_dma source(%dma_start3A_53 : memref<8192x1024xf32, #tpu.memory_space<hbm>>) target(%arg9 : memref<64x1024xf32, #tpu.memory_space<vmem>>) offsets(%arg8 : memref<64xi32, #tpu.memory_space<vmem>>) semaphore(%arg10 : memref<!tpu.dma_semaphore, #tpu.memory_space<semaphore_mem>>)
    %dma_wait3A_54 = arith.constant 0 : i32
    %dma_wait3A_55 = arith.constant 0 : i32
    %dma_wait3A_56 = tpu.memref_slice %arg4[%dma_wait3A_54, %dma_wait3A_55] : memref<8192x1024xf32, #tpu.memory_space<hbm>> -> memref<8192x1024xf32, #tpu.memory_space<hbm>>
    tpu.wait_indirect_dma semaphore(%arg10 : memref<!tpu.dma_semaphore, #tpu.memory_space<semaphore_mem>>) src(%dma_wait3A_56 : memref<8192x1024xf32, #tpu.memory_space<hbm>>) dst(%arg9 : memref<64x1024xf32, #tpu.memory_space<vmem>>)
    "tpu.region"() ({
      %run_scoped3A = tpu.sem_alloc : memref<!tpu.dma_semaphore, #tpu.memory_space<semaphore_mem>>
      %dma_start3A_65 = arith.constant 0 : i32
      %dma_start3A_66 = tpu.memref_slice %arg7[%add3A_50, %dma_start3A_65] : memref<8192x1024xf32, #tpu.memory_space<hbm>> -> memref<64x1024xf32, #tpu.memory_space<hbm>>
      %dma_start3A_67 = arith.constant 0 : i32
      %dma_start3A_68 = tpu.memref_slice %arg7[%add3A_50, %dma_start3A_67] : memref<8192x1024xf32, #tpu.memory_space<hbm>> -> memref<64x1024xf32, #tpu.memory_space<hbm>>
      tpu.enqueue_dma source(%arg9 : memref<64x1024xf32, #tpu.memory_space<vmem>>) target(%dma_start3A_68 : memref<64x1024xf32, #tpu.memory_space<hbm>>) target_semaphore(%run_scoped3A : memref<!tpu.dma_semaphore, #tpu.memory_space<semaphore_mem>>)
      %dma_wait3A_69 = arith.constant 0 : i32
      %dma_wait3A_70 = tpu.memref_slice %arg7[%add3A_50, %dma_wait3A_69] : memref<8192x1024xf32, #tpu.memory_space<hbm>> -> memref<64x1024xf32, #tpu.memory_space<hbm>>
      %dma_wait3A_71 = arith.constant 0 : i32
      %dma_wait3A_72 = tpu.memref_slice %arg7[%add3A_50, %dma_wait3A_71] : memref<8192x1024xf32, #tpu.memory_space<hbm>> -> memref<64x1024xf32, #tpu.memory_space<hbm>>
      tpu.wait_dma2 semaphore(%run_scoped3A : memref<!tpu.dma_semaphore, #tpu.memory_space<semaphore_mem>>) src(%arg9 : memref<64x1024xf32, #tpu.memory_space<vmem>>) dst(%dma_wait3A_72 : memref<64x1024xf32, #tpu.memory_space<hbm>>)
      tpu.yield
    }) : () -> ()
    %add3A_57 = arith.constant 192 : i32
    %add3A_58 = arith.addi %mul3A_2, %add3A_57 : i32
    "tpu.region"() ({
      %run_scoped3A = tpu.sem_alloc : memref<!tpu.dma_semaphore, #tpu.memory_space<semaphore_mem>>
      %dma_start3A_65 = tpu.memref_slice %arg5[%add3A_58] : memref<8192xi32, #tpu.memory_space<hbm>> -> memref<64xi32, #tpu.memory_space<hbm>>
      %dma_start3A_66 = tpu.memref_slice %arg5[%add3A_58] : memref<8192xi32, #tpu.memory_space<hbm>> -> memref<64xi32, #tpu.memory_space<hbm>>
      tpu.enqueue_dma source(%dma_start3A_66 : memref<64xi32, #tpu.memory_space<hbm>>) target(%arg8 : memref<64xi32, #tpu.memory_space<vmem>>) target_semaphore(%run_scoped3A : memref<!tpu.dma_semaphore, #tpu.memory_space<semaphore_mem>>)
      %dma_wait3A_67 = tpu.memref_slice %arg5[%add3A_58] : memref<8192xi32, #tpu.memory_space<hbm>> -> memref<64xi32, #tpu.memory_space<hbm>>
      %dma_wait3A_68 = tpu.memref_slice %arg5[%add3A_58] : memref<8192xi32, #tpu.memory_space<hbm>> -> memref<64xi32, #tpu.memory_space<hbm>>
      tpu.wait_dma2 semaphore(%run_scoped3A : memref<!tpu.dma_semaphore, #tpu.memory_space<semaphore_mem>>) src(%dma_wait3A_68 : memref<64xi32, #tpu.memory_space<hbm>>) dst(%arg8 : memref<64xi32, #tpu.memory_space<vmem>>)
      tpu.yield
    }) : () -> ()
    %dma_start3A_59 = arith.constant 0 : i32
    %dma_start3A_60 = arith.constant 0 : i32
    %dma_start3A_61 = tpu.memref_slice %arg4[%dma_start3A_59, %dma_start3A_60] : memref<8192x1024xf32, #tpu.memory_space<hbm>> -> memref<8192x1024xf32, #tpu.memory_space<hbm>>
    tpu.enqueue_indirect_dma source(%dma_start3A_61 : memref<8192x1024xf32, #tpu.memory_space<hbm>>) target(%arg9 : memref<64x1024xf32, #tpu.memory_space<vmem>>) offsets(%arg8 : memref<64xi32, #tpu.memory_space<vmem>>) semaphore(%arg10 : memref<!tpu.dma_semaphore, #tpu.memory_space<semaphore_mem>>)
    %dma_wait3A_62 = arith.constant 0 : i32
    %dma_wait3A_63 = arith.constant 0 : i32
    %dma_wait3A_64 = tpu.memref_slice %arg4[%dma_wait3A_62, %dma_wait3A_63] : memref<8192x1024xf32, #tpu.memory_space<hbm>> -> memref<8192x1024xf32, #tpu.memory_space<hbm>>
    tpu.wait_indirect_dma semaphore(%arg10 : memref<!tpu.dma_semaphore, #tpu.memory_space<semaphore_mem>>) src(%dma_wait3A_64 : memref<8192x1024xf32, #tpu.memory_space<hbm>>) dst(%arg9 : memref<64x1024xf32, #tpu.memory_space<vmem>>)
    "tpu.region"() ({
      %run_scoped3A = tpu.sem_alloc : memref<!tpu.dma_semaphore, #tpu.memory_space<semaphore_mem>>
      %dma_start3A_65 = arith.constant 0 : i32
      %dma_start3A_66 = tpu.memref_slice %arg7[%add3A_58, %dma_start3A_65] : memref<8192x1024xf32, #tpu.memory_space<hbm>> -> memref<64x1024xf32, #tpu.memory_space<hbm>>
      %dma_start3A_67 = arith.constant 0 : i32
      %dma_start3A_68 = tpu.memref_slice %arg7[%add3A_58, %dma_start3A_67] : memref<8192x1024xf32, #tpu.memory_space<hbm>> -> memref<64x1024xf32, #tpu.memory_space<hbm>>
      tpu.enqueue_dma source(%arg9 : memref<64x1024xf32, #tpu.memory_space<vmem>>) target(%dma_start3A_68 : memref<64x1024xf32, #tpu.memory_space<hbm>>) target_semaphore(%run_scoped3A : memref<!tpu.dma_semaphore, #tpu.memory_space<semaphore_mem>>)
      %dma_wait3A_69 = arith.constant 0 : i32
      %dma_wait3A_70 = tpu.memref_slice %arg7[%add3A_58, %dma_wait3A_69] : memref<8192x1024xf32, #tpu.memory_space<hbm>> -> memref<64x1024xf32, #tpu.memory_space<hbm>>
      %dma_wait3A_71 = arith.constant 0 : i32
      %dma_wait3A_72 = tpu.memref_slice %arg7[%add3A_58, %dma_wait3A_71] : memref<8192x1024xf32, #tpu.memory_space<hbm>> -> memref<64x1024xf32, #tpu.memory_space<hbm>>
      tpu.wait_dma2 semaphore(%run_scoped3A : memref<!tpu.dma_semaphore, #tpu.memory_space<semaphore_mem>>) src(%arg9 : memref<64x1024xf32, #tpu.memory_space<vmem>>) dst(%dma_wait3A_72 : memref<64x1024xf32, #tpu.memory_space<hbm>>)
      tpu.yield
    }) : () -> ()
    return
  }
}

#map = affine_map<(d0, d1) -> (0, 0)>
#map1 = affine_map<(d0, d1) -> (0)>
module attributes {stable_mosaic.version = 14 : i64} {
  func.func @gather1(%arg0: i32, %arg1: i32, %arg2: memref<8192x1024xf32, #tpu.memory_space<hbm>>, %arg3: memref<8192xi32, #tpu.memory_space<hbm>>, %arg4: memref<8192x1024xf32, #tpu.memory_space<hbm>>, %arg5: memref<64xi32, #tpu.memory_space<vmem>>, %arg6: memref<64x1024xf32, #tpu.memory_space<vmem>>, %arg7: memref<!tpu.dma_semaphore, #tpu.memory_space<semaphore_mem>>) attributes {dimension_semantics = [#tpu.dimension_semantics<core_parallel>, #tpu.dimension_semantics<subcore_parallel>], iteration_bounds = array<i64: 2, 16>, scalar_prefetch = 0 : i64, scratch_operands = 3 : i64, tpu.core_type = #tpu.core_type<sc_vector_subcore>, window_params = [{transform_indices = #map}, {transform_indices = #map1}, {transform_indices = #map}]} {
    %mul3A = arith.constant 2 : i32
    %mul3A_0 = arith.muli %arg1, %mul3A : i32
    %add3A = arith.addi %mul3A_0, %arg0 : i32
    %mul3A_1 = arith.constant 256 : i32
    %mul3A_2 = arith.muli %add3A, %mul3A_1 : i32
    %add3A_3 = arith.constant 0 : i32
    %add3A_4 = arith.addi %mul3A_2, %add3A_3 : i32
    "tpu.region"() ({
      %run_scoped3A = tpu.sem_alloc : memref<!tpu.dma_semaphore, #tpu.memory_space<semaphore_mem>>
      %dma_start3A_33 = tpu.memref_slice %arg3[%add3A_4] : memref<8192xi32, #tpu.memory_space<hbm>> -> memref<64xi32, #tpu.memory_space<hbm>>
      %dma_start3A_34 = tpu.memref_slice %arg3[%add3A_4] : memref<8192xi32, #tpu.memory_space<hbm>> -> memref<64xi32, #tpu.memory_space<hbm>>
      tpu.enqueue_dma source(%dma_start3A_34 : memref<64xi32, #tpu.memory_space<hbm>>) target(%arg5 : memref<64xi32, #tpu.memory_space<vmem>>) target_semaphore(%run_scoped3A : memref<!tpu.dma_semaphore, #tpu.memory_space<semaphore_mem>>)
      %dma_wait3A_35 = tpu.memref_slice %arg3[%add3A_4] : memref<8192xi32, #tpu.memory_space<hbm>> -> memref<64xi32, #tpu.memory_space<hbm>>
      %dma_wait3A_36 = tpu.memref_slice %arg3[%add3A_4] : memref<8192xi32, #tpu.memory_space<hbm>> -> memref<64xi32, #tpu.memory_space<hbm>>
      tpu.wait_dma2 semaphore(%run_scoped3A : memref<!tpu.dma_semaphore, #tpu.memory_space<semaphore_mem>>) src(%dma_wait3A_36 : memref<64xi32, #tpu.memory_space<hbm>>) dst(%arg5 : memref<64xi32, #tpu.memory_space<vmem>>)
      tpu.yield
    }) : () -> ()
    %dma_start3A = arith.constant 0 : i32
    %dma_start3A_5 = arith.constant 0 : i32
    %dma_start3A_6 = tpu.memref_slice %arg2[%dma_start3A, %dma_start3A_5] : memref<8192x1024xf32, #tpu.memory_space<hbm>> -> memref<8192x1024xf32, #tpu.memory_space<hbm>>
    tpu.enqueue_indirect_dma source(%dma_start3A_6 : memref<8192x1024xf32, #tpu.memory_space<hbm>>) target(%arg6 : memref<64x1024xf32, #tpu.memory_space<vmem>>) offsets(%arg5 : memref<64xi32, #tpu.memory_space<vmem>>) semaphore(%arg7 : memref<!tpu.dma_semaphore, #tpu.memory_space<semaphore_mem>>)
    %dma_wait3A = arith.constant 0 : i32
    %dma_wait3A_7 = arith.constant 0 : i32
    %dma_wait3A_8 = tpu.memref_slice %arg2[%dma_wait3A, %dma_wait3A_7] : memref<8192x1024xf32, #tpu.memory_space<hbm>> -> memref<8192x1024xf32, #tpu.memory_space<hbm>>
    tpu.wait_indirect_dma semaphore(%arg7 : memref<!tpu.dma_semaphore, #tpu.memory_space<semaphore_mem>>) src(%dma_wait3A_8 : memref<8192x1024xf32, #tpu.memory_space<hbm>>) dst(%arg6 : memref<64x1024xf32, #tpu.memory_space<vmem>>)
    "tpu.region"() ({
      %run_scoped3A = tpu.sem_alloc : memref<!tpu.dma_semaphore, #tpu.memory_space<semaphore_mem>>
      %dma_start3A_33 = arith.constant 0 : i32
      %dma_start3A_34 = tpu.memref_slice %arg4[%add3A_4, %dma_start3A_33] : memref<8192x1024xf32, #tpu.memory_space<hbm>> -> memref<64x1024xf32, #tpu.memory_space<hbm>>
      %dma_start3A_35 = arith.constant 0 : i32
      %dma_start3A_36 = tpu.memref_slice %arg4[%add3A_4, %dma_start3A_35] : memref<8192x1024xf32, #tpu.memory_space<hbm>> -> memref<64x1024xf32, #tpu.memory_space<hbm>>
      tpu.enqueue_dma source(%arg6 : memref<64x1024xf32, #tpu.memory_space<vmem>>) target(%dma_start3A_36 : memref<64x1024xf32, #tpu.memory_space<hbm>>) target_semaphore(%run_scoped3A : memref<!tpu.dma_semaphore, #tpu.memory_space<semaphore_mem>>)
      %dma_wait3A_37 = arith.constant 0 : i32
      %dma_wait3A_38 = tpu.memref_slice %arg4[%add3A_4, %dma_wait3A_37] : memref<8192x1024xf32, #tpu.memory_space<hbm>> -> memref<64x1024xf32, #tpu.memory_space<hbm>>
      %dma_wait3A_39 = arith.constant 0 : i32
      %dma_wait3A_40 = tpu.memref_slice %arg4[%add3A_4, %dma_wait3A_39] : memref<8192x1024xf32, #tpu.memory_space<hbm>> -> memref<64x1024xf32, #tpu.memory_space<hbm>>
      tpu.wait_dma2 semaphore(%run_scoped3A : memref<!tpu.dma_semaphore, #tpu.memory_space<semaphore_mem>>) src(%arg6 : memref<64x1024xf32, #tpu.memory_space<vmem>>) dst(%dma_wait3A_40 : memref<64x1024xf32, #tpu.memory_space<hbm>>)
      tpu.yield
    }) : () -> ()
    %add3A_9 = arith.constant 64 : i32
    %add3A_10 = arith.addi %mul3A_2, %add3A_9 : i32
    "tpu.region"() ({
      %run_scoped3A = tpu.sem_alloc : memref<!tpu.dma_semaphore, #tpu.memory_space<semaphore_mem>>
      %dma_start3A_33 = tpu.memref_slice %arg3[%add3A_10] : memref<8192xi32, #tpu.memory_space<hbm>> -> memref<64xi32, #tpu.memory_space<hbm>>
      %dma_start3A_34 = tpu.memref_slice %arg3[%add3A_10] : memref<8192xi32, #tpu.memory_space<hbm>> -> memref<64xi32, #tpu.memory_space<hbm>>
      tpu.enqueue_dma source(%dma_start3A_34 : memref<64xi32, #tpu.memory_space<hbm>>) target(%arg5 : memref<64xi32, #tpu.memory_space<vmem>>) target_semaphore(%run_scoped3A : memref<!tpu.dma_semaphore, #tpu.memory_space<semaphore_mem>>)
      %dma_wait3A_35 = tpu.memref_slice %arg3[%add3A_10] : memref<8192xi32, #tpu.memory_space<hbm>> -> memref<64xi32, #tpu.memory_space<hbm>>
      %dma_wait3A_36 = tpu.memref_slice %arg3[%add3A_10] : memref<8192xi32, #tpu.memory_space<hbm>> -> memref<64xi32, #tpu.memory_space<hbm>>
      tpu.wait_dma2 semaphore(%run_scoped3A : memref<!tpu.dma_semaphore, #tpu.memory_space<semaphore_mem>>) src(%dma_wait3A_36 : memref<64xi32, #tpu.memory_space<hbm>>) dst(%arg5 : memref<64xi32, #tpu.memory_space<vmem>>)
      tpu.yield
    }) : () -> ()
    %dma_start3A_11 = arith.constant 0 : i32
    %dma_start3A_12 = arith.constant 0 : i32
    %dma_start3A_13 = tpu.memref_slice %arg2[%dma_start3A_11, %dma_start3A_12] : memref<8192x1024xf32, #tpu.memory_space<hbm>> -> memref<8192x1024xf32, #tpu.memory_space<hbm>>
    tpu.enqueue_indirect_dma source(%dma_start3A_13 : memref<8192x1024xf32, #tpu.memory_space<hbm>>) target(%arg6 : memref<64x1024xf32, #tpu.memory_space<vmem>>) offsets(%arg5 : memref<64xi32, #tpu.memory_space<vmem>>) semaphore(%arg7 : memref<!tpu.dma_semaphore, #tpu.memory_space<semaphore_mem>>)
    %dma_wait3A_14 = arith.constant 0 : i32
    %dma_wait3A_15 = arith.constant 0 : i32
    %dma_wait3A_16 = tpu.memref_slice %arg2[%dma_wait3A_14, %dma_wait3A_15] : memref<8192x1024xf32, #tpu.memory_space<hbm>> -> memref<8192x1024xf32, #tpu.memory_space<hbm>>
    tpu.wait_indirect_dma semaphore(%arg7 : memref<!tpu.dma_semaphore, #tpu.memory_space<semaphore_mem>>) src(%dma_wait3A_16 : memref<8192x1024xf32, #tpu.memory_space<hbm>>) dst(%arg6 : memref<64x1024xf32, #tpu.memory_space<vmem>>)
    "tpu.region"() ({
      %run_scoped3A = tpu.sem_alloc : memref<!tpu.dma_semaphore, #tpu.memory_space<semaphore_mem>>
      %dma_start3A_33 = arith.constant 0 : i32
      %dma_start3A_34 = tpu.memref_slice %arg4[%add3A_10, %dma_start3A_33] : memref<8192x1024xf32, #tpu.memory_space<hbm>> -> memref<64x1024xf32, #tpu.memory_space<hbm>>
      %dma_start3A_35 = arith.constant 0 : i32
      %dma_start3A_36 = tpu.memref_slice %arg4[%add3A_10, %dma_start3A_35] : memref<8192x1024xf32, #tpu.memory_space<hbm>> -> memref<64x1024xf32, #tpu.memory_space<hbm>>
      tpu.enqueue_dma source(%arg6 : memref<64x1024xf32, #tpu.memory_space<vmem>>) target(%dma_start3A_36 : memref<64x1024xf32, #tpu.memory_space<hbm>>) target_semaphore(%run_scoped3A : memref<!tpu.dma_semaphore, #tpu.memory_space<semaphore_mem>>)
      %dma_wait3A_37 = arith.constant 0 : i32
      %dma_wait3A_38 = tpu.memref_slice %arg4[%add3A_10, %dma_wait3A_37] : memref<8192x1024xf32, #tpu.memory_space<hbm>> -> memref<64x1024xf32, #tpu.memory_space<hbm>>
      %dma_wait3A_39 = arith.constant 0 : i32
      %dma_wait3A_40 = tpu.memref_slice %arg4[%add3A_10, %dma_wait3A_39] : memref<8192x1024xf32, #tpu.memory_space<hbm>> -> memref<64x1024xf32, #tpu.memory_space<hbm>>
      tpu.wait_dma2 semaphore(%run_scoped3A : memref<!tpu.dma_semaphore, #tpu.memory_space<semaphore_mem>>) src(%arg6 : memref<64x1024xf32, #tpu.memory_space<vmem>>) dst(%dma_wait3A_40 : memref<64x1024xf32, #tpu.memory_space<hbm>>)
      tpu.yield
    }) : () -> ()
    %add3A_17 = arith.constant 128 : i32
    %add3A_18 = arith.addi %mul3A_2, %add3A_17 : i32
    "tpu.region"() ({
      %run_scoped3A = tpu.sem_alloc : memref<!tpu.dma_semaphore, #tpu.memory_space<semaphore_mem>>
      %dma_start3A_33 = tpu.memref_slice %arg3[%add3A_18] : memref<8192xi32, #tpu.memory_space<hbm>> -> memref<64xi32, #tpu.memory_space<hbm>>
      %dma_start3A_34 = tpu.memref_slice %arg3[%add3A_18] : memref<8192xi32, #tpu.memory_space<hbm>> -> memref<64xi32, #tpu.memory_space<hbm>>
      tpu.enqueue_dma source(%dma_start3A_34 : memref<64xi32, #tpu.memory_space<hbm>>) target(%arg5 : memref<64xi32, #tpu.memory_space<vmem>>) target_semaphore(%run_scoped3A : memref<!tpu.dma_semaphore, #tpu.memory_space<semaphore_mem>>)
      %dma_wait3A_35 = tpu.memref_slice %arg3[%add3A_18] : memref<8192xi32, #tpu.memory_space<hbm>> -> memref<64xi32, #tpu.memory_space<hbm>>
      %dma_wait3A_36 = tpu.memref_slice %arg3[%add3A_18] : memref<8192xi32, #tpu.memory_space<hbm>> -> memref<64xi32, #tpu.memory_space<hbm>>
      tpu.wait_dma2 semaphore(%run_scoped3A : memref<!tpu.dma_semaphore, #tpu.memory_space<semaphore_mem>>) src(%dma_wait3A_36 : memref<64xi32, #tpu.memory_space<hbm>>) dst(%arg5 : memref<64xi32, #tpu.memory_space<vmem>>)
      tpu.yield
    }) : () -> ()
    %dma_start3A_19 = arith.constant 0 : i32
    %dma_start3A_20 = arith.constant 0 : i32
    %dma_start3A_21 = tpu.memref_slice %arg2[%dma_start3A_19, %dma_start3A_20] : memref<8192x1024xf32, #tpu.memory_space<hbm>> -> memref<8192x1024xf32, #tpu.memory_space<hbm>>
    tpu.enqueue_indirect_dma source(%dma_start3A_21 : memref<8192x1024xf32, #tpu.memory_space<hbm>>) target(%arg6 : memref<64x1024xf32, #tpu.memory_space<vmem>>) offsets(%arg5 : memref<64xi32, #tpu.memory_space<vmem>>) semaphore(%arg7 : memref<!tpu.dma_semaphore, #tpu.memory_space<semaphore_mem>>)
    %dma_wait3A_22 = arith.constant 0 : i32
    %dma_wait3A_23 = arith.constant 0 : i32
    %dma_wait3A_24 = tpu.memref_slice %arg2[%dma_wait3A_22, %dma_wait3A_23] : memref<8192x1024xf32, #tpu.memory_space<hbm>> -> memref<8192x1024xf32, #tpu.memory_space<hbm>>
    tpu.wait_indirect_dma semaphore(%arg7 : memref<!tpu.dma_semaphore, #tpu.memory_space<semaphore_mem>>) src(%dma_wait3A_24 : memref<8192x1024xf32, #tpu.memory_space<hbm>>) dst(%arg6 : memref<64x1024xf32, #tpu.memory_space<vmem>>)
    "tpu.region"() ({
      %run_scoped3A = tpu.sem_alloc : memref<!tpu.dma_semaphore, #tpu.memory_space<semaphore_mem>>
      %dma_start3A_33 = arith.constant 0 : i32
      %dma_start3A_34 = tpu.memref_slice %arg4[%add3A_18, %dma_start3A_33] : memref<8192x1024xf32, #tpu.memory_space<hbm>> -> memref<64x1024xf32, #tpu.memory_space<hbm>>
      %dma_start3A_35 = arith.constant 0 : i32
      %dma_start3A_36 = tpu.memref_slice %arg4[%add3A_18, %dma_start3A_35] : memref<8192x1024xf32, #tpu.memory_space<hbm>> -> memref<64x1024xf32, #tpu.memory_space<hbm>>
      tpu.enqueue_dma source(%arg6 : memref<64x1024xf32, #tpu.memory_space<vmem>>) target(%dma_start3A_36 : memref<64x1024xf32, #tpu.memory_space<hbm>>) target_semaphore(%run_scoped3A : memref<!tpu.dma_semaphore, #tpu.memory_space<semaphore_mem>>)
      %dma_wait3A_37 = arith.constant 0 : i32
      %dma_wait3A_38 = tpu.memref_slice %arg4[%add3A_18, %dma_wait3A_37] : memref<8192x1024xf32, #tpu.memory_space<hbm>> -> memref<64x1024xf32, #tpu.memory_space<hbm>>
      %dma_wait3A_39 = arith.constant 0 : i32
      %dma_wait3A_40 = tpu.memref_slice %arg4[%add3A_18, %dma_wait3A_39] : memref<8192x1024xf32, #tpu.memory_space<hbm>> -> memref<64x1024xf32, #tpu.memory_space<hbm>>
      tpu.wait_dma2 semaphore(%run_scoped3A : memref<!tpu.dma_semaphore, #tpu.memory_space<semaphore_mem>>) src(%arg6 : memref<64x1024xf32, #tpu.memory_space<vmem>>) dst(%dma_wait3A_40 : memref<64x1024xf32, #tpu.memory_space<hbm>>)
      tpu.yield
    }) : () -> ()
    %add3A_25 = arith.constant 192 : i32
    %add3A_26 = arith.addi %mul3A_2, %add3A_25 : i32
    "tpu.region"() ({
      %run_scoped3A = tpu.sem_alloc : memref<!tpu.dma_semaphore, #tpu.memory_space<semaphore_mem>>
      %dma_start3A_33 = tpu.memref_slice %arg3[%add3A_26] : memref<8192xi32, #tpu.memory_space<hbm>> -> memref<64xi32, #tpu.memory_space<hbm>>
      %dma_start3A_34 = tpu.memref_slice %arg3[%add3A_26] : memref<8192xi32, #tpu.memory_space<hbm>> -> memref<64xi32, #tpu.memory_space<hbm>>
      tpu.enqueue_dma source(%dma_start3A_34 : memref<64xi32, #tpu.memory_space<hbm>>) target(%arg5 : memref<64xi32, #tpu.memory_space<vmem>>) target_semaphore(%run_scoped3A : memref<!tpu.dma_semaphore, #tpu.memory_space<semaphore_mem>>)
      %dma_wait3A_35 = tpu.memref_slice %arg3[%add3A_26] : memref<8192xi32, #tpu.memory_space<hbm>> -> memref<64xi32, #tpu.memory_space<hbm>>
      %dma_wait3A_36 = tpu.memref_slice %arg3[%add3A_26] : memref<8192xi32, #tpu.memory_space<hbm>> -> memref<64xi32, #tpu.memory_space<hbm>>
      tpu.wait_dma2 semaphore(%run_scoped3A : memref<!tpu.dma_semaphore, #tpu.memory_space<semaphore_mem>>) src(%dma_wait3A_36 : memref<64xi32, #tpu.memory_space<hbm>>) dst(%arg5 : memref<64xi32, #tpu.memory_space<vmem>>)
      tpu.yield
    }) : () -> ()
    %dma_start3A_27 = arith.constant 0 : i32
    %dma_start3A_28 = arith.constant 0 : i32
    %dma_start3A_29 = tpu.memref_slice %arg2[%dma_start3A_27, %dma_start3A_28] : memref<8192x1024xf32, #tpu.memory_space<hbm>> -> memref<8192x1024xf32, #tpu.memory_space<hbm>>
    tpu.enqueue_indirect_dma source(%dma_start3A_29 : memref<8192x1024xf32, #tpu.memory_space<hbm>>) target(%arg6 : memref<64x1024xf32, #tpu.memory_space<vmem>>) offsets(%arg5 : memref<64xi32, #tpu.memory_space<vmem>>) semaphore(%arg7 : memref<!tpu.dma_semaphore, #tpu.memory_space<semaphore_mem>>)
    %dma_wait3A_30 = arith.constant 0 : i32
    %dma_wait3A_31 = arith.constant 0 : i32
    %dma_wait3A_32 = tpu.memref_slice %arg2[%dma_wait3A_30, %dma_wait3A_31] : memref<8192x1024xf32, #tpu.memory_space<hbm>> -> memref<8192x1024xf32, #tpu.memory_space<hbm>>
    tpu.wait_indirect_dma semaphore(%arg7 : memref<!tpu.dma_semaphore, #tpu.memory_space<semaphore_mem>>) src(%dma_wait3A_32 : memref<8192x1024xf32, #tpu.memory_space<hbm>>) dst(%arg6 : memref<64x1024xf32, #tpu.memory_space<vmem>>)
    "tpu.region"() ({
      %run_scoped3A = tpu.sem_alloc : memref<!tpu.dma_semaphore, #tpu.memory_space<semaphore_mem>>
      %dma_start3A_33 = arith.constant 0 : i32
      %dma_start3A_34 = tpu.memref_slice %arg4[%add3A_26, %dma_start3A_33] : memref<8192x1024xf32, #tpu.memory_space<hbm>> -> memref<64x1024xf32, #tpu.memory_space<hbm>>
      %dma_start3A_35 = arith.constant 0 : i32
      %dma_start3A_36 = tpu.memref_slice %arg4[%add3A_26, %dma_start3A_35] : memref<8192x1024xf32, #tpu.memory_space<hbm>> -> memref<64x1024xf32, #tpu.memory_space<hbm>>
      tpu.enqueue_dma source(%arg6 : memref<64x1024xf32, #tpu.memory_space<vmem>>) target(%dma_start3A_36 : memref<64x1024xf32, #tpu.memory_space<hbm>>) target_semaphore(%run_scoped3A : memref<!tpu.dma_semaphore, #tpu.memory_space<semaphore_mem>>)
      %dma_wait3A_37 = arith.constant 0 : i32
      %dma_wait3A_38 = tpu.memref_slice %arg4[%add3A_26, %dma_wait3A_37] : memref<8192x1024xf32, #tpu.memory_space<hbm>> -> memref<64x1024xf32, #tpu.memory_space<hbm>>
      %dma_wait3A_39 = arith.constant 0 : i32
      %dma_wait3A_40 = tpu.memref_slice %arg4[%add3A_26, %dma_wait3A_39] : memref<8192x1024xf32, #tpu.memory_space<hbm>> -> memref<64x1024xf32, #tpu.memory_space<hbm>>
      tpu.wait_dma2 semaphore(%run_scoped3A : memref<!tpu.dma_semaphore, #tpu.memory_space<semaphore_mem>>) src(%arg6 : memref<64x1024xf32, #tpu.memory_space<vmem>>) dst(%dma_wait3A_40 : memref<64x1024xf32, #tpu.memory_space<hbm>>)
      tpu.yield
    }) : () -> ()
    return
  }
}

module attributes {stable_mosaic.version = 14 : i64} {
  func.func @_gmm_body(%arg0: i32, %arg1: memref<31xi32, #tpu.memory_space<smem>>, %arg2: memref<31xi32, #tpu.memory_space<smem>>, %arg3: memref<31xi32, #tpu.memory_space<smem>>, %arg4: memref<512x1024xf32, #tpu.memory_space<vmem>>, %arg5: memref<1x1024x1024xf32, #tpu.memory_space<vmem>>, %arg6: memref<1x1x1024xf32, #tpu.memory_space<vmem>>, %arg7: memref<512x1xi32, #tpu.memory_space<vmem>>, %arg8: memref<512x1024xf32, #tpu.memory_space<vmem>>) attributes {dimension_semantics = [#tpu.dimension_semantics<arbitrary>], iteration_bounds = array<i64: 31>, scalar_prefetch = 3 : i64, scratch_operands = 0 : i64, tpu.core_type = #tpu.core_type<tc>, window_params = [{transform_indices = @transform_0, window_bounds = array<i64: 512, 1024>}, {transform_indices = @transform_1, window_bounds = array<i64: 1, 1024, 1024>}, {transform_indices = @transform_2, window_bounds = array<i64: 1, 1, 1024>}, {transform_indices = @transform_3, window_bounds = array<i64: 512, 1>}, {transform_indices = @transform_4, window_bounds = array<i64: 512, 1024>}]} {
    %get3A = arith.index_cast %arg0 : i32 to index
    %get3A_0 = memref.load %arg1[%get3A] : memref<31xi32, #tpu.memory_space<smem>>
    %sub3A = arith.constant 1 : i32
    %sub3A_1 = arith.subi %arg0, %sub3A : i32
    %max3A = arith.constant 0 : i32
    %max3A_2 = arith.maxsi %sub3A_1, %max3A : i32
    %get3A_3 = arith.index_cast %max3A_2 : i32 to index
    %get3A_4 = memref.load %arg1[%get3A_3] : memref<31xi32, #tpu.memory_space<smem>>
    %eq3A = arith.constant 0 : i32
    %eq3A_5 = arith.cmpi eq, %arg0, %eq3A : i32
    %ne3A = arith.cmpi ne, %get3A_0, %get3A_4 : i32
    %or3A = arith.ori %eq3A_5, %ne3A : i1
    %get3A_6 = arith.index_cast %arg0 : i32 to index
    %get3A_7 = memref.load %arg2[%get3A_6] : memref<31xi32, #tpu.memory_space<smem>>
    %get3A_8 = arith.index_cast %arg0 : i32 to index
    %get3A_9 = memref.load %arg3[%get3A_8] : memref<31xi32, #tpu.memory_space<smem>>
    %ne3A_10 = arith.constant 0 : i32
    %ne3A_11 = arith.cmpi ne, %get3A_9, %ne3A_10 : i32
    %get3A_12 = arith.constant 0 : index
    %get3A_13 = arith.constant 0 : index
    %get3A_14 = vector.load %arg7[%get3A_12, %get3A_13] : memref<512x1xi32, #tpu.memory_space<vmem>>, vector<512x1xi32>
    %eq3A_15 = vector.broadcast %get3A_7 : i32 to vector<512x1xi32>
    %eq3A_16 = arith.cmpi eq, %get3A_14, %eq3A_15 : vector<512x1xi32>
    %and3A = vector.broadcast %ne3A_11 : i1 to vector<512x1xi1>
    %and3A_17 = arith.andi %eq3A_16, %and3A : vector<512x1xi1>
    %get3A_18 = arith.constant 0 : index
    %get3A_19 = arith.constant 0 : index
    %get3A_20 = vector.load %arg4[%get3A_18, %get3A_19] : memref<512x1024xf32, #tpu.memory_space<vmem>>, vector<512x1024xf32>
    %get3A_21 = arith.constant 0 : index
    %get3A_22 = arith.constant 0 : index
    %get3A_23 = arith.constant 0 : index
    %get3A_24 = vector.load %arg5[%get3A_21, %get3A_22, %get3A_23] : memref<1x1024x1024xf32, #tpu.memory_space<vmem>>, vector<1x1024x1024xf32>
    %get3A_25 = vector.shape_cast %get3A_24 : vector<1x1024x1024xf32> to vector<1024x1024xf32>
    %dot_general3A = arith.constant dense<0.000000e+00> : vector<512x1024xf32>
    %dot_general3A_26 = tpu.matmul %get3A_20, %get3A_25, %dot_general3A {dimension_numbers = #tpu.dot_dimension_numbers<[1], [0], [0], [1], [0, 0, 1, 1], [], []>, transpose_lhs_hint = false} : vector<512x1024xf32>, vector<1024x1024xf32>, vector<512x1024xf32> -> vector<512x1024xf32>
    %get3A_27 = arith.constant 0 : index
    %get3A_28 = arith.constant 0 : index
    %get3A_29 = arith.constant 0 : index
    %get3A_30 = vector.load %arg6[%get3A_27, %get3A_28, %get3A_29] : memref<1x1x1024xf32, #tpu.memory_space<vmem>>, vector<1x1x1024xf32>
    %get3A_31 = vector.shape_cast %get3A_30 : vector<1x1x1024xf32> to vector<1024xf32>
    %broadcast_in_dim3A = vector.shape_cast %get3A_31 : vector<1024xf32> to vector<1x1024xf32>
    %add3A = vector.broadcast %broadcast_in_dim3A : vector<1x1024xf32> to vector<512x1024xf32>
    %add3A_32 = arith.addf %dot_general3A_26, %add3A : vector<512x1024xf32>
    %jit3A = arith.constant 0.000000e+00 : f32
    %broadcast_in_dim3A_33 = vector.shape_cast %and3A_17 : vector<512x1xi1> to vector<512x1xi1>
    %broadcast_in_dim3A_34 = vector.broadcast %broadcast_in_dim3A_33 : vector<512x1xi1> to vector<512x1024xi1>
    %broadcast_in_dim3A_35 = vector.broadcast %jit3A : f32 to vector<512x1024xf32>
    %select_n3A = arith.select %broadcast_in_dim3A_34, %add3A_32, %broadcast_in_dim3A_35 : vector<512x1024xi1>, vector<512x1024xf32>
    %get3A_36 = arith.constant 0 : index
    %get3A_37 = arith.constant 0 : index
    %get3A_38 = vector.load %arg8[%get3A_36, %get3A_37] : memref<512x1024xf32, #tpu.memory_space<vmem>>, vector<512x1024xf32>
    %jit3A_39 = arith.constant 0.000000e+00 : f32
    %broadcast_in_dim3A_40 = vector.broadcast %jit3A_39 : f32 to vector<512x1024xf32>
    %select_n3A_41 = arith.select %or3A, %broadcast_in_dim3A_40, %get3A_38 : vector<512x1024xf32>
    %add3A_42 = arith.addf %select_n3A_41, %select_n3A : vector<512x1024xf32>
    %swap3A = arith.constant 0 : index
    %swap3A_43 = arith.constant 0 : index
    %swap3A_44 = vector.load %arg8[%swap3A, %swap3A_43] : memref<512x1024xf32, #tpu.memory_space<vmem>>, vector<512x1024xf32>
    tpu.vector_store %arg8[%swap3A, %swap3A_43], %add3A_42 {strides = array<i32>} : memref<512x1024xf32, #tpu.memory_space<vmem>>, vector<512x1024xf32>,
    return
  }
  func.func @transform_0(%arg0: i32, %arg1: memref<31xi32, #tpu.memory_space<smem>>, %arg2: memref<31xi32, #tpu.memory_space<smem>>, %arg3: memref<31xi32, #tpu.memory_space<smem>>) -> (i32, i32) {
    %get3A = arith.index_cast %arg0 : i32 to index
    %get3A_0 = memref.load %arg1[%get3A] : memref<31xi32, #tpu.memory_space<smem>>
    %c0_i32 = arith.constant 0 : i32
    %c0_i32_1 = arith.constant 0 : i32
    return %get3A_0, %c0_i32 : i32, i32
  }
  func.func @transform_1(%arg0: i32, %arg1: memref<31xi32, #tpu.memory_space<smem>>, %arg2: memref<31xi32, #tpu.memory_space<smem>>, %arg3: memref<31xi32, #tpu.memory_space<smem>>) -> (i32, i32, i32) {
    %get3A = arith.index_cast %arg0 : i32 to index
    %get3A_0 = memref.load %arg2[%get3A] : memref<31xi32, #tpu.memory_space<smem>>
    %c0_i32 = arith.constant 0 : i32
    %c0_i32_1 = arith.constant 0 : i32
    %c0_i32_2 = arith.constant 0 : i32
    return %get3A_0, %c0_i32, %c0_i32_1 : i32, i32, i32
  }
  func.func @transform_2(%arg0: i32, %arg1: memref<31xi32, #tpu.memory_space<smem>>, %arg2: memref<31xi32, #tpu.memory_space<smem>>, %arg3: memref<31xi32, #tpu.memory_space<smem>>) -> (i32, i32, i32) {
    %get3A = arith.index_cast %arg0 : i32 to index
    %get3A_0 = memref.load %arg2[%get3A] : memref<31xi32, #tpu.memory_space<smem>>
    %c0_i32 = arith.constant 0 : i32
    %c0_i32_1 = arith.constant 0 : i32
    %c0_i32_2 = arith.constant 0 : i32
    return %get3A_0, %c0_i32, %c0_i32_1 : i32, i32, i32
  }
  func.func @transform_3(%arg0: i32, %arg1: memref<31xi32, #tpu.memory_space<smem>>, %arg2: memref<31xi32, #tpu.memory_space<smem>>, %arg3: memref<31xi32, #tpu.memory_space<smem>>) -> (i32, i32) {
    %get3A = arith.index_cast %arg0 : i32 to index
    %get3A_0 = memref.load %arg1[%get3A] : memref<31xi32, #tpu.memory_space<smem>>
    %c0_i32 = arith.constant 0 : i32
    %c0_i32_1 = arith.constant 0 : i32
    return %get3A_0, %c0_i32 : i32, i32
  }
  func.func @transform_4(%arg0: i32, %arg1: memref<31xi32, #tpu.memory_space<smem>>, %arg2: memref<31xi32, #tpu.memory_space<smem>>, %arg3: memref<31xi32, #tpu.memory_space<smem>>) -> (i32, i32) {
    %get3A = arith.index_cast %arg0 : i32 to index
    %get3A_0 = memref.load %arg1[%get3A] : memref<31xi32, #tpu.memory_space<smem>>
    %c0_i32 = arith.constant 0 : i32
    %c0_i32_1 = arith.constant 0 : i32
    return %get3A_0, %c0_i32 : i32, i32
  }
}

module attributes {stable_mosaic.version = 14 : i64} {
  func.func @_edge_part_body(%arg0: i32, %arg1: memref<512x512xf32, #tpu.memory_space<vmem>>, %arg2: memref<512x1024xf32, #tpu.memory_space<vmem>>, %arg3: memref<1x1024xf32, #tpu.memory_space<vmem>>, %arg4: memref<1024x1024xf32, #tpu.memory_space<vmem>>, %arg5: memref<1x1024xf32, #tpu.memory_space<vmem>>, %arg6: memref<512x1024xf32, #tpu.memory_space<vmem>>) attributes {dimension_semantics = [#tpu.dimension_semantics<arbitrary>], iteration_bounds = array<i64: 16>, scalar_prefetch = 0 : i64, scratch_operands = 0 : i64, tpu.core_type = #tpu.core_type<tc>, window_params = [{transform_indices = @transform_0, window_bounds = array<i64: 512, 512>}, {pipeline_mode = #tpu.pipeline_mode<synchronous>, transform_indices = @transform_1, window_bounds = array<i64: 512, 1024>}, {pipeline_mode = #tpu.pipeline_mode<synchronous>, transform_indices = @transform_2, window_bounds = array<i64: 1, 1024>}, {pipeline_mode = #tpu.pipeline_mode<synchronous>, transform_indices = @transform_3, window_bounds = array<i64: 1024, 1024>}, {pipeline_mode = #tpu.pipeline_mode<synchronous>, transform_indices = @transform_4, window_bounds = array<i64: 1, 1024>}, {transform_indices = @transform_5, window_bounds = array<i64: 512, 1024>}]} {
    %get3A = arith.constant 0 : index
    %get3A_0 = arith.constant 0 : index
    %get3A_1 = vector.load %arg1[%get3A, %get3A_0] : memref<512x512xf32, #tpu.memory_space<vmem>>, vector<512x512xf32>
    %get3A_2 = arith.constant 0 : index
    %get3A_3 = arith.constant 0 : index
    %get3A_4 = vector.load %arg2[%get3A_2, %get3A_3] : memref<512x1024xf32, #tpu.memory_space<vmem>>, vector<512x1024xf32>
    %dot_general3A = arith.constant dense<0.000000e+00> : vector<512x1024xf32>
    %dot_general3A_5 = tpu.matmul %get3A_1, %get3A_4, %dot_general3A {dimension_numbers = #tpu.dot_dimension_numbers<[1], [0], [0], [1], [0, 0, 1, 1], [], []>, transpose_lhs_hint = false} : vector<512x512xf32>, vector<512x1024xf32>, vector<512x1024xf32> -> vector<512x1024xf32>
    %get3A_6 = arith.constant 0 : index
    %get3A_7 = arith.constant 0 : index
    %get3A_8 = vector.load %arg3[%get3A_6, %get3A_7] : memref<1x1024xf32, #tpu.memory_space<vmem>>, vector<1x1024xf32>
    %add3A = vector.broadcast %get3A_8 : vector<1x1024xf32> to vector<512x1024xf32>
    %add3A_9 = arith.addf %dot_general3A_5, %add3A : vector<512x1024xf32>
    %max3A = arith.constant 0.000000e+00 : f32
    %max3A_10 = vector.broadcast %max3A : f32 to vector<512x1024xf32>
    %max3A_11 = arith.maximumf %add3A_9, %max3A_10 : vector<512x1024xf32>
    %get3A_12 = arith.constant 0 : index
    %get3A_13 = arith.constant 0 : index
    %get3A_14 = vector.load %arg4[%get3A_12, %get3A_13] : memref<1024x1024xf32, #tpu.memory_space<vmem>>, vector<1024x1024xf32>
    %dot_general3A_15 = arith.constant dense<0.000000e+00> : vector<512x1024xf32>
    %dot_general3A_16 = tpu.matmul %max3A_11, %get3A_14, %dot_general3A_15 {dimension_numbers = #tpu.dot_dimension_numbers<[1], [0], [0], [1], [0, 0, 1, 1], [], []>, transpose_lhs_hint = false} : vector<512x1024xf32>, vector<1024x1024xf32>, vector<512x1024xf32> -> vector<512x1024xf32>
    %get3A_17 = arith.constant 0 : index
    %get3A_18 = arith.constant 0 : index
    %get3A_19 = vector.load %arg5[%get3A_17, %get3A_18] : memref<1x1024xf32, #tpu.memory_space<vmem>>, vector<1x1024xf32>
    %add3A_20 = vector.broadcast %get3A_19 : vector<1x1024xf32> to vector<512x1024xf32>
    %add3A_21 = arith.addf %dot_general3A_16, %add3A_20 : vector<512x1024xf32>
    %swap3A = arith.constant 0 : index
    %swap3A_22 = arith.constant 0 : index
    %swap3A_23 = vector.load %arg6[%swap3A, %swap3A_22] : memref<512x1024xf32, #tpu.memory_space<vmem>>, vector<512x1024xf32>
    tpu.vector_store %arg6[%swap3A, %swap3A_22], %add3A_21 {strides = array<i32>} : memref<512x1024xf32, #tpu.memory_space<vmem>>, vector<512x1024xf32>,
    return
  }
  func.func @transform_0(%arg0: i32) -> (i32, i32) {
    %c0_i32 = arith.constant 0 : i32
    %c0_i32_0 = arith.constant 0 : i32
    return %arg0, %c0_i32 : i32, i32
  }
  func.func @transform_1(%arg0: i32) -> (i32, i32) {
    %c0_i32 = arith.constant 0 : i32
    %c0_i32_0 = arith.constant 0 : i32
    %c0_i32_1 = arith.constant 0 : i32
    return %c0_i32, %c0_i32_0 : i32, i32
  }
  func.func @transform_2(%arg0: i32) -> (i32, i32) {
    %c0_i32 = arith.constant 0 : i32
    %c0_i32_0 = arith.constant 0 : i32
    %c0_i32_1 = arith.constant 0 : i32
    return %c0_i32, %c0_i32_0 : i32, i32
  }
  func.func @transform_3(%arg0: i32) -> (i32, i32) {
    %c0_i32 = arith.constant 0 : i32
    %c0_i32_0 = arith.constant 0 : i32
    %c0_i32_1 = arith.constant 0 : i32
    return %c0_i32, %c0_i32_0 : i32, i32
  }
  func.func @transform_4(%arg0: i32) -> (i32, i32) {
    %c0_i32 = arith.constant 0 : i32
    %c0_i32_0 = arith.constant 0 : i32
    %c0_i32_1 = arith.constant 0 : i32
    return %c0_i32, %c0_i32_0 : i32, i32
  }
  func.func @transform_5(%arg0: i32) -> (i32, i32) {
    %c0_i32 = arith.constant 0 : i32
    %c0_i32_0 = arith.constant 0 : i32
    return %arg0, %c0_i32 : i32, i32
  }
}

module attributes {stable_mosaic.version = 14 : i64} {
  func.func @_final_body(%arg0: i32, %arg1: memref<512x1024xf32, #tpu.memory_space<vmem>>, %arg2: memref<512x1024xf32, #tpu.memory_space<vmem>>, %arg3: memref<512x1024xf32, #tpu.memory_space<vmem>>, %arg4: memref<1024x1024xf32, #tpu.memory_space<vmem>>, %arg5: memref<1024x1024xf32, #tpu.memory_space<vmem>>, %arg6: memref<512x1024xf32, #tpu.memory_space<vmem>>) attributes {dimension_semantics = [#tpu.dimension_semantics<arbitrary>], iteration_bounds = array<i64: 16>, scalar_prefetch = 0 : i64, scratch_operands = 0 : i64, tpu.core_type = #tpu.core_type<tc>, window_params = [{transform_indices = @transform_0, window_bounds = array<i64: 512, 1024>}, {transform_indices = @transform_1, window_bounds = array<i64: 512, 1024>}, {transform_indices = @transform_2, window_bounds = array<i64: 512, 1024>}, {pipeline_mode = #tpu.pipeline_mode<synchronous>, transform_indices = @transform_3, window_bounds = array<i64: 1024, 1024>}, {pipeline_mode = #tpu.pipeline_mode<synchronous>, transform_indices = @transform_4, window_bounds = array<i64: 1024, 1024>}, {transform_indices = @transform_5, window_bounds = array<i64: 512, 1024>}]} {
    %get3A = arith.constant 0 : index
    %get3A_0 = arith.constant 0 : index
    %get3A_1 = vector.load %arg1[%get3A, %get3A_0] : memref<512x1024xf32, #tpu.memory_space<vmem>>, vector<512x1024xf32>
    %max3A = arith.constant 0.000000e+00 : f32
    %max3A_2 = vector.broadcast %max3A : f32 to vector<512x1024xf32>
    %max3A_3 = arith.maximumf %get3A_1, %max3A_2 : vector<512x1024xf32>
    %get3A_4 = arith.constant 0 : index
    %get3A_5 = arith.constant 0 : index
    %get3A_6 = vector.load %arg4[%get3A_4, %get3A_5] : memref<1024x1024xf32, #tpu.memory_space<vmem>>, vector<1024x1024xf32>
    %dot_general3A = arith.constant dense<0.000000e+00> : vector<512x1024xf32>
    %dot_general3A_7 = tpu.matmul %max3A_3, %get3A_6, %dot_general3A {dimension_numbers = #tpu.dot_dimension_numbers<[1], [0], [0], [1], [0, 0, 1, 1], [], []>, transpose_lhs_hint = false} : vector<512x1024xf32>, vector<1024x1024xf32>, vector<512x1024xf32> -> vector<512x1024xf32>
    %get3A_8 = arith.constant 0 : index
    %get3A_9 = arith.constant 0 : index
    %get3A_10 = vector.load %arg2[%get3A_8, %get3A_9] : memref<512x1024xf32, #tpu.memory_space<vmem>>, vector<512x1024xf32>
    %max3A_11 = arith.constant 0.000000e+00 : f32
    %max3A_12 = vector.broadcast %max3A_11 : f32 to vector<512x1024xf32>
    %max3A_13 = arith.maximumf %get3A_10, %max3A_12 : vector<512x1024xf32>
    %get3A_14 = arith.constant 0 : index
    %get3A_15 = arith.constant 0 : index
    %get3A_16 = vector.load %arg5[%get3A_14, %get3A_15] : memref<1024x1024xf32, #tpu.memory_space<vmem>>, vector<1024x1024xf32>
    %dot_general3A_17 = arith.constant dense<0.000000e+00> : vector<512x1024xf32>
    %dot_general3A_18 = tpu.matmul %max3A_13, %get3A_16, %dot_general3A_17 {dimension_numbers = #tpu.dot_dimension_numbers<[1], [0], [0], [1], [0, 0, 1, 1], [], []>, transpose_lhs_hint = false} : vector<512x1024xf32>, vector<1024x1024xf32>, vector<512x1024xf32> -> vector<512x1024xf32>
    %add3A = arith.addf %dot_general3A_7, %dot_general3A_18 : vector<512x1024xf32>
    %get3A_19 = arith.constant 0 : index
    %get3A_20 = arith.constant 0 : index
    %get3A_21 = vector.load %arg3[%get3A_19, %get3A_20] : memref<512x1024xf32, #tpu.memory_space<vmem>>, vector<512x1024xf32>
    %add3A_22 = arith.addf %add3A, %get3A_21 : vector<512x1024xf32>
    %max3A_23 = arith.constant 0.000000e+00 : f32
    %max3A_24 = vector.broadcast %max3A_23 : f32 to vector<512x1024xf32>
    %max3A_25 = arith.maximumf %add3A_22, %max3A_24 : vector<512x1024xf32>
    %swap3A = arith.constant 0 : index
    %swap3A_26 = arith.constant 0 : index
    %swap3A_27 = vector.load %arg6[%swap3A, %swap3A_26] : memref<512x1024xf32, #tpu.memory_space<vmem>>, vector<512x1024xf32>
    tpu.vector_store %arg6[%swap3A, %swap3A_26], %max3A_25 {strides = array<i32>} : memref<512x1024xf32, #tpu.memory_space<vmem>>, vector<512x1024xf32>,
    return
  }
  func.func @transform_0(%arg0: i32) -> (i32, i32) {
    %c0_i32 = arith.constant 0 : i32
    %c0_i32_0 = arith.constant 0 : i32
    return %arg0, %c0_i32 : i32, i32
  }
  func.func @transform_1(%arg0: i32) -> (i32, i32) {
    %c0_i32 = arith.constant 0 : i32
    %c0_i32_0 = arith.constant 0 : i32
    return %arg0, %c0_i32 : i32, i32
  }
  func.func @transform_2(%arg0: i32) -> (i32, i32) {
    %c0_i32 = arith.constant 0 : i32
    %c0_i32_0 = arith.constant 0 : i32
    return %arg0, %c0_i32 : i32, i32
  }
  func.func @transform_3(%arg0: i32) -> (i32, i32) {
    %c0_i32 = arith.constant 0 : i32
    %c0_i32_0 = arith.constant 0 : i32
    %c0_i32_1 = arith.constant 0 : i32
    return %c0_i32, %c0_i32_0 : i32, i32
  }
  func.func @transform_4(%arg0: i32) -> (i32, i32) {
    %c0_i32 = arith.constant 0 : i32
    %c0_i32_0 = arith.constant 0 : i32
    %c0_i32_1 = arith.constant 0 : i32
    return %c0_i32, %c0_i32_0 : i32, i32
  }
  func.func @transform_5(%arg0: i32) -> (i32, i32) {
    %c0_i32 = arith.constant 0 : i32
    %c0_i32_0 = arith.constant 0 : i32
    return %arg0, %c0_i32 : i32, i32
  }
}

</mosaic_0001>

<sc_bundles>
// kernel: gather_offload_async_start.1
scs
__scs_entry_jumppad:
0x0: {  	(pc) =	sbr.rel $0x88, $3  }
0x1: {  	(tag) =	ssettag $0x0;
	lr =	simm.s32 $0x1  }
0x2: {  	[smem:$0x3F94] =	sst lr;
	_ =	strace $0xD0000000  }
0x3: {  	_ = 	snop  }
0x4: {  	_ = 	snop  }
0x5: {  	_ = 	snop  }
0x6: {  	_ = 	snop  }
0x7: {  	_ = 	snop  }
__scs_overlays_trampoline_lowered:
0x8: {  	[smem:$0x3FA3] =	sst s0  }
0x9: {  	[smem:$0x3FA4] =	sst s1  }
0xa: {  	[smem:$0x3FA5] =	sst s2  }
0xb: {  	[smem:$0x3FA6] =	sst s3  }
0xc: {  	[smem:$0x3FA7] =	sst s4  }
0xd: {  	[smem:$0x3FA8] =	sst s5  }
0xe: {  	[smem:$0x3FA9] =	sst s6  }
0xf: {  	[smem:$0x3FAA] =	sst s7  }
0x10: {  	[smem:$0x3FAB] =	sst s8  }
0x11: {  	[smem:$0x3FAC] =	sst s9;
	s0 =	simm.s32 @!p0 $0x0  }
0x12: {  	s1 =	sld [smem:$0x3F92];
	s0 =	simm.s32 @p0 $0x1  }
0x13: {  	[smem:$0x3FAD] =	sst s0;
	s0 =	simm.s32 @!p1 $0x0  }
0x14: {  	s2 =	sld [smem:$0x3F91];
	s0 =	simm.s32 @p1 $0x1  }
0x15: {  	[smem:$0x3FAE] =	sst s0;
	s0 =	simm.s32 @!p2 $0x0  }
0x16: {  	s3 =	sld [smem:$0x3FDB];
	s0 =	simm.s32 @p2 $0x1  }
0x17: {  	s4 =	simm.s32 $0x1BF5;
	[smem:$0x3FB0] =	sst s0  }
0x18: {  	s0 =	sld [smem:$0x3F93];
	_ =	swait.ge [sflag:s4], $0x0  }
0x19: {  	s7 =	sld [smem:$0x3F94]  }
0x1a: {  	s8 =	sadd.s32 $0xFFFFE003, lr  }
0x1b: {  	s9 =	sadd.s32 $0xFFFFFEF7, lr;
	s5 =	simm.s32 $0xFFFFFFFF;
	p2 =	slt.u32 s8, $0xFFFFF086  }
0x1c: {  	p1 =	slt.u32 s9, $0xF7A;
	s5 =	simm.s32 @!p2 $0x0  }
0x1d: {  	s5 =	simm.s32 @p1 $0x1;
	p0 =	seq.s32 s7, s2  }
0x1e: {  	s7 =	smul.u32 @!p0 $0xF7A, s2;
	p2 =	seq.s32 @!p0 s5, $0x0  }
0x1f: {  	s9 =	smul.u32 $0xF7A, s1;
	s8 =	simm.s32 @!p0 $0x1BF5;
	p2 =	por !p2, p0  }
0x20: {  	[sflag:s8] =	ssyncset.s32 @!p0 $0xFFFFF086;
	s6 =	sadd.s32 @!p0 s3, s7;
	s7 =	simm.s32 @!p0 $0x108  }
0x21: {  	s3 =	sadd.s32 s3, s9;
	s6 =	sadd.s32 @!p0 $0x88, s6;
	s7 =	simm.s32 @p2 $0x1082  }
0x22: {  	[simem:s7], [sflag:s8] =	dma.local @!p0 [hbm:s6], $0xF7A  }
0x23: {  	s9 =	sor.u32 $0xD0000000, s2;
	s6 =	simm.s32 $0x108;
	_ =	swait.ge @!p0 [sflag:s8], $0x0  }
0x24: {  	s3 =	sadd.s32 $0x88, s3;
	s6 =	simm.s32 @!p1 $0x1082;
	[sflag:s4] =	ssyncset.s32 $0xFFFFF086  }
0x25: {  	[simem:s6], [sflag:s4] =	dma.local [hbm:s3], $0xF7A  }
0x26: {  	[smem:$0x3F94] =	sst s1;
	(tag) =	ssettag s2;
	_ =	strace s9  }
0x27: {  	s1 =	sld [smem:$0x3FA4]  }
0x28: {  	s2 =	sld [smem:$0x3FA5]  }
0x29: {  	s4 =	sld [smem:$0x3FA7]  }
0x2a: {  	p0 =	seq.s32 s5, $0x0;
	s5 =	sld [smem:$0x3FA8]  }
0x2b: {  	s6 =	sld [smem:$0x3FA9]  }
0x2c: {  	s7 =	sld [smem:$0x3FAA]  }
0x2d: {  	s3 =	simm.s32 $0x108;
	s8 =	sld [smem:$0x3FAB]  }
0x2e: {  	s3 =	simm.s32 @!p0 $0x1082;
	s9 =	sld [smem:$0x3FAC]  }
0x2f: {  	lr =	sadd.s32 s0, s3;
	s0 =	sld [smem:$0x3FA3]  }
0x30: {  	s3 =	sld [smem:$0x3FA6]  }
0x31: {  	[smem:$0x3FAF] =	sst s10  }
0x32: {  	s10 =	sld [smem:$0x3FAD];
	_ =	sdelay $0x3  }
0x33: {  	p0 =	seq.s32 s10, $0x1;
	s10 =	sld [smem:$0x3FAF];
	_ =	sdelay $0x3  }
0x34: {  	[smem:$0x3FAF] =	sst s10  }
0x35: {  	s10 =	sld [smem:$0x3FAE];
	_ =	sdelay $0x3  }
0x36: {  	p1 =	seq.s32 s10, $0x1;
	s10 =	sld [smem:$0x3FAF];
	_ =	sdelay $0x3  }
0x37: {  	[smem:$0x3FAF] =	sst s10  }
0x38: {  	s10 =	sld [smem:$0x3FB0]  }
0x39: {  	_ = 	snop;
	(pc) =	sbr.ind lr, $3  }
0x3a: {  	_ = 	snop  }
0x3b: {  	_ = 	snop  }
0x3c: {  	p2 =	seq.s32 s10, $0x1;
	s10 =	sld [smem:$0x3FAF]  }
0x3d: {  	_ =	shalt  }
0x3e: {  	_ =	shalt  }
0x3f: {  	_ =	shalt  }
0x40: {  	_ =	shalt  }
0x41: {  	_ =	shalt  }
0x42: {  	_ =	shalt  }
0x43: {  	_ =	shalt  }
0x44: {  	_ =	shalt  }
0x45: {  	_ =	shalt  }
0x46: {  	_ =	shalt  }
0x47: {  	_ =	shalt  }
0x48: {  	_ =	shalt  }
0x49: {  	_ =	shalt  }
0x4a: {  	_ =	shalt  }
0x4b: {  	_ =	shalt  }
0x4c: {  	_ =	shalt  }
0x4d: {  	_ =	shalt  }
0x4e: {  	_ =	shalt  }
0x4f: {  	_ =	shalt  }
0x50: {  	_ =	shalt  }
0x51: {  	_ =	shalt  }
0x52: {  	_ =	shalt  }
0x53: {  	_ =	shalt  }
0x54: {  	_ =	shalt  }
0x55: {  	_ =	shalt  }
0x56: {  	_ =	shalt  }
0x57: {  	_ =	shalt  }
0x58: {  	_ =	shalt  }
0x59: {  	_ =	shalt  }
0x5a: {  	_ =	shalt  }
0x5b: {  	_ =	shalt  }
0x5c: {  	_ =	shalt  }
0x5d: {  	_ =	shalt  }
0x5e: {  	_ =	shalt  }
0x5f: {  	_ =	shalt  }
0x60: {  	_ =	shalt  }
0x61: {  	_ =	shalt  }
0x62: {  	_ =	shalt  }
0x63: {  	_ =	shalt  }
0x64: {  	_ =	shalt  }
0x65: {  	_ =	shalt  }
0x66: {  	_ =	shalt  }
0x67: {  	_ =	shalt  }
0x68: {  	_ =	shalt  }
0x69: {  	_ =	shalt  }
0x6a: {  	_ =	shalt  }
0x6b: {  	_ =	shalt  }
0x6c: {  	_ =	shalt  }
0x6d: {  	_ =	shalt  }
0x6e: {  	_ =	shalt  }
0x6f: {  	_ =	shalt  }
0x70: {  	_ =	shalt  }
0x71: {  	_ =	shalt  }
0x72: {  	_ =	shalt  }
0x73: {  	_ =	shalt  }
0x74: {  	_ =	shalt  }
0x75: {  	_ =	shalt  }
0x76: {  	_ =	shalt  }
0x77: {  	_ =	shalt  }
0x78: {  	_ =	shalt  }
0x79: {  	_ =	shalt  }
0x7a: {  	_ =	shalt  }
0x7b: {  	_ =	shalt  }
0x7c: {  	_ =	shalt  }
0x7d: {  	_ =	shalt  }
0x7e: {  	_ =	shalt  }
0x7f: {  	_ =	shalt  }
0x80: {  	_ =	shalt  }
0x81: {  	_ =	shalt  }
0x82: {  	_ =	shalt  }
0x83: {  	_ =	shalt  }
0x84: {  	_ =	shalt  }
0x85: {  	_ =	shalt  }
0x86: {  	_ =	shalt  }
0x87: {  	_ =	shalt  }
.Lfunc_end0:
.L_simem_size_0:
called_computation.1_lowered:
.L_overlay_start_0:
0x88: {  	s2 =	sld [smem:$0x3FD9]  }
0x89: {  	s3 =	sld [smem:$0x3FFE];
	_ =	sdelay $0x1  }
0x8a: {  	s1 =	srdreg.scid  }
0x8b: {  	s0 =	sand.u32 $0x1, s1  }
0x8c: {  	s17 =	sshll.u32 s0, $0xA;
	s2 =	sadd.s32 s3, s2  }
0x8d: {  	s2 =	sadd.s32 s2, s17  }
0x8e: {  	[smem:$0x3FBB] =	sst s2  }
0x8f: {  	_ = 	snop  }
0x90: {  	s2 =	sld [smem:$0x3FC5];
	(tm) =	ssettm $0x1  }
0x91: {  	s18 =	sld [smem:$0x3FFB];
	_ =	sdelay $0x3  }
0x92: {  	_ =	strace s18  }
0x93: {  	s3 =	sld [smem:$0x3FFC];
	_ =	sdelay $0x3  }
0x94: {  	_ =	strace s3  }
0x95: {  	s3 =	sld [smem:$0x3FFD];
	_ =	sdelay $0x3  }
0x96: {  	_ =	strace s3  }
0x97: {  	_ =	strace $0x8FFFFFFF  }
0x98: {  	s19 =	sld [smem:$0x3FDB];
	_ =	sdelay $0x1  }
0x99: {  	s4 =	simm.s32 $_scs_section_size  }
0x9a: {  	s5 =	simm.s32 $_size__tile_overlayer_lowered;
	s6 =	simm.s32 $_tile_overlayer_lowered  }
0x9b: {  	s22 =	simm.s32 $0x1BFF;
	s21 =	sshll.u32 s6, $0x1;
	s3 =	sadd.s32 s4, s19  }
0x9c: {  	s7 =	simm.s32 $0x0;
	s20 =	sshll.u32 s5, $0x1;
	s5 =	sadd.s32 s21, s3  }
0x9d: {  	[timem:s7], [sflag:s22] =	dma.local [hbm:s5], s20  }
0x9e: {  	_ =	swait.ge [sflag:s22], s20  }
0x9f: {  	s4 =	ssub.s32 $0x0, s20;
	[sflag:s22] =	ssyncset.done $0x0  }
0xa0: {  	[sflag:s22] =	ssyncadd.s32 s4;
	_ =	sdelay $0x1  }
0xa1: {  	s23 =	simm.s32 $0x1B8B  }
0xa2: {  	_ =	swait.ge [sflag:s23], $0x1  }
0xa3: {  	[sflag:s23] =	ssyncset.done $0x0  }
0xa4: {  	s25 =	simm.s32 $0x1B8E;
	s24 =	sld [smem:$0x3FFE];
	[sflag:s23] =	ssyncadd.s32 $0xFFFFFFFF  }
0xa5: {  	s26 =	simm.s32 $execute0_lowered;
	[smem:$0x3FD2] =	sst s25  }
0xa6: {  	s5 =	sshll.u32 s26, $0x1;
	_ =	strace $0x80000046;
	[dreg:$0x1] =	wrdreg $0xFFFFFFFF  }
0xa7: {  	s28 =	simm.s32 $_size_execute0_lowered;
	s3 =	sadd.s32 s3, s5;
	[dreg:$0x0] =	wrdreg $0x0  }
0xa8: {  	s5 =	sshll.u32 s28, $0x1;
	[dreg:$0x2] =	wrdreg s3  }
0xa9: {  	[dreg:$0x3] =	wrdreg s5  }
0xaa: {  	[dreg:$0x4] =	wrdreg $0xC0  }
0xab: {  	_ =	task [dreg:s7], $0x5FFFF  }
0xac: {  	[dreg:$0x1] =	wrdreg $0xFFFFFFFF  }
0xad: {  	[dreg:$0x0] =	wrdreg $0x60  }
0xae: {  	[dreg:$0x2] =	wrdreg s2  }
0xaf: {  	[dreg:$0x3] =	wrdreg s24  }
0xb0: {  	[dreg:$0x4] =	wrdreg $0xA  }
0xb1: {  	_ =	task.clear_ibuf [dreg:s7], $0x5FFFF;
	_ =	strace $0x90000046  }
0xb2: {  	s29 =	simm.s32 $0xA;
	_ =	strace $0x80000048  }
0xb3: {  	_ =	swait.ge [sflag:s29], $0x1  }
0xb4: {  	[sflag:s29] =	ssyncadd.s32 $0xFFFFFFFF  }
0xb5: {  	_ =	strace $0x90000048  }
0xb6: {  	_ =	sfence  }
0xb7: {  	s30 =	sld [smem:$0x0];
	_ =	sdelay $0x2  }
0xb8: {  	s31 =	sshll.u32 s1, $0xD;
	s1 =	sshrl.u32 s1, $0x2  }
0xb9: {  	s3 =	sand.u32 $0x4000, s31;
	s1 =	sadd.s32 s1, s30  }
0xba: {  	s0 =	sor.u32 s3, s0;
	s1 =	sshll.u32 s1, $0x11  }
0xbb: {  	s0 =	sor.u32 s1, s0  }
0xbc: {  	s0 =	sadd.s32 $0x8F2B, s0  }
0xbd: {  	[sflag:s0] =	ssyncadd.remote.s32 $0x1  }
0xbe: {  	_ =	sfence.sel $0xFFFF  }
0xbf: {  	[dreg:$0x0] =	wrdreg $0xFFFFFFFF;
	(pc) =	sbr.abs _section_cstart, $3  }
0xc0: {  	[dreg:$0x1] =	wrdreg $0xFFFFFFFF  }
0xc1: {  	_ =	task.clear_ibuf [dreg:s7], $0x2FFFF;
	_ =	strace $0x9FFFFFFF  }
0xc2: {  	(tm) =	ssettm $0x7FFFFFFF  }
0xc3: {  	_ =	shalt  }
tec
execute0_lowered:
.L_overlay_start_1:
0x0: {  	(tag) =	ssettag $0x1  }
0x1: {  	s1 =	srdreg.scid;
	s2 =	rddreg [dreg:$0x0]  }
0x2: {  	s0 =	stileid.u32;
	s5 =	rddreg [dreg:$0x1];
	s6 =	simm.s32 $0x1  }
0x3: {  	s9 =	simm.s32 $0x1;
	s10 =	simm.s32 $0x3;
	s1 =	sshll.u32 s1, $0x7  }
0x4: {  	s13 =	simm.s32 $0x0;
	s3 =	sshll.u32 s0, $0x8;
	s4 =	sand.u32 $0x80, s1  }
0x5: {  	s12 =	simm.s32 $0x0;
	s1 =	rddreg [dreg:$0x2];
	s3 =	sor.u32 s3, s4  }
0x6: {  	_ =	strace $0x80000047;
	s4 =	sadd.s32 $0x400, s5;
	s8 =	ssub.s32 $0x2000, s3  }
.Ltmp0:
0x7: {  	s5 =	sadd.s32 $0xC00, s5;
	s7 =	sand.u32 $0xF80, s8;
	(pc) =	sbr.rel .LBB2_1-.Ltmp0, $4  }
0x8: {  	[sflag:s6] =	ssyncpa.u1 $0x0;
	s11 =	smov.u32 s3;
	p0 =	sne.s32 s7, $0x0  }
0x9: {  	s8 =	sshrl.u32 s8, $0xC;
	s7 =	simm.s32 $0x2;
	s9 =	simm.s32 @!p0 $0x0  }
0xa: {  	[sflag:s7] =	ssyncpa.u1 $0x0;
	p0 =	por $0x0, $0x0;
	s8 =	sadd.s32 s9, s8  }
0xb: {  	vm0 =	vmmov $0xffff;
	[sflag:s10] =	ssyncpa.u1 $0x0;
	s10 =	simm.s32 $0x0;
	s9 =	sadd.s32 $0x1, s8  }
.LBB2_4:
0xc: {  	v2 =	vnsel vm1, $0x0, v2  }
0xd: {  	vm1 =	vgt.s32 v0, $0x0;
	v2 =	vmin.u32 v2, $0x1FFF  }
0xe: {  	v0 =	vnsel vm1, $0x0, v0  }
0xf: {  	v0 =	vmin.u32 v0, $0x1FFF  }
0x10: {  	[tilespmem:s15], [sflag:$0x1] =	stream.indirect_vreg.gather [hbm4b:s2+s10], $0x1, v1, vm0, $0x4038;
	[tilespmem:$0x200] =	vst v63  }
0x11: {  	(ifvalue) =	ssetifvalue $0x7FFFFFFF  }
0x12: {  	[tilespmem:s16], [sflag:$0x1] =	stream.indirect_vreg.gather [hbm4b:s2+s10], $0x1, v2, vm0, $0x4038;
	[tilespmem:$0x200] =	vst v63  }
0x13: {  	s29 =	sadd.s32 $0x10, s16;
	(ifvalue) =	ssetifvalue $0x7FFFFFFF  }
0x14: {  	[tilespmem:s29], [sflag:$0x1] =	stream.indirect_vreg.gather [hbm4b:s2+s10], $0x1, v0, vm0, $0x4038;
	[tilespmem:$0x200] =	vst v63  }
0x15: {  	_ =	swait.ge [sflag:s6], $0x80  }
0x16: {  	s30 =	sshrl.u32 s13, $0x3;
	[sflag:s6] =	ssyncset.done $0x0  }
0x17: {  	s31 =	sand.u32 $0x7, s13;
	s15 =	sadd.s32 s5, s30;
	[sflag:s6] =	ssyncadd.s32 $0xFFFFFF80  }
0x18: {  	[hbm4b:s15+s31] =	stream.linear.scatter [tilespmem:s14], [sflag:$0x3], $0x80, $0x38;
	[tilespmem:$0x200] =	vst v63  }
.LBB2_5:
0x19: {  	s15 =	sadd.s32 $0x1000, s11  }
0x1a: {  	p2 =	sgt.s32 s15, $0x1FFF  }
0x1b: {  	s15 =	smov.u32 @p2 s3;
	p2 =	sne.s32 s12, s9  }
.Ltmp1:
0x1c: {  	p1 =	slt.u32 s12, $0x2;
	(pc) =	sbr.rel @!p2 .LBB2_6-.Ltmp1, $4  }
0x1d: {  	s14 =	simm.s32 @!p1 $0x3  }
0x1e: {  	s16 =	sadd.s32 $0x1, s12;
	_ =	swait.ge @!p1 [sflag:s14], $0x80  }
0x1f: {  	s13 =	smov.u32 s11;
	p0 =	por !p0, !p0;
	[sflag:s14] =	ssyncset.done @!p1 $0x0  }
0x20: {  	s12 =	smov.u32 s16;
	s11 =	smov.u32 s15;
	[sflag:s14] =	ssyncadd.s32 @!p1 $0xFFFFFF80  }
.LBB2_1:
0x21: {  	p1 =	sge.u32 s12, s8  }
0x22: {  	s14 =	sxor.u32 @!p1 $0xFFFFFFFF, s12  }
0x23: {  	s31 =	sadd.s32 $0xFFFFFFFF, s12;
	s15 =	sshrl.u32 @!p1 s11, $0x3;
	s14 =	sshll.u32 @!p1 s14, $0x7  }
0x24: {  	s16 =	sand.u32 @!p1 $0x7, s11;
	s15 =	sadd.s32 @!p1 s4, s15;
	s14 =	sand.u32 @!p1 $0x80, s14  }
0x25: {  	[tilespmem:s14], [sflag:$0x2] =	stream.linear.gather @!p1 [hbm4b:s15+s16], $0x80, $0x38;
	[tilespmem:$0x200] =	vst v63  }
0x26: {  	p1 =	sge.u32 s31, s8  }
.Ltmp2:
0x27: {  	_ = 	snop;
	(pc) =	sbr.rel @p1 .LBB2_5-.Ltmp2, $1  }
0x28: {  	_ =	sdelay $0x3  }
0x29: {  	s14 =	simm.s32 $0x1  }
0x2a: {  	_ =	swait.ge [sflag:s7], $0x80;
	s14 =	simm.s32 @!p0 $0x0  }
0x2b: {  	[sflag:s7] =	ssyncset.done $0x0;
	s14 =	sshll.u32 s14, $0x7  }
0x2c: {  	[sflag:s7] =	ssyncadd.s32 $0xFFFFFF80;
	(ifvalue) =	ssetifvalue $0x7FFFFFFF;
	v0 =	vld.msk [tilespmem:s14+$0x0 ss:$0x1], $0xffff;
	_ =	sdelay $0x4  }
0x2d: {  	s15 =	sadd.s32 $0x10, s14;
	vm1 =	vgt.s32 v0, $0x0  }
0x2e: {  	v2 =	vld.msk [tilespmem:s15+$0x0 ss:$0x1], $0xffff;
	v1 =	vnsel vm1, $0x0, v0  }
0x2f: {  	v1 =	vmin.u32 v1, $0x1FFF;
	_ =	sdelay $0x1  }
0x30: {  	s16 =	sshll.u32 s12, $0x7;
	s18 =	simm.s32 $0x20  }
0x31: {  	s16 =	sand.u32 $0x80, s16;
	s17 =	sadd.s32 $0x10, s15;
	s15 =	sor.u32 $0x100, s14  }
0x32: {  	s14 =	sor.u32 $0x100, s16;
	s16 =	sadd.s32 $0x10, s15;
	v0 =	vld.msk [tilespmem:s17+$0x0 ss:$0x1], $0xffff;
	vm1 =	vgt.s32 v2, $0x0;
	(ifvalue) =	ssetifvalue $0x7FFFFFFF  }
.LBB2_3:
0x33: {  	[tilespmem:s15], [sflag:$0x1] =	stream.indirect_vreg.gather [hbm4b:s2+s10], $0x1, v1, vm0, $0x4038;
	[tilespmem:$0x200] =	vst v63  }
0x34: {  	s18 =	sadd.s32 $0x10, s18  }
0x35: {  	v2 =	vnsel vm1, $0x0, v2;
	p1 =	slt.u32 s18, $0x70  }
.Ltmp3:
0x36: {  	s15 =	smov.u32 s16;
	v1 =	vmin.u32 v2, $0x1FFF;
	(pc) =	sbr.rel @p1 .LBB2_3-.Ltmp3, $3  }
0x37: {  	_ =	sdelay $0x1  }
0x38: {  	s17 =	sadd.s32 $0x10, s17  }
0x39: {  	vm1 =	vgt.s32 v0, $0x0;
	s16 =	sadd.s32 $0x10, s16;
	v2 =	vmov v0;
	(ifvalue) =	ssetifvalue $0x7FFFFFFF;
	v0 =	vld.msk [tilespmem:s17+$0x0 ss:$0x1], $0xffff  }
.Ltmp4:
0x3a: {  	_ = 	snop;
	(pc) =	sbr.rel .LBB2_4-.Ltmp4, $1  }
0x3b: {  	_ =	sdelay $0x3  }
.LBB2_6:
0x3c: {  	_ =	sfence.sel $0x180000  }
0x3d: {  	s2 =	simm.s32 $0x2;
	[bflag:$0x0] =	sbarrier.arrive $0xFFFF  }
0x3e: {  	s30 =	simm.s32 $0x3;
	[sflag:s2] =	ssyncpa.u1 $0x1  }
0x3f: {  	s31 =	simm.s32 $0x1;
	[sflag:s30] =	ssyncpa.u1 $0x1  }
0x40: {  	[sflag:s31] =	ssyncpa.u1 $0x1  }
0x41: {  	p0 =	sne.s32 s0, $0x0;
	_ =	strace $0x90000047  }
0x42: {  	s0 =	sadd.s32 @!p0 $0x100000, s1;
	[bflag:$0x2] =	sbarrier.arrive $0xFFFF  }
0x43: {  	[sflag:s0] =	ssyncadd.tile.s32 @!p0 $0x1;
	_ =	shalt  }
.Lfunc_end2:
_tile_overlayer_lowered:
.L_overlay_start_2:
0x44: {  	(tag) =	ssettag $0x2  }
0x45: {  	s0 =	rddreg [dreg:$0x0];
	s2 =	stileid.u32  }
0x46: {  	s1 =	rddreg [dreg:$0x1];
	p0 =	sne.s32 s2, $0x0  }
0x47: {  	s3 =	rddreg [dreg:$0x2];
	[bflag:$0x3] =	sbarrier.arrive $0xFFFF;
	s2 =	simm.s32 @!p0 $0x1C01  }
0x48: {  	[timem:s3], [sflag:s2] =	dma.local @!p0 [hbm:s0], s1  }
0x49: {  	s0 =	simm.s32 @!p0 $0x1  }
0x4a: {  	_ =	swait.ge @!p0 [sflag:s0], s1  }
0x4b: {  	s1 =	ssub.s32 @!p0 $0x0, s1;
	[sflag:s0] =	ssyncset.done @!p0 $0x0  }
0x4c: {  	[sflag:s0] =	ssyncadd.s32 @!p0 s1  }
0x4d: {  	[bflag:$0x3] =	sbarrier.arrive $0xFFFF  }
0x4e: {  	_ =	shalt  }

// kernel: gather_offload_async_start
scs
__scs_entry_jumppad:
0x0: {  	(pc) =	sbr.rel $0x88, $3  }
0x1: {  	(tag) =	ssettag $0x0;
	lr =	simm.s32 $0x1  }
0x2: {  	[smem:$0x3F94] =	sst lr;
	_ =	strace $0xD0000000  }
0x3: {  	_ = 	snop  }
0x4: {  	_ = 	snop  }
0x5: {  	_ = 	snop  }
0x6: {  	_ = 	snop  }
0x7: {  	_ = 	snop  }
__scs_overlays_trampoline_lowered:
0x8: {  	[smem:$0x3FA3] =	sst s0  }
0x9: {  	[smem:$0x3FA4] =	sst s1  }
0xa: {  	[smem:$0x3FA5] =	sst s2  }
0xb: {  	[smem:$0x3FA6] =	sst s3  }
0xc: {  	[smem:$0x3FA7] =	sst s4  }
0xd: {  	[smem:$0x3FA8] =	sst s5  }
0xe: {  	[smem:$0x3FA9] =	sst s6  }
0xf: {  	[smem:$0x3FAA] =	sst s7  }
0x10: {  	[smem:$0x3FAB] =	sst s8  }
0x11: {  	[smem:$0x3FAC] =	sst s9;
	s0 =	simm.s32 @!p0 $0x0  }
0x12: {  	s1 =	sld [smem:$0x3F92];
	s0 =	simm.s32 @p0 $0x1  }
0x13: {  	[smem:$0x3FAD] =	sst s0;
	s0 =	simm.s32 @!p1 $0x0  }
0x14: {  	s2 =	sld [smem:$0x3F91];
	s0 =	simm.s32 @p1 $0x1  }
0x15: {  	[smem:$0x3FAE] =	sst s0;
	s0 =	simm.s32 @!p2 $0x0  }
0x16: {  	s3 =	sld [smem:$0x3FDB];
	s0 =	simm.s32 @p2 $0x1  }
0x17: {  	s4 =	simm.s32 $0x1BF5;
	[smem:$0x3FB0] =	sst s0  }
0x18: {  	s0 =	sld [smem:$0x3F93];
	_ =	swait.ge [sflag:s4], $0x0  }
0x19: {  	s7 =	sld [smem:$0x3F94]  }
0x1a: {  	s8 =	sadd.s32 $0xFFFFE003, lr  }
0x1b: {  	s9 =	sadd.s32 $0xFFFFFEF7, lr;
	s5 =	simm.s32 $0xFFFFFFFF;
	p2 =	slt.u32 s8, $0xFFFFF086  }
0x1c: {  	p1 =	slt.u32 s9, $0xF7A;
	s5 =	simm.s32 @!p2 $0x0  }
0x1d: {  	s5 =	simm.s32 @p1 $0x1;
	p0 =	seq.s32 s7, s2  }
0x1e: {  	s7 =	smul.u32 @!p0 $0xF7A, s2;
	p2 =	seq.s32 @!p0 s5, $0x0  }
0x1f: {  	s9 =	smul.u32 $0xF7A, s1;
	s8 =	simm.s32 @!p0 $0x1BF5;
	p2 =	por !p2, p0  }
0x20: {  	[sflag:s8] =	ssyncset.s32 @!p0 $0xFFFFF086;
	s6 =	sadd.s32 @!p0 s3, s7;
	s7 =	simm.s32 @!p0 $0x108  }
0x21: {  	s3 =	sadd.s32 s3, s9;
	s6 =	sadd.s32 @!p0 $0x88, s6;
	s7 =	simm.s32 @p2 $0x1082  }
0x22: {  	[simem:s7], [sflag:s8] =	dma.local @!p0 [hbm:s6], $0xF7A  }
0x23: {  	s9 =	sor.u32 $0xD0000000, s2;
	s6 =	simm.s32 $0x108;
	_ =	swait.ge @!p0 [sflag:s8], $0x0  }
0x24: {  	s3 =	sadd.s32 $0x88, s3;
	s6 =	simm.s32 @!p1 $0x1082;
	[sflag:s4] =	ssyncset.s32 $0xFFFFF086  }
0x25: {  	[simem:s6], [sflag:s4] =	dma.local [hbm:s3], $0xF7A  }
0x26: {  	[smem:$0x3F94] =	sst s1;
	(tag) =	ssettag s2;
	_ =	strace s9  }
0x27: {  	s1 =	sld [smem:$0x3FA4]  }
0x28: {  	s2 =	sld [smem:$0x3FA5]  }
0x29: {  	s4 =	sld [smem:$0x3FA7]  }
0x2a: {  	p0 =	seq.s32 s5, $0x0;
	s5 =	sld [smem:$0x3FA8]  }
0x2b: {  	s6 =	sld [smem:$0x3FA9]  }
0x2c: {  	s7 =	sld [smem:$0x3FAA]  }
0x2d: {  	s3 =	simm.s32 $0x108;
	s8 =	sld [smem:$0x3FAB]  }
0x2e: {  	s3 =	simm.s32 @!p0 $0x1082;
	s9 =	sld [smem:$0x3FAC]  }
0x2f: {  	lr =	sadd.s32 s0, s3;
	s0 =	sld [smem:$0x3FA3]  }
0x30: {  	s3 =	sld [smem:$0x3FA6]  }
0x31: {  	[smem:$0x3FAF] =	sst s10  }
0x32: {  	s10 =	sld [smem:$0x3FAD];
	_ =	sdelay $0x3  }
0x33: {  	p0 =	seq.s32 s10, $0x1;
	s10 =	sld [smem:$0x3FAF];
	_ =	sdelay $0x3  }
0x34: {  	[smem:$0x3FAF] =	sst s10  }
0x35: {  	s10 =	sld [smem:$0x3FAE];
	_ =	sdelay $0x3  }
0x36: {  	p1 =	seq.s32 s10, $0x1;
	s10 =	sld [smem:$0x3FAF];
	_ =	sdelay $0x3  }
0x37: {  	[smem:$0x3FAF] =	sst s10  }
0x38: {  	s10 =	sld [smem:$0x3FB0]  }
0x39: {  	_ = 	snop;
	(pc) =	sbr.ind lr, $3  }
0x3a: {  	_ = 	snop  }
0x3b: {  	_ = 	snop  }
0x3c: {  	p2 =	seq.s32 s10, $0x1;
	s10 =	sld [smem:$0x3FAF]  }
0x3d: {  	_ =	shalt  }
0x3e: {  	_ =	shalt  }
0x3f: {  	_ =	shalt  }
0x40: {  	_ =	shalt  }
0x41: {  	_ =	shalt  }
0x42: {  	_ =	shalt  }
0x43: {  	_ =	shalt  }
0x44: {  	_ =	shalt  }
0x45: {  	_ =	shalt  }
0x46: {  	_ =	shalt  }
0x47: {  	_ =	shalt  }
0x48: {  	_ =	shalt  }
0x49: {  	_ =	shalt  }
0x4a: {  	_ =	shalt  }
0x4b: {  	_ =	shalt  }
0x4c: {  	_ =	shalt  }
0x4d: {  	_ =	shalt  }
0x4e: {  	_ =	shalt  }
0x4f: {  	_ =	shalt  }
0x50: {  	_ =	shalt  }
0x51: {  	_ =	shalt  }
0x52: {  	_ =	shalt  }
0x53: {  	_ =	shalt  }
0x54: {  	_ =	shalt  }
0x55: {  	_ =	shalt  }
0x56: {  	_ =	shalt  }
0x57: {  	_ =	shalt  }
0x58: {  	_ =	shalt  }
0x59: {  	_ =	shalt  }
0x5a: {  	_ =	shalt  }
0x5b: {  	_ =	shalt  }
0x5c: {  	_ =	shalt  }
0x5d: {  	_ =	shalt  }
0x5e: {  	_ =	shalt  }
0x5f: {  	_ =	shalt  }
0x60: {  	_ =	shalt  }
0x61: {  	_ =	shalt  }
0x62: {  	_ =	shalt  }
0x63: {  	_ =	shalt  }
0x64: {  	_ =	shalt  }
0x65: {  	_ =	shalt  }
0x66: {  	_ =	shalt  }
0x67: {  	_ =	shalt  }
0x68: {  	_ =	shalt  }
0x69: {  	_ =	shalt  }
0x6a: {  	_ =	shalt  }
0x6b: {  	_ =	shalt  }
0x6c: {  	_ =	shalt  }
0x6d: {  	_ =	shalt  }
0x6e: {  	_ =	shalt  }
0x6f: {  	_ =	shalt  }
0x70: {  	_ =	shalt  }
0x71: {  	_ =	shalt  }
0x72: {  	_ =	shalt  }
0x73: {  	_ =	shalt  }
0x74: {  	_ =	shalt  }
0x75: {  	_ =	shalt  }
0x76: {  	_ =	shalt  }
0x77: {  	_ =	shalt  }
0x78: {  	_ =	shalt  }
0x79: {  	_ =	shalt  }
0x7a: {  	_ =	shalt  }
0x7b: {  	_ =	shalt  }
0x7c: {  	_ =	shalt  }
0x7d: {  	_ =	shalt  }
0x7e: {  	_ =	shalt  }
0x7f: {  	_ =	shalt  }
0x80: {  	_ =	shalt  }
0x81: {  	_ =	shalt  }
0x82: {  	_ =	shalt  }
0x83: {  	_ =	shalt  }
0x84: {  	_ =	shalt  }
0x85: {  	_ =	shalt  }
0x86: {  	_ =	shalt  }
0x87: {  	_ =	shalt  }
.Lfunc_end0:
.L_simem_size_0:
called_computation_lowered:
.L_overlay_start_0:
0x88: {  	s2 =	sld [smem:$0x3FD9]  }
0x89: {  	s3 =	sld [smem:$0x3FFE];
	_ =	sdelay $0x1  }
0x8a: {  	s1 =	srdreg.scid  }
0x8b: {  	s0 =	sand.u32 $0x1, s1  }
0x8c: {  	s17 =	sshll.u32 s0, $0xA;
	s2 =	sadd.s32 s3, s2  }
0x8d: {  	s2 =	sadd.s32 s2, s17  }
0x8e: {  	[smem:$0x3FBB] =	sst s2  }
0x8f: {  	_ = 	snop  }
0x90: {  	s18 =	sld [smem:$0x3FC6];
	(tm) =	ssettm $0x1  }
0x91: {  	s19 =	sld [smem:$0x3FFB];
	_ =	sdelay $0x3  }
0x92: {  	_ =	strace s19  }
0x93: {  	s2 =	sld [smem:$0x3FFC];
	_ =	sdelay $0x3  }
0x94: {  	_ =	strace s2  }
0x95: {  	s2 =	sld [smem:$0x3FFD];
	_ =	sdelay $0x3  }
0x96: {  	_ =	strace s2  }
0x97: {  	_ =	strace $0x8FFFFFFF  }
0x98: {  	s20 =	sld [smem:$0x3FDB];
	_ =	sdelay $0x1  }
0x99: {  	s4 =	simm.s32 $_scs_section_size  }
0x9a: {  	s5 =	simm.s32 $_size__tile_overlayer_lowered;
	s6 =	simm.s32 $_tile_overlayer_lowered  }
0x9b: {  	s7 =	simm.s32 $0x1BFF;
	s21 =	sshll.u32 s6, $0x1;
	s4 =	sadd.s32 s4, s20  }
0x9c: {  	s22 =	simm.s32 $0x0;
	s5 =	sshll.u32 s5, $0x1;
	s6 =	sadd.s32 s21, s4  }
0x9d: {  	[timem:s22], [sflag:s7] =	dma.local [hbm:s6], s5  }
0x9e: {  	_ =	swait.ge [sflag:s7], s5  }
0x9f: {  	s5 =	ssub.s32 $0x0, s5;
	[sflag:s7] =	ssyncset.done $0x0  }
0xa0: {  	[sflag:s7] =	ssyncadd.s32 s5;
	_ =	sdelay $0x1  }
0xa1: {  	s23 =	simm.s32 $0x1B8B  }
0xa2: {  	_ =	swait.ge [sflag:s23], $0x1  }
0xa3: {  	[sflag:s23] =	ssyncset.done $0x0  }
0xa4: {  	[sflag:s23] =	ssyncadd.s32 $0xFFFFFFFF  }
0xa5: {  	s5 =	sld [smem:$0x0]  }
0xa6: {  	s6 =	sand.u32 $0xFFFFFFFE, s1  }
0xa7: {  	p0 =	sne.s32 s1, s6  }
0xa8: {  	s6 =	sshll.u32 @p0 s6, $0xE  }
0xa9: {  	s6 =	sadd.s32 @p0 $0x11B8D, s6;
	s7 =	sshll.u32 @p0 s5, $0x11  }
0xaa: {  	s6 =	sor.u32 @p0 s7, s6  }
0xab: {  	[sflag:s6] =	ssyncadd.remote.s32 @p0 $0x1;
	_ =	sdelay $0x1  }
0xac: {  	s6 =	simm.s32 @p0 $0x1B8D  }
0xad: {  	_ =	swait.eq @p0 [sflag:s6], $0x1  }
0xae: {  	[sflag:s6] =	ssyncadd.s32 @p0 $0xFFFFFFFF  }
0xaf: {  	s7 =	sshll.u32 @!p0 s1, $0xE  }
0xb0: {  	s7 =	sor.u32 @!p0 $0x4000, s7;
	s6 =	simm.s32 @!p0 $0x1B8D  }
0xb1: {  	s5 =	sshll.u32 @!p0 s5, $0x11;
	s7 =	sadd.s32 @!p0 $0x11B8D, s7;
	_ =	swait.eq @!p0 [sflag:s6], $0x1  }
0xb2: {  	s5 =	sor.u32 @!p0 s5, s7;
	[sflag:s6] =	ssyncadd.s32 @!p0 $0xFFFFFFFF  }
0xb3: {  	s25 =	simm.s32 $0x1B8E;
	s24 =	sld [smem:$0x3FFE];
	[sflag:s5] =	ssyncadd.remote.s32 @!p0 $0x1  }
0xb4: {  	s26 =	simm.s32 $execute0_lowered;
	[smem:$0x3FD2] =	sst s25  }
0xb5: {  	s6 =	sshll.u32 s26, $0x1;
	_ =	strace $0x80000049;
	[dreg:$0x1] =	wrdreg $0xFFFFFFFF  }
0xb6: {  	s28 =	simm.s32 $_size_execute0_lowered;
	s4 =	sadd.s32 s4, s6;
	[dreg:$0x0] =	wrdreg $0x0  }
0xb7: {  	s6 =	sshll.u32 s28, $0x1;
	[dreg:$0x2] =	wrdreg s4  }
0xb8: {  	[dreg:$0x3] =	wrdreg s6  }
0xb9: {  	[dreg:$0x4] =	wrdreg $0xC0  }
0xba: {  	_ =	task [dreg:s22], $0x5FFFF  }
0xbb: {  	[dreg:$0x1] =	wrdreg $0xFFFFFFFF  }
0xbc: {  	[dreg:$0x0] =	wrdreg $0x60  }
0xbd: {  	[dreg:$0x2] =	wrdreg s18  }
0xbe: {  	[dreg:$0x3] =	wrdreg s24  }
0xbf: {  	[dreg:$0x4] =	wrdreg $0x9  }
0xc0: {  	_ =	task.clear_ibuf [dreg:s22], $0x5FFFF;
	_ =	strace $0x90000049  }
0xc1: {  	s29 =	simm.s32 $0x9;
	_ =	strace $0x8000004B  }
0xc2: {  	_ =	swait.ge [sflag:s29], $0x1  }
0xc3: {  	[sflag:s29] =	ssyncadd.s32 $0xFFFFFFFF  }
0xc4: {  	_ =	strace $0x9000004B  }
0xc5: {  	_ =	sfence  }
0xc6: {  	s30 =	sld [smem:$0x0];
	_ =	sdelay $0x2  }
0xc7: {  	s31 =	sshll.u32 s1, $0xD;
	s1 =	sshrl.u32 s1, $0x2  }
0xc8: {  	s4 =	sand.u32 $0x4000, s31;
	s1 =	sadd.s32 s1, s30  }
0xc9: {  	s0 =	sor.u32 s4, s0;
	s1 =	sshll.u32 s1, $0x11  }
0xca: {  	s0 =	sor.u32 s1, s0  }
0xcb: {  	s0 =	sadd.s32 $0x8F2B, s0  }
0xcc: {  	[sflag:s0] =	ssyncadd.remote.s32 $0x1  }
0xcd: {  	_ =	sfence.sel $0xFFFF  }
0xce: {  	[dreg:$0x0] =	wrdreg $0xFFFFFFFF;
	(pc) =	sbr.abs _section_cstart, $3  }
0xcf: {  	[dreg:$0x1] =	wrdreg $0xFFFFFFFF  }
0xd0: {  	_ =	task.clear_ibuf [dreg:s22], $0x2FFFF;
	_ =	strace $0x9FFFFFFF  }
0xd1: {  	(tm) =	ssettm $0x7FFFFFFF  }
tec
execute0_lowered:
.L_overlay_start_1:
0x0: {  	(tag) =	ssettag $0x1  }
0x1: {  	s1 =	srdreg.scid;
	s2 =	rddreg [dreg:$0x0]  }
0x2: {  	s0 =	stileid.u32;
	s5 =	rddreg [dreg:$0x1];
	s6 =	simm.s32 $0x1  }
0x3: {  	s9 =	simm.s32 $0x1;
	s10 =	simm.s32 $0x3;
	s1 =	sshll.u32 s1, $0x7  }
0x4: {  	s13 =	simm.s32 $0x0;
	s3 =	sshll.u32 s0, $0x8;
	s4 =	sand.u32 $0x80, s1  }
0x5: {  	s12 =	simm.s32 $0x0;
	s1 =	rddreg [dreg:$0x2];
	s3 =	sor.u32 s3, s4  }
0x6: {  	_ =	strace $0x8000004A;
	s4 =	sadd.s32 $0x1000, s5;
	s8 =	ssub.s32 $0x2000, s3  }
.Ltmp0:
0x7: {  	s5 =	sadd.s32 $0x1400, s5;
	s7 =	sand.u32 $0xF80, s8;
	(pc) =	sbr.rel .LBB2_1-.Ltmp0, $4  }
0x8: {  	[sflag:s6] =	ssyncpa.u1 $0x0;
	s11 =	smov.u32 s3;
	p0 =	sne.s32 s7, $0x0  }
0x9: {  	s8 =	sshrl.u32 s8, $0xC;
	s7 =	simm.s32 $0x2;
	s9 =	simm.s32 @!p0 $0x0  }
0xa: {  	[sflag:s7] =	ssyncpa.u1 $0x0;
	p0 =	por $0x0, $0x0;
	s8 =	sadd.s32 s9, s8  }
0xb: {  	vm0 =	vmmov $0xffff;
	[sflag:s10] =	ssyncpa.u1 $0x0;
	s10 =	simm.s32 $0x0;
	s9 =	sadd.s32 $0x1, s8  }
.LBB2_4:
0xc: {  	v2 =	vnsel vm1, $0x0, v2  }
0xd: {  	vm1 =	vgt.s32 v0, $0x0;
	v2 =	vmin.u32 v2, $0x1FFF  }
0xe: {  	v0 =	vnsel vm1, $0x0, v0  }
0xf: {  	v0 =	vmin.u32 v0, $0x1FFF  }
0x10: {  	[tilespmem:s15], [sflag:$0x1] =	stream.indirect_vreg.gather [hbm4b:s2+s10], $0x1, v1, vm0, $0x4038;
	[tilespmem:$0x200] =	vst v63  }
0x11: {  	(ifvalue) =	ssetifvalue $0x7FFFFFFF  }
0x12: {  	[tilespmem:s16], [sflag:$0x1] =	stream.indirect_vreg.gather [hbm4b:s2+s10], $0x1, v2, vm0, $0x4038;
	[tilespmem:$0x200] =	vst v63  }
0x13: {  	s29 =	sadd.s32 $0x10, s16;
	(ifvalue) =	ssetifvalue $0x7FFFFFFF  }
0x14: {  	[tilespmem:s29], [sflag:$0x1] =	stream.indirect_vreg.gather [hbm4b:s2+s10], $0x1, v0, vm0, $0x4038;
	[tilespmem:$0x200] =	vst v63  }
0x15: {  	_ =	swait.ge [sflag:s6], $0x80  }
0x16: {  	s30 =	sshrl.u32 s13, $0x3;
	[sflag:s6] =	ssyncset.done $0x0  }
0x17: {  	s31 =	sand.u32 $0x7, s13;
	s15 =	sadd.s32 s5, s30;
	[sflag:s6] =	ssyncadd.s32 $0xFFFFFF80  }
0x18: {  	[hbm4b:s15+s31] =	stream.linear.scatter [tilespmem:s14], [sflag:$0x3], $0x80, $0x38;
	[tilespmem:$0x200] =	vst v63  }
.LBB2_5:
0x19: {  	s15 =	sadd.s32 $0x1000, s11  }
0x1a: {  	p2 =	sgt.s32 s15, $0x1FFF  }
0x1b: {  	s15 =	smov.u32 @p2 s3;
	p2 =	sne.s32 s12, s9  }
.Ltmp1:
0x1c: {  	p1 =	slt.u32 s12, $0x2;
	(pc) =	sbr.rel @!p2 .LBB2_6-.Ltmp1, $4  }
0x1d: {  	s14 =	simm.s32 @!p1 $0x3  }
0x1e: {  	s16 =	sadd.s32 $0x1, s12;
	_ =	swait.ge @!p1 [sflag:s14], $0x80  }
0x1f: {  	s13 =	smov.u32 s11;
	p0 =	por !p0, !p0;
	[sflag:s14] =	ssyncset.done @!p1 $0x0  }
0x20: {  	s12 =	smov.u32 s16;
	s11 =	smov.u32 s15;
	[sflag:s14] =	ssyncadd.s32 @!p1 $0xFFFFFF80  }
.LBB2_1:
0x21: {  	p1 =	sge.u32 s12, s8  }
0x22: {  	s14 =	sxor.u32 @!p1 $0xFFFFFFFF, s12  }
0x23: {  	s31 =	sadd.s32 $0xFFFFFFFF, s12;
	s15 =	sshrl.u32 @!p1 s11, $0x3;
	s14 =	sshll.u32 @!p1 s14, $0x7  }
0x24: {  	s16 =	sand.u32 @!p1 $0x7, s11;
	s15 =	sadd.s32 @!p1 s4, s15;
	s14 =	sand.u32 @!p1 $0x80, s14  }
0x25: {  	[tilespmem:s14], [sflag:$0x2] =	stream.linear.gather @!p1 [hbm4b:s15+s16], $0x80, $0x38;
	[tilespmem:$0x200] =	vst v63  }
0x26: {  	p1 =	sge.u32 s31, s8  }
.Ltmp2:
0x27: {  	_ = 	snop;
	(pc) =	sbr.rel @p1 .LBB2_5-.Ltmp2, $1  }
0x28: {  	_ =	sdelay $0x3  }
0x29: {  	s14 =	simm.s32 $0x1  }
0x2a: {  	_ =	swait.ge [sflag:s7], $0x80;
	s14 =	simm.s32 @!p0 $0x0  }
0x2b: {  	[sflag:s7] =	ssyncset.done $0x0;
	s14 =	sshll.u32 s14, $0x7  }
0x2c: {  	[sflag:s7] =	ssyncadd.s32 $0xFFFFFF80;
	(ifvalue) =	ssetifvalue $0x7FFFFFFF;
	v0 =	vld.msk [tilespmem:s14+$0x0 ss:$0x1], $0xffff;
	_ =	sdelay $0x4  }
0x2d: {  	s15 =	sadd.s32 $0x10, s14;
	vm1 =	vgt.s32 v0, $0x0  }
0x2e: {  	v2 =	vld.msk [tilespmem:s15+$0x0 ss:$0x1], $0xffff;
	v1 =	vnsel vm1, $0x0, v0  }
0x2f: {  	v1 =	vmin.u32 v1, $0x1FFF;
	_ =	sdelay $0x1  }
0x30: {  	s16 =	sshll.u32 s12, $0x7;
	s18 =	simm.s32 $0x20  }
0x31: {  	s16 =	sand.u32 $0x80, s16;
	s17 =	sadd.s32 $0x10, s15;
	s15 =	sor.u32 $0x100, s14  }
0x32: {  	s14 =	sor.u32 $0x100, s16;
	s16 =	sadd.s32 $0x10, s15;
	v0 =	vld.msk [tilespmem:s17+$0x0 ss:$0x1], $0xffff;
	vm1 =	vgt.s32 v2, $0x0;
	(ifvalue) =	ssetifvalue $0x7FFFFFFF  }
.LBB2_3:
0x33: {  	[tilespmem:s15], [sflag:$0x1] =	stream.indirect_vreg.gather [hbm4b:s2+s10], $0x1, v1, vm0, $0x4038;
	[tilespmem:$0x200] =	vst v63  }
0x34: {  	s18 =	sadd.s32 $0x10, s18  }
0x35: {  	v2 =	vnsel vm1, $0x0, v2;
	p1 =	slt.u32 s18, $0x70  }
.Ltmp3:
0x36: {  	s15 =	smov.u32 s16;
	v1 =	vmin.u32 v2, $0x1FFF;
	(pc) =	sbr.rel @p1 .LBB2_3-.Ltmp3, $3  }
0x37: {  	_ =	sdelay $0x1  }
0x38: {  	s17 =	sadd.s32 $0x10, s17  }
0x39: {  	vm1 =	vgt.s32 v0, $0x0;
	s16 =	sadd.s32 $0x10, s16;
	v2 =	vmov v0;
	(ifvalue) =	ssetifvalue $0x7FFFFFFF;
	v0 =	vld.msk [tilespmem:s17+$0x0 ss:$0x1], $0xffff  }
.Ltmp4:
0x3a: {  	_ = 	snop;
	(pc) =	sbr.rel .LBB2_4-.Ltmp4, $1  }
0x3b: {  	_ =	sdelay $0x3  }
.LBB2_6:
0x3c: {  	_ =	sfence.sel $0x180000  }
0x3d: {  	s2 =	simm.s32 $0x2;
	[bflag:$0x0] =	sbarrier.arrive $0xFFFF  }
0x3e: {  	s30 =	simm.s32 $0x3;
	[sflag:s2] =	ssyncpa.u1 $0x1  }
0x3f: {  	s31 =	simm.s32 $0x1;
	[sflag:s30] =	ssyncpa.u1 $0x1  }
0x40: {  	[sflag:s31] =	ssyncpa.u1 $0x1  }
0x41: {  	p0 =	sne.s32 s0, $0x0;
	_ =	strace $0x9000004A  }
0x42: {  	s0 =	sadd.s32 @!p0 $0x100000, s1;
	[bflag:$0x2] =	sbarrier.arrive $0xFFFF  }
0x43: {  	[sflag:s0] =	ssyncadd.tile.s32 @!p0 $0x1;
	_ =	shalt  }
.Lfunc_end2:
_tile_overlayer_lowered:
.L_overlay_start_2:
0x44: {  	(tag) =	ssettag $0x2  }
0x45: {  	s0 =	rddreg [dreg:$0x0];
	s2 =	stileid.u32  }
0x46: {  	s1 =	rddreg [dreg:$0x1];
	p0 =	sne.s32 s2, $0x0  }
0x47: {  	s3 =	rddreg [dreg:$0x2];
	[bflag:$0x3] =	sbarrier.arrive $0xFFFF;
	s2 =	simm.s32 @!p0 $0x1C01  }
0x48: {  	[timem:s3], [sflag:s2] =	dma.local @!p0 [hbm:s0], s1  }
0x49: {  	s0 =	simm.s32 @!p0 $0x1  }
0x4a: {  	_ =	swait.ge @!p0 [sflag:s0], s1  }
0x4b: {  	s1 =	ssub.s32 @!p0 $0x0, s1;
	[sflag:s0] =	ssyncset.done @!p0 $0x0  }
0x4c: {  	[sflag:s0] =	ssyncadd.s32 @!p0 s1  }
0x4d: {  	[bflag:$0x3] =	sbarrier.arrive $0xFFFF  }
0x4e: {  	_ =	shalt  }

// kernel: kernel.12.cloned.1.call-start
scs
__scs_entry_jumppad:
0x0: {  	(pc) =	sbr.rel $0x88, $3  }
0x1: {  	(tag) =	ssettag $0x0;
	lr =	simm.s32 $0x1  }
0x2: {  	[smem:$0x3F94] =	sst lr;
	_ =	strace $0xD0000000  }
0x3: {  	_ = 	snop  }
0x4: {  	_ = 	snop  }
0x5: {  	_ = 	snop  }
0x6: {  	_ = 	snop  }
0x7: {  	_ = 	snop  }
__scs_overlays_trampoline_lowered:
0x8: {  	[smem:$0x3FA3] =	sst s0  }
0x9: {  	[smem:$0x3FA4] =	sst s1  }
0xa: {  	[smem:$0x3FA5] =	sst s2  }
0xb: {  	[smem:$0x3FA6] =	sst s3  }
0xc: {  	[smem:$0x3FA7] =	sst s4  }
0xd: {  	[smem:$0x3FA8] =	sst s5  }
0xe: {  	[smem:$0x3FA9] =	sst s6  }
0xf: {  	[smem:$0x3FAA] =	sst s7  }
0x10: {  	[smem:$0x3FAB] =	sst s8  }
0x11: {  	[smem:$0x3FAC] =	sst s9;
	s0 =	simm.s32 @!p0 $0x0  }
0x12: {  	s1 =	sld [smem:$0x3F92];
	s0 =	simm.s32 @p0 $0x1  }
0x13: {  	[smem:$0x3FAD] =	sst s0;
	s0 =	simm.s32 @!p1 $0x0  }
0x14: {  	s2 =	sld [smem:$0x3F91];
	s0 =	simm.s32 @p1 $0x1  }
0x15: {  	[smem:$0x3FAE] =	sst s0;
	s0 =	simm.s32 @!p2 $0x0  }
0x16: {  	s3 =	sld [smem:$0x3FDB];
	s0 =	simm.s32 @p2 $0x1  }
0x17: {  	s4 =	simm.s32 $0x1BF5;
	[smem:$0x3FB0] =	sst s0  }
0x18: {  	s0 =	sld [smem:$0x3F93];
	_ =	swait.ge [sflag:s4], $0x0  }
0x19: {  	s7 =	sld [smem:$0x3F94]  }
0x1a: {  	s8 =	sadd.s32 $0xFFFFE003, lr  }
0x1b: {  	s9 =	sadd.s32 $0xFFFFFEF7, lr;
	s5 =	simm.s32 $0xFFFFFFFF;
	p2 =	slt.u32 s8, $0xFFFFF086  }
0x1c: {  	p1 =	slt.u32 s9, $0xF7A;
	s5 =	simm.s32 @!p2 $0x0  }
0x1d: {  	s5 =	simm.s32 @p1 $0x1;
	p0 =	seq.s32 s7, s2  }
0x1e: {  	s7 =	smul.u32 @!p0 $0xF7A, s2;
	p2 =	seq.s32 @!p0 s5, $0x0  }
0x1f: {  	s9 =	smul.u32 $0xF7A, s1;
	s8 =	simm.s32 @!p0 $0x1BF5;
	p2 =	por !p2, p0  }
0x20: {  	[sflag:s8] =	ssyncset.s32 @!p0 $0xFFFFF086;
	s6 =	sadd.s32 @!p0 s3, s7;
	s7 =	simm.s32 @!p0 $0x108  }
0x21: {  	s3 =	sadd.s32 s3, s9;
	s6 =	sadd.s32 @!p0 $0x88, s6;
	s7 =	simm.s32 @p2 $0x1082  }
0x22: {  	[simem:s7], [sflag:s8] =	dma.local @!p0 [hbm:s6], $0xF7A  }
0x23: {  	s9 =	sor.u32 $0xD0000000, s2;
	s6 =	simm.s32 $0x108;
	_ =	swait.ge @!p0 [sflag:s8], $0x0  }
0x24: {  	s3 =	sadd.s32 $0x88, s3;
	s6 =	simm.s32 @!p1 $0x1082;
	[sflag:s4] =	ssyncset.s32 $0xFFFFF086  }
0x25: {  	[simem:s6], [sflag:s4] =	dma.local [hbm:s3], $0xF7A  }
0x26: {  	[smem:$0x3F94] =	sst s1;
	(tag) =	ssettag s2;
	_ =	strace s9  }
0x27: {  	s1 =	sld [smem:$0x3FA4]  }
0x28: {  	s2 =	sld [smem:$0x3FA5]  }
0x29: {  	s4 =	sld [smem:$0x3FA7]  }
0x2a: {  	p0 =	seq.s32 s5, $0x0;
	s5 =	sld [smem:$0x3FA8]  }
0x2b: {  	s6 =	sld [smem:$0x3FA9]  }
0x2c: {  	s7 =	sld [smem:$0x3FAA]  }
0x2d: {  	s3 =	simm.s32 $0x108;
	s8 =	sld [smem:$0x3FAB]  }
0x2e: {  	s3 =	simm.s32 @!p0 $0x1082;
	s9 =	sld [smem:$0x3FAC]  }
0x2f: {  	lr =	sadd.s32 s0, s3;
	s0 =	sld [smem:$0x3FA3]  }
0x30: {  	s3 =	sld [smem:$0x3FA6]  }
0x31: {  	[smem:$0x3FAF] =	sst s10  }
0x32: {  	s10 =	sld [smem:$0x3FAD];
	_ =	sdelay $0x3  }
0x33: {  	p0 =	seq.s32 s10, $0x1;
	s10 =	sld [smem:$0x3FAF];
	_ =	sdelay $0x3  }
0x34: {  	[smem:$0x3FAF] =	sst s10  }
0x35: {  	s10 =	sld [smem:$0x3FAE];
	_ =	sdelay $0x3  }
0x36: {  	p1 =	seq.s32 s10, $0x1;
	s10 =	sld [smem:$0x3FAF];
	_ =	sdelay $0x3  }
0x37: {  	[smem:$0x3FAF] =	sst s10  }
0x38: {  	s10 =	sld [smem:$0x3FB0]  }
0x39: {  	_ = 	snop;
	(pc) =	sbr.ind lr, $3  }
0x3a: {  	_ = 	snop  }
0x3b: {  	_ = 	snop  }
0x3c: {  	p2 =	seq.s32 s10, $0x1;
	s10 =	sld [smem:$0x3FAF]  }
0x3d: {  	_ =	shalt  }
0x3e: {  	_ =	shalt  }
0x3f: {  	_ =	shalt  }
0x40: {  	_ =	shalt  }
0x41: {  	_ =	shalt  }
0x42: {  	_ =	shalt  }
0x43: {  	_ =	shalt  }
0x44: {  	_ =	shalt  }
0x45: {  	_ =	shalt  }
0x46: {  	_ =	shalt  }
0x47: {  	_ =	shalt  }
0x48: {  	_ =	shalt  }
0x49: {  	_ =	shalt  }
0x4a: {  	_ =	shalt  }
0x4b: {  	_ =	shalt  }
0x4c: {  	_ =	shalt  }
0x4d: {  	_ =	shalt  }
0x4e: {  	_ =	shalt  }
0x4f: {  	_ =	shalt  }
0x50: {  	_ =	shalt  }
0x51: {  	_ =	shalt  }
0x52: {  	_ =	shalt  }
0x53: {  	_ =	shalt  }
0x54: {  	_ =	shalt  }
0x55: {  	_ =	shalt  }
0x56: {  	_ =	shalt  }
0x57: {  	_ =	shalt  }
0x58: {  	_ =	shalt  }
0x59: {  	_ =	shalt  }
0x5a: {  	_ =	shalt  }
0x5b: {  	_ =	shalt  }
0x5c: {  	_ =	shalt  }
0x5d: {  	_ =	shalt  }
0x5e: {  	_ =	shalt  }
0x5f: {  	_ =	shalt  }
0x60: {  	_ =	shalt  }
0x61: {  	_ =	shalt  }
0x62: {  	_ =	shalt  }
0x63: {  	_ =	shalt  }
0x64: {  	_ =	shalt  }
0x65: {  	_ =	shalt  }
0x66: {  	_ =	shalt  }
0x67: {  	_ =	shalt  }
0x68: {  	_ =	shalt  }
0x69: {  	_ =	shalt  }
0x6a: {  	_ =	shalt  }
0x6b: {  	_ =	shalt  }
0x6c: {  	_ =	shalt  }
0x6d: {  	_ =	shalt  }
0x6e: {  	_ =	shalt  }
0x6f: {  	_ =	shalt  }
0x70: {  	_ =	shalt  }
0x71: {  	_ =	shalt  }
0x72: {  	_ =	shalt  }
0x73: {  	_ =	shalt  }
0x74: {  	_ =	shalt  }
0x75: {  	_ =	shalt  }
0x76: {  	_ =	shalt  }
0x77: {  	_ =	shalt  }
0x78: {  	_ =	shalt  }
0x79: {  	_ =	shalt  }
0x7a: {  	_ =	shalt  }
0x7b: {  	_ =	shalt  }
0x7c: {  	_ =	shalt  }
0x7d: {  	_ =	shalt  }
0x7e: {  	_ =	shalt  }
0x7f: {  	_ =	shalt  }
0x80: {  	_ =	shalt  }
0x81: {  	_ =	shalt  }
0x82: {  	_ =	shalt  }
0x83: {  	_ =	shalt  }
0x84: {  	_ =	shalt  }
0x85: {  	_ =	shalt  }
0x86: {  	_ =	shalt  }
0x87: {  	_ =	shalt  }
.Lfunc_end0:
.L_simem_size_0:
called_computation.3_lowered:
.L_overlay_start_0:
0x88: {  	s2 =	sld [smem:$0x3FD9]  }
0x89: {  	s3 =	sld [smem:$0x3FFE];
	_ =	sdelay $0x1  }
0x8a: {  	s1 =	srdreg.scid  }
0x8b: {  	s0 =	sand.u32 $0x1, s1  }
0x8c: {  	s17 =	sshll.u32 s0, $0xA;
	s2 =	sadd.s32 s3, s2  }
0x8d: {  	s2 =	sadd.s32 s2, s17  }
0x8e: {  	[smem:$0x3FBB] =	sst s2  }
0x8f: {  	_ = 	snop  }
0x90: {  	s18 =	sld [smem:$0x3FD0];
	(tm) =	ssettm $0x1  }
0x91: {  	s19 =	sld [smem:$0x3FFB];
	_ =	sdelay $0x3  }
0x92: {  	_ =	strace s19  }
0x93: {  	s2 =	sld [smem:$0x3FFC];
	_ =	sdelay $0x3  }
0x94: {  	_ =	strace s2  }
0x95: {  	s2 =	sld [smem:$0x3FFD];
	_ =	sdelay $0x3  }
0x96: {  	_ =	strace s2  }
0x97: {  	_ =	strace $0x8FFFFFFF  }
0x98: {  	s20 =	sld [smem:$0x3FDB];
	_ =	sdelay $0x1  }
0x99: {  	s4 =	simm.s32 $_scs_section_size  }
0x9a: {  	s5 =	simm.s32 $_size__tile_overlayer_lowered;
	s6 =	simm.s32 $_tile_overlayer_lowered  }
0x9b: {  	s7 =	simm.s32 $0x1BFF;
	s21 =	sshll.u32 s6, $0x1;
	s4 =	sadd.s32 s4, s20  }
0x9c: {  	s22 =	simm.s32 $0x0;
	s5 =	sshll.u32 s5, $0x1;
	s6 =	sadd.s32 s21, s4  }
0x9d: {  	[timem:s22], [sflag:s7] =	dma.local [hbm:s6], s5  }
0x9e: {  	_ =	swait.ge [sflag:s7], s5  }
0x9f: {  	s5 =	ssub.s32 $0x0, s5;
	[sflag:s7] =	ssyncset.done $0x0  }
0xa0: {  	[sflag:s7] =	ssyncadd.s32 s5;
	_ =	sdelay $0x1  }
0xa1: {  	s23 =	simm.s32 $0x1B8B  }
0xa2: {  	_ =	swait.ge [sflag:s23], $0x1  }
0xa3: {  	[sflag:s23] =	ssyncset.done $0x0  }
0xa4: {  	[sflag:s23] =	ssyncadd.s32 $0xFFFFFFFF  }
0xa5: {  	s5 =	sld [smem:$0x0]  }
0xa6: {  	s6 =	sand.u32 $0xFFFFFFFE, s1  }
0xa7: {  	p0 =	sne.s32 s1, s6  }
0xa8: {  	s6 =	sshll.u32 @p0 s6, $0xE  }
0xa9: {  	s6 =	sadd.s32 @p0 $0x11B8D, s6;
	s7 =	sshll.u32 @p0 s5, $0x11  }
0xaa: {  	s6 =	sor.u32 @p0 s7, s6  }
0xab: {  	[sflag:s6] =	ssyncadd.remote.s32 @p0 $0x1;
	_ =	sdelay $0x1  }
0xac: {  	s6 =	simm.s32 @p0 $0x1B8D  }
0xad: {  	_ =	swait.eq @p0 [sflag:s6], $0x1  }
0xae: {  	[sflag:s6] =	ssyncadd.s32 @p0 $0xFFFFFFFF  }
0xaf: {  	s7 =	sshll.u32 @!p0 s1, $0xE  }
0xb0: {  	s7 =	sor.u32 @!p0 $0x4000, s7;
	s6 =	simm.s32 @!p0 $0x1B8D  }
0xb1: {  	s5 =	sshll.u32 @!p0 s5, $0x11;
	s7 =	sadd.s32 @!p0 $0x11B8D, s7;
	_ =	swait.eq @!p0 [sflag:s6], $0x1  }
0xb2: {  	s5 =	sor.u32 @!p0 s5, s7;
	[sflag:s6] =	ssyncadd.s32 @!p0 $0xFFFFFFFF  }
0xb3: {  	s25 =	simm.s32 $0x1B8E;
	s24 =	sld [smem:$0x3FFE];
	[sflag:s5] =	ssyncadd.remote.s32 @!p0 $0x1  }
0xb4: {  	s26 =	simm.s32 $execute0_lowered;
	[smem:$0x3FD2] =	sst s25  }
0xb5: {  	s6 =	sshll.u32 s26, $0x1;
	_ =	strace $0x80000052;
	[dreg:$0x1] =	wrdreg $0xFFFFFFFF  }
0xb6: {  	s28 =	simm.s32 $_size_execute0_lowered;
	s4 =	sadd.s32 s4, s6;
	[dreg:$0x0] =	wrdreg $0x0  }
0xb7: {  	s6 =	sshll.u32 s28, $0x1;
	[dreg:$0x2] =	wrdreg s4  }
0xb8: {  	[dreg:$0x3] =	wrdreg s6  }
0xb9: {  	[dreg:$0x4] =	wrdreg $0xC0  }
0xba: {  	_ =	task [dreg:s22], $0x5FFFF  }
0xbb: {  	[dreg:$0x1] =	wrdreg $0xFFFFFFFF  }
0xbc: {  	[dreg:$0x0] =	wrdreg $0x60  }
0xbd: {  	[dreg:$0x2] =	wrdreg s18  }
0xbe: {  	[dreg:$0x3] =	wrdreg s24  }
0xbf: {  	[dreg:$0x4] =	wrdreg $0x9  }
0xc0: {  	_ =	task.clear_ibuf [dreg:s22], $0x5FFFF;
	_ =	strace $0x90000052  }
0xc1: {  	s29 =	simm.s32 $0x9;
	_ =	strace $0x80000054  }
0xc2: {  	_ =	swait.ge [sflag:s29], $0x1  }
0xc3: {  	[sflag:s29] =	ssyncadd.s32 $0xFFFFFFFF  }
0xc4: {  	_ =	strace $0x90000054  }
0xc5: {  	_ =	sfence  }
0xc6: {  	s30 =	sld [smem:$0x0];
	_ =	sdelay $0x2  }
0xc7: {  	s31 =	sshll.u32 s1, $0xD;
	s1 =	sshrl.u32 s1, $0x2  }
0xc8: {  	s4 =	sand.u32 $0x4000, s31;
	s1 =	sadd.s32 s1, s30  }
0xc9: {  	s0 =	sor.u32 s4, s0;
	s1 =	sshll.u32 s1, $0x11  }
0xca: {  	s0 =	sor.u32 s1, s0  }
0xcb: {  	s0 =	sadd.s32 $0x8F2B, s0  }
0xcc: {  	[sflag:s0] =	ssyncadd.remote.s32 $0x1  }
0xcd: {  	_ =	sfence.sel $0xFFFF  }
0xce: {  	[dreg:$0x0] =	wrdreg $0xFFFFFFFF;
	(pc) =	sbr.abs _section_cstart, $3  }
0xcf: {  	[dreg:$0x1] =	wrdreg $0xFFFFFFFF  }
0xd0: {  	_ =	task.clear_ibuf [dreg:s22], $0x2FFFF;
	_ =	strace $0x9FFFFFFF  }
0xd1: {  	(tm) =	ssettm $0x7FFFFFFF  }
tec
execute0_lowered:
.L_overlay_start_1:
0x0: {  	(tag) =	ssettag $0x1  }
0x1: {  	s1 =	rddreg [dreg:$0x0]  }
0x2: {  	s0 =	rddreg [dreg:$0x1]  }
0x3: {  	s2 =	srdreg.scid;
	s3 =	simm.s32 $0x0;
	s4 =	stileid.u32  }
0x4: {  	s18 =	simm.s32 $0x1;
	s2 =	sand.u32 $0x1, s2;
	[smem:$0x7FF] =	sst s3  }
0x5: {  	s4 =	sshll.u32 s4, $0x9;
	s7 =	sadd.s32 $0x1200, s0;
	s0 =	sadd.s32 $0x1600, s0  }
0x6: {  	s5 =	sshll.u32 s2, $0x8;
	_ =	strace $0x80000053;
	s2 =	ssub.s32 $0x2, s2  }
0x7: {  	s6 =	sor.u32 s5, s4;
	s22 =	sshrl.u32 s2, $0x1;
	s4 =	sadd.s32 $0x100, s1  }
0x8: {  	s5 =	sshrl.u32 s6, $0x3;
	s2 =	ssub.s32 s2, s22;
	s24 =	sshll.u32 s6, $0x7  }
0x9: {  	s8 =	sor.u32 $0x40, s6;
	s26 =	sor.u32 $0x80, s6;
	s6 =	sor.u32 $0xC0, s6  }
0xa: {  	s23 =	sadd.s32 s7, s5;
	s5 =	sadd.s32 s0, s24;
	s9 =	sshrl.u32 s8, $0x3  }
0xb: {  	s8 =	sshll.u32 s8, $0x7;
	s28 =	sshrl.u32 s26, $0x3;
	[dreg:$0x3] =	wrdreg s23  }
0xc: {  	s30 =	sshrl.u32 s6, $0x3;
	[dreg:$0x4] =	wrdreg s5;
	s25 =	sadd.s32 s7, s9  }
0xd: {  	s31 =	sshll.u32 s6, $0x7;
	s8 =	sadd.s32 s0, s8;
	[dreg:$0x5] =	wrdreg s25  }
0xe: {  	s9 =	sshll.u32 s26, $0x7;
	[dreg:$0x6] =	wrdreg s8;
	s8 =	sadd.s32 s7, s28  }
0xf: {  	s6 =	sadd.s32 $0x300, s1;
	s29 =	sadd.s32 s0, s9;
	[dreg:$0x7] =	wrdreg s8  }
0x10: {  	v2 =	vlaneseq.u32;
	s5 =	sadd.s32 $0x200, s1;
	s7 =	sadd.s32 s7, s30;
	[dreg:$0x8] =	wrdreg s29  }
0x11: {  	vm0 =	vmmov $0xffff;
	v1 =	vshrl.u32 v2, $0x3;
	s23 =	simm.s32 $0x80;
	s0 =	sadd.s32 s0, s31;
	[dreg:$0x9] =	wrdreg s7  }
0x12: {  	v0 =	vand.u32 $0x7, v2;
	v2 =	vor.u32 $0x8, v2;
	v1 =	vmul.u32 $0x8, v1;
	[dreg:$0xa] =	wrdreg s0;
	s7 =	smax.u32 s2, $0x1;
	s8 =	simm.s32 $0x2  }
.LBB2_1:
0x13: {  	s19 =	rddreg [dreg:$0x3]  }
0x14: {  	[tilespmem:s3], [sflag:$0x2] =	stream.linear.gather [hbm4b:s19+s3], $0x40, $0x38;
	[tilespmem:$0x10080] =	vst v63  }
0x15: {  	_ =	swait.ge [sflag:s8], $0x40  }
0x16: {  	[sflag:s8] =	ssyncset.done $0x0  }
0x17: {  	[sflag:s8] =	ssyncadd.s32 $0xFFFFFFC0  }
0x18: {  	v3 =	vld [tilespmem:$0x0];
	_ =	sdelay $0x4  }
0x19: {  	v4 =	vshll.u32 v3, $0x3  }
0x1a: {  	v3 =	vand.u32 $0x7, v3;
	v4 =	vand.u32 $0xFFFFFFC0, v4  }
0x1b: {  	v3 =	vor.u32 v3, v4  }
0x1c: {  	v4 =	vperm.xlane v3, v0;
	_ =	sdelay $0x1  }
0x1d: {  	v4 =	vadd.s32 v1, v4;
	_ =	sdelay $0x4  }
0x1e: {  	[tilespmem:s23], [sflag:$0x1] =	stream.indirect_vreg.gather [hbm4b:s1+s3], $0x80, v4, vm0, $0xb8;
	[tilespmem:$0x10080] =	vst v63  }
0x1f: {  	s0 =	simm.s32 $0x880;
	v3 =	vperm.xlane v3, v2  }
0x20: {  	[tilespmem:s0], [sflag:$0x1] =	stream.indirect_vreg.gather [hbm4b:s4+s3], $0x80, v4, vm0, $0xb8;
	[tilespmem:$0x10080] =	vst v63  }
0x21: {  	s12 =	simm.s32 $0x1080;
	v3 =	vadd.s32 v1, v3  }
0x22: {  	[tilespmem:s12], [sflag:$0x1] =	stream.indirect_vreg.gather [hbm4b:s5+s3], $0x80, v4, vm0, $0xb8;
	[tilespmem:$0x10080] =	vst v63  }
0x23: {  	s13 =	simm.s32 $0x1880  }
0x24: {  	[tilespmem:s13], [sflag:$0x1] =	stream.indirect_vreg.gather [hbm4b:s6+s3], $0x80, v4, vm0, $0xb8;
	[tilespmem:$0x10080] =	vst v63  }
0x25: {  	s15 =	simm.s32 $0x2080  }
0x26: {  	[tilespmem:s15], [sflag:$0x1] =	stream.indirect_vreg.gather [hbm4b:s1+s3], $0x80, v3, vm0, $0xb8;
	[tilespmem:$0x10080] =	vst v63  }
0x27: {  	s16 =	simm.s32 $0x2880  }
0x28: {  	[tilespmem:s16], [sflag:$0x1] =	stream.indirect_vreg.gather [hbm4b:s4+s3], $0x80, v3, vm0, $0xb8;
	[tilespmem:$0x10080] =	vst v63  }
0x29: {  	s17 =	simm.s32 $0x3080  }
0x2a: {  	[tilespmem:s17], [sflag:$0x1] =	stream.indirect_vreg.gather [hbm4b:s5+s3], $0x80, v3, vm0, $0xb8;
	[tilespmem:$0x10080] =	vst v63  }
0x2b: {  	s19 =	simm.s32 $0x3880  }
0x2c: {  	[tilespmem:s19], [sflag:$0x1] =	stream.indirect_vreg.gather [hbm4b:s6+s3], $0x80, v3, vm0, $0xb8;
	[tilespmem:$0x10080] =	vst v63  }
0x2d: {  	v3 =	vld [tilespmem:$0x10];
	_ =	sdelay $0x4  }
0x2e: {  	v49 =	vshll.u32 v3, $0x3  }
0x2f: {  	v3 =	vand.u32 $0x7, v3;
	v4 =	vand.u32 $0xFFFFFFC0, v49  }
0x30: {  	v3 =	vor.u32 v3, v4  }
0x31: {  	v4 =	vperm.xlane v3, v0;
	_ =	sdelay $0x1  }
0x32: {  	v4 =	vadd.s32 v1, v4;
	_ =	sdelay $0x3  }
0x33: {  	s20 =	simm.s32 $0x4080  }
0x34: {  	[tilespmem:s20], [sflag:$0x1] =	stream.indirect_vreg.gather [hbm4b:s1+s3], $0x80, v4, vm0, $0xb8;
	[tilespmem:$0x10080] =	vst v63  }
0x35: {  	s21 =	simm.s32 $0x4880;
	v3 =	vperm.xlane v3, v2  }
0x36: {  	[tilespmem:s21], [sflag:$0x1] =	stream.indirect_vreg.gather [hbm4b:s4+s3], $0x80, v4, vm0, $0xb8;
	[tilespmem:$0x10080] =	vst v63  }
0x37: {  	s22 =	simm.s32 $0x5080;
	v3 =	vadd.s32 v1, v3  }
0x38: {  	[tilespmem:s22], [sflag:$0x1] =	stream.indirect_vreg.gather [hbm4b:s5+s3], $0x80, v4, vm0, $0xb8;
	[tilespmem:$0x10080] =	vst v63  }
0x39: {  	s24 =	simm.s32 $0x5880  }
0x3a: {  	[tilespmem:s24], [sflag:$0x1] =	stream.indirect_vreg.gather [hbm4b:s6+s3], $0x80, v4, vm0, $0xb8;
	[tilespmem:$0x10080] =	vst v63  }
0x3b: {  	s25 =	simm.s32 $0x6080  }
0x3c: {  	[tilespmem:s25], [sflag:$0x1] =	stream.indirect_vreg.gather [hbm4b:s1+s3], $0x80, v3, vm0, $0xb8;
	[tilespmem:$0x10080] =	vst v63  }
0x3d: {  	s26 =	simm.s32 $0x6880  }
0x3e: {  	[tilespmem:s26], [sflag:$0x1] =	stream.indirect_vreg.gather [hbm4b:s4+s3], $0x80, v3, vm0, $0xb8;
	[tilespmem:$0x10080] =	vst v63  }
0x3f: {  	s28 =	simm.s32 $0x7080  }
0x40: {  	[tilespmem:s28], [sflag:$0x1] =	stream.indirect_vreg.gather [hbm4b:s5+s3], $0x80, v3, vm0, $0xb8;
	[tilespmem:$0x10080] =	vst v63  }
0x41: {  	s29 =	simm.s32 $0x7880  }
0x42: {  	[tilespmem:s29], [sflag:$0x1] =	stream.indirect_vreg.gather [hbm4b:s6+s3], $0x80, v3, vm0, $0xb8;
	[tilespmem:$0x10080] =	vst v63  }
0x43: {  	v3 =	vld [tilespmem:$0x20];
	_ =	sdelay $0x4  }
0x44: {  	v50 =	vshll.u32 v3, $0x3  }
0x45: {  	v3 =	vand.u32 $0x7, v3;
	v4 =	vand.u32 $0xFFFFFFC0, v50  }
0x46: {  	v3 =	vor.u32 v3, v4  }
0x47: {  	v4 =	vperm.xlane v3, v0;
	_ =	sdelay $0x1  }
0x48: {  	v4 =	vadd.s32 v1, v4;
	_ =	sdelay $0x3  }
0x49: {  	s30 =	simm.s32 $0x8080  }
0x4a: {  	[tilespmem:s30], [sflag:$0x1] =	stream.indirect_vreg.gather [hbm4b:s1+s3], $0x80, v4, vm0, $0xb8;
	[tilespmem:$0x10080] =	vst v63  }
0x4b: {  	s16 =	simm.s32 $0x8880;
	v3 =	vperm.xlane v3, v2  }
0x4c: {  	[tilespmem:s16], [sflag:$0x1] =	stream.indirect_vreg.gather [hbm4b:s4+s3], $0x80, v4, vm0, $0xb8;
	[tilespmem:$0x10080] =	vst v63  }
0x4d: {  	s17 =	simm.s32 $0x9080;
	v3 =	vadd.s32 v1, v3  }
0x4e: {  	[tilespmem:s17], [sflag:$0x1] =	stream.indirect_vreg.gather [hbm4b:s5+s3], $0x80, v4, vm0, $0xb8;
	[tilespmem:$0x10080] =	vst v63  }
0x4f: {  	s19 =	simm.s32 $0x9880  }
0x50: {  	[tilespmem:s19], [sflag:$0x1] =	stream.indirect_vreg.gather [hbm4b:s6+s3], $0x80, v4, vm0, $0xb8;
	[tilespmem:$0x10080] =	vst v63  }
0x51: {  	s20 =	simm.s32 $0xA080  }
0x52: {  	[tilespmem:s20], [sflag:$0x1] =	stream.indirect_vreg.gather [hbm4b:s1+s3], $0x80, v3, vm0, $0xb8;
	[tilespmem:$0x10080] =	vst v63  }
0x53: {  	s21 =	simm.s32 $0xA880  }
0x54: {  	[tilespmem:s21], [sflag:$0x1] =	stream.indirect_vreg.gather [hbm4b:s4+s3], $0x80, v3, vm0, $0xb8;
	[tilespmem:$0x10080] =	vst v63  }
0x55: {  	s22 =	simm.s32 $0xB080  }
0x56: {  	[tilespmem:s22], [sflag:$0x1] =	stream.indirect_vreg.gather [hbm4b:s5+s3], $0x80, v3, vm0, $0xb8;
	[tilespmem:$0x10080] =	vst v63  }
0x57: {  	s24 =	simm.s32 $0xB880  }
0x58: {  	[tilespmem:s24], [sflag:$0x1] =	stream.indirect_vreg.gather [hbm4b:s6+s3], $0x80, v3, vm0, $0xb8;
	[tilespmem:$0x10080] =	vst v63  }
0x59: {  	v3 =	vld [tilespmem:$0x30];
	_ =	sdelay $0x4  }
0x5a: {  	v51 =	vshll.u32 v3, $0x3  }
0x5b: {  	v3 =	vand.u32 $0x7, v3;
	v4 =	vand.u32 $0xFFFFFFC0, v51  }
0x5c: {  	v3 =	vor.u32 v3, v4  }
0x5d: {  	v4 =	vperm.xlane v3, v0;
	_ =	sdelay $0x1  }
0x5e: {  	v4 =	vadd.s32 v1, v4;
	_ =	sdelay $0x3  }
0x5f: {  	s25 =	simm.s32 $0xC080  }
0x60: {  	[tilespmem:s25], [sflag:$0x1] =	stream.indirect_vreg.gather [hbm4b:s1+s3], $0x80, v4, vm0, $0xb8;
	[tilespmem:$0x10080] =	vst v63  }
0x61: {  	s26 =	simm.s32 $0xC880;
	v3 =	vperm.xlane v3, v2  }
0x62: {  	[tilespmem:s26], [sflag:$0x1] =	stream.indirect_vreg.gather [hbm4b:s4+s3], $0x80, v4, vm0, $0xb8;
	[tilespmem:$0x10080] =	vst v63  }
0x63: {  	s29 =	simm.s32 $0xD080;
	v3 =	vadd.s32 v1, v3  }
0x64: {  	[tilespmem:s29], [sflag:$0x1] =	stream.indirect_vreg.gather [hbm4b:s5+s3], $0x80, v4, vm0, $0xb8;
	[tilespmem:$0x10080] =	vst v63  }
0x65: {  	s0 =	simm.s32 $0xD880  }
0x66: {  	[tilespmem:s0], [sflag:$0x1] =	stream.indirect_vreg.gather [hbm4b:s6+s3], $0x80, v4, vm0, $0xb8;
	[tilespmem:$0x10080] =	vst v63  }
0x67: {  	s16 =	simm.s32 $0xE080  }
0x68: {  	[tilespmem:s16], [sflag:$0x1] =	stream.indirect_vreg.gather [hbm4b:s1+s3], $0x80, v3, vm0, $0xb8;
	[tilespmem:$0x10080] =	vst v63  }
0x69: {  	s17 =	simm.s32 $0xE880  }
0x6a: {  	[tilespmem:s17], [sflag:$0x1] =	stream.indirect_vreg.gather [hbm4b:s4+s3], $0x80, v3, vm0, $0xb8;
	[tilespmem:$0x10080] =	vst v63  }
0x6b: {  	s24 =	simm.s32 $0xF080  }
0x6c: {  	[tilespmem:s24], [sflag:$0x1] =	stream.indirect_vreg.gather [hbm4b:s5+s3], $0x80, v3, vm0, $0xb8;
	[tilespmem:$0x10080] =	vst v63  }
0x6d: {  	s25 =	simm.s32 $0xF880  }
0x6e: {  	[tilespmem:s25], [sflag:$0x1] =	stream.indirect_vreg.gather [hbm4b:s6+s3], $0x80, v3, vm0, $0xb8;
	[tilespmem:$0x10080] =	vst v63  }
0x6f: {  	_ =	swait.ge [sflag:s18], $0x10000  }
0x70: {  	[sflag:s18] =	ssyncset.done $0x0  }
0x71: {  	s0 =	rddreg [dreg:$0x4];
	[sflag:s18] =	ssyncadd.s32 $0xFFFF0000  }
0x72: {  	[hbm4b:s0+s3] =	stream.linear.scatter [tilespmem:s23], [sflag:$0x2], $0x10000, $0x38;
	[tilespmem:$0x10080] =	vst v63  }
0x73: {  	_ =	swait.ge [sflag:s8], $0x10000  }
0x74: {  	[sflag:s8] =	ssyncset.done $0x0  }
0x75: {  	s16 =	rddreg [dreg:$0x5];
	[sflag:s8] =	ssyncadd.s32 $0xFFFF0000  }
0x76: {  	[tilespmem:s3], [sflag:$0x2] =	stream.linear.gather [hbm4b:s16+s3], $0x40, $0x38;
	[tilespmem:$0x10080] =	vst v63  }
0x77: {  	_ =	swait.ge [sflag:s8], $0x40  }
0x78: {  	[sflag:s8] =	ssyncset.done $0x0  }
0x79: {  	[sflag:s8] =	ssyncadd.s32 $0xFFFFFFC0  }
0x7a: {  	v3 =	vld [tilespmem:$0x0];
	_ =	sdelay $0x4  }
0x7b: {  	v52 =	vshll.u32 v3, $0x3  }
0x7c: {  	v3 =	vand.u32 $0x7, v3;
	v4 =	vand.u32 $0xFFFFFFC0, v52  }
0x7d: {  	v3 =	vor.u32 v3, v4  }
0x7e: {  	v4 =	vperm.xlane v3, v0;
	_ =	sdelay $0x1  }
0x7f: {  	v4 =	vadd.s32 v1, v4;
	_ =	sdelay $0x4  }
0x80: {  	[tilespmem:s23], [sflag:$0x1] =	stream.indirect_vreg.gather [hbm4b:s1+s3], $0x80, v4, vm0, $0xb8;
	[tilespmem:$0x10080] =	vst v63  }
0x81: {  	s14 =	simm.s32 $0x880;
	v3 =	vperm.xlane v3, v2  }
0x82: {  	[tilespmem:s14], [sflag:$0x1] =	stream.indirect_vreg.gather [hbm4b:s4+s3], $0x80, v4, vm0, $0xb8;
	[tilespmem:$0x10080] =	vst v63  }
0x83: {  	s2 =	simm.s32 $0x1080;
	v3 =	vadd.s32 v1, v3  }
0x84: {  	[tilespmem:s2], [sflag:$0x1] =	stream.indirect_vreg.gather [hbm4b:s5+s3], $0x80, v4, vm0, $0xb8;
	[tilespmem:$0x10080] =	vst v63  }
0x85: {  	s9 =	simm.s32 $0x1880  }
0x86: {  	[tilespmem:s9], [sflag:$0x1] =	stream.indirect_vreg.gather [hbm4b:s6+s3], $0x80, v4, vm0, $0xb8;
	[tilespmem:$0x10080] =	vst v63  }
0x87: {  	s10 =	simm.s32 $0x2080  }
0x88: {  	[tilespmem:s10], [sflag:$0x1] =	stream.indirect_vreg.gather [hbm4b:s1+s3], $0x80, v3, vm0, $0xb8;
	[tilespmem:$0x10080] =	vst v63  }
0x89: {  	s11 =	simm.s32 $0x2880  }
0x8a: {  	[tilespmem:s11], [sflag:$0x1] =	stream.indirect_vreg.gather [hbm4b:s4+s3], $0x80, v3, vm0, $0xb8;
	[tilespmem:$0x10080] =	vst v63  }
0x8b: {  	s12 =	simm.s32 $0x3080  }
0x8c: {  	[tilespmem:s12], [sflag:$0x1] =	stream.indirect_vreg.gather [hbm4b:s5+s3], $0x80, v3, vm0, $0xb8;
	[tilespmem:$0x10080] =	vst v63  }
0x8d: {  	s15 =	simm.s32 $0x3880  }
0x8e: {  	[tilespmem:s15], [sflag:$0x1] =	stream.indirect_vreg.gather [hbm4b:s6+s3], $0x80, v3, vm0, $0xb8;
	[tilespmem:$0x10080] =	vst v63  }
0x8f: {  	v3 =	vld [tilespmem:$0x10];
	_ =	sdelay $0x4  }
0x90: {  	v53 =	vshll.u32 v3, $0x3  }
0x91: {  	v3 =	vand.u32 $0x7, v3;
	v4 =	vand.u32 $0xFFFFFFC0, v53  }
0x92: {  	v3 =	vor.u32 v3, v4  }
0x93: {  	v4 =	vperm.xlane v3, v0;
	_ =	sdelay $0x1  }
0x94: {  	v4 =	vadd.s32 v1, v4;
	_ =	sdelay $0x3  }
0x95: {  	s16 =	simm.s32 $0x4080  }
0x96: {  	[tilespmem:s16], [sflag:$0x1] =	stream.indirect_vreg.gather [hbm4b:s1+s3], $0x80, v4, vm0, $0xb8;
	[tilespmem:$0x10080] =	vst v63  }
0x97: {  	s31 =	simm.s32 $0x4880;
	v3 =	vperm.xlane v3, v2  }
0x98: {  	[tilespmem:s31], [sflag:$0x1] =	stream.indirect_vreg.gather [hbm4b:s4+s3], $0x80, v4, vm0, $0xb8;
	[tilespmem:$0x10080] =	vst v63  }
0x99: {  	s13 =	simm.s32 $0x5080;
	v3 =	vadd.s32 v1, v3  }
0x9a: {  	[tilespmem:s13], [sflag:$0x1] =	stream.indirect_vreg.gather [hbm4b:s5+s3], $0x80, v4, vm0, $0xb8;
	[tilespmem:$0x10080] =	vst v63  }
0x9b: {  	s31 =	simm.s32 $0x5880  }
0x9c: {  	[tilespmem:s31], [sflag:$0x1] =	stream.indirect_vreg.gather [hbm4b:s6+s3], $0x80, v4, vm0, $0xb8;
	[tilespmem:$0x10080] =	vst v63  }
0x9d: {  	s0 =	simm.s32 $0x6080  }
0x9e: {  	[tilespmem:s0], [sflag:$0x1] =	stream.indirect_vreg.gather [hbm4b:s1+s3], $0x80, v3, vm0, $0xb8;
	[tilespmem:$0x10080] =	vst v63  }
0x9f: {  	s2 =	simm.s32 $0x6880  }
0xa0: {  	[tilespmem:s2], [sflag:$0x1] =	stream.indirect_vreg.gather [hbm4b:s4+s3], $0x80, v3, vm0, $0xb8;
	[tilespmem:$0x10080] =	vst v63  }
0xa1: {  	s9 =	simm.s32 $0x7080  }
0xa2: {  	[tilespmem:s9], [sflag:$0x1] =	stream.indirect_vreg.gather [hbm4b:s5+s3], $0x80, v3, vm0, $0xb8;
	[tilespmem:$0x10080] =	vst v63  }
0xa3: {  	s13 =	simm.s32 $0x7880  }
0xa4: {  	[tilespmem:s13], [sflag:$0x1] =	stream.indirect_vreg.gather [hbm4b:s6+s3], $0x80, v3, vm0, $0xb8;
	[tilespmem:$0x10080] =	vst v63  }
0xa5: {  	v3 =	vld [tilespmem:$0x20];
	_ =	sdelay $0x4  }
0xa6: {  	v54 =	vshll.u32 v3, $0x3  }
0xa7: {  	v3 =	vand.u32 $0x7, v3;
	v4 =	vand.u32 $0xFFFFFFC0, v54  }
0xa8: {  	v3 =	vor.u32 v3, v4  }
0xa9: {  	v4 =	vperm.xlane v3, v0;
	_ =	sdelay $0x1  }
0xaa: {  	v4 =	vadd.s32 v1, v4;
	_ =	sdelay $0x3  }
0xab: {  	s14 =	simm.s32 $0x8080  }
0xac: {  	[tilespmem:s14], [sflag:$0x1] =	stream.indirect_vreg.gather [hbm4b:s1+s3], $0x80, v4, vm0, $0xb8;
	[tilespmem:$0x10080] =	vst v63  }
0xad: {  	s15 =	simm.s32 $0x8880;
	v3 =	vperm.xlane v3, v2  }
0xae: {  	[tilespmem:s15], [sflag:$0x1] =	stream.indirect_vreg.gather [hbm4b:s4+s3], $0x80, v4, vm0, $0xb8;
	[tilespmem:$0x10080] =	vst v63  }
0xaf: {  	s10 =	simm.s32 $0x9080;
	v3 =	vadd.s32 v1, v3  }
0xb0: {  	[tilespmem:s10], [sflag:$0x1] =	stream.indirect_vreg.gather [hbm4b:s5+s3], $0x80, v4, vm0, $0xb8;
	[tilespmem:$0x10080] =	vst v63  }
0xb1: {  	s11 =	simm.s32 $0x9880  }
0xb2: {  	[tilespmem:s11], [sflag:$0x1] =	stream.indirect_vreg.gather [hbm4b:s6+s3], $0x80, v4, vm0, $0xb8;
	[tilespmem:$0x10080] =	vst v63  }
0xb3: {  	s12 =	simm.s32 $0xA080  }
0xb4: {  	[tilespmem:s12], [sflag:$0x1] =	stream.indirect_vreg.gather [hbm4b:s1+s3], $0x80, v3, vm0, $0xb8;
	[tilespmem:$0x10080] =	vst v63  }
0xb5: {  	s30 =	simm.s32 $0xA880  }
0xb6: {  	[tilespmem:s30], [sflag:$0x1] =	stream.indirect_vreg.gather [hbm4b:s4+s3], $0x80, v3, vm0, $0xb8;
	[tilespmem:$0x10080] =	vst v63  }
0xb7: {  	s28 =	simm.s32 $0xB080  }
0xb8: {  	[tilespmem:s28], [sflag:$0x1] =	stream.indirect_vreg.gather [hbm4b:s5+s3], $0x80, v3, vm0, $0xb8;
	[tilespmem:$0x10080] =	vst v63  }
0xb9: {  	s20 =	simm.s32 $0xB880  }
0xba: {  	[tilespmem:s20], [sflag:$0x1] =	stream.indirect_vreg.gather [hbm4b:s6+s3], $0x80, v3, vm0, $0xb8;
	[tilespmem:$0x10080] =	vst v63  }
0xbb: {  	v3 =	vld [tilespmem:$0x30];
	_ =	sdelay $0x4  }
0xbc: {  	v55 =	vshll.u32 v3, $0x3  }
0xbd: {  	v3 =	vand.u32 $0x7, v3;
	v4 =	vand.u32 $0xFFFFFFC0, v55  }
0xbe: {  	v3 =	vor.u32 v3, v4  }
0xbf: {  	v4 =	vperm.xlane v3, v0;
	_ =	sdelay $0x1  }
0xc0: {  	v4 =	vadd.s32 v1, v4;
	_ =	sdelay $0x3  }
0xc1: {  	s21 =	simm.s32 $0xC080  }
0xc2: {  	[tilespmem:s21], [sflag:$0x1] =	stream.indirect_vreg.gather [hbm4b:s1+s3], $0x80, v4, vm0, $0xb8;
	[tilespmem:$0x10080] =	vst v63  }
0xc3: {  	s22 =	simm.s32 $0xC880;
	v3 =	vperm.xlane v3, v2  }
0xc4: {  	[tilespmem:s22], [sflag:$0x1] =	stream.indirect_vreg.gather [hbm4b:s4+s3], $0x80, v4, vm0, $0xb8;
	[tilespmem:$0x10080] =	vst v63  }
0xc5: {  	v3 =	vadd.s32 v1, v3;
	s22 =	simm.s32 $0xD080  }
0xc6: {  	[tilespmem:s22], [sflag:$0x1] =	stream.indirect_vreg.gather [hbm4b:s5+s3], $0x80, v4, vm0, $0xb8;
	[tilespmem:$0x10080] =	vst v63  }
0xc7: {  	s26 =	simm.s32 $0xD880  }
0xc8: {  	[tilespmem:s26], [sflag:$0x1] =	stream.indirect_vreg.gather [hbm4b:s6+s3], $0x80, v4, vm0, $0xb8;
	[tilespmem:$0x10080] =	vst v63  }
0xc9: {  	s29 =	simm.s32 $0xE080  }
0xca: {  	[tilespmem:s29], [sflag:$0x1] =	stream.indirect_vreg.gather [hbm4b:s1+s3], $0x80, v3, vm0, $0xb8;
	[tilespmem:$0x10080] =	vst v63  }
0xcb: {  	s26 =	simm.s32 $0xE880  }
0xcc: {  	[tilespmem:s26], [sflag:$0x1] =	stream.indirect_vreg.gather [hbm4b:s4+s3], $0x80, v3, vm0, $0xb8;
	[tilespmem:$0x10080] =	vst v63  }
0xcd: {  	s30 =	simm.s32 $0xF080  }
0xce: {  	[tilespmem:s30], [sflag:$0x1] =	stream.indirect_vreg.gather [hbm4b:s5+s3], $0x80, v3, vm0, $0xb8;
	[tilespmem:$0x10080] =	vst v63  }
0xcf: {  	s17 =	simm.s32 $0xF880  }
0xd0: {  	[tilespmem:s17], [sflag:$0x1] =	stream.indirect_vreg.gather [hbm4b:s6+s3], $0x80, v3, vm0, $0xb8;
	[tilespmem:$0x10080] =	vst v63  }
0xd1: {  	_ =	swait.ge [sflag:s18], $0x10000  }
0xd2: {  	[sflag:s18] =	ssyncset.done $0x0  }
0xd3: {  	s21 =	rddreg [dreg:$0x6];
	[sflag:s18] =	ssyncadd.s32 $0xFFFF0000  }
0xd4: {  	[hbm4b:s21+s3] =	stream.linear.scatter [tilespmem:s23], [sflag:$0x2], $0x10000, $0x38;
	[tilespmem:$0x10080] =	vst v63  }
0xd5: {  	_ =	swait.ge [sflag:s8], $0x10000  }
0xd6: {  	[sflag:s8] =	ssyncset.done $0x0  }
0xd7: {  	s17 =	rddreg [dreg:$0x7];
	[sflag:s8] =	ssyncadd.s32 $0xFFFF0000  }
0xd8: {  	[tilespmem:s3], [sflag:$0x2] =	stream.linear.gather [hbm4b:s17+s3], $0x40, $0x38;
	[tilespmem:$0x10080] =	vst v63  }
0xd9: {  	_ =	swait.ge [sflag:s8], $0x40  }
0xda: {  	[sflag:s8] =	ssyncset.done $0x0  }
0xdb: {  	[sflag:s8] =	ssyncadd.s32 $0xFFFFFFC0  }
0xdc: {  	v3 =	vld [tilespmem:$0x0];
	_ =	sdelay $0x4  }
0xdd: {  	v56 =	vshll.u32 v3, $0x3  }
0xde: {  	v3 =	vand.u32 $0x7, v3;
	v4 =	vand.u32 $0xFFFFFFC0, v56  }
0xdf: {  	v3 =	vor.u32 v3, v4  }
0xe0: {  	v4 =	vperm.xlane v3, v0;
	_ =	sdelay $0x1  }
0xe1: {  	v4 =	vadd.s32 v1, v4;
	_ =	sdelay $0x4  }
0xe2: {  	[tilespmem:s23], [sflag:$0x1] =	stream.indirect_vreg.gather [hbm4b:s1+s3], $0x80, v4, vm0, $0xb8;
	[tilespmem:$0x10080] =	vst v63  }
0xe3: {  	s21 =	simm.s32 $0x880;
	v3 =	vperm.xlane v3, v2  }
0xe4: {  	[tilespmem:s21], [sflag:$0x1] =	stream.indirect_vreg.gather [hbm4b:s4+s3], $0x80, v4, vm0, $0xb8;
	[tilespmem:$0x10080] =	vst v63  }
0xe5: {  	s25 =	simm.s32 $0x1080;
	v3 =	vadd.s32 v1, v3  }
0xe6: {  	[tilespmem:s25], [sflag:$0x1] =	stream.indirect_vreg.gather [hbm4b:s5+s3], $0x80, v4, vm0, $0xb8;
	[tilespmem:$0x10080] =	vst v63  }
0xe7: {  	s25 =	simm.s32 $0x1880  }
0xe8: {  	[tilespmem:s25], [sflag:$0x1] =	stream.indirect_vreg.gather [hbm4b:s6+s3], $0x80, v4, vm0, $0xb8;
	[tilespmem:$0x10080] =	vst v63  }
0xe9: {  	s19 =	simm.s32 $0x2080  }
0xea: {  	[tilespmem:s19], [sflag:$0x1] =	stream.indirect_vreg.gather [hbm4b:s1+s3], $0x80, v3, vm0, $0xb8;
	[tilespmem:$0x10080] =	vst v63  }
0xeb: {  	s25 =	simm.s32 $0x2880  }
0xec: {  	[tilespmem:s25], [sflag:$0x1] =	stream.indirect_vreg.gather [hbm4b:s4+s3], $0x80, v3, vm0, $0xb8;
	[tilespmem:$0x10080] =	vst v63  }
0xed: {  	s19 =	simm.s32 $0x3080  }
0xee: {  	[tilespmem:s19], [sflag:$0x1] =	stream.indirect_vreg.gather [hbm4b:s5+s3], $0x80, v3, vm0, $0xb8;
	[tilespmem:$0x10080] =	vst v63  }
0xef: {  	s25 =	simm.s32 $0x3880  }
0xf0: {  	[tilespmem:s25], [sflag:$0x1] =	stream.indirect_vreg.gather [hbm4b:s6+s3], $0x80, v3, vm0, $0xb8;
	[tilespmem:$0x10080] =	vst v63  }
0xf1: {  	v3 =	vld [tilespmem:$0x10];
	_ =	sdelay $0x4  }
0xf2: {  	v57 =	vshll.u32 v3, $0x3  }
0xf3: {  	v3 =	vand.u32 $0x7, v3;
	v4 =	vand.u32 $0xFFFFFFC0, v57  }
0xf4: {  	v3 =	vor.u32 v3, v4  }
0xf5: {  	v4 =	vperm.xlane v3, v0;
	_ =	sdelay $0x1  }
0xf6: {  	v4 =	vadd.s32 v1, v4;
	_ =	sdelay $0x4  }
0xf7: {  	[tilespmem:s16], [sflag:$0x1] =	stream.indirect_vreg.gather [hbm4b:s1+s3], $0x80, v4, vm0, $0xb8;
	[tilespmem:$0x10080] =	vst v63  }
0xf8: {  	s19 =	simm.s32 $0x4880;
	v3 =	vperm.xlane v3, v2  }
0xf9: {  	[tilespmem:s19], [sflag:$0x1] =	stream.indirect_vreg.gather [hbm4b:s4+s3], $0x80, v4, vm0, $0xb8;
	[tilespmem:$0x10080] =	vst v63  }
0xfa: {  	s25 =	simm.s32 $0x5080;
	v3 =	vadd.s32 v1, v3  }
0xfb: {  	[tilespmem:s25], [sflag:$0x1] =	stream.indirect_vreg.gather [hbm4b:s5+s3], $0x80, v4, vm0, $0xb8;
	[tilespmem:$0x10080] =	vst v63  }
0xfc: {  	_ = 	snop  }
0xfd: {  	[tilespmem:s31], [sflag:$0x1] =	stream.indirect_vreg.gather [hbm4b:s6+s3], $0x80, v4, vm0, $0xb8;
	[tilespmem:$0x10080] =	vst v63  }
0xfe: {  	_ = 	snop  }
0xff: {  	[tilespmem:s0], [sflag:$0x1] =	stream.indirect_vreg.gather [hbm4b:s1+s3], $0x80, v3, vm0, $0xb8;
	[tilespmem:$0x10080] =	vst v63  }
0x100: {  	_ = 	snop  }
0x101: {  	[tilespmem:s2], [sflag:$0x1] =	stream.indirect_vreg.gather [hbm4b:s4+s3], $0x80, v3, vm0, $0xb8;
	[tilespmem:$0x10080] =	vst v63  }
0x102: {  	_ = 	snop  }
0x103: {  	[tilespmem:s9], [sflag:$0x1] =	stream.indirect_vreg.gather [hbm4b:s5+s3], $0x80, v3, vm0, $0xb8;
	[tilespmem:$0x10080] =	vst v63  }
0x104: {  	_ = 	snop  }
0x105: {  	[tilespmem:s13], [sflag:$0x1] =	stream.indirect_vreg.gather [hbm4b:s6+s3], $0x80, v3, vm0, $0xb8;
	[tilespmem:$0x10080] =	vst v63  }
0x106: {  	v3 =	vld [tilespmem:$0x20];
	_ =	sdelay $0x4  }
0x107: {  	v58 =	vshll.u32 v3, $0x3  }
0x108: {  	v3 =	vand.u32 $0x7, v3;
	v4 =	vand.u32 $0xFFFFFFC0, v58  }
0x109: {  	v3 =	vor.u32 v3, v4  }
0x10a: {  	v4 =	vperm.xlane v3, v0;
	_ =	sdelay $0x1  }
0x10b: {  	v4 =	vadd.s32 v1, v4;
	_ =	sdelay $0x4  }
0x10c: {  	[tilespmem:s14], [sflag:$0x1] =	stream.indirect_vreg.gather [hbm4b:s1+s3], $0x80, v4, vm0, $0xb8;
	[tilespmem:$0x10080] =	vst v63  }
0x10d: {  	v3 =	vperm.xlane v3, v2  }
0x10e: {  	[tilespmem:s15], [sflag:$0x1] =	stream.indirect_vreg.gather [hbm4b:s4+s3], $0x80, v4, vm0, $0xb8;
	[tilespmem:$0x10080] =	vst v63  }
0x10f: {  	v3 =	vadd.s32 v1, v3  }
0x110: {  	[tilespmem:s10], [sflag:$0x1] =	stream.indirect_vreg.gather [hbm4b:s5+s3], $0x80, v4, vm0, $0xb8;
	[tilespmem:$0x10080] =	vst v63  }
0x111: {  	_ = 	snop  }
0x112: {  	[tilespmem:s11], [sflag:$0x1] =	stream.indirect_vreg.gather [hbm4b:s6+s3], $0x80, v4, vm0, $0xb8;
	[tilespmem:$0x10080] =	vst v63  }
0x113: {  	_ = 	snop  }
0x114: {  	[tilespmem:s12], [sflag:$0x1] =	stream.indirect_vreg.gather [hbm4b:s1+s3], $0x80, v3, vm0, $0xb8;
	[tilespmem:$0x10080] =	vst v63  }
0x115: {  	s24 =	simm.s32 $0xA880  }
0x116: {  	[tilespmem:s24], [sflag:$0x1] =	stream.indirect_vreg.gather [hbm4b:s4+s3], $0x80, v3, vm0, $0xb8;
	[tilespmem:$0x10080] =	vst v63  }
0x117: {  	s28 =	simm.s32 $0xB080  }
0x118: {  	[tilespmem:s28], [sflag:$0x1] =	stream.indirect_vreg.gather [hbm4b:s5+s3], $0x80, v3, vm0, $0xb8;
	[tilespmem:$0x10080] =	vst v63  }
0x119: {  	s28 =	simm.s32 $0xB880  }
0x11a: {  	[tilespmem:s28], [sflag:$0x1] =	stream.indirect_vreg.gather [hbm4b:s6+s3], $0x80, v3, vm0, $0xb8;
	[tilespmem:$0x10080] =	vst v63  }
0x11b: {  	v3 =	vld [tilespmem:$0x30];
	_ =	sdelay $0x4  }
0x11c: {  	v59 =	vshll.u32 v3, $0x3  }
0x11d: {  	v3 =	vand.u32 $0x7, v3;
	v4 =	vand.u32 $0xFFFFFFC0, v59  }
0x11e: {  	v3 =	vor.u32 v3, v4  }
0x11f: {  	v4 =	vperm.xlane v3, v0;
	_ =	sdelay $0x1  }
0x120: {  	v4 =	vadd.s32 v1, v4;
	_ =	sdelay $0x3  }
0x121: {  	s24 =	simm.s32 $0xC080  }
0x122: {  	[tilespmem:s24], [sflag:$0x1] =	stream.indirect_vreg.gather [hbm4b:s1+s3], $0x80, v4, vm0, $0xb8;
	[tilespmem:$0x10080] =	vst v63  }
0x123: {  	s25 =	simm.s32 $0xC880;
	v3 =	vperm.xlane v3, v2  }
0x124: {  	[tilespmem:s25], [sflag:$0x1] =	stream.indirect_vreg.gather [hbm4b:s4+s3], $0x80, v4, vm0, $0xb8;
	[tilespmem:$0x10080] =	vst v63  }
0x125: {  	s20 =	simm.s32 $0xD080;
	v3 =	vadd.s32 v1, v3  }
0x126: {  	[tilespmem:s20], [sflag:$0x1] =	stream.indirect_vreg.gather [hbm4b:s5+s3], $0x80, v4, vm0, $0xb8;
	[tilespmem:$0x10080] =	vst v63  }
0x127: {  	s22 =	simm.s32 $0xD880  }
0x128: {  	[tilespmem:s22], [sflag:$0x1] =	stream.indirect_vreg.gather [hbm4b:s6+s3], $0x80, v4, vm0, $0xb8;
	[tilespmem:$0x10080] =	vst v63  }
0x129: {  	s29 =	simm.s32 $0xE080  }
0x12a: {  	[tilespmem:s29], [sflag:$0x1] =	stream.indirect_vreg.gather [hbm4b:s1+s3], $0x80, v3, vm0, $0xb8;
	[tilespmem:$0x10080] =	vst v63  }
0x12b: {  	s26 =	simm.s32 $0xE880  }
0x12c: {  	[tilespmem:s26], [sflag:$0x1] =	stream.indirect_vreg.gather [hbm4b:s4+s3], $0x80, v3, vm0, $0xb8;
	[tilespmem:$0x10080] =	vst v63  }
0x12d: {  	s30 =	simm.s32 $0xF080  }
0x12e: {  	[tilespmem:s30], [sflag:$0x1] =	stream.indirect_vreg.gather [hbm4b:s5+s3], $0x80, v3, vm0, $0xb8;
	[tilespmem:$0x10080] =	vst v63  }
0x12f: {  	s26 =	simm.s32 $0xF880  }
0x130: {  	[tilespmem:s26], [sflag:$0x1] =	stream.indirect_vreg.gather [hbm4b:s6+s3], $0x80, v3, vm0, $0xb8;
	[tilespmem:$0x10080] =	vst v63  }
0x131: {  	_ =	swait.ge [sflag:s18], $0x10000  }
0x132: {  	[sflag:s18] =	ssyncset.done $0x0  }
0x133: {  	s29 =	rddreg [dreg:$0x8];
	[sflag:s18] =	ssyncadd.s32 $0xFFFF0000  }
0x134: {  	[hbm4b:s29+s3] =	stream.linear.scatter [tilespmem:s23], [sflag:$0x2], $0x10000, $0x38;
	[tilespmem:$0x10080] =	vst v63  }
0x135: {  	_ =	swait.ge [sflag:s8], $0x10000  }
0x136: {  	[sflag:s8] =	ssyncset.done $0x0  }
0x137: {  	s30 =	rddreg [dreg:$0x9];
	[sflag:s8] =	ssyncadd.s32 $0xFFFF0000  }
0x138: {  	[tilespmem:s3], [sflag:$0x2] =	stream.linear.gather [hbm4b:s30+s3], $0x40, $0x38;
	[tilespmem:$0x10080] =	vst v63  }
0x139: {  	_ =	swait.ge [sflag:s8], $0x40  }
0x13a: {  	[sflag:s8] =	ssyncset.done $0x0  }
0x13b: {  	[sflag:s8] =	ssyncadd.s32 $0xFFFFFFC0  }
0x13c: {  	v3 =	vld [tilespmem:$0x0];
	_ =	sdelay $0x4  }
0x13d: {  	v60 =	vshll.u32 v3, $0x3  }
0x13e: {  	v3 =	vand.u32 $0x7, v3;
	v4 =	vand.u32 $0xFFFFFFC0, v60  }
0x13f: {  	v3 =	vor.u32 v3, v4  }
0x140: {  	v4 =	vperm.xlane v3, v0;
	_ =	sdelay $0x1  }
0x141: {  	v4 =	vadd.s32 v1, v4;
	_ =	sdelay $0x4  }
0x142: {  	[tilespmem:s23], [sflag:$0x1] =	stream.indirect_vreg.gather [hbm4b:s1+s3], $0x80, v4, vm0, $0xb8;
	[tilespmem:$0x10080] =	vst v63  }
0x143: {  	s29 =	simm.s32 $0x880;
	v3 =	vperm.xlane v3, v2  }
0x144: {  	[tilespmem:s29], [sflag:$0x1] =	stream.indirect_vreg.gather [hbm4b:s4+s3], $0x80, v4, vm0, $0xb8;
	[tilespmem:$0x10080] =	vst v63  }
0x145: {  	s21 =	simm.s32 $0x1080;
	v3 =	vadd.s32 v1, v3  }
0x146: {  	[tilespmem:s21], [sflag:$0x1] =	stream.indirect_vreg.gather [hbm4b:s5+s3], $0x80, v4, vm0, $0xb8;
	[tilespmem:$0x10080] =	vst v63  }
0x147: {  	s30 =	simm.s32 $0x1880  }
0x148: {  	[tilespmem:s30], [sflag:$0x1] =	stream.indirect_vreg.gather [hbm4b:s6+s3], $0x80, v4, vm0, $0xb8;
	[tilespmem:$0x10080] =	vst v63  }
0x149: {  	s21 =	simm.s32 $0x2080  }
0x14a: {  	[tilespmem:s21], [sflag:$0x1] =	stream.indirect_vreg.gather [hbm4b:s1+s3], $0x80, v3, vm0, $0xb8;
	[tilespmem:$0x10080] =	vst v63  }
0x14b: {  	s29 =	simm.s32 $0x2880  }
0x14c: {  	[tilespmem:s29], [sflag:$0x1] =	stream.indirect_vreg.gather [hbm4b:s4+s3], $0x80, v3, vm0, $0xb8;
	[tilespmem:$0x10080] =	vst v63  }
0x14d: {  	s30 =	simm.s32 $0x3080  }
0x14e: {  	[tilespmem:s30], [sflag:$0x1] =	stream.indirect_vreg.gather [hbm4b:s5+s3], $0x80, v3, vm0, $0xb8;
	[tilespmem:$0x10080] =	vst v63  }
0x14f: {  	s21 =	simm.s32 $0x3880  }
0x150: {  	[tilespmem:s21], [sflag:$0x1] =	stream.indirect_vreg.gather [hbm4b:s6+s3], $0x80, v3, vm0, $0xb8;
	[tilespmem:$0x10080] =	vst v63  }
0x151: {  	v3 =	vld [tilespmem:$0x10];
	_ =	sdelay $0x4  }
0x152: {  	v61 =	vshll.u32 v3, $0x3  }
0x153: {  	v3 =	vand.u32 $0x7, v3;
	v4 =	vand.u32 $0xFFFFFFC0, v61  }
0x154: {  	v3 =	vor.u32 v3, v4  }
0x155: {  	v4 =	vperm.xlane v3, v0;
	_ =	sdelay $0x1  }
0x156: {  	v4 =	vadd.s32 v1, v4;
	_ =	sdelay $0x3  }
0x157: {  	s16 =	simm.s32 $0x4080  }
0x158: {  	[tilespmem:s16], [sflag:$0x1] =	stream.indirect_vreg.gather [hbm4b:s1+s3], $0x80, v4, vm0, $0xb8;
	[tilespmem:$0x10080] =	vst v63  }
0x159: {  	s29 =	simm.s32 $0x4880;
	v3 =	vperm.xlane v3, v2  }
0x15a: {  	[tilespmem:s29], [sflag:$0x1] =	stream.indirect_vreg.gather [hbm4b:s4+s3], $0x80, v4, vm0, $0xb8;
	[tilespmem:$0x10080] =	vst v63  }
0x15b: {  	s30 =	simm.s32 $0x5080;
	v3 =	vadd.s32 v1, v3  }
0x15c: {  	[tilespmem:s30], [sflag:$0x1] =	stream.indirect_vreg.gather [hbm4b:s5+s3], $0x80, v4, vm0, $0xb8;
	[tilespmem:$0x10080] =	vst v63  }
0x15d: {  	s17 =	simm.s32 $0x5880  }
0x15e: {  	[tilespmem:s17], [sflag:$0x1] =	stream.indirect_vreg.gather [hbm4b:s6+s3], $0x80, v4, vm0, $0xb8;
	[tilespmem:$0x10080] =	vst v63  }
0x15f: {  	s0 =	simm.s32 $0x6080  }
0x160: {  	[tilespmem:s0], [sflag:$0x1] =	stream.indirect_vreg.gather [hbm4b:s1+s3], $0x80, v3, vm0, $0xb8;
	[tilespmem:$0x10080] =	vst v63  }
0x161: {  	s2 =	simm.s32 $0x6880  }
0x162: {  	[tilespmem:s2], [sflag:$0x1] =	stream.indirect_vreg.gather [hbm4b:s4+s3], $0x80, v3, vm0, $0xb8;
	[tilespmem:$0x10080] =	vst v63  }
0x163: {  	s9 =	simm.s32 $0x7080  }
0x164: {  	[tilespmem:s9], [sflag:$0x1] =	stream.indirect_vreg.gather [hbm4b:s5+s3], $0x80, v3, vm0, $0xb8;
	[tilespmem:$0x10080] =	vst v63  }
0x165: {  	s13 =	simm.s32 $0x7880  }
0x166: {  	[tilespmem:s13], [sflag:$0x1] =	stream.indirect_vreg.gather [hbm4b:s6+s3], $0x80, v3, vm0, $0xb8;
	[tilespmem:$0x10080] =	vst v63  }
0x167: {  	v3 =	vld [tilespmem:$0x20];
	_ =	sdelay $0x4  }
0x168: {  	v62 =	vshll.u32 v3, $0x3  }
0x169: {  	v3 =	vand.u32 $0x7, v3;
	v4 =	vand.u32 $0xFFFFFFC0, v62  }
0x16a: {  	v3 =	vor.u32 v3, v4  }
0x16b: {  	v4 =	vperm.xlane v3, v0;
	_ =	sdelay $0x1  }
0x16c: {  	v4 =	vadd.s32 v1, v4;
	_ =	sdelay $0x3  }
0x16d: {  	s14 =	simm.s32 $0x8080  }
0x16e: {  	[tilespmem:s14], [sflag:$0x1] =	stream.indirect_vreg.gather [hbm4b:s1+s3], $0x80, v4, vm0, $0xb8;
	[tilespmem:$0x10080] =	vst v63  }
0x16f: {  	s15 =	simm.s32 $0x8880;
	v3 =	vperm.xlane v3, v2  }
0x170: {  	[tilespmem:s15], [sflag:$0x1] =	stream.indirect_vreg.gather [hbm4b:s4+s3], $0x80, v4, vm0, $0xb8;
	[tilespmem:$0x10080] =	vst v63  }
0x171: {  	s10 =	simm.s32 $0x9080;
	v3 =	vadd.s32 v1, v3  }
0x172: {  	[tilespmem:s10], [sflag:$0x1] =	stream.indirect_vreg.gather [hbm4b:s5+s3], $0x80, v4, vm0, $0xb8;
	[tilespmem:$0x10080] =	vst v63  }
0x173: {  	s11 =	simm.s32 $0x9880  }
0x174: {  	[tilespmem:s11], [sflag:$0x1] =	stream.indirect_vreg.gather [hbm4b:s6+s3], $0x80, v4, vm0, $0xb8;
	[tilespmem:$0x10080] =	vst v63  }
0x175: {  	s12 =	simm.s32 $0xA080  }
0x176: {  	[tilespmem:s12], [sflag:$0x1] =	stream.indirect_vreg.gather [hbm4b:s1+s3], $0x80, v3, vm0, $0xb8;
	[tilespmem:$0x10080] =	vst v63  }
0x177: {  	s31 =	simm.s32 $0xA880  }
0x178: {  	[tilespmem:s31], [sflag:$0x1] =	stream.indirect_vreg.gather [hbm4b:s4+s3], $0x80, v3, vm0, $0xb8;
	[tilespmem:$0x10080] =	vst v63  }
0x179: {  	s19 =	simm.s32 $0xB080  }
0x17a: {  	[tilespmem:s19], [sflag:$0x1] =	stream.indirect_vreg.gather [hbm4b:s5+s3], $0x80, v3, vm0, $0xb8;
	[tilespmem:$0x10080] =	vst v63  }
0x17b: {  	s21 =	simm.s32 $0xB880  }
0x17c: {  	[tilespmem:s21], [sflag:$0x1] =	stream.indirect_vreg.gather [hbm4b:s6+s3], $0x80, v3, vm0, $0xb8;
	[tilespmem:$0x10080] =	vst v63  }
0x17d: {  	v3 =	vld [tilespmem:$0x30];
	_ =	sdelay $0x4  }
0x17e: {  	v63 =	vshll.u32 v3, $0x3  }
0x17f: {  	v3 =	vand.u32 $0x7, v3;
	v4 =	vand.u32 $0xFFFFFFC0, v63  }
0x180: {  	v3 =	vor.u32 v3, v4  }
0x181: {  	v4 =	vperm.xlane v3, v0;
	_ =	sdelay $0x1  }
0x182: {  	v4 =	vadd.s32 v1, v4;
	_ =	sdelay $0x3  }
0x183: {  	s29 =	simm.s32 $0xC080  }
0x184: {  	[tilespmem:s29], [sflag:$0x1] =	stream.indirect_vreg.gather [hbm4b:s1+s3], $0x80, v4, vm0, $0xb8;
	[tilespmem:$0x10080] =	vst v63  }
0x185: {  	s30 =	simm.s32 $0xC880;
	v3 =	vperm.xlane v3, v2  }
0x186: {  	[tilespmem:s30], [sflag:$0x1] =	stream.indirect_vreg.gather [hbm4b:s4+s3], $0x80, v4, vm0, $0xb8;
	[tilespmem:$0x10080] =	vst v63  }
0x187: {  	s28 =	simm.s32 $0xD080;
	v3 =	vadd.s32 v1, v3  }
0x188: {  	[tilespmem:s28], [sflag:$0x1] =	stream.indirect_vreg.gather [hbm4b:s5+s3], $0x80, v4, vm0, $0xb8;
	[tilespmem:$0x10080] =	vst v63  }
0x189: {  	s20 =	simm.s32 $0xD880  }
0x18a: {  	[tilespmem:s20], [sflag:$0x1] =	stream.indirect_vreg.gather [hbm4b:s6+s3], $0x80, v4, vm0, $0xb8;
	[tilespmem:$0x10080] =	vst v63  }
0x18b: {  	s24 =	simm.s32 $0xE080  }
0x18c: {  	[tilespmem:s24], [sflag:$0x1] =	stream.indirect_vreg.gather [hbm4b:s1+s3], $0x80, v3, vm0, $0xb8;
	[tilespmem:$0x10080] =	vst v63  }
0x18d: {  	s22 =	simm.s32 $0xE880  }
0x18e: {  	[tilespmem:s22], [sflag:$0x1] =	stream.indirect_vreg.gather [hbm4b:s4+s3], $0x80, v3, vm0, $0xb8;
	[tilespmem:$0x10080] =	vst v63  }
0x18f: {  	s25 =	simm.s32 $0xF080  }
0x190: {  	[tilespmem:s25], [sflag:$0x1] =	stream.indirect_vreg.gather [hbm4b:s5+s3], $0x80, v3, vm0, $0xb8;
	[tilespmem:$0x10080] =	vst v63  }
0x191: {  	s26 =	simm.s32 $0xF880  }
0x192: {  	[tilespmem:s26], [sflag:$0x1] =	stream.indirect_vreg.gather [hbm4b:s6+s3], $0x80, v3, vm0, $0xb8;
	[tilespmem:$0x10080] =	vst v63  }
0x193: {  	_ =	swait.ge [sflag:s18], $0x10000  }
0x194: {  	p0 =	sne.s32 s7, $0x1;
	[sflag:s18] =	ssyncset.done $0x0  }
.Ltmp0:
0x195: {  	s31 =	rddreg [dreg:$0xa];
	[sflag:s18] =	ssyncadd.s32 $0xFFFF0000;
	(pc) =	sbr.rel @p0 .LBB2_1-.Ltmp0, $4  }
0x196: {  	[hbm4b:s31+s3] =	stream.linear.scatter [tilespmem:s23], [sflag:$0x2], $0x10000, $0x38;
	[tilespmem:$0x10080] =	vst v63  }
0x197: {  	_ =	swait.ge [sflag:s8], $0x10000  }
0x198: {  	[sflag:s8] =	ssyncset.done $0x0  }
0x199: {  	s7 =	sadd.s32 $0xFFFFFFFF, s7;
	[sflag:s8] =	ssyncadd.s32 $0xFFFF0000  }
0x19a: {  	_ =	sfence.sel $0x180000  }
0x19b: {  	[bflag:$0x0] =	sbarrier.arrive $0xFFFF  }
0x19c: {  	_ =	strace $0x90000053  }
0x19d: {  	s0 =	stileid.u32;
	[bflag:$0x2] =	sbarrier.arrive $0xFFFF  }
0x19e: {  	p0 =	sne.s32 s0, $0x0;
	s0 =	rddreg [dreg:$0x2]  }
0x19f: {  	s0 =	sadd.s32 @!p0 $0x100000, s0  }
0x1a0: {  	[sflag:s0] =	ssyncadd.tile.s32 @!p0 $0x1;
	_ =	shalt  }
.Lfunc_end2:
_tile_overlayer_lowered:
.L_overlay_start_2:
0x1a1: {  	(tag) =	ssettag $0x2  }
0x1a2: {  	s0 =	rddreg [dreg:$0x0];
	s2 =	stileid.u32  }
0x1a3: {  	s1 =	rddreg [dreg:$0x1];
	p0 =	sne.s32 s2, $0x0  }
0x1a4: {  	s3 =	rddreg [dreg:$0x2];
	[bflag:$0x3] =	sbarrier.arrive $0xFFFF;
	s2 =	simm.s32 @!p0 $0x1C02  }
0x1a5: {  	[timem:s3], [sflag:s2] =	dma.local @!p0 [hbm:s0], s1  }
0x1a6: {  	s0 =	simm.s32 @!p0 $0x2  }
0x1a7: {  	_ =	swait.ge @!p0 [sflag:s0], s1  }
0x1a8: {  	s1 =	ssub.s32 @!p0 $0x0, s1;
	[sflag:s0] =	ssyncset.done @!p0 $0x0  }
0x1a9: {  	[sflag:s0] =	ssyncadd.s32 @!p0 s1  }
0x1aa: {  	[bflag:$0x3] =	sbarrier.arrive $0xFFFF  }
0x1ab: {  	_ =	shalt  }

// kernel: kernel.15.cloned.1.call-start
scs
__scs_entry_jumppad:
0x0: {  	(pc) =	sbr.rel $0x88, $3  }
0x1: {  	(tag) =	ssettag $0x0;
	lr =	simm.s32 $0x1  }
0x2: {  	[smem:$0x3F94] =	sst lr;
	_ =	strace $0xD0000000  }
0x3: {  	_ = 	snop  }
0x4: {  	_ = 	snop  }
0x5: {  	_ = 	snop  }
0x6: {  	_ = 	snop  }
0x7: {  	_ = 	snop  }
__scs_overlays_trampoline_lowered:
0x8: {  	[smem:$0x3FA3] =	sst s0  }
0x9: {  	[smem:$0x3FA4] =	sst s1  }
0xa: {  	[smem:$0x3FA5] =	sst s2  }
0xb: {  	[smem:$0x3FA6] =	sst s3  }
0xc: {  	[smem:$0x3FA7] =	sst s4  }
0xd: {  	[smem:$0x3FA8] =	sst s5  }
0xe: {  	[smem:$0x3FA9] =	sst s6  }
0xf: {  	[smem:$0x3FAA] =	sst s7  }
0x10: {  	[smem:$0x3FAB] =	sst s8  }
0x11: {  	[smem:$0x3FAC] =	sst s9;
	s0 =	simm.s32 @!p0 $0x0  }
0x12: {  	s1 =	sld [smem:$0x3F92];
	s0 =	simm.s32 @p0 $0x1  }
0x13: {  	[smem:$0x3FAD] =	sst s0;
	s0 =	simm.s32 @!p1 $0x0  }
0x14: {  	s2 =	sld [smem:$0x3F91];
	s0 =	simm.s32 @p1 $0x1  }
0x15: {  	[smem:$0x3FAE] =	sst s0;
	s0 =	simm.s32 @!p2 $0x0  }
0x16: {  	s3 =	sld [smem:$0x3FDB];
	s0 =	simm.s32 @p2 $0x1  }
0x17: {  	s4 =	simm.s32 $0x1BF5;
	[smem:$0x3FB0] =	sst s0  }
0x18: {  	s0 =	sld [smem:$0x3F93];
	_ =	swait.ge [sflag:s4], $0x0  }
0x19: {  	s7 =	sld [smem:$0x3F94]  }
0x1a: {  	s8 =	sadd.s32 $0xFFFFE003, lr  }
0x1b: {  	s9 =	sadd.s32 $0xFFFFFEF7, lr;
	s5 =	simm.s32 $0xFFFFFFFF;
	p2 =	slt.u32 s8, $0xFFFFF086  }
0x1c: {  	p1 =	slt.u32 s9, $0xF7A;
	s5 =	simm.s32 @!p2 $0x0  }
0x1d: {  	s5 =	simm.s32 @p1 $0x1;
	p0 =	seq.s32 s7, s2  }
0x1e: {  	s7 =	smul.u32 @!p0 $0xF7A, s2;
	p2 =	seq.s32 @!p0 s5, $0x0  }
0x1f: {  	s9 =	smul.u32 $0xF7A, s1;
	s8 =	simm.s32 @!p0 $0x1BF5;
	p2 =	por !p2, p0  }
0x20: {  	[sflag:s8] =	ssyncset.s32 @!p0 $0xFFFFF086;
	s6 =	sadd.s32 @!p0 s3, s7;
	s7 =	simm.s32 @!p0 $0x108  }
0x21: {  	s3 =	sadd.s32 s3, s9;
	s6 =	sadd.s32 @!p0 $0x88, s6;
	s7 =	simm.s32 @p2 $0x1082  }
0x22: {  	[simem:s7], [sflag:s8] =	dma.local @!p0 [hbm:s6], $0xF7A  }
0x23: {  	s9 =	sor.u32 $0xD0000000, s2;
	s6 =	simm.s32 $0x108;
	_ =	swait.ge @!p0 [sflag:s8], $0x0  }
0x24: {  	s3 =	sadd.s32 $0x88, s3;
	s6 =	simm.s32 @!p1 $0x1082;
	[sflag:s4] =	ssyncset.s32 $0xFFFFF086  }
0x25: {  	[simem:s6], [sflag:s4] =	dma.local [hbm:s3], $0xF7A  }
0x26: {  	[smem:$0x3F94] =	sst s1;
	(tag) =	ssettag s2;
	_ =	strace s9  }
0x27: {  	s1 =	sld [smem:$0x3FA4]  }
0x28: {  	s2 =	sld [smem:$0x3FA5]  }
0x29: {  	s4 =	sld [smem:$0x3FA7]  }
0x2a: {  	p0 =	seq.s32 s5, $0x0;
	s5 =	sld [smem:$0x3FA8]  }
0x2b: {  	s6 =	sld [smem:$0x3FA9]  }
0x2c: {  	s7 =	sld [smem:$0x3FAA]  }
0x2d: {  	s3 =	simm.s32 $0x108;
	s8 =	sld [smem:$0x3FAB]  }
0x2e: {  	s3 =	simm.s32 @!p0 $0x1082;
	s9 =	sld [smem:$0x3FAC]  }
0x2f: {  	lr =	sadd.s32 s0, s3;
	s0 =	sld [smem:$0x3FA3]  }
0x30: {  	s3 =	sld [smem:$0x3FA6]  }
0x31: {  	[smem:$0x3FAF] =	sst s10  }
0x32: {  	s10 =	sld [smem:$0x3FAD];
	_ =	sdelay $0x3  }
0x33: {  	p0 =	seq.s32 s10, $0x1;
	s10 =	sld [smem:$0x3FAF];
	_ =	sdelay $0x3  }
0x34: {  	[smem:$0x3FAF] =	sst s10  }
0x35: {  	s10 =	sld [smem:$0x3FAE];
	_ =	sdelay $0x3  }
0x36: {  	p1 =	seq.s32 s10, $0x1;
	s10 =	sld [smem:$0x3FAF];
	_ =	sdelay $0x3  }
0x37: {  	[smem:$0x3FAF] =	sst s10  }
0x38: {  	s10 =	sld [smem:$0x3FB0]  }
0x39: {  	_ = 	snop;
	(pc) =	sbr.ind lr, $3  }
0x3a: {  	_ = 	snop  }
0x3b: {  	_ = 	snop  }
0x3c: {  	p2 =	seq.s32 s10, $0x1;
	s10 =	sld [smem:$0x3FAF]  }
0x3d: {  	_ =	shalt  }
0x3e: {  	_ =	shalt  }
0x3f: {  	_ =	shalt  }
0x40: {  	_ =	shalt  }
0x41: {  	_ =	shalt  }
0x42: {  	_ =	shalt  }
0x43: {  	_ =	shalt  }
0x44: {  	_ =	shalt  }
0x45: {  	_ =	shalt  }
0x46: {  	_ =	shalt  }
0x47: {  	_ =	shalt  }
0x48: {  	_ =	shalt  }
0x49: {  	_ =	shalt  }
0x4a: {  	_ =	shalt  }
0x4b: {  	_ =	shalt  }
0x4c: {  	_ =	shalt  }
0x4d: {  	_ =	shalt  }
0x4e: {  	_ =	shalt  }
0x4f: {  	_ =	shalt  }
0x50: {  	_ =	shalt  }
0x51: {  	_ =	shalt  }
0x52: {  	_ =	shalt  }
0x53: {  	_ =	shalt  }
0x54: {  	_ =	shalt  }
0x55: {  	_ =	shalt  }
0x56: {  	_ =	shalt  }
0x57: {  	_ =	shalt  }
0x58: {  	_ =	shalt  }
0x59: {  	_ =	shalt  }
0x5a: {  	_ =	shalt  }
0x5b: {  	_ =	shalt  }
0x5c: {  	_ =	shalt  }
0x5d: {  	_ =	shalt  }
0x5e: {  	_ =	shalt  }
0x5f: {  	_ =	shalt  }
0x60: {  	_ =	shalt  }
0x61: {  	_ =	shalt  }
0x62: {  	_ =	shalt  }
0x63: {  	_ =	shalt  }
0x64: {  	_ =	shalt  }
0x65: {  	_ =	shalt  }
0x66: {  	_ =	shalt  }
0x67: {  	_ =	shalt  }
0x68: {  	_ =	shalt  }
0x69: {  	_ =	shalt  }
0x6a: {  	_ =	shalt  }
0x6b: {  	_ =	shalt  }
0x6c: {  	_ =	shalt  }
0x6d: {  	_ =	shalt  }
0x6e: {  	_ =	shalt  }
0x6f: {  	_ =	shalt  }
0x70: {  	_ =	shalt  }
0x71: {  	_ =	shalt  }
0x72: {  	_ =	shalt  }
0x73: {  	_ =	shalt  }
0x74: {  	_ =	shalt  }
0x75: {  	_ =	shalt  }
0x76: {  	_ =	shalt  }
0x77: {  	_ =	shalt  }
0x78: {  	_ =	shalt  }
0x79: {  	_ =	shalt  }
0x7a: {  	_ =	shalt  }
0x7b: {  	_ =	shalt  }
0x7c: {  	_ =	shalt  }
0x7d: {  	_ =	shalt  }
0x7e: {  	_ =	shalt  }
0x7f: {  	_ =	shalt  }
0x80: {  	_ =	shalt  }
0x81: {  	_ =	shalt  }
0x82: {  	_ =	shalt  }
0x83: {  	_ =	shalt  }
0x84: {  	_ =	shalt  }
0x85: {  	_ =	shalt  }
0x86: {  	_ =	shalt  }
0x87: {  	_ =	shalt  }
.Lfunc_end0:
.L_simem_size_0:
called_computation.4_lowered:
.L_overlay_start_0:
0x88: {  	s2 =	sld [smem:$0x3FD9]  }
0x89: {  	s3 =	sld [smem:$0x3FFE];
	_ =	sdelay $0x1  }
0x8a: {  	s1 =	srdreg.scid  }
0x8b: {  	s0 =	sand.u32 $0x1, s1  }
0x8c: {  	s16 =	sshll.u32 s0, $0xA;
	s2 =	sadd.s32 s3, s2  }
0x8d: {  	s2 =	sadd.s32 s2, s16  }
0x8e: {  	[smem:$0x3FBB] =	sst s2  }
0x8f: {  	_ = 	snop  }
0x90: {  	(tm) =	ssettm $0x1  }
0x91: {  	s17 =	sld [smem:$0x3FFB];
	_ =	sdelay $0x3  }
0x92: {  	_ =	strace s17  }
0x93: {  	s2 =	sld [smem:$0x3FFC];
	_ =	sdelay $0x3  }
0x94: {  	_ =	strace s2  }
0x95: {  	s2 =	sld [smem:$0x3FFD];
	_ =	sdelay $0x3  }
0x96: {  	_ =	strace s2  }
0x97: {  	_ =	strace $0x8FFFFFFF  }
0x98: {  	s18 =	sld [smem:$0x3FDB];
	_ =	sdelay $0x1  }
0x99: {  	s19 =	simm.s32 $_scs_section_size  }
0x9a: {  	s4 =	simm.s32 $_size__tile_overlayer_lowered;
	s5 =	simm.s32 $_tile_overlayer_lowered  }
0x9b: {  	s22 =	simm.s32 $0x1BFF;
	s21 =	sshll.u32 s5, $0x1;
	s2 =	sadd.s32 s19, s18  }
0x9c: {  	s6 =	simm.s32 $0x0;
	s20 =	sshll.u32 s4, $0x1;
	s4 =	sadd.s32 s21, s2  }
0x9d: {  	[timem:s6], [sflag:s22] =	dma.local [hbm:s4], s20  }
0x9e: {  	_ =	swait.ge [sflag:s22], s20  }
0x9f: {  	s3 =	ssub.s32 $0x0, s20;
	[sflag:s22] =	ssyncset.done $0x0  }
0xa0: {  	[sflag:s22] =	ssyncadd.s32 s3;
	_ =	sdelay $0x1  }
0xa1: {  	s23 =	simm.s32 $0x1B8B  }
0xa2: {  	_ =	swait.ge [sflag:s23], $0x1  }
0xa3: {  	[sflag:s23] =	ssyncset.done $0x0  }
0xa4: {  	s25 =	simm.s32 $0x1B8E;
	s24 =	sld [smem:$0x3FFE];
	[sflag:s23] =	ssyncadd.s32 $0xFFFFFFFF  }
0xa5: {  	s26 =	simm.s32 $execute0_lowered;
	[smem:$0x3FD2] =	sst s25  }
0xa6: {  	s4 =	sshll.u32 s26, $0x1;
	_ =	strace $0x8000004F;
	[dreg:$0x1] =	wrdreg $0xFFFFFFFF  }
0xa7: {  	s28 =	simm.s32 $_size_execute0_lowered;
	s2 =	sadd.s32 s2, s4;
	[dreg:$0x0] =	wrdreg $0x0  }
0xa8: {  	s4 =	sshll.u32 s28, $0x1;
	[dreg:$0x2] =	wrdreg s2  }
0xa9: {  	[dreg:$0x3] =	wrdreg s4  }
0xaa: {  	[dreg:$0x4] =	wrdreg $0xC0  }
0xab: {  	_ =	task [dreg:s6], $0x5FFFF  }
0xac: {  	[dreg:$0x1] =	wrdreg $0xFFFFFFFF  }
0xad: {  	[dreg:$0x0] =	wrdreg $0x60  }
0xae: {  	[dreg:$0x2] =	wrdreg s24  }
0xaf: {  	[dreg:$0x3] =	wrdreg $0xA  }
0xb0: {  	_ =	task.clear_ibuf [dreg:s6], $0x4FFFF;
	_ =	strace $0x9000004F  }
0xb1: {  	s29 =	simm.s32 $0xA;
	_ =	strace $0x80000051  }
0xb2: {  	_ =	swait.ge [sflag:s29], $0x1  }
0xb3: {  	[sflag:s29] =	ssyncadd.s32 $0xFFFFFFFF  }
0xb4: {  	_ =	strace $0x90000051  }
0xb5: {  	_ =	sfence  }
0xb6: {  	s30 =	sld [smem:$0x0];
	_ =	sdelay $0x2  }
0xb7: {  	s31 =	sshll.u32 s1, $0xD;
	s1 =	sshrl.u32 s1, $0x2  }
0xb8: {  	s3 =	sand.u32 $0x4000, s31;
	s1 =	sadd.s32 s1, s30  }
0xb9: {  	s0 =	sor.u32 s3, s0;
	s1 =	sshll.u32 s1, $0x11  }
0xba: {  	s0 =	sor.u32 s1, s0  }
0xbb: {  	s0 =	sadd.s32 $0x8F2B, s0  }
0xbc: {  	[sflag:s0] =	ssyncadd.remote.s32 $0x1  }
0xbd: {  	_ =	sfence.sel $0xFFFF  }
0xbe: {  	[dreg:$0x0] =	wrdreg $0xFFFFFFFF;
	(pc) =	sbr.abs _section_cstart, $3  }
0xbf: {  	[dreg:$0x1] =	wrdreg $0xFFFFFFFF  }
0xc0: {  	_ =	task.clear_ibuf [dreg:s6], $0x2FFFF;
	_ =	strace $0x9FFFFFFF  }
0xc1: {  	(tm) =	ssettm $0x7FFFFFFF  }
tec
execute0_lowered:
.L_overlay_start_1:
0x0: {  	(tag) =	ssettag $0x1  }
0x1: {  	s0 =	rddreg [dreg:$0x0];
	s2 =	simm.s32 $0x0  }
0x2: {  	s1 =	srdreg.scid;
	s3 =	stileid.u32;
	s18 =	simm.s32 $0x1  }
0x3: {  	[smem:$0x7FF] =	sst s2;
	s4 =	sshll.u32 s3, $0x9;
	s3 =	sadd.s32 $0x101800, s0  }
0x4: {  	s1 =	sand.u32 $0x1, s1;
	s7 =	sadd.s32 $0xC00, s0;
	s8 =	sadd.s32 $0x201800, s0  }
0x5: {  	_ =	strace $0x80000050;
	s5 =	sshll.u32 s1, $0x8;
	s1 =	ssub.s32 $0x2, s1  }
0x6: {  	s6 =	sor.u32 s5, s4;
	s21 =	sshrl.u32 s1, $0x1;
	s4 =	sadd.s32 $0x101900, s0  }
0x7: {  	s5 =	sshrl.u32 s6, $0x3;
	s1 =	ssub.s32 s1, s21;
	s23 =	sshll.u32 s6, $0x7  }
0x8: {  	s9 =	sor.u32 $0x40, s6;
	s25 =	sor.u32 $0x80, s6;
	s6 =	sor.u32 $0xC0, s6  }
0x9: {  	s22 =	sadd.s32 s7, s5;
	s5 =	sadd.s32 s8, s23;
	s10 =	sshrl.u32 s9, $0x3  }
0xa: {  	s9 =	sshll.u32 s9, $0x7;
	s26 =	sshrl.u32 s25, $0x3;
	[dreg:$0x2] =	wrdreg s22  }
0xb: {  	s29 =	sshrl.u32 s6, $0x3;
	[dreg:$0x3] =	wrdreg s5;
	s24 =	sadd.s32 s7, s10  }
0xc: {  	s30 =	sshll.u32 s6, $0x7;
	s9 =	sadd.s32 s8, s9;
	[dreg:$0x4] =	wrdreg s24  }
0xd: {  	s6 =	sadd.s32 $0x101B00, s0;
	s31 =	sadd.s32 s8, s30;
	[dreg:$0x5] =	wrdreg s9  }
0xe: {  	s10 =	sshll.u32 s25, $0x7;
	s9 =	sadd.s32 s7, s26;
	[dreg:$0x9] =	wrdreg s31  }
0xf: {  	v2 =	vlaneseq.u32;
	s23 =	simm.s32 $0x80;
	s28 =	sadd.s32 s8, s10;
	[dreg:$0x6] =	wrdreg s9  }
0x10: {  	vm0 =	vmmov $0xffff;
	v1 =	vshrl.u32 v2, $0x3;
	s5 =	sadd.s32 $0x101A00, s0;
	s7 =	sadd.s32 s7, s29;
	[dreg:$0x7] =	wrdreg s28  }
0x11: {  	v0 =	vand.u32 $0x7, v2;
	v2 =	vor.u32 $0x8, v2;
	v1 =	vmul.u32 $0x8, v1;
	s8 =	simm.s32 $0x2;
	[dreg:$0x8] =	wrdreg s7;
	s7 =	smax.u32 s1, $0x1  }
.LBB2_1:
0x12: {  	s19 =	rddreg [dreg:$0x2]  }
0x13: {  	[tilespmem:s2], [sflag:$0x2] =	stream.linear.gather [hbm4b:s19+s2], $0x40, $0x38;
	[tilespmem:$0x10080] =	vst v63  }
0x14: {  	_ =	swait.ge [sflag:s8], $0x40  }
0x15: {  	[sflag:s8] =	ssyncset.done $0x0  }
0x16: {  	[sflag:s8] =	ssyncadd.s32 $0xFFFFFFC0  }
0x17: {  	v3 =	vld [tilespmem:$0x0];
	_ =	sdelay $0x4  }
0x18: {  	v4 =	vshll.u32 v3, $0x3  }
0x19: {  	v3 =	vand.u32 $0x7, v3;
	v4 =	vand.u32 $0xFFFFFFC0, v4  }
0x1a: {  	v3 =	vor.u32 v3, v4  }
0x1b: {  	v4 =	vperm.xlane v3, v0;
	_ =	sdelay $0x1  }
0x1c: {  	v4 =	vadd.s32 v1, v4;
	_ =	sdelay $0x4  }
0x1d: {  	[tilespmem:s23], [sflag:$0x1] =	stream.indirect_vreg.gather [hbm4b:s3+s2], $0x80, v4, vm0, $0xb8;
	[tilespmem:$0x10080] =	vst v63  }
0x1e: {  	s0 =	simm.s32 $0x880;
	v3 =	vperm.xlane v3, v2  }
0x1f: {  	[tilespmem:s0], [sflag:$0x1] =	stream.indirect_vreg.gather [hbm4b:s4+s2], $0x80, v4, vm0, $0xb8;
	[tilespmem:$0x10080] =	vst v63  }
0x20: {  	s12 =	simm.s32 $0x1080;
	v3 =	vadd.s32 v1, v3  }
0x21: {  	[tilespmem:s12], [sflag:$0x1] =	stream.indirect_vreg.gather [hbm4b:s5+s2], $0x80, v4, vm0, $0xb8;
	[tilespmem:$0x10080] =	vst v63  }
0x22: {  	s13 =	simm.s32 $0x1880  }
0x23: {  	[tilespmem:s13], [sflag:$0x1] =	stream.indirect_vreg.gather [hbm4b:s6+s2], $0x80, v4, vm0, $0xb8;
	[tilespmem:$0x10080] =	vst v63  }
0x24: {  	s15 =	simm.s32 $0x2080  }
0x25: {  	[tilespmem:s15], [sflag:$0x1] =	stream.indirect_vreg.gather [hbm4b:s3+s2], $0x80, v3, vm0, $0xb8;
	[tilespmem:$0x10080] =	vst v63  }
0x26: {  	s16 =	simm.s32 $0x2880  }
0x27: {  	[tilespmem:s16], [sflag:$0x1] =	stream.indirect_vreg.gather [hbm4b:s4+s2], $0x80, v3, vm0, $0xb8;
	[tilespmem:$0x10080] =	vst v63  }
0x28: {  	s17 =	simm.s32 $0x3080  }
0x29: {  	[tilespmem:s17], [sflag:$0x1] =	stream.indirect_vreg.gather [hbm4b:s5+s2], $0x80, v3, vm0, $0xb8;
	[tilespmem:$0x10080] =	vst v63  }
0x2a: {  	s19 =	simm.s32 $0x3880  }
0x2b: {  	[tilespmem:s19], [sflag:$0x1] =	stream.indirect_vreg.gather [hbm4b:s6+s2], $0x80, v3, vm0, $0xb8;
	[tilespmem:$0x10080] =	vst v63  }
0x2c: {  	v3 =	vld [tilespmem:$0x10];
	_ =	sdelay $0x4  }
0x2d: {  	v49 =	vshll.u32 v3, $0x3  }
0x2e: {  	v3 =	vand.u32 $0x7, v3;
	v4 =	vand.u32 $0xFFFFFFC0, v49  }
0x2f: {  	v3 =	vor.u32 v3, v4  }
0x30: {  	v4 =	vperm.xlane v3, v0;
	_ =	sdelay $0x1  }
0x31: {  	v4 =	vadd.s32 v1, v4;
	_ =	sdelay $0x3  }
0x32: {  	s20 =	simm.s32 $0x4080  }
0x33: {  	[tilespmem:s20], [sflag:$0x1] =	stream.indirect_vreg.gather [hbm4b:s3+s2], $0x80, v4, vm0, $0xb8;
	[tilespmem:$0x10080] =	vst v63  }
0x34: {  	s21 =	simm.s32 $0x4880;
	v3 =	vperm.xlane v3, v2  }
0x35: {  	[tilespmem:s21], [sflag:$0x1] =	stream.indirect_vreg.gather [hbm4b:s4+s2], $0x80, v4, vm0, $0xb8;
	[tilespmem:$0x10080] =	vst v63  }
0x36: {  	s22 =	simm.s32 $0x5080;
	v3 =	vadd.s32 v1, v3  }
0x37: {  	[tilespmem:s22], [sflag:$0x1] =	stream.indirect_vreg.gather [hbm4b:s5+s2], $0x80, v4, vm0, $0xb8;
	[tilespmem:$0x10080] =	vst v63  }
0x38: {  	s24 =	simm.s32 $0x5880  }
0x39: {  	[tilespmem:s24], [sflag:$0x1] =	stream.indirect_vreg.gather [hbm4b:s6+s2], $0x80, v4, vm0, $0xb8;
	[tilespmem:$0x10080] =	vst v63  }
0x3a: {  	s25 =	simm.s32 $0x6080  }
0x3b: {  	[tilespmem:s25], [sflag:$0x1] =	stream.indirect_vreg.gather [hbm4b:s3+s2], $0x80, v3, vm0, $0xb8;
	[tilespmem:$0x10080] =	vst v63  }
0x3c: {  	s26 =	simm.s32 $0x6880  }
0x3d: {  	[tilespmem:s26], [sflag:$0x1] =	stream.indirect_vreg.gather [hbm4b:s4+s2], $0x80, v3, vm0, $0xb8;
	[tilespmem:$0x10080] =	vst v63  }
0x3e: {  	s28 =	simm.s32 $0x7080  }
0x3f: {  	[tilespmem:s28], [sflag:$0x1] =	stream.indirect_vreg.gather [hbm4b:s5+s2], $0x80, v3, vm0, $0xb8;
	[tilespmem:$0x10080] =	vst v63  }
0x40: {  	s29 =	simm.s32 $0x7880  }
0x41: {  	[tilespmem:s29], [sflag:$0x1] =	stream.indirect_vreg.gather [hbm4b:s6+s2], $0x80, v3, vm0, $0xb8;
	[tilespmem:$0x10080] =	vst v63  }
0x42: {  	v3 =	vld [tilespmem:$0x20];
	_ =	sdelay $0x4  }
0x43: {  	v50 =	vshll.u32 v3, $0x3  }
0x44: {  	v3 =	vand.u32 $0x7, v3;
	v4 =	vand.u32 $0xFFFFFFC0, v50  }
0x45: {  	v3 =	vor.u32 v3, v4  }
0x46: {  	v4 =	vperm.xlane v3, v0;
	_ =	sdelay $0x1  }
0x47: {  	v4 =	vadd.s32 v1, v4;
	_ =	sdelay $0x3  }
0x48: {  	s30 =	simm.s32 $0x8080  }
0x49: {  	[tilespmem:s30], [sflag:$0x1] =	stream.indirect_vreg.gather [hbm4b:s3+s2], $0x80, v4, vm0, $0xb8;
	[tilespmem:$0x10080] =	vst v63  }
0x4a: {  	s16 =	simm.s32 $0x8880;
	v3 =	vperm.xlane v3, v2  }
0x4b: {  	[tilespmem:s16], [sflag:$0x1] =	stream.indirect_vreg.gather [hbm4b:s4+s2], $0x80, v4, vm0, $0xb8;
	[tilespmem:$0x10080] =	vst v63  }
0x4c: {  	s17 =	simm.s32 $0x9080;
	v3 =	vadd.s32 v1, v3  }
0x4d: {  	[tilespmem:s17], [sflag:$0x1] =	stream.indirect_vreg.gather [hbm4b:s5+s2], $0x80, v4, vm0, $0xb8;
	[tilespmem:$0x10080] =	vst v63  }
0x4e: {  	s19 =	simm.s32 $0x9880  }
0x4f: {  	[tilespmem:s19], [sflag:$0x1] =	stream.indirect_vreg.gather [hbm4b:s6+s2], $0x80, v4, vm0, $0xb8;
	[tilespmem:$0x10080] =	vst v63  }
0x50: {  	s20 =	simm.s32 $0xA080  }
0x51: {  	[tilespmem:s20], [sflag:$0x1] =	stream.indirect_vreg.gather [hbm4b:s3+s2], $0x80, v3, vm0, $0xb8;
	[tilespmem:$0x10080] =	vst v63  }
0x52: {  	s21 =	simm.s32 $0xA880  }
0x53: {  	[tilespmem:s21], [sflag:$0x1] =	stream.indirect_vreg.gather [hbm4b:s4+s2], $0x80, v3, vm0, $0xb8;
	[tilespmem:$0x10080] =	vst v63  }
0x54: {  	s22 =	simm.s32 $0xB080  }
0x55: {  	[tilespmem:s22], [sflag:$0x1] =	stream.indirect_vreg.gather [hbm4b:s5+s2], $0x80, v3, vm0, $0xb8;
	[tilespmem:$0x10080] =	vst v63  }
0x56: {  	s24 =	simm.s32 $0xB880  }
0x57: {  	[tilespmem:s24], [sflag:$0x1] =	stream.indirect_vreg.gather [hbm4b:s6+s2], $0x80, v3, vm0, $0xb8;
	[tilespmem:$0x10080] =	vst v63  }
0x58: {  	v3 =	vld [tilespmem:$0x30];
	_ =	sdelay $0x4  }
0x59: {  	v51 =	vshll.u32 v3, $0x3  }
0x5a: {  	v3 =	vand.u32 $0x7, v3;
	v4 =	vand.u32 $0xFFFFFFC0, v51  }
0x5b: {  	v3 =	vor.u32 v3, v4  }
0x5c: {  	v4 =	vperm.xlane v3, v0;
	_ =	sdelay $0x1  }
0x5d: {  	v4 =	vadd.s32 v1, v4;
	_ =	sdelay $0x3  }
0x5e: {  	s25 =	simm.s32 $0xC080  }
0x5f: {  	[tilespmem:s25], [sflag:$0x1] =	stream.indirect_vreg.gather [hbm4b:s3+s2], $0x80, v4, vm0, $0xb8;
	[tilespmem:$0x10080] =	vst v63  }
0x60: {  	s26 =	simm.s32 $0xC880;
	v3 =	vperm.xlane v3, v2  }
0x61: {  	[tilespmem:s26], [sflag:$0x1] =	stream.indirect_vreg.gather [hbm4b:s4+s2], $0x80, v4, vm0, $0xb8;
	[tilespmem:$0x10080] =	vst v63  }
0x62: {  	s29 =	simm.s32 $0xD080;
	v3 =	vadd.s32 v1, v3  }
0x63: {  	[tilespmem:s29], [sflag:$0x1] =	stream.indirect_vreg.gather [hbm4b:s5+s2], $0x80, v4, vm0, $0xb8;
	[tilespmem:$0x10080] =	vst v63  }
0x64: {  	s0 =	simm.s32 $0xD880  }
0x65: {  	[tilespmem:s0], [sflag:$0x1] =	stream.indirect_vreg.gather [hbm4b:s6+s2], $0x80, v4, vm0, $0xb8;
	[tilespmem:$0x10080] =	vst v63  }
0x66: {  	s16 =	simm.s32 $0xE080  }
0x67: {  	[tilespmem:s16], [sflag:$0x1] =	stream.indirect_vreg.gather [hbm4b:s3+s2], $0x80, v3, vm0, $0xb8;
	[tilespmem:$0x10080] =	vst v63  }
0x68: {  	s17 =	simm.s32 $0xE880  }
0x69: {  	[tilespmem:s17], [sflag:$0x1] =	stream.indirect_vreg.gather [hbm4b:s4+s2], $0x80, v3, vm0, $0xb8;
	[tilespmem:$0x10080] =	vst v63  }
0x6a: {  	s24 =	simm.s32 $0xF080  }
0x6b: {  	[tilespmem:s24], [sflag:$0x1] =	stream.indirect_vreg.gather [hbm4b:s5+s2], $0x80, v3, vm0, $0xb8;
	[tilespmem:$0x10080] =	vst v63  }
0x6c: {  	s25 =	simm.s32 $0xF880  }
0x6d: {  	[tilespmem:s25], [sflag:$0x1] =	stream.indirect_vreg.gather [hbm4b:s6+s2], $0x80, v3, vm0, $0xb8;
	[tilespmem:$0x10080] =	vst v63  }
0x6e: {  	_ =	swait.ge [sflag:s18], $0x10000  }
0x6f: {  	[sflag:s18] =	ssyncset.done $0x0  }
0x70: {  	s0 =	rddreg [dreg:$0x3];
	[sflag:s18] =	ssyncadd.s32 $0xFFFF0000  }
0x71: {  	[hbm4b:s0+s2] =	stream.linear.scatter [tilespmem:s23], [sflag:$0x2], $0x10000, $0x38;
	[tilespmem:$0x10080] =	vst v63  }
0x72: {  	_ =	swait.ge [sflag:s8], $0x10000  }
0x73: {  	[sflag:s8] =	ssyncset.done $0x0  }
0x74: {  	s16 =	rddreg [dreg:$0x4];
	[sflag:s8] =	ssyncadd.s32 $0xFFFF0000  }
0x75: {  	[tilespmem:s2], [sflag:$0x2] =	stream.linear.gather [hbm4b:s16+s2], $0x40, $0x38;
	[tilespmem:$0x10080] =	vst v63  }
0x76: {  	_ =	swait.ge [sflag:s8], $0x40  }
0x77: {  	[sflag:s8] =	ssyncset.done $0x0  }
0x78: {  	[sflag:s8] =	ssyncadd.s32 $0xFFFFFFC0  }
0x79: {  	v3 =	vld [tilespmem:$0x0];
	_ =	sdelay $0x4  }
0x7a: {  	v52 =	vshll.u32 v3, $0x3  }
0x7b: {  	v3 =	vand.u32 $0x7, v3;
	v4 =	vand.u32 $0xFFFFFFC0, v52  }
0x7c: {  	v3 =	vor.u32 v3, v4  }
0x7d: {  	v4 =	vperm.xlane v3, v0;
	_ =	sdelay $0x1  }
0x7e: {  	v4 =	vadd.s32 v1, v4;
	_ =	sdelay $0x4  }
0x7f: {  	[tilespmem:s23], [sflag:$0x1] =	stream.indirect_vreg.gather [hbm4b:s3+s2], $0x80, v4, vm0, $0xb8;
	[tilespmem:$0x10080] =	vst v63  }
0x80: {  	s14 =	simm.s32 $0x880;
	v3 =	vperm.xlane v3, v2  }
0x81: {  	[tilespmem:s14], [sflag:$0x1] =	stream.indirect_vreg.gather [hbm4b:s4+s2], $0x80, v4, vm0, $0xb8;
	[tilespmem:$0x10080] =	vst v63  }
0x82: {  	s1 =	simm.s32 $0x1080;
	v3 =	vadd.s32 v1, v3  }
0x83: {  	[tilespmem:s1], [sflag:$0x1] =	stream.indirect_vreg.gather [hbm4b:s5+s2], $0x80, v4, vm0, $0xb8;
	[tilespmem:$0x10080] =	vst v63  }
0x84: {  	s9 =	simm.s32 $0x1880  }
0x85: {  	[tilespmem:s9], [sflag:$0x1] =	stream.indirect_vreg.gather [hbm4b:s6+s2], $0x80, v4, vm0, $0xb8;
	[tilespmem:$0x10080] =	vst v63  }
0x86: {  	s10 =	simm.s32 $0x2080  }
0x87: {  	[tilespmem:s10], [sflag:$0x1] =	stream.indirect_vreg.gather [hbm4b:s3+s2], $0x80, v3, vm0, $0xb8;
	[tilespmem:$0x10080] =	vst v63  }
0x88: {  	s11 =	simm.s32 $0x2880  }
0x89: {  	[tilespmem:s11], [sflag:$0x1] =	stream.indirect_vreg.gather [hbm4b:s4+s2], $0x80, v3, vm0, $0xb8;
	[tilespmem:$0x10080] =	vst v63  }
0x8a: {  	s12 =	simm.s32 $0x3080  }
0x8b: {  	[tilespmem:s12], [sflag:$0x1] =	stream.indirect_vreg.gather [hbm4b:s5+s2], $0x80, v3, vm0, $0xb8;
	[tilespmem:$0x10080] =	vst v63  }
0x8c: {  	s15 =	simm.s32 $0x3880  }
0x8d: {  	[tilespmem:s15], [sflag:$0x1] =	stream.indirect_vreg.gather [hbm4b:s6+s2], $0x80, v3, vm0, $0xb8;
	[tilespmem:$0x10080] =	vst v63  }
0x8e: {  	v3 =	vld [tilespmem:$0x10];
	_ =	sdelay $0x4  }
0x8f: {  	v53 =	vshll.u32 v3, $0x3  }
0x90: {  	v3 =	vand.u32 $0x7, v3;
	v4 =	vand.u32 $0xFFFFFFC0, v53  }
0x91: {  	v3 =	vor.u32 v3, v4  }
0x92: {  	v4 =	vperm.xlane v3, v0;
	_ =	sdelay $0x1  }
0x93: {  	v4 =	vadd.s32 v1, v4;
	_ =	sdelay $0x3  }
0x94: {  	s16 =	simm.s32 $0x4080  }
0x95: {  	[tilespmem:s16], [sflag:$0x1] =	stream.indirect_vreg.gather [hbm4b:s3+s2], $0x80, v4, vm0, $0xb8;
	[tilespmem:$0x10080] =	vst v63  }
0x96: {  	s31 =	simm.s32 $0x4880;
	v3 =	vperm.xlane v3, v2  }
0x97: {  	[tilespmem:s31], [sflag:$0x1] =	stream.indirect_vreg.gather [hbm4b:s4+s2], $0x80, v4, vm0, $0xb8;
	[tilespmem:$0x10080] =	vst v63  }
0x98: {  	s13 =	simm.s32 $0x5080;
	v3 =	vadd.s32 v1, v3  }
0x99: {  	[tilespmem:s13], [sflag:$0x1] =	stream.indirect_vreg.gather [hbm4b:s5+s2], $0x80, v4, vm0, $0xb8;
	[tilespmem:$0x10080] =	vst v63  }
0x9a: {  	s31 =	simm.s32 $0x5880  }
0x9b: {  	[tilespmem:s31], [sflag:$0x1] =	stream.indirect_vreg.gather [hbm4b:s6+s2], $0x80, v4, vm0, $0xb8;
	[tilespmem:$0x10080] =	vst v63  }
0x9c: {  	s0 =	simm.s32 $0x6080  }
0x9d: {  	[tilespmem:s0], [sflag:$0x1] =	stream.indirect_vreg.gather [hbm4b:s3+s2], $0x80, v3, vm0, $0xb8;
	[tilespmem:$0x10080] =	vst v63  }
0x9e: {  	s1 =	simm.s32 $0x6880  }
0x9f: {  	[tilespmem:s1], [sflag:$0x1] =	stream.indirect_vreg.gather [hbm4b:s4+s2], $0x80, v3, vm0, $0xb8;
	[tilespmem:$0x10080] =	vst v63  }
0xa0: {  	s9 =	simm.s32 $0x7080  }
0xa1: {  	[tilespmem:s9], [sflag:$0x1] =	stream.indirect_vreg.gather [hbm4b:s5+s2], $0x80, v3, vm0, $0xb8;
	[tilespmem:$0x10080] =	vst v63  }
0xa2: {  	s13 =	simm.s32 $0x7880  }
0xa3: {  	[tilespmem:s13], [sflag:$0x1] =	stream.indirect_vreg.gather [hbm4b:s6+s2], $0x80, v3, vm0, $0xb8;
	[tilespmem:$0x10080] =	vst v63  }
0xa4: {  	v3 =	vld [tilespmem:$0x20];
	_ =	sdelay $0x4  }
0xa5: {  	v54 =	vshll.u32 v3, $0x3  }
0xa6: {  	v3 =	vand.u32 $0x7, v3;
	v4 =	vand.u32 $0xFFFFFFC0, v54  }
0xa7: {  	v3 =	vor.u32 v3, v4  }
0xa8: {  	v4 =	vperm.xlane v3, v0;
	_ =	sdelay $0x1  }
0xa9: {  	v4 =	vadd.s32 v1, v4;
	_ =	sdelay $0x3  }
0xaa: {  	s14 =	simm.s32 $0x8080  }
0xab: {  	[tilespmem:s14], [sflag:$0x1] =	stream.indirect_vreg.gather [hbm4b:s3+s2], $0x80, v4, vm0, $0xb8;
	[tilespmem:$0x10080] =	vst v63  }
0xac: {  	s15 =	simm.s32 $0x8880;
	v3 =	vperm.xlane v3, v2  }
0xad: {  	[tilespmem:s15], [sflag:$0x1] =	stream.indirect_vreg.gather [hbm4b:s4+s2], $0x80, v4, vm0, $0xb8;
	[tilespmem:$0x10080] =	vst v63  }
0xae: {  	s10 =	simm.s32 $0x9080;
	v3 =	vadd.s32 v1, v3  }
0xaf: {  	[tilespmem:s10], [sflag:$0x1] =	stream.indirect_vreg.gather [hbm4b:s5+s2], $0x80, v4, vm0, $0xb8;
	[tilespmem:$0x10080] =	vst v63  }
0xb0: {  	s11 =	simm.s32 $0x9880  }
0xb1: {  	[tilespmem:s11], [sflag:$0x1] =	stream.indirect_vreg.gather [hbm4b:s6+s2], $0x80, v4, vm0, $0xb8;
	[tilespmem:$0x10080] =	vst v63  }
0xb2: {  	s12 =	simm.s32 $0xA080  }
0xb3: {  	[tilespmem:s12], [sflag:$0x1] =	stream.indirect_vreg.gather [hbm4b:s3+s2], $0x80, v3, vm0, $0xb8;
	[tilespmem:$0x10080] =	vst v63  }
0xb4: {  	s30 =	simm.s32 $0xA880  }
0xb5: {  	[tilespmem:s30], [sflag:$0x1] =	stream.indirect_vreg.gather [hbm4b:s4+s2], $0x80, v3, vm0, $0xb8;
	[tilespmem:$0x10080] =	vst v63  }
0xb6: {  	s28 =	simm.s32 $0xB080  }
0xb7: {  	[tilespmem:s28], [sflag:$0x1] =	stream.indirect_vreg.gather [hbm4b:s5+s2], $0x80, v3, vm0, $0xb8;
	[tilespmem:$0x10080] =	vst v63  }
0xb8: {  	s20 =	simm.s32 $0xB880  }
0xb9: {  	[tilespmem:s20], [sflag:$0x1] =	stream.indirect_vreg.gather [hbm4b:s6+s2], $0x80, v3, vm0, $0xb8;
	[tilespmem:$0x10080] =	vst v63  }
0xba: {  	v3 =	vld [tilespmem:$0x30];
	_ =	sdelay $0x4  }
0xbb: {  	v55 =	vshll.u32 v3, $0x3  }
0xbc: {  	v3 =	vand.u32 $0x7, v3;
	v4 =	vand.u32 $0xFFFFFFC0, v55  }
0xbd: {  	v3 =	vor.u32 v3, v4  }
0xbe: {  	v4 =	vperm.xlane v3, v0;
	_ =	sdelay $0x1  }
0xbf: {  	v4 =	vadd.s32 v1, v4;
	_ =	sdelay $0x3  }
0xc0: {  	s21 =	simm.s32 $0xC080  }
0xc1: {  	[tilespmem:s21], [sflag:$0x1] =	stream.indirect_vreg.gather [hbm4b:s3+s2], $0x80, v4, vm0, $0xb8;
	[tilespmem:$0x10080] =	vst v63  }
0xc2: {  	s22 =	simm.s32 $0xC880;
	v3 =	vperm.xlane v3, v2  }
0xc3: {  	[tilespmem:s22], [sflag:$0x1] =	stream.indirect_vreg.gather [hbm4b:s4+s2], $0x80, v4, vm0, $0xb8;
	[tilespmem:$0x10080] =	vst v63  }
0xc4: {  	v3 =	vadd.s32 v1, v3;
	s22 =	simm.s32 $0xD080  }
0xc5: {  	[tilespmem:s22], [sflag:$0x1] =	stream.indirect_vreg.gather [hbm4b:s5+s2], $0x80, v4, vm0, $0xb8;
	[tilespmem:$0x10080] =	vst v63  }
0xc6: {  	s26 =	simm.s32 $0xD880  }
0xc7: {  	[tilespmem:s26], [sflag:$0x1] =	stream.indirect_vreg.gather [hbm4b:s6+s2], $0x80, v4, vm0, $0xb8;
	[tilespmem:$0x10080] =	vst v63  }
0xc8: {  	s29 =	simm.s32 $0xE080  }
0xc9: {  	[tilespmem:s29], [sflag:$0x1] =	stream.indirect_vreg.gather [hbm4b:s3+s2], $0x80, v3, vm0, $0xb8;
	[tilespmem:$0x10080] =	vst v63  }
0xca: {  	s26 =	simm.s32 $0xE880  }
0xcb: {  	[tilespmem:s26], [sflag:$0x1] =	stream.indirect_vreg.gather [hbm4b:s4+s2], $0x80, v3, vm0, $0xb8;
	[tilespmem:$0x10080] =	vst v63  }
0xcc: {  	s30 =	simm.s32 $0xF080  }
0xcd: {  	[tilespmem:s30], [sflag:$0x1] =	stream.indirect_vreg.gather [hbm4b:s5+s2], $0x80, v3, vm0, $0xb8;
	[tilespmem:$0x10080] =	vst v63  }
0xce: {  	s17 =	simm.s32 $0xF880  }
0xcf: {  	[tilespmem:s17], [sflag:$0x1] =	stream.indirect_vreg.gather [hbm4b:s6+s2], $0x80, v3, vm0, $0xb8;
	[tilespmem:$0x10080] =	vst v63  }
0xd0: {  	_ =	swait.ge [sflag:s18], $0x10000  }
0xd1: {  	[sflag:s18] =	ssyncset.done $0x0  }
0xd2: {  	s21 =	rddreg [dreg:$0x5];
	[sflag:s18] =	ssyncadd.s32 $0xFFFF0000  }
0xd3: {  	[hbm4b:s21+s2] =	stream.linear.scatter [tilespmem:s23], [sflag:$0x2], $0x10000, $0x38;
	[tilespmem:$0x10080] =	vst v63  }
0xd4: {  	_ =	swait.ge [sflag:s8], $0x10000  }
0xd5: {  	[sflag:s8] =	ssyncset.done $0x0  }
0xd6: {  	s17 =	rddreg [dreg:$0x6];
	[sflag:s8] =	ssyncadd.s32 $0xFFFF0000  }
0xd7: {  	[tilespmem:s2], [sflag:$0x2] =	stream.linear.gather [hbm4b:s17+s2], $0x40, $0x38;
	[tilespmem:$0x10080] =	vst v63  }
0xd8: {  	_ =	swait.ge [sflag:s8], $0x40  }
0xd9: {  	[sflag:s8] =	ssyncset.done $0x0  }
0xda: {  	[sflag:s8] =	ssyncadd.s32 $0xFFFFFFC0  }
0xdb: {  	v3 =	vld [tilespmem:$0x0];
	_ =	sdelay $0x4  }
0xdc: {  	v56 =	vshll.u32 v3, $0x3  }
0xdd: {  	v3 =	vand.u32 $0x7, v3;
	v4 =	vand.u32 $0xFFFFFFC0, v56  }
0xde: {  	v3 =	vor.u32 v3, v4  }
0xdf: {  	v4 =	vperm.xlane v3, v0;
	_ =	sdelay $0x1  }
0xe0: {  	v4 =	vadd.s32 v1, v4;
	_ =	sdelay $0x4  }
0xe1: {  	[tilespmem:s23], [sflag:$0x1] =	stream.indirect_vreg.gather [hbm4b:s3+s2], $0x80, v4, vm0, $0xb8;
	[tilespmem:$0x10080] =	vst v63  }
0xe2: {  	s21 =	simm.s32 $0x880;
	v3 =	vperm.xlane v3, v2  }
0xe3: {  	[tilespmem:s21], [sflag:$0x1] =	stream.indirect_vreg.gather [hbm4b:s4+s2], $0x80, v4, vm0, $0xb8;
	[tilespmem:$0x10080] =	vst v63  }
0xe4: {  	s25 =	simm.s32 $0x1080;
	v3 =	vadd.s32 v1, v3  }
0xe5: {  	[tilespmem:s25], [sflag:$0x1] =	stream.indirect_vreg.gather [hbm4b:s5+s2], $0x80, v4, vm0, $0xb8;
	[tilespmem:$0x10080] =	vst v63  }
0xe6: {  	s25 =	simm.s32 $0x1880  }
0xe7: {  	[tilespmem:s25], [sflag:$0x1] =	stream.indirect_vreg.gather [hbm4b:s6+s2], $0x80, v4, vm0, $0xb8;
	[tilespmem:$0x10080] =	vst v63  }
0xe8: {  	s19 =	simm.s32 $0x2080  }
0xe9: {  	[tilespmem:s19], [sflag:$0x1] =	stream.indirect_vreg.gather [hbm4b:s3+s2], $0x80, v3, vm0, $0xb8;
	[tilespmem:$0x10080] =	vst v63  }
0xea: {  	s25 =	simm.s32 $0x2880  }
0xeb: {  	[tilespmem:s25], [sflag:$0x1] =	stream.indirect_vreg.gather [hbm4b:s4+s2], $0x80, v3, vm0, $0xb8;
	[tilespmem:$0x10080] =	vst v63  }
0xec: {  	s19 =	simm.s32 $0x3080  }
0xed: {  	[tilespmem:s19], [sflag:$0x1] =	stream.indirect_vreg.gather [hbm4b:s5+s2], $0x80, v3, vm0, $0xb8;
	[tilespmem:$0x10080] =	vst v63  }
0xee: {  	s25 =	simm.s32 $0x3880  }
0xef: {  	[tilespmem:s25], [sflag:$0x1] =	stream.indirect_vreg.gather [hbm4b:s6+s2], $0x80, v3, vm0, $0xb8;
	[tilespmem:$0x10080] =	vst v63  }
0xf0: {  	v3 =	vld [tilespmem:$0x10];
	_ =	sdelay $0x4  }
0xf1: {  	v57 =	vshll.u32 v3, $0x3  }
0xf2: {  	v3 =	vand.u32 $0x7, v3;
	v4 =	vand.u32 $0xFFFFFFC0, v57  }
0xf3: {  	v3 =	vor.u32 v3, v4  }
0xf4: {  	v4 =	vperm.xlane v3, v0;
	_ =	sdelay $0x1  }
0xf5: {  	v4 =	vadd.s32 v1, v4;
	_ =	sdelay $0x4  }
0xf6: {  	[tilespmem:s16], [sflag:$0x1] =	stream.indirect_vreg.gather [hbm4b:s3+s2], $0x80, v4, vm0, $0xb8;
	[tilespmem:$0x10080] =	vst v63  }
0xf7: {  	s19 =	simm.s32 $0x4880;
	v3 =	vperm.xlane v3, v2  }
0xf8: {  	[tilespmem:s19], [sflag:$0x1] =	stream.indirect_vreg.gather [hbm4b:s4+s2], $0x80, v4, vm0, $0xb8;
	[tilespmem:$0x10080] =	vst v63  }
0xf9: {  	s25 =	simm.s32 $0x5080;
	v3 =	vadd.s32 v1, v3  }
0xfa: {  	[tilespmem:s25], [sflag:$0x1] =	stream.indirect_vreg.gather [hbm4b:s5+s2], $0x80, v4, vm0, $0xb8;
	[tilespmem:$0x10080] =	vst v63  }
0xfb: {  	_ = 	snop  }
0xfc: {  	[tilespmem:s31], [sflag:$0x1] =	stream.indirect_vreg.gather [hbm4b:s6+s2], $0x80, v4, vm0, $0xb8;
	[tilespmem:$0x10080] =	vst v63  }
0xfd: {  	_ = 	snop  }
0xfe: {  	[tilespmem:s0], [sflag:$0x1] =	stream.indirect_vreg.gather [hbm4b:s3+s2], $0x80, v3, vm0, $0xb8;
	[tilespmem:$0x10080] =	vst v63  }
0xff: {  	_ = 	snop  }
0x100: {  	[tilespmem:s1], [sflag:$0x1] =	stream.indirect_vreg.gather [hbm4b:s4+s2], $0x80, v3, vm0, $0xb8;
	[tilespmem:$0x10080] =	vst v63  }
0x101: {  	_ = 	snop  }
0x102: {  	[tilespmem:s9], [sflag:$0x1] =	stream.indirect_vreg.gather [hbm4b:s5+s2], $0x80, v3, vm0, $0xb8;
	[tilespmem:$0x10080] =	vst v63  }
0x103: {  	_ = 	snop  }
0x104: {  	[tilespmem:s13], [sflag:$0x1] =	stream.indirect_vreg.gather [hbm4b:s6+s2], $0x80, v3, vm0, $0xb8;
	[tilespmem:$0x10080] =	vst v63  }
0x105: {  	v3 =	vld [tilespmem:$0x20];
	_ =	sdelay $0x4  }
0x106: {  	v58 =	vshll.u32 v3, $0x3  }
0x107: {  	v3 =	vand.u32 $0x7, v3;
	v4 =	vand.u32 $0xFFFFFFC0, v58  }
0x108: {  	v3 =	vor.u32 v3, v4  }
0x109: {  	v4 =	vperm.xlane v3, v0;
	_ =	sdelay $0x1  }
0x10a: {  	v4 =	vadd.s32 v1, v4;
	_ =	sdelay $0x4  }
0x10b: {  	[tilespmem:s14], [sflag:$0x1] =	stream.indirect_vreg.gather [hbm4b:s3+s2], $0x80, v4, vm0, $0xb8;
	[tilespmem:$0x10080] =	vst v63  }
0x10c: {  	v3 =	vperm.xlane v3, v2  }
0x10d: {  	[tilespmem:s15], [sflag:$0x1] =	stream.indirect_vreg.gather [hbm4b:s4+s2], $0x80, v4, vm0, $0xb8;
	[tilespmem:$0x10080] =	vst v63  }
0x10e: {  	v3 =	vadd.s32 v1, v3  }
0x10f: {  	[tilespmem:s10], [sflag:$0x1] =	stream.indirect_vreg.gather [hbm4b:s5+s2], $0x80, v4, vm0, $0xb8;
	[tilespmem:$0x10080] =	vst v63  }
0x110: {  	_ = 	snop  }
0x111: {  	[tilespmem:s11], [sflag:$0x1] =	stream.indirect_vreg.gather [hbm4b:s6+s2], $0x80, v4, vm0, $0xb8;
	[tilespmem:$0x10080] =	vst v63  }
0x112: {  	_ = 	snop  }
0x113: {  	[tilespmem:s12], [sflag:$0x1] =	stream.indirect_vreg.gather [hbm4b:s3+s2], $0x80, v3, vm0, $0xb8;
	[tilespmem:$0x10080] =	vst v63  }
0x114: {  	s24 =	simm.s32 $0xA880  }
0x115: {  	[tilespmem:s24], [sflag:$0x1] =	stream.indirect_vreg.gather [hbm4b:s4+s2], $0x80, v3, vm0, $0xb8;
	[tilespmem:$0x10080] =	vst v63  }
0x116: {  	s28 =	simm.s32 $0xB080  }
0x117: {  	[tilespmem:s28], [sflag:$0x1] =	stream.indirect_vreg.gather [hbm4b:s5+s2], $0x80, v3, vm0, $0xb8;
	[tilespmem:$0x10080] =	vst v63  }
0x118: {  	s28 =	simm.s32 $0xB880  }
0x119: {  	[tilespmem:s28], [sflag:$0x1] =	stream.indirect_vreg.gather [hbm4b:s6+s2], $0x80, v3, vm0, $0xb8;
	[tilespmem:$0x10080] =	vst v63  }
0x11a: {  	v3 =	vld [tilespmem:$0x30];
	_ =	sdelay $0x4  }
0x11b: {  	v59 =	vshll.u32 v3, $0x3  }
0x11c: {  	v3 =	vand.u32 $0x7, v3;
	v4 =	vand.u32 $0xFFFFFFC0, v59  }
0x11d: {  	v3 =	vor.u32 v3, v4  }
0x11e: {  	v4 =	vperm.xlane v3, v0;
	_ =	sdelay $0x1  }
0x11f: {  	v4 =	vadd.s32 v1, v4;
	_ =	sdelay $0x3  }
0x120: {  	s24 =	simm.s32 $0xC080  }
0x121: {  	[tilespmem:s24], [sflag:$0x1] =	stream.indirect_vreg.gather [hbm4b:s3+s2], $0x80, v4, vm0, $0xb8;
	[tilespmem:$0x10080] =	vst v63  }
0x122: {  	s25 =	simm.s32 $0xC880;
	v3 =	vperm.xlane v3, v2  }
0x123: {  	[tilespmem:s25], [sflag:$0x1] =	stream.indirect_vreg.gather [hbm4b:s4+s2], $0x80, v4, vm0, $0xb8;
	[tilespmem:$0x10080] =	vst v63  }
0x124: {  	s20 =	simm.s32 $0xD080;
	v3 =	vadd.s32 v1, v3  }
0x125: {  	[tilespmem:s20], [sflag:$0x1] =	stream.indirect_vreg.gather [hbm4b:s5+s2], $0x80, v4, vm0, $0xb8;
	[tilespmem:$0x10080] =	vst v63  }
0x126: {  	s22 =	simm.s32 $0xD880  }
0x127: {  	[tilespmem:s22], [sflag:$0x1] =	stream.indirect_vreg.gather [hbm4b:s6+s2], $0x80, v4, vm0, $0xb8;
	[tilespmem:$0x10080] =	vst v63  }
0x128: {  	s29 =	simm.s32 $0xE080  }
0x129: {  	[tilespmem:s29], [sflag:$0x1] =	stream.indirect_vreg.gather [hbm4b:s3+s2], $0x80, v3, vm0, $0xb8;
	[tilespmem:$0x10080] =	vst v63  }
0x12a: {  	s26 =	simm.s32 $0xE880  }
0x12b: {  	[tilespmem:s26], [sflag:$0x1] =	stream.indirect_vreg.gather [hbm4b:s4+s2], $0x80, v3, vm0, $0xb8;
	[tilespmem:$0x10080] =	vst v63  }
0x12c: {  	s30 =	simm.s32 $0xF080  }
0x12d: {  	[tilespmem:s30], [sflag:$0x1] =	stream.indirect_vreg.gather [hbm4b:s5+s2], $0x80, v3, vm0, $0xb8;
	[tilespmem:$0x10080] =	vst v63  }
0x12e: {  	s26 =	simm.s32 $0xF880  }
0x12f: {  	[tilespmem:s26], [sflag:$0x1] =	stream.indirect_vreg.gather [hbm4b:s6+s2], $0x80, v3, vm0, $0xb8;
	[tilespmem:$0x10080] =	vst v63  }
0x130: {  	_ =	swait.ge [sflag:s18], $0x10000  }
0x131: {  	[sflag:s18] =	ssyncset.done $0x0  }
0x132: {  	s29 =	rddreg [dreg:$0x7];
	[sflag:s18] =	ssyncadd.s32 $0xFFFF0000  }
0x133: {  	[hbm4b:s29+s2] =	stream.linear.scatter [tilespmem:s23], [sflag:$0x2], $0x10000, $0x38;
	[tilespmem:$0x10080] =	vst v63  }
0x134: {  	_ =	swait.ge [sflag:s8], $0x10000  }
0x135: {  	[sflag:s8] =	ssyncset.done $0x0  }
0x136: {  	s30 =	rddreg [dreg:$0x8];
	[sflag:s8] =	ssyncadd.s32 $0xFFFF0000  }
0x137: {  	[tilespmem:s2], [sflag:$0x2] =	stream.linear.gather [hbm4b:s30+s2], $0x40, $0x38;
	[tilespmem:$0x10080] =	vst v63  }
0x138: {  	_ =	swait.ge [sflag:s8], $0x40  }
0x139: {  	[sflag:s8] =	ssyncset.done $0x0  }
0x13a: {  	[sflag:s8] =	ssyncadd.s32 $0xFFFFFFC0  }
0x13b: {  	v3 =	vld [tilespmem:$0x0];
	_ =	sdelay $0x4  }
0x13c: {  	v60 =	vshll.u32 v3, $0x3  }
0x13d: {  	v3 =	vand.u32 $0x7, v3;
	v4 =	vand.u32 $0xFFFFFFC0, v60  }
0x13e: {  	v3 =	vor.u32 v3, v4  }
0x13f: {  	v4 =	vperm.xlane v3, v0;
	_ =	sdelay $0x1  }
0x140: {  	v4 =	vadd.s32 v1, v4;
	_ =	sdelay $0x4  }
0x141: {  	[tilespmem:s23], [sflag:$0x1] =	stream.indirect_vreg.gather [hbm4b:s3+s2], $0x80, v4, vm0, $0xb8;
	[tilespmem:$0x10080] =	vst v63  }
0x142: {  	s29 =	simm.s32 $0x880;
	v3 =	vperm.xlane v3, v2  }
0x143: {  	[tilespmem:s29], [sflag:$0x1] =	stream.indirect_vreg.gather [hbm4b:s4+s2], $0x80, v4, vm0, $0xb8;
	[tilespmem:$0x10080] =	vst v63  }
0x144: {  	s21 =	simm.s32 $0x1080;
	v3 =	vadd.s32 v1, v3  }
0x145: {  	[tilespmem:s21], [sflag:$0x1] =	stream.indirect_vreg.gather [hbm4b:s5+s2], $0x80, v4, vm0, $0xb8;
	[tilespmem:$0x10080] =	vst v63  }
0x146: {  	s30 =	simm.s32 $0x1880  }
0x147: {  	[tilespmem:s30], [sflag:$0x1] =	stream.indirect_vreg.gather [hbm4b:s6+s2], $0x80, v4, vm0, $0xb8;
	[tilespmem:$0x10080] =	vst v63  }
0x148: {  	s21 =	simm.s32 $0x2080  }
0x149: {  	[tilespmem:s21], [sflag:$0x1] =	stream.indirect_vreg.gather [hbm4b:s3+s2], $0x80, v3, vm0, $0xb8;
	[tilespmem:$0x10080] =	vst v63  }
0x14a: {  	s29 =	simm.s32 $0x2880  }
0x14b: {  	[tilespmem:s29], [sflag:$0x1] =	stream.indirect_vreg.gather [hbm4b:s4+s2], $0x80, v3, vm0, $0xb8;
	[tilespmem:$0x10080] =	vst v63  }
0x14c: {  	s30 =	simm.s32 $0x3080  }
0x14d: {  	[tilespmem:s30], [sflag:$0x1] =	stream.indirect_vreg.gather [hbm4b:s5+s2], $0x80, v3, vm0, $0xb8;
	[tilespmem:$0x10080] =	vst v63  }
0x14e: {  	s21 =	simm.s32 $0x3880  }
0x14f: {  	[tilespmem:s21], [sflag:$0x1] =	stream.indirect_vreg.gather [hbm4b:s6+s2], $0x80, v3, vm0, $0xb8;
	[tilespmem:$0x10080] =	vst v63  }
0x150: {  	v3 =	vld [tilespmem:$0x10];
	_ =	sdelay $0x4  }
0x151: {  	v61 =	vshll.u32 v3, $0x3  }
0x152: {  	v3 =	vand.u32 $0x7, v3;
	v4 =	vand.u32 $0xFFFFFFC0, v61  }
0x153: {  	v3 =	vor.u32 v3, v4  }
0x154: {  	v4 =	vperm.xlane v3, v0;
	_ =	sdelay $0x1  }
0x155: {  	v4 =	vadd.s32 v1, v4;
	_ =	sdelay $0x3  }
0x156: {  	s16 =	simm.s32 $0x4080  }
0x157: {  	[tilespmem:s16], [sflag:$0x1] =	stream.indirect_vreg.gather [hbm4b:s3+s2], $0x80, v4, vm0, $0xb8;
	[tilespmem:$0x10080] =	vst v63  }
0x158: {  	s29 =	simm.s32 $0x4880;
	v3 =	vperm.xlane v3, v2  }
0x159: {  	[tilespmem:s29], [sflag:$0x1] =	stream.indirect_vreg.gather [hbm4b:s4+s2], $0x80, v4, vm0, $0xb8;
	[tilespmem:$0x10080] =	vst v63  }
0x15a: {  	s30 =	simm.s32 $0x5080;
	v3 =	vadd.s32 v1, v3  }
0x15b: {  	[tilespmem:s30], [sflag:$0x1] =	stream.indirect_vreg.gather [hbm4b:s5+s2], $0x80, v4, vm0, $0xb8;
	[tilespmem:$0x10080] =	vst v63  }
0x15c: {  	s17 =	simm.s32 $0x5880  }
0x15d: {  	[tilespmem:s17], [sflag:$0x1] =	stream.indirect_vreg.gather [hbm4b:s6+s2], $0x80, v4, vm0, $0xb8;
	[tilespmem:$0x10080] =	vst v63  }
0x15e: {  	s0 =	simm.s32 $0x6080  }
0x15f: {  	[tilespmem:s0], [sflag:$0x1] =	stream.indirect_vreg.gather [hbm4b:s3+s2], $0x80, v3, vm0, $0xb8;
	[tilespmem:$0x10080] =	vst v63  }
0x160: {  	s1 =	simm.s32 $0x6880  }
0x161: {  	[tilespmem:s1], [sflag:$0x1] =	stream.indirect_vreg.gather [hbm4b:s4+s2], $0x80, v3, vm0, $0xb8;
	[tilespmem:$0x10080] =	vst v63  }
0x162: {  	s9 =	simm.s32 $0x7080  }
0x163: {  	[tilespmem:s9], [sflag:$0x1] =	stream.indirect_vreg.gather [hbm4b:s5+s2], $0x80, v3, vm0, $0xb8;
	[tilespmem:$0x10080] =	vst v63  }
0x164: {  	s13 =	simm.s32 $0x7880  }
0x165: {  	[tilespmem:s13], [sflag:$0x1] =	stream.indirect_vreg.gather [hbm4b:s6+s2], $0x80, v3, vm0, $0xb8;
	[tilespmem:$0x10080] =	vst v63  }
0x166: {  	v3 =	vld [tilespmem:$0x20];
	_ =	sdelay $0x4  }
0x167: {  	v62 =	vshll.u32 v3, $0x3  }
0x168: {  	v3 =	vand.u32 $0x7, v3;
	v4 =	vand.u32 $0xFFFFFFC0, v62  }
0x169: {  	v3 =	vor.u32 v3, v4  }
0x16a: {  	v4 =	vperm.xlane v3, v0;
	_ =	sdelay $0x1  }
0x16b: {  	v4 =	vadd.s32 v1, v4;
	_ =	sdelay $0x3  }
0x16c: {  	s14 =	simm.s32 $0x8080  }
0x16d: {  	[tilespmem:s14], [sflag:$0x1] =	stream.indirect_vreg.gather [hbm4b:s3+s2], $0x80, v4, vm0, $0xb8;
	[tilespmem:$0x10080] =	vst v63  }
0x16e: {  	s15 =	simm.s32 $0x8880;
	v3 =	vperm.xlane v3, v2  }
0x16f: {  	[tilespmem:s15], [sflag:$0x1] =	stream.indirect_vreg.gather [hbm4b:s4+s2], $0x80, v4, vm0, $0xb8;
	[tilespmem:$0x10080] =	vst v63  }
0x170: {  	s10 =	simm.s32 $0x9080;
	v3 =	vadd.s32 v1, v3  }
0x171: {  	[tilespmem:s10], [sflag:$0x1] =	stream.indirect_vreg.gather [hbm4b:s5+s2], $0x80, v4, vm0, $0xb8;
	[tilespmem:$0x10080] =	vst v63  }
0x172: {  	s11 =	simm.s32 $0x9880  }
0x173: {  	[tilespmem:s11], [sflag:$0x1] =	stream.indirect_vreg.gather [hbm4b:s6+s2], $0x80, v4, vm0, $0xb8;
	[tilespmem:$0x10080] =	vst v63  }
0x174: {  	s12 =	simm.s32 $0xA080  }
0x175: {  	[tilespmem:s12], [sflag:$0x1] =	stream.indirect_vreg.gather [hbm4b:s3+s2], $0x80, v3, vm0, $0xb8;
	[tilespmem:$0x10080] =	vst v63  }
0x176: {  	s31 =	simm.s32 $0xA880  }
0x177: {  	[tilespmem:s31], [sflag:$0x1] =	stream.indirect_vreg.gather [hbm4b:s4+s2], $0x80, v3, vm0, $0xb8;
	[tilespmem:$0x10080] =	vst v63  }
0x178: {  	s19 =	simm.s32 $0xB080  }
0x179: {  	[tilespmem:s19], [sflag:$0x1] =	stream.indirect_vreg.gather [hbm4b:s5+s2], $0x80, v3, vm0, $0xb8;
	[tilespmem:$0x10080] =	vst v63  }
0x17a: {  	s21 =	simm.s32 $0xB880  }
0x17b: {  	[tilespmem:s21], [sflag:$0x1] =	stream.indirect_vreg.gather [hbm4b:s6+s2], $0x80, v3, vm0, $0xb8;
	[tilespmem:$0x10080] =	vst v63  }
0x17c: {  	v3 =	vld [tilespmem:$0x30];
	_ =	sdelay $0x4  }
0x17d: {  	v63 =	vshll.u32 v3, $0x3  }
0x17e: {  	v3 =	vand.u32 $0x7, v3;
	v4 =	vand.u32 $0xFFFFFFC0, v63  }
0x17f: {  	v3 =	vor.u32 v3, v4  }
0x180: {  	v4 =	vperm.xlane v3, v0;
	_ =	sdelay $0x1  }
0x181: {  	v4 =	vadd.s32 v1, v4;
	_ =	sdelay $0x3  }
0x182: {  	s29 =	simm.s32 $0xC080  }
0x183: {  	[tilespmem:s29], [sflag:$0x1] =	stream.indirect_vreg.gather [hbm4b:s3+s2], $0x80, v4, vm0, $0xb8;
	[tilespmem:$0x10080] =	vst v63  }
0x184: {  	s30 =	simm.s32 $0xC880;
	v3 =	vperm.xlane v3, v2  }
0x185: {  	[tilespmem:s30], [sflag:$0x1] =	stream.indirect_vreg.gather [hbm4b:s4+s2], $0x80, v4, vm0, $0xb8;
	[tilespmem:$0x10080] =	vst v63  }
0x186: {  	s28 =	simm.s32 $0xD080;
	v3 =	vadd.s32 v1, v3  }
0x187: {  	[tilespmem:s28], [sflag:$0x1] =	stream.indirect_vreg.gather [hbm4b:s5+s2], $0x80, v4, vm0, $0xb8;
	[tilespmem:$0x10080] =	vst v63  }
0x188: {  	s20 =	simm.s32 $0xD880  }
0x189: {  	[tilespmem:s20], [sflag:$0x1] =	stream.indirect_vreg.gather [hbm4b:s6+s2], $0x80, v4, vm0, $0xb8;
	[tilespmem:$0x10080] =	vst v63  }
0x18a: {  	s24 =	simm.s32 $0xE080  }
0x18b: {  	[tilespmem:s24], [sflag:$0x1] =	stream.indirect_vreg.gather [hbm4b:s3+s2], $0x80, v3, vm0, $0xb8;
	[tilespmem:$0x10080] =	vst v63  }
0x18c: {  	s22 =	simm.s32 $0xE880  }
0x18d: {  	[tilespmem:s22], [sflag:$0x1] =	stream.indirect_vreg.gather [hbm4b:s4+s2], $0x80, v3, vm0, $0xb8;
	[tilespmem:$0x10080] =	vst v63  }
0x18e: {  	s25 =	simm.s32 $0xF080  }
0x18f: {  	[tilespmem:s25], [sflag:$0x1] =	stream.indirect_vreg.gather [hbm4b:s5+s2], $0x80, v3, vm0, $0xb8;
	[tilespmem:$0x10080] =	vst v63  }
0x190: {  	s26 =	simm.s32 $0xF880  }
0x191: {  	[tilespmem:s26], [sflag:$0x1] =	stream.indirect_vreg.gather [hbm4b:s6+s2], $0x80, v3, vm0, $0xb8;
	[tilespmem:$0x10080] =	vst v63  }
0x192: {  	_ =	swait.ge [sflag:s18], $0x10000  }
0x193: {  	p0 =	sne.s32 s7, $0x1;
	[sflag:s18] =	ssyncset.done $0x0  }
.Ltmp0:
0x194: {  	s31 =	rddreg [dreg:$0x9];
	[sflag:s18] =	ssyncadd.s32 $0xFFFF0000;
	(pc) =	sbr.rel @p0 .LBB2_1-.Ltmp0, $4  }
0x195: {  	[hbm4b:s31+s2] =	stream.linear.scatter [tilespmem:s23], [sflag:$0x2], $0x10000, $0x38;
	[tilespmem:$0x10080] =	vst v63  }
0x196: {  	_ =	swait.ge [sflag:s8], $0x10000  }
0x197: {  	[sflag:s8] =	ssyncset.done $0x0  }
0x198: {  	s7 =	sadd.s32 $0xFFFFFFFF, s7;
	[sflag:s8] =	ssyncadd.s32 $0xFFFF0000  }
0x199: {  	_ =	sfence.sel $0x180000  }
0x19a: {  	[bflag:$0x0] =	sbarrier.arrive $0xFFFF  }
0x19b: {  	_ =	strace $0x90000050  }
0x19c: {  	s0 =	stileid.u32;
	[bflag:$0x2] =	sbarrier.arrive $0xFFFF  }
0x19d: {  	p0 =	sne.s32 s0, $0x0;
	s0 =	rddreg [dreg:$0x1]  }
0x19e: {  	s0 =	sadd.s32 @!p0 $0x100000, s0  }
0x19f: {  	[sflag:s0] =	ssyncadd.tile.s32 @!p0 $0x1;
	_ =	shalt  }
.Lfunc_end2:
_tile_overlayer_lowered:
.L_overlay_start_2:
0x1a0: {  	(tag) =	ssettag $0x2  }
0x1a1: {  	s0 =	rddreg [dreg:$0x0];
	s2 =	stileid.u32  }
0x1a2: {  	s1 =	rddreg [dreg:$0x1];
	p0 =	sne.s32 s2, $0x0  }
0x1a3: {  	s3 =	rddreg [dreg:$0x2];
	[bflag:$0x3] =	sbarrier.arrive $0xFFFF;
	s2 =	simm.s32 @!p0 $0x1C02  }
0x1a4: {  	[timem:s3], [sflag:s2] =	dma.local @!p0 [hbm:s0], s1  }
0x1a5: {  	s0 =	simm.s32 @!p0 $0x2  }
0x1a6: {  	_ =	swait.ge @!p0 [sflag:s0], s1  }
0x1a7: {  	s1 =	ssub.s32 @!p0 $0x0, s1;
	[sflag:s0] =	ssyncset.done @!p0 $0x0  }
0x1a8: {  	[sflag:s0] =	ssyncadd.s32 @!p0 s1  }
0x1a9: {  	[bflag:$0x3] =	sbarrier.arrive $0xFFFF  }
0x1aa: {  	_ =	shalt  }

// kernel: kernel.9.cloned.1.call-start
scs
__scs_entry_jumppad:
0x0: {  	(pc) =	sbr.rel $0x88, $3  }
0x1: {  	(tag) =	ssettag $0x0;
	lr =	simm.s32 $0x1  }
0x2: {  	[smem:$0x3F94] =	sst lr;
	_ =	strace $0xD0000000  }
0x3: {  	_ = 	snop  }
0x4: {  	_ = 	snop  }
0x5: {  	_ = 	snop  }
0x6: {  	_ = 	snop  }
0x7: {  	_ = 	snop  }
__scs_overlays_trampoline_lowered:
0x8: {  	[smem:$0x3FA3] =	sst s0  }
0x9: {  	[smem:$0x3FA4] =	sst s1  }
0xa: {  	[smem:$0x3FA5] =	sst s2  }
0xb: {  	[smem:$0x3FA6] =	sst s3  }
0xc: {  	[smem:$0x3FA7] =	sst s4  }
0xd: {  	[smem:$0x3FA8] =	sst s5  }
0xe: {  	[smem:$0x3FA9] =	sst s6  }
0xf: {  	[smem:$0x3FAA] =	sst s7  }
0x10: {  	[smem:$0x3FAB] =	sst s8  }
0x11: {  	[smem:$0x3FAC] =	sst s9;
	s0 =	simm.s32 @!p0 $0x0  }
0x12: {  	s1 =	sld [smem:$0x3F92];
	s0 =	simm.s32 @p0 $0x1  }
0x13: {  	[smem:$0x3FAD] =	sst s0;
	s0 =	simm.s32 @!p1 $0x0  }
0x14: {  	s2 =	sld [smem:$0x3F91];
	s0 =	simm.s32 @p1 $0x1  }
0x15: {  	[smem:$0x3FAE] =	sst s0;
	s0 =	simm.s32 @!p2 $0x0  }
0x16: {  	s3 =	sld [smem:$0x3FDB];
	s0 =	simm.s32 @p2 $0x1  }
0x17: {  	s4 =	simm.s32 $0x1BF5;
	[smem:$0x3FB0] =	sst s0  }
0x18: {  	s0 =	sld [smem:$0x3F93];
	_ =	swait.ge [sflag:s4], $0x0  }
0x19: {  	s7 =	sld [smem:$0x3F94]  }
0x1a: {  	s8 =	sadd.s32 $0xFFFFE003, lr  }
0x1b: {  	s9 =	sadd.s32 $0xFFFFFEF7, lr;
	s5 =	simm.s32 $0xFFFFFFFF;
	p2 =	slt.u32 s8, $0xFFFFF086  }
0x1c: {  	p1 =	slt.u32 s9, $0xF7A;
	s5 =	simm.s32 @!p2 $0x0  }
0x1d: {  	s5 =	simm.s32 @p1 $0x1;
	p0 =	seq.s32 s7, s2  }
0x1e: {  	s7 =	smul.u32 @!p0 $0xF7A, s2;
	p2 =	seq.s32 @!p0 s5, $0x0  }
0x1f: {  	s9 =	smul.u32 $0xF7A, s1;
	s8 =	simm.s32 @!p0 $0x1BF5;
	p2 =	por !p2, p0  }
0x20: {  	[sflag:s8] =	ssyncset.s32 @!p0 $0xFFFFF086;
	s6 =	sadd.s32 @!p0 s3, s7;
	s7 =	simm.s32 @!p0 $0x108  }
0x21: {  	s3 =	sadd.s32 s3, s9;
	s6 =	sadd.s32 @!p0 $0x88, s6;
	s7 =	simm.s32 @p2 $0x1082  }
0x22: {  	[simem:s7], [sflag:s8] =	dma.local @!p0 [hbm:s6], $0xF7A  }
0x23: {  	s9 =	sor.u32 $0xD0000000, s2;
	s6 =	simm.s32 $0x108;
	_ =	swait.ge @!p0 [sflag:s8], $0x0  }
0x24: {  	s3 =	sadd.s32 $0x88, s3;
	s6 =	simm.s32 @!p1 $0x1082;
	[sflag:s4] =	ssyncset.s32 $0xFFFFF086  }
0x25: {  	[simem:s6], [sflag:s4] =	dma.local [hbm:s3], $0xF7A  }
0x26: {  	[smem:$0x3F94] =	sst s1;
	(tag) =	ssettag s2;
	_ =	strace s9  }
0x27: {  	s1 =	sld [smem:$0x3FA4]  }
0x28: {  	s2 =	sld [smem:$0x3FA5]  }
0x29: {  	s4 =	sld [smem:$0x3FA7]  }
0x2a: {  	p0 =	seq.s32 s5, $0x0;
	s5 =	sld [smem:$0x3FA8]  }
0x2b: {  	s6 =	sld [smem:$0x3FA9]  }
0x2c: {  	s7 =	sld [smem:$0x3FAA]  }
0x2d: {  	s3 =	simm.s32 $0x108;
	s8 =	sld [smem:$0x3FAB]  }
0x2e: {  	s3 =	simm.s32 @!p0 $0x1082;
	s9 =	sld [smem:$0x3FAC]  }
0x2f: {  	lr =	sadd.s32 s0, s3;
	s0 =	sld [smem:$0x3FA3]  }
0x30: {  	s3 =	sld [smem:$0x3FA6]  }
0x31: {  	[smem:$0x3FAF] =	sst s10  }
0x32: {  	s10 =	sld [smem:$0x3FAD];
	_ =	sdelay $0x3  }
0x33: {  	p0 =	seq.s32 s10, $0x1;
	s10 =	sld [smem:$0x3FAF];
	_ =	sdelay $0x3  }
0x34: {  	[smem:$0x3FAF] =	sst s10  }
0x35: {  	s10 =	sld [smem:$0x3FAE];
	_ =	sdelay $0x3  }
0x36: {  	p1 =	seq.s32 s10, $0x1;
	s10 =	sld [smem:$0x3FAF];
	_ =	sdelay $0x3  }
0x37: {  	[smem:$0x3FAF] =	sst s10  }
0x38: {  	s10 =	sld [smem:$0x3FB0]  }
0x39: {  	_ = 	snop;
	(pc) =	sbr.ind lr, $3  }
0x3a: {  	_ = 	snop  }
0x3b: {  	_ = 	snop  }
0x3c: {  	p2 =	seq.s32 s10, $0x1;
	s10 =	sld [smem:$0x3FAF]  }
0x3d: {  	_ =	shalt  }
0x3e: {  	_ =	shalt  }
0x3f: {  	_ =	shalt  }
0x40: {  	_ =	shalt  }
0x41: {  	_ =	shalt  }
0x42: {  	_ =	shalt  }
0x43: {  	_ =	shalt  }
0x44: {  	_ =	shalt  }
0x45: {  	_ =	shalt  }
0x46: {  	_ =	shalt  }
0x47: {  	_ =	shalt  }
0x48: {  	_ =	shalt  }
0x49: {  	_ =	shalt  }
0x4a: {  	_ =	shalt  }
0x4b: {  	_ =	shalt  }
0x4c: {  	_ =	shalt  }
0x4d: {  	_ =	shalt  }
0x4e: {  	_ =	shalt  }
0x4f: {  	_ =	shalt  }
0x50: {  	_ =	shalt  }
0x51: {  	_ =	shalt  }
0x52: {  	_ =	shalt  }
0x53: {  	_ =	shalt  }
0x54: {  	_ =	shalt  }
0x55: {  	_ =	shalt  }
0x56: {  	_ =	shalt  }
0x57: {  	_ =	shalt  }
0x58: {  	_ =	shalt  }
0x59: {  	_ =	shalt  }
0x5a: {  	_ =	shalt  }
0x5b: {  	_ =	shalt  }
0x5c: {  	_ =	shalt  }
0x5d: {  	_ =	shalt  }
0x5e: {  	_ =	shalt  }
0x5f: {  	_ =	shalt  }
0x60: {  	_ =	shalt  }
0x61: {  	_ =	shalt  }
0x62: {  	_ =	shalt  }
0x63: {  	_ =	shalt  }
0x64: {  	_ =	shalt  }
0x65: {  	_ =	shalt  }
0x66: {  	_ =	shalt  }
0x67: {  	_ =	shalt  }
0x68: {  	_ =	shalt  }
0x69: {  	_ =	shalt  }
0x6a: {  	_ =	shalt  }
0x6b: {  	_ =	shalt  }
0x6c: {  	_ =	shalt  }
0x6d: {  	_ =	shalt  }
0x6e: {  	_ =	shalt  }
0x6f: {  	_ =	shalt  }
0x70: {  	_ =	shalt  }
0x71: {  	_ =	shalt  }
0x72: {  	_ =	shalt  }
0x73: {  	_ =	shalt  }
0x74: {  	_ =	shalt  }
0x75: {  	_ =	shalt  }
0x76: {  	_ =	shalt  }
0x77: {  	_ =	shalt  }
0x78: {  	_ =	shalt  }
0x79: {  	_ =	shalt  }
0x7a: {  	_ =	shalt  }
0x7b: {  	_ =	shalt  }
0x7c: {  	_ =	shalt  }
0x7d: {  	_ =	shalt  }
0x7e: {  	_ =	shalt  }
0x7f: {  	_ =	shalt  }
0x80: {  	_ =	shalt  }
0x81: {  	_ =	shalt  }
0x82: {  	_ =	shalt  }
0x83: {  	_ =	shalt  }
0x84: {  	_ =	shalt  }
0x85: {  	_ =	shalt  }
0x86: {  	_ =	shalt  }
0x87: {  	_ =	shalt  }
.Lfunc_end0:
.L_simem_size_0:
called_computation.2_lowered:
.L_overlay_start_0:
0x88: {  	s2 =	sld [smem:$0x3FD9]  }
0x89: {  	s3 =	sld [smem:$0x3FFE];
	_ =	sdelay $0x1  }
0x8a: {  	s1 =	srdreg.scid  }
0x8b: {  	s0 =	sand.u32 $0x1, s1  }
0x8c: {  	s17 =	sshll.u32 s0, $0xA;
	s2 =	sadd.s32 s3, s2  }
0x8d: {  	s2 =	sadd.s32 s2, s17  }
0x8e: {  	[smem:$0x3FBB] =	sst s2  }
0x8f: {  	_ = 	snop  }
0x90: {  	s5 =	sld [smem:$0x3FC9]  }
0x91: {  	s18 =	sld [smem:$0x3FC8]  }
0x92: {  	s4 =	sld [smem:$0x3FD0];
	(tm) =	ssettm $0x1  }
0x93: {  	s19 =	sld [smem:$0x3FFB];
	_ =	sdelay $0x3  }
0x94: {  	_ =	strace s19  }
0x95: {  	s2 =	sld [smem:$0x3FFC];
	_ =	sdelay $0x3  }
0x96: {  	_ =	strace s2  }
0x97: {  	s2 =	sld [smem:$0x3FFD];
	_ =	sdelay $0x3  }
0x98: {  	_ =	strace s2  }
0x99: {  	_ =	strace $0x8FFFFFFF  }
0x9a: {  	s20 =	sld [smem:$0x3FDB];
	_ =	sdelay $0x1  }
0x9b: {  	s6 =	simm.s32 $_scs_section_size  }
0x9c: {  	s7 =	simm.s32 $_size__tile_overlayer_lowered;
	s8 =	simm.s32 $_tile_overlayer_lowered  }
0x9d: {  	s9 =	simm.s32 $0x1BFF;
	s21 =	sshll.u32 s8, $0x1;
	s6 =	sadd.s32 s6, s20  }
0x9e: {  	s22 =	simm.s32 $0x0;
	s7 =	sshll.u32 s7, $0x1;
	s8 =	sadd.s32 s21, s6  }
0x9f: {  	[timem:s22], [sflag:s9] =	dma.local [hbm:s8], s7  }
0xa0: {  	_ =	swait.ge [sflag:s9], s7  }
0xa1: {  	s7 =	ssub.s32 $0x0, s7;
	[sflag:s9] =	ssyncset.done $0x0  }
0xa2: {  	[sflag:s9] =	ssyncadd.s32 s7;
	_ =	sdelay $0x1  }
0xa3: {  	s23 =	simm.s32 $0x1B8B  }
0xa4: {  	_ =	swait.ge [sflag:s23], $0x1  }
0xa5: {  	[sflag:s23] =	ssyncset.done $0x0  }
0xa6: {  	[sflag:s23] =	ssyncadd.s32 $0xFFFFFFFF  }
0xa7: {  	s7 =	sld [smem:$0x0]  }
0xa8: {  	s8 =	sand.u32 $0xFFFFFFFE, s1  }
0xa9: {  	p0 =	sne.s32 s1, s8  }
0xaa: {  	s8 =	sshll.u32 @p0 s8, $0xE  }
0xab: {  	s8 =	sadd.s32 @p0 $0x11B8D, s8;
	s9 =	sshll.u32 @p0 s7, $0x11  }
0xac: {  	s8 =	sor.u32 @p0 s9, s8  }
0xad: {  	[sflag:s8] =	ssyncadd.remote.s32 @p0 $0x1;
	_ =	sdelay $0x1  }
0xae: {  	s8 =	simm.s32 @p0 $0x1B8D  }
0xaf: {  	_ =	swait.eq @p0 [sflag:s8], $0x1  }
0xb0: {  	[sflag:s8] =	ssyncadd.s32 @p0 $0xFFFFFFFF  }
0xb1: {  	s9 =	sshll.u32 @!p0 s1, $0xE  }
0xb2: {  	s9 =	sor.u32 @!p0 $0x4000, s9;
	s8 =	simm.s32 @!p0 $0x1B8D  }
0xb3: {  	s7 =	sshll.u32 @!p0 s7, $0x11;
	s9 =	sadd.s32 @!p0 $0x11B8D, s9;
	_ =	swait.eq @!p0 [sflag:s8], $0x1  }
0xb4: {  	s7 =	sor.u32 @!p0 s7, s9;
	[sflag:s8] =	ssyncadd.s32 @!p0 $0xFFFFFFFF  }
0xb5: {  	s25 =	simm.s32 $0x1B8E;
	s24 =	sld [smem:$0x3FFE];
	[sflag:s7] =	ssyncadd.remote.s32 @!p0 $0x1  }
0xb6: {  	s26 =	simm.s32 $execute0_lowered;
	[smem:$0x3FD2] =	sst s25  }
0xb7: {  	s8 =	sshll.u32 s26, $0x1;
	_ =	strace $0x8000004C;
	[dreg:$0x1] =	wrdreg $0xFFFFFFFF  }
0xb8: {  	s28 =	simm.s32 $_size_execute0_lowered;
	s6 =	sadd.s32 s6, s8;
	[dreg:$0x0] =	wrdreg $0x0  }
0xb9: {  	s8 =	sshll.u32 s28, $0x1;
	[dreg:$0x2] =	wrdreg s6  }
0xba: {  	[dreg:$0x3] =	wrdreg s8  }
0xbb: {  	[dreg:$0x4] =	wrdreg $0xC0  }
0xbc: {  	_ =	task [dreg:s22], $0x5FFFF  }
0xbd: {  	[dreg:$0x1] =	wrdreg $0xFFFFFFFF  }
0xbe: {  	[dreg:$0x0] =	wrdreg $0x60  }
0xbf: {  	[dreg:$0x2] =	wrdreg s5  }
0xc0: {  	[dreg:$0x3] =	wrdreg s24  }
0xc1: {  	[dreg:$0x4] =	wrdreg s18  }
0xc2: {  	[dreg:$0x5] =	wrdreg s4  }
0xc3: {  	[dreg:$0x6] =	wrdreg $0xB  }
0xc4: {  	_ =	task.clear_ibuf [dreg:s22], $0x7FFFF;
	_ =	strace $0x9000004C  }
0xc5: {  	s29 =	simm.s32 $0xB;
	_ =	strace $0x8000004E  }
0xc6: {  	_ =	swait.ge [sflag:s29], $0x1  }
0xc7: {  	[sflag:s29] =	ssyncadd.s32 $0xFFFFFFFF  }
0xc8: {  	_ =	strace $0x9000004E  }
0xc9: {  	_ =	sfence  }
0xca: {  	s30 =	sld [smem:$0x0];
	_ =	sdelay $0x2  }
0xcb: {  	s31 =	sshll.u32 s1, $0xD;
	s1 =	sshrl.u32 s1, $0x2  }
0xcc: {  	s4 =	sand.u32 $0x4000, s31;
	s1 =	sadd.s32 s1, s30  }
0xcd: {  	s0 =	sor.u32 s4, s0;
	s1 =	sshll.u32 s1, $0x11  }
0xce: {  	s0 =	sor.u32 s1, s0  }
0xcf: {  	s0 =	sadd.s32 $0x8F2B, s0  }
0xd0: {  	[sflag:s0] =	ssyncadd.remote.s32 $0x1  }
0xd1: {  	_ =	sfence.sel $0xFFFF  }
0xd2: {  	[dreg:$0x0] =	wrdreg $0xFFFFFFFF;
	(pc) =	sbr.abs _section_cstart, $3  }
0xd3: {  	[dreg:$0x1] =	wrdreg $0xFFFFFFFF  }
0xd4: {  	_ =	task.clear_ibuf [dreg:s22], $0x2FFFF;
	_ =	strace $0x9FFFFFFF  }
0xd5: {  	(tm) =	ssettm $0x7FFFFFFF  }
tec
execute0_lowered:
.L_overlay_start_1:
0x0: {  	(tag) =	ssettag $0x1  }
0x1: {  	s1 =	rddreg [dreg:$0x0]  }
0x2: {  	s3 =	rddreg [dreg:$0x1]  }
0x3: {  	s2 =	rddreg [dreg:$0x2]  }
0x4: {  	s0 =	rddreg [dreg:$0x3];
	s5 =	srdreg.scid  }
0x5: {  	s4 =	simm.s32 $0x0;
	s6 =	stileid.u32;
	s5 =	sand.u32 $0x1, s5  }
0x6: {  	[smem:$0x7FF] =	sst s4;
	s6 =	sshll.u32 s6, $0x9;
	s17 =	sadd.s32 $0x800, s3  }
0x7: {  	s8 =	sadd.s32 $0x1800, s3;
	s7 =	sshll.u32 s5, $0x8;
	s5 =	ssub.s32 $0x2, s5  }
0x8: {  	_ =	strace $0x8000004D;
	s6 =	sor.u32 s7, s6;
	s24 =	sshrl.u32 s5, $0x1  }
0x9: {  	s9 =	sshrl.u32 s6, $0x3;
	s11 =	sshll.u32 s6, $0x7;
	s12 =	sor.u32 $0x40, s6  }
0xa: {  	s14 =	sor.u32 $0x80, s6;
	s6 =	sor.u32 $0xC0, s6;
	s10 =	sadd.s32 s17, s9  }
0xb: {  	s18 =	sadd.s32 s8, s11;
	s13 =	sshrl.u32 s12, $0x3;
	[dreg:$0x5] =	wrdreg s10  }
0xc: {  	s12 =	sshll.u32 s12, $0x7;
	s25 =	sadd.s32 s3, s9;
	[dreg:$0x6] =	wrdreg s18  }
0xd: {  	s21 =	sshrl.u32 s14, $0x3;
	s26 =	sadd.s32 s0, s11;
	[dreg:$0xd] =	wrdreg s25  }
0xe: {  	s14 =	sshll.u32 s14, $0x7;
	s19 =	sadd.s32 s17, s13;
	[dreg:$0xe] =	wrdreg s26  }
0xf: {  	s16 =	sshrl.u32 s6, $0x3;
	s20 =	sadd.s32 s8, s12;
	[dreg:$0x7] =	wrdreg s19  }
0x10: {  	s23 =	sshll.u32 s6, $0x7;
	s15 =	sadd.s32 s17, s21;
	[dreg:$0x8] =	wrdreg s20  }
0x11: {  	s9 =	sadd.s32 $0x200, s2;
	s22 =	sadd.s32 s8, s14;
	[dreg:$0x9] =	wrdreg s15  }
0x12: {  	s7 =	sadd.s32 s17, s16;
	s6 =	sadd.s32 s8, s23;
	[dreg:$0xa] =	wrdreg s22  }
0x13: {  	s17 =	ssub.s32 s5, s24;
	s5 =	sadd.s32 $0x100, s1;
	[dreg:$0xb] =	wrdreg s7  }
0x14: {  	s28 =	sadd.s32 s3, s13;
	s29 =	sadd.s32 s0, s12;
	[dreg:$0xc] =	wrdreg s6  }
0x15: {  	s30 =	sadd.s32 s3, s21;
	s8 =	sadd.s32 $0x100, s2;
	[dreg:$0xf] =	wrdreg s28  }
0x16: {  	s31 =	sadd.s32 s0, s14;
	s3 =	sadd.s32 s3, s16;
	[dreg:$0x10] =	wrdreg s29  }
0x17: {  	s10 =	sadd.s32 $0x300, s2;
	s0 =	sadd.s32 s0, s23;
	[dreg:$0x11] =	wrdreg s30  }
0x18: {  	v2 =	vlaneseq.u32;
	s12 =	simm.s32 $0x2;
	s13 =	simm.s32 $0x80;
	[dreg:$0x12] =	wrdreg s31  }
0x19: {  	vm0 =	vmmov $0xffff;
	v1 =	vshrl.u32 v2, $0x3;
	s26 =	simm.s32 $0x1;
	s6 =	sadd.s32 $0x200, s1;
	[dreg:$0x13] =	wrdreg s3  }
0x1a: {  	v0 =	vand.u32 $0x7, v2;
	v2 =	vor.u32 $0x8, v2;
	v1 =	vmul.u32 $0x8, v1;
	s7 =	sadd.s32 $0x300, s1;
	[dreg:$0x14] =	wrdreg s0;
	s20 =	smax.u32 s17, $0x1  }
.LBB2_1:
0x1b: {  	s28 =	rddreg [dreg:$0x5]  }
0x1c: {  	[tilespmem:s4], [sflag:$0x2] =	stream.linear.gather [hbm4b:s28+s4], $0x40, $0x38;
	[tilespmem:$0x10080] =	vst v63  }
0x1d: {  	_ =	swait.ge [sflag:s12], $0x40  }
0x1e: {  	[sflag:s12] =	ssyncset.done $0x0  }
0x1f: {  	[sflag:s12] =	ssyncadd.s32 $0xFFFFFFC0  }
0x20: {  	v3 =	vld [tilespmem:$0x0];
	_ =	sdelay $0x4  }
0x21: {  	v4 =	vshll.u32 v3, $0x3  }
0x22: {  	v3 =	vand.u32 $0x7, v3;
	v4 =	vand.u32 $0xFFFFFFC0, v4  }
0x23: {  	v3 =	vor.u32 v3, v4  }
0x24: {  	v4 =	vperm.xlane v3, v0;
	_ =	sdelay $0x1  }
0x25: {  	v4 =	vadd.s32 v1, v4;
	_ =	sdelay $0x4  }
0x26: {  	[tilespmem:s13], [sflag:$0x1] =	stream.indirect_vreg.gather [hbm4b:s1+s4], $0x80, v4, vm0, $0xb8;
	[tilespmem:$0x10080] =	vst v63  }
0x27: {  	s0 =	simm.s32 $0x880;
	v3 =	vperm.xlane v3, v2  }
0x28: {  	[tilespmem:s0], [sflag:$0x1] =	stream.indirect_vreg.gather [hbm4b:s5+s4], $0x80, v4, vm0, $0xb8;
	[tilespmem:$0x10080] =	vst v63  }
0x29: {  	s24 =	simm.s32 $0x1080;
	v3 =	vadd.s32 v1, v3  }
0x2a: {  	[tilespmem:s24], [sflag:$0x1] =	stream.indirect_vreg.gather [hbm4b:s6+s4], $0x80, v4, vm0, $0xb8;
	[tilespmem:$0x10080] =	vst v63  }
0x2b: {  	s25 =	simm.s32 $0x1880  }
0x2c: {  	[tilespmem:s25], [sflag:$0x1] =	stream.indirect_vreg.gather [hbm4b:s7+s4], $0x80, v4, vm0, $0xb8;
	[tilespmem:$0x10080] =	vst v63  }
0x2d: {  	s28 =	simm.s32 $0x2080  }
0x2e: {  	[tilespmem:s28], [sflag:$0x1] =	stream.indirect_vreg.gather [hbm4b:s1+s4], $0x80, v3, vm0, $0xb8;
	[tilespmem:$0x10080] =	vst v63  }
0x2f: {  	s29 =	simm.s32 $0x2880  }
0x30: {  	[tilespmem:s29], [sflag:$0x1] =	stream.indirect_vreg.gather [hbm4b:s5+s4], $0x80, v3, vm0, $0xb8;
	[tilespmem:$0x10080] =	vst v63  }
0x31: {  	s30 =	simm.s32 $0x3080  }
0x32: {  	[tilespmem:s30], [sflag:$0x1] =	stream.indirect_vreg.gather [hbm4b:s6+s4], $0x80, v3, vm0, $0xb8;
	[tilespmem:$0x10080] =	vst v63  }
0x33: {  	s31 =	simm.s32 $0x3880  }
0x34: {  	[tilespmem:s31], [sflag:$0x1] =	stream.indirect_vreg.gather [hbm4b:s7+s4], $0x80, v3, vm0, $0xb8;
	[tilespmem:$0x10080] =	vst v63  }
0x35: {  	v3 =	vld [tilespmem:$0x10];
	_ =	sdelay $0x4  }
0x36: {  	v33 =	vshll.u32 v3, $0x3  }
0x37: {  	v3 =	vand.u32 $0x7, v3;
	v4 =	vand.u32 $0xFFFFFFC0, v33  }
0x38: {  	v3 =	vor.u32 v3, v4  }
0x39: {  	v4 =	vperm.xlane v3, v0;
	_ =	sdelay $0x1  }
0x3a: {  	v4 =	vadd.s32 v1, v4;
	_ =	sdelay $0x3  }
0x3b: {  	s15 =	simm.s32 $0x4080  }
0x3c: {  	[tilespmem:s15], [sflag:$0x1] =	stream.indirect_vreg.gather [hbm4b:s1+s4], $0x80, v4, vm0, $0xb8;
	[tilespmem:$0x10080] =	vst v63  }
0x3d: {  	s16 =	simm.s32 $0x4880;
	v3 =	vperm.xlane v3, v2  }
0x3e: {  	[tilespmem:s16], [sflag:$0x1] =	stream.indirect_vreg.gather [hbm4b:s5+s4], $0x80, v4, vm0, $0xb8;
	[tilespmem:$0x10080] =	vst v63  }
0x3f: {  	s17 =	simm.s32 $0x5080;
	v3 =	vadd.s32 v1, v3  }
0x40: {  	[tilespmem:s17], [sflag:$0x1] =	stream.indirect_vreg.gather [hbm4b:s6+s4], $0x80, v4, vm0, $0xb8;
	[tilespmem:$0x10080] =	vst v63  }
0x41: {  	s18 =	simm.s32 $0x5880  }
0x42: {  	[tilespmem:s18], [sflag:$0x1] =	stream.indirect_vreg.gather [hbm4b:s7+s4], $0x80, v4, vm0, $0xb8;
	[tilespmem:$0x10080] =	vst v63  }
0x43: {  	s19 =	simm.s32 $0x6080  }
0x44: {  	[tilespmem:s19], [sflag:$0x1] =	stream.indirect_vreg.gather [hbm4b:s1+s4], $0x80, v3, vm0, $0xb8;
	[tilespmem:$0x10080] =	vst v63  }
0x45: {  	s21 =	simm.s32 $0x6880  }
0x46: {  	[tilespmem:s21], [sflag:$0x1] =	stream.indirect_vreg.gather [hbm4b:s5+s4], $0x80, v3, vm0, $0xb8;
	[tilespmem:$0x10080] =	vst v63  }
0x47: {  	s22 =	simm.s32 $0x7080  }
0x48: {  	[tilespmem:s22], [sflag:$0x1] =	stream.indirect_vreg.gather [hbm4b:s6+s4], $0x80, v3, vm0, $0xb8;
	[tilespmem:$0x10080] =	vst v63  }
0x49: {  	s23 =	simm.s32 $0x7880  }
0x4a: {  	[tilespmem:s23], [sflag:$0x1] =	stream.indirect_vreg.gather [hbm4b:s7+s4], $0x80, v3, vm0, $0xb8;
	[tilespmem:$0x10080] =	vst v63  }
0x4b: {  	v3 =	vld [tilespmem:$0x20];
	_ =	sdelay $0x4  }
0x4c: {  	v34 =	vshll.u32 v3, $0x3  }
0x4d: {  	v3 =	vand.u32 $0x7, v3;
	v4 =	vand.u32 $0xFFFFFFC0, v34  }
0x4e: {  	v3 =	vor.u32 v3, v4  }
0x4f: {  	v4 =	vperm.xlane v3, v0;
	_ =	sdelay $0x1  }
0x50: {  	v4 =	vadd.s32 v1, v4;
	_ =	sdelay $0x3  }
0x51: {  	s28 =	simm.s32 $0x8080  }
0x52: {  	[tilespmem:s28], [sflag:$0x1] =	stream.indirect_vreg.gather [hbm4b:s1+s4], $0x80, v4, vm0, $0xb8;
	[tilespmem:$0x10080] =	vst v63  }
0x53: {  	s30 =	simm.s32 $0x8880;
	v3 =	vperm.xlane v3, v2  }
0x54: {  	[tilespmem:s30], [sflag:$0x1] =	stream.indirect_vreg.gather [hbm4b:s5+s4], $0x80, v4, vm0, $0xb8;
	[tilespmem:$0x10080] =	vst v63  }
0x55: {  	s31 =	simm.s32 $0x9080;
	v3 =	vadd.s32 v1, v3  }
0x56: {  	[tilespmem:s31], [sflag:$0x1] =	stream.indirect_vreg.gather [hbm4b:s6+s4], $0x80, v4, vm0, $0xb8;
	[tilespmem:$0x10080] =	vst v63  }
0x57: {  	s0 =	simm.s32 $0x9880  }
0x58: {  	[tilespmem:s0], [sflag:$0x1] =	stream.indirect_vreg.gather [hbm4b:s7+s4], $0x80, v4, vm0, $0xb8;
	[tilespmem:$0x10080] =	vst v63  }
0x59: {  	s15 =	simm.s32 $0xA080  }
0x5a: {  	[tilespmem:s15], [sflag:$0x1] =	stream.indirect_vreg.gather [hbm4b:s1+s4], $0x80, v3, vm0, $0xb8;
	[tilespmem:$0x10080] =	vst v63  }
0x5b: {  	s16 =	simm.s32 $0xA880  }
0x5c: {  	[tilespmem:s16], [sflag:$0x1] =	stream.indirect_vreg.gather [hbm4b:s5+s4], $0x80, v3, vm0, $0xb8;
	[tilespmem:$0x10080] =	vst v63  }
0x5d: {  	s17 =	simm.s32 $0xB080  }
0x5e: {  	[tilespmem:s17], [sflag:$0x1] =	stream.indirect_vreg.gather [hbm4b:s6+s4], $0x80, v3, vm0, $0xb8;
	[tilespmem:$0x10080] =	vst v63  }
0x5f: {  	s18 =	simm.s32 $0xB880  }
0x60: {  	[tilespmem:s18], [sflag:$0x1] =	stream.indirect_vreg.gather [hbm4b:s7+s4], $0x80, v3, vm0, $0xb8;
	[tilespmem:$0x10080] =	vst v63  }
0x61: {  	v3 =	vld [tilespmem:$0x30];
	_ =	sdelay $0x4  }
0x62: {  	v35 =	vshll.u32 v3, $0x3  }
0x63: {  	v3 =	vand.u32 $0x7, v3;
	v4 =	vand.u32 $0xFFFFFFC0, v35  }
0x64: {  	v3 =	vor.u32 v3, v4  }
0x65: {  	v4 =	vperm.xlane v3, v0;
	_ =	sdelay $0x1  }
0x66: {  	v4 =	vadd.s32 v1, v4;
	_ =	sdelay $0x3  }
0x67: {  	s19 =	simm.s32 $0xC080  }
0x68: {  	[tilespmem:s19], [sflag:$0x1] =	stream.indirect_vreg.gather [hbm4b:s1+s4], $0x80, v4, vm0, $0xb8;
	[tilespmem:$0x10080] =	vst v63  }
0x69: {  	s30 =	simm.s32 $0xC880;
	v3 =	vperm.xlane v3, v2  }
0x6a: {  	[tilespmem:s30], [sflag:$0x1] =	stream.indirect_vreg.gather [hbm4b:s5+s4], $0x80, v4, vm0, $0xb8;
	[tilespmem:$0x10080] =	vst v63  }
0x6b: {  	s31 =	simm.s32 $0xD080;
	v3 =	vadd.s32 v1, v3  }
0x6c: {  	[tilespmem:s31], [sflag:$0x1] =	stream.indirect_vreg.gather [hbm4b:s6+s4], $0x80, v4, vm0, $0xb8;
	[tilespmem:$0x10080] =	vst v63  }
0x6d: {  	s0 =	simm.s32 $0xD880  }
0x6e: {  	[tilespmem:s0], [sflag:$0x1] =	stream.indirect_vreg.gather [hbm4b:s7+s4], $0x80, v4, vm0, $0xb8;
	[tilespmem:$0x10080] =	vst v63  }
0x6f: {  	s18 =	simm.s32 $0xE080  }
0x70: {  	[tilespmem:s18], [sflag:$0x1] =	stream.indirect_vreg.gather [hbm4b:s1+s4], $0x80, v3, vm0, $0xb8;
	[tilespmem:$0x10080] =	vst v63  }
0x71: {  	s19 =	simm.s32 $0xE880  }
0x72: {  	[tilespmem:s19], [sflag:$0x1] =	stream.indirect_vreg.gather [hbm4b:s5+s4], $0x80, v3, vm0, $0xb8;
	[tilespmem:$0x10080] =	vst v63  }
0x73: {  	s30 =	simm.s32 $0xF080  }
0x74: {  	[tilespmem:s30], [sflag:$0x1] =	stream.indirect_vreg.gather [hbm4b:s6+s4], $0x80, v3, vm0, $0xb8;
	[tilespmem:$0x10080] =	vst v63  }
0x75: {  	s31 =	simm.s32 $0xF880  }
0x76: {  	[tilespmem:s31], [sflag:$0x1] =	stream.indirect_vreg.gather [hbm4b:s7+s4], $0x80, v3, vm0, $0xb8;
	[tilespmem:$0x10080] =	vst v63  }
0x77: {  	_ =	swait.ge [sflag:s26], $0x10000  }
0x78: {  	[sflag:s26] =	ssyncset.done $0x0  }
0x79: {  	s0 =	rddreg [dreg:$0x6];
	[sflag:s26] =	ssyncadd.s32 $0xFFFF0000  }
0x7a: {  	[hbm4b:s0+s4] =	stream.linear.scatter [tilespmem:s13], [sflag:$0x2], $0x10000, $0x38;
	[tilespmem:$0x10080] =	vst v63  }
0x7b: {  	_ =	swait.ge [sflag:s12], $0x10000  }
0x7c: {  	[sflag:s12] =	ssyncset.done $0x0  }
0x7d: {  	s19 =	rddreg [dreg:$0x7];
	[sflag:s12] =	ssyncadd.s32 $0xFFFF0000  }
0x7e: {  	[tilespmem:s4], [sflag:$0x2] =	stream.linear.gather [hbm4b:s19+s4], $0x40, $0x38;
	[tilespmem:$0x10080] =	vst v63  }
0x7f: {  	_ =	swait.ge [sflag:s12], $0x40  }
0x80: {  	[sflag:s12] =	ssyncset.done $0x0  }
0x81: {  	[sflag:s12] =	ssyncadd.s32 $0xFFFFFFC0  }
0x82: {  	v3 =	vld [tilespmem:$0x0];
	_ =	sdelay $0x4  }
0x83: {  	v36 =	vshll.u32 v3, $0x3  }
0x84: {  	v3 =	vand.u32 $0x7, v3;
	v4 =	vand.u32 $0xFFFFFFC0, v36  }
0x85: {  	v3 =	vor.u32 v3, v4  }
0x86: {  	v4 =	vperm.xlane v3, v0;
	_ =	sdelay $0x1  }
0x87: {  	v4 =	vadd.s32 v1, v4;
	_ =	sdelay $0x4  }
0x88: {  	[tilespmem:s13], [sflag:$0x1] =	stream.indirect_vreg.gather [hbm4b:s1+s4], $0x80, v4, vm0, $0xb8;
	[tilespmem:$0x10080] =	vst v63  }
0x89: {  	s14 =	simm.s32 $0x880;
	v3 =	vperm.xlane v3, v2  }
0x8a: {  	[tilespmem:s14], [sflag:$0x1] =	stream.indirect_vreg.gather [hbm4b:s5+s4], $0x80, v4, vm0, $0xb8;
	[tilespmem:$0x10080] =	vst v63  }
0x8b: {  	s3 =	simm.s32 $0x1080;
	v3 =	vadd.s32 v1, v3  }
0x8c: {  	[tilespmem:s3], [sflag:$0x1] =	stream.indirect_vreg.gather [hbm4b:s6+s4], $0x80, v4, vm0, $0xb8;
	[tilespmem:$0x10080] =	vst v63  }
0x8d: {  	s11 =	simm.s32 $0x1880  }
0x8e: {  	[tilespmem:s11], [sflag:$0x1] =	stream.indirect_vreg.gather [hbm4b:s7+s4], $0x80, v4, vm0, $0xb8;
	[tilespmem:$0x10080] =	vst v63  }
0x8f: {  	s0 =	simm.s32 $0x2080  }
0x90: {  	[tilespmem:s0], [sflag:$0x1] =	stream.indirect_vreg.gather [hbm4b:s1+s4], $0x80, v3, vm0, $0xb8;
	[tilespmem:$0x10080] =	vst v63  }
0x91: {  	s3 =	simm.s32 $0x2880  }
0x92: {  	[tilespmem:s3], [sflag:$0x1] =	stream.indirect_vreg.gather [hbm4b:s5+s4], $0x80, v3, vm0, $0xb8;
	[tilespmem:$0x10080] =	vst v63  }
0x93: {  	s11 =	simm.s32 $0x3080  }
0x94: {  	[tilespmem:s11], [sflag:$0x1] =	stream.indirect_vreg.gather [hbm4b:s6+s4], $0x80, v3, vm0, $0xb8;
	[tilespmem:$0x10080] =	vst v63  }
0x95: {  	s24 =	simm.s32 $0x3880  }
0x96: {  	[tilespmem:s24], [sflag:$0x1] =	stream.indirect_vreg.gather [hbm4b:s7+s4], $0x80, v3, vm0, $0xb8;
	[tilespmem:$0x10080] =	vst v63  }
0x97: {  	v3 =	vld [tilespmem:$0x10];
	_ =	sdelay $0x4  }
0x98: {  	v37 =	vshll.u32 v3, $0x3  }
0x99: {  	v3 =	vand.u32 $0x7, v3;
	v4 =	vand.u32 $0xFFFFFFC0, v37  }
0x9a: {  	v3 =	vor.u32 v3, v4  }
0x9b: {  	v4 =	vperm.xlane v3, v0;
	_ =	sdelay $0x1  }
0x9c: {  	v4 =	vadd.s32 v1, v4;
	_ =	sdelay $0x3  }
0x9d: {  	s25 =	simm.s32 $0x4080  }
0x9e: {  	[tilespmem:s25], [sflag:$0x1] =	stream.indirect_vreg.gather [hbm4b:s1+s4], $0x80, v4, vm0, $0xb8;
	[tilespmem:$0x10080] =	vst v63  }
0x9f: {  	s29 =	simm.s32 $0x4880;
	v3 =	vperm.xlane v3, v2  }
0xa0: {  	[tilespmem:s29], [sflag:$0x1] =	stream.indirect_vreg.gather [hbm4b:s5+s4], $0x80, v4, vm0, $0xb8;
	[tilespmem:$0x10080] =	vst v63  }
0xa1: {  	s24 =	simm.s32 $0x5080;
	v3 =	vadd.s32 v1, v3  }
0xa2: {  	[tilespmem:s24], [sflag:$0x1] =	stream.indirect_vreg.gather [hbm4b:s6+s4], $0x80, v4, vm0, $0xb8;
	[tilespmem:$0x10080] =	vst v63  }
0xa3: {  	s25 =	simm.s32 $0x5880  }
0xa4: {  	[tilespmem:s25], [sflag:$0x1] =	stream.indirect_vreg.gather [hbm4b:s7+s4], $0x80, v4, vm0, $0xb8;
	[tilespmem:$0x10080] =	vst v63  }
0xa5: {  	s29 =	simm.s32 $0x6080  }
0xa6: {  	[tilespmem:s29], [sflag:$0x1] =	stream.indirect_vreg.gather [hbm4b:s1+s4], $0x80, v3, vm0, $0xb8;
	[tilespmem:$0x10080] =	vst v63  }
0xa7: {  	s30 =	simm.s32 $0x6880  }
0xa8: {  	[tilespmem:s30], [sflag:$0x1] =	stream.indirect_vreg.gather [hbm4b:s5+s4], $0x80, v3, vm0, $0xb8;
	[tilespmem:$0x10080] =	vst v63  }
0xa9: {  	s31 =	simm.s32 $0x7080  }
0xaa: {  	[tilespmem:s31], [sflag:$0x1] =	stream.indirect_vreg.gather [hbm4b:s6+s4], $0x80, v3, vm0, $0xb8;
	[tilespmem:$0x10080] =	vst v63  }
0xab: {  	s14 =	simm.s32 $0x7880  }
0xac: {  	[tilespmem:s14], [sflag:$0x1] =	stream.indirect_vreg.gather [hbm4b:s7+s4], $0x80, v3, vm0, $0xb8;
	[tilespmem:$0x10080] =	vst v63  }
0xad: {  	v3 =	vld [tilespmem:$0x20];
	_ =	sdelay $0x4  }
0xae: {  	v38 =	vshll.u32 v3, $0x3  }
0xaf: {  	v3 =	vand.u32 $0x7, v3;
	v4 =	vand.u32 $0xFFFFFFC0, v38  }
0xb0: {  	v3 =	vor.u32 v3, v4  }
0xb1: {  	v4 =	vperm.xlane v3, v0;
	_ =	sdelay $0x1  }
0xb2: {  	v4 =	vadd.s32 v1, v4;
	_ =	sdelay $0x3  }
0xb3: {  	s19 =	simm.s32 $0x8080  }
0xb4: {  	[tilespmem:s19], [sflag:$0x1] =	stream.indirect_vreg.gather [hbm4b:s1+s4], $0x80, v4, vm0, $0xb8;
	[tilespmem:$0x10080] =	vst v63  }
0xb5: {  	s21 =	simm.s32 $0x8880;
	v3 =	vperm.xlane v3, v2  }
0xb6: {  	[tilespmem:s21], [sflag:$0x1] =	stream.indirect_vreg.gather [hbm4b:s5+s4], $0x80, v4, vm0, $0xb8;
	[tilespmem:$0x10080] =	vst v63  }
0xb7: {  	s22 =	simm.s32 $0x9080;
	v3 =	vadd.s32 v1, v3  }
0xb8: {  	[tilespmem:s22], [sflag:$0x1] =	stream.indirect_vreg.gather [hbm4b:s6+s4], $0x80, v4, vm0, $0xb8;
	[tilespmem:$0x10080] =	vst v63  }
0xb9: {  	s23 =	simm.s32 $0x9880  }
0xba: {  	[tilespmem:s23], [sflag:$0x1] =	stream.indirect_vreg.gather [hbm4b:s7+s4], $0x80, v4, vm0, $0xb8;
	[tilespmem:$0x10080] =	vst v63  }
0xbb: {  	s28 =	simm.s32 $0xA080  }
0xbc: {  	[tilespmem:s28], [sflag:$0x1] =	stream.indirect_vreg.gather [hbm4b:s1+s4], $0x80, v3, vm0, $0xb8;
	[tilespmem:$0x10080] =	vst v63  }
0xbd: {  	s28 =	simm.s32 $0xA880  }
0xbe: {  	[tilespmem:s28], [sflag:$0x1] =	stream.indirect_vreg.gather [hbm4b:s5+s4], $0x80, v3, vm0, $0xb8;
	[tilespmem:$0x10080] =	vst v63  }
0xbf: {  	s28 =	simm.s32 $0xB080  }
0xc0: {  	[tilespmem:s28], [sflag:$0x1] =	stream.indirect_vreg.gather [hbm4b:s6+s4], $0x80, v3, vm0, $0xb8;
	[tilespmem:$0x10080] =	vst v63  }
0xc1: {  	s15 =	simm.s32 $0xB880  }
0xc2: {  	[tilespmem:s15], [sflag:$0x1] =	stream.indirect_vreg.gather [hbm4b:s7+s4], $0x80, v3, vm0, $0xb8;
	[tilespmem:$0x10080] =	vst v63  }
0xc3: {  	v3 =	vld [tilespmem:$0x30];
	_ =	sdelay $0x4  }
0xc4: {  	v39 =	vshll.u32 v3, $0x3  }
0xc5: {  	v3 =	vand.u32 $0x7, v3;
	v4 =	vand.u32 $0xFFFFFFC0, v39  }
0xc6: {  	v3 =	vor.u32 v3, v4  }
0xc7: {  	v4 =	vperm.xlane v3, v0;
	_ =	sdelay $0x1  }
0xc8: {  	v4 =	vadd.s32 v1, v4;
	_ =	sdelay $0x3  }
0xc9: {  	s16 =	simm.s32 $0xC080  }
0xca: {  	[tilespmem:s16], [sflag:$0x1] =	stream.indirect_vreg.gather [hbm4b:s1+s4], $0x80, v4, vm0, $0xb8;
	[tilespmem:$0x10080] =	vst v63  }
0xcb: {  	s17 =	simm.s32 $0xC880;
	v3 =	vperm.xlane v3, v2  }
0xcc: {  	[tilespmem:s17], [sflag:$0x1] =	stream.indirect_vreg.gather [hbm4b:s5+s4], $0x80, v4, vm0, $0xb8;
	[tilespmem:$0x10080] =	vst v63  }
0xcd: {  	v3 =	vadd.s32 v1, v3;
	s16 =	simm.s32 $0xD080  }
0xce: {  	[tilespmem:s16], [sflag:$0x1] =	stream.indirect_vreg.gather [hbm4b:s6+s4], $0x80, v4, vm0, $0xb8;
	[tilespmem:$0x10080] =	vst v63  }
0xcf: {  	s17 =	simm.s32 $0xD880  }
0xd0: {  	[tilespmem:s17], [sflag:$0x1] =	stream.indirect_vreg.gather [hbm4b:s7+s4], $0x80, v4, vm0, $0xb8;
	[tilespmem:$0x10080] =	vst v63  }
0xd1: {  	s28 =	simm.s32 $0xE080  }
0xd2: {  	[tilespmem:s28], [sflag:$0x1] =	stream.indirect_vreg.gather [hbm4b:s1+s4], $0x80, v3, vm0, $0xb8;
	[tilespmem:$0x10080] =	vst v63  }
0xd3: {  	s28 =	simm.s32 $0xE880  }
0xd4: {  	[tilespmem:s28], [sflag:$0x1] =	stream.indirect_vreg.gather [hbm4b:s5+s4], $0x80, v3, vm0, $0xb8;
	[tilespmem:$0x10080] =	vst v63  }
0xd5: {  	s28 =	simm.s32 $0xF080  }
0xd6: {  	[tilespmem:s28], [sflag:$0x1] =	stream.indirect_vreg.gather [hbm4b:s6+s4], $0x80, v3, vm0, $0xb8;
	[tilespmem:$0x10080] =	vst v63  }
0xd7: {  	s18 =	simm.s32 $0xF880  }
0xd8: {  	[tilespmem:s18], [sflag:$0x1] =	stream.indirect_vreg.gather [hbm4b:s7+s4], $0x80, v3, vm0, $0xb8;
	[tilespmem:$0x10080] =	vst v63  }
0xd9: {  	_ =	swait.ge [sflag:s26], $0x10000  }
0xda: {  	[sflag:s26] =	ssyncset.done $0x0  }
0xdb: {  	s28 =	rddreg [dreg:$0x8];
	[sflag:s26] =	ssyncadd.s32 $0xFFFF0000  }
0xdc: {  	[hbm4b:s28+s4] =	stream.linear.scatter [tilespmem:s13], [sflag:$0x2], $0x10000, $0x38;
	[tilespmem:$0x10080] =	vst v63  }
0xdd: {  	_ =	swait.ge [sflag:s12], $0x10000  }
0xde: {  	[sflag:s12] =	ssyncset.done $0x0  }
0xdf: {  	s28 =	rddreg [dreg:$0x9];
	[sflag:s12] =	ssyncadd.s32 $0xFFFF0000  }
0xe0: {  	[tilespmem:s4], [sflag:$0x2] =	stream.linear.gather [hbm4b:s28+s4], $0x40, $0x38;
	[tilespmem:$0x10080] =	vst v63  }
0xe1: {  	_ =	swait.ge [sflag:s12], $0x40  }
0xe2: {  	[sflag:s12] =	ssyncset.done $0x0  }
0xe3: {  	[sflag:s12] =	ssyncadd.s32 $0xFFFFFFC0  }
0xe4: {  	v3 =	vld [tilespmem:$0x0];
	_ =	sdelay $0x4  }
0xe5: {  	v40 =	vshll.u32 v3, $0x3  }
0xe6: {  	v3 =	vand.u32 $0x7, v3;
	v4 =	vand.u32 $0xFFFFFFC0, v40  }
0xe7: {  	v3 =	vor.u32 v3, v4  }
0xe8: {  	v4 =	vperm.xlane v3, v0;
	_ =	sdelay $0x1  }
0xe9: {  	v4 =	vadd.s32 v1, v4;
	_ =	sdelay $0x4  }
0xea: {  	[tilespmem:s13], [sflag:$0x1] =	stream.indirect_vreg.gather [hbm4b:s1+s4], $0x80, v4, vm0, $0xb8;
	[tilespmem:$0x10080] =	vst v63  }
0xeb: {  	s28 =	simm.s32 $0x880;
	v3 =	vperm.xlane v3, v2  }
0xec: {  	[tilespmem:s28], [sflag:$0x1] =	stream.indirect_vreg.gather [hbm4b:s5+s4], $0x80, v4, vm0, $0xb8;
	[tilespmem:$0x10080] =	vst v63  }
0xed: {  	v3 =	vadd.s32 v1, v3;
	s28 =	simm.s32 $0x1080  }
0xee: {  	[tilespmem:s28], [sflag:$0x1] =	stream.indirect_vreg.gather [hbm4b:s6+s4], $0x80, v4, vm0, $0xb8;
	[tilespmem:$0x10080] =	vst v63  }
0xef: {  	s28 =	simm.s32 $0x1880  }
0xf0: {  	[tilespmem:s28], [sflag:$0x1] =	stream.indirect_vreg.gather [hbm4b:s7+s4], $0x80, v4, vm0, $0xb8;
	[tilespmem:$0x10080] =	vst v63  }
0xf1: {  	_ = 	snop  }
0xf2: {  	[tilespmem:s0], [sflag:$0x1] =	stream.indirect_vreg.gather [hbm4b:s1+s4], $0x80, v3, vm0, $0xb8;
	[tilespmem:$0x10080] =	vst v63  }
0xf3: {  	_ = 	snop  }
0xf4: {  	[tilespmem:s3], [sflag:$0x1] =	stream.indirect_vreg.gather [hbm4b:s5+s4], $0x80, v3, vm0, $0xb8;
	[tilespmem:$0x10080] =	vst v63  }
0xf5: {  	_ = 	snop  }
0xf6: {  	[tilespmem:s11], [sflag:$0x1] =	stream.indirect_vreg.gather [hbm4b:s6+s4], $0x80, v3, vm0, $0xb8;
	[tilespmem:$0x10080] =	vst v63  }
0xf7: {  	s28 =	simm.s32 $0x3880  }
0xf8: {  	[tilespmem:s28], [sflag:$0x1] =	stream.indirect_vreg.gather [hbm4b:s7+s4], $0x80, v3, vm0, $0xb8;
	[tilespmem:$0x10080] =	vst v63  }
0xf9: {  	v3 =	vld [tilespmem:$0x10];
	_ =	sdelay $0x4  }
0xfa: {  	v41 =	vshll.u32 v3, $0x3  }
0xfb: {  	v3 =	vand.u32 $0x7, v3;
	v4 =	vand.u32 $0xFFFFFFC0, v41  }
0xfc: {  	v3 =	vor.u32 v3, v4  }
0xfd: {  	v4 =	vperm.xlane v3, v0;
	_ =	sdelay $0x1  }
0xfe: {  	v4 =	vadd.s32 v1, v4;
	_ =	sdelay $0x3  }
0xff: {  	s28 =	simm.s32 $0x4080  }
0x100: {  	[tilespmem:s28], [sflag:$0x1] =	stream.indirect_vreg.gather [hbm4b:s1+s4], $0x80, v4, vm0, $0xb8;
	[tilespmem:$0x10080] =	vst v63  }
0x101: {  	v3 =	vperm.xlane v3, v2;
	s28 =	simm.s32 $0x4880  }
0x102: {  	[tilespmem:s28], [sflag:$0x1] =	stream.indirect_vreg.gather [hbm4b:s5+s4], $0x80, v4, vm0, $0xb8;
	[tilespmem:$0x10080] =	vst v63  }
0x103: {  	v3 =	vadd.s32 v1, v3  }
0x104: {  	[tilespmem:s24], [sflag:$0x1] =	stream.indirect_vreg.gather [hbm4b:s6+s4], $0x80, v4, vm0, $0xb8;
	[tilespmem:$0x10080] =	vst v63  }
0x105: {  	_ = 	snop  }
0x106: {  	[tilespmem:s25], [sflag:$0x1] =	stream.indirect_vreg.gather [hbm4b:s7+s4], $0x80, v4, vm0, $0xb8;
	[tilespmem:$0x10080] =	vst v63  }
0x107: {  	_ = 	snop  }
0x108: {  	[tilespmem:s29], [sflag:$0x1] =	stream.indirect_vreg.gather [hbm4b:s1+s4], $0x80, v3, vm0, $0xb8;
	[tilespmem:$0x10080] =	vst v63  }
0x109: {  	_ = 	snop  }
0x10a: {  	[tilespmem:s30], [sflag:$0x1] =	stream.indirect_vreg.gather [hbm4b:s5+s4], $0x80, v3, vm0, $0xb8;
	[tilespmem:$0x10080] =	vst v63  }
0x10b: {  	_ = 	snop  }
0x10c: {  	[tilespmem:s31], [sflag:$0x1] =	stream.indirect_vreg.gather [hbm4b:s6+s4], $0x80, v3, vm0, $0xb8;
	[tilespmem:$0x10080] =	vst v63  }
0x10d: {  	_ = 	snop  }
0x10e: {  	[tilespmem:s14], [sflag:$0x1] =	stream.indirect_vreg.gather [hbm4b:s7+s4], $0x80, v3, vm0, $0xb8;
	[tilespmem:$0x10080] =	vst v63  }
0x10f: {  	v3 =	vld [tilespmem:$0x20];
	_ =	sdelay $0x4  }
0x110: {  	v42 =	vshll.u32 v3, $0x3  }
0x111: {  	v3 =	vand.u32 $0x7, v3;
	v4 =	vand.u32 $0xFFFFFFC0, v42  }
0x112: {  	v3 =	vor.u32 v3, v4  }
0x113: {  	v4 =	vperm.xlane v3, v0;
	_ =	sdelay $0x1  }
0x114: {  	v4 =	vadd.s32 v1, v4;
	_ =	sdelay $0x4  }
0x115: {  	[tilespmem:s19], [sflag:$0x1] =	stream.indirect_vreg.gather [hbm4b:s1+s4], $0x80, v4, vm0, $0xb8;
	[tilespmem:$0x10080] =	vst v63  }
0x116: {  	s28 =	simm.s32 $0x8880;
	v3 =	vperm.xlane v3, v2  }
0x117: {  	[tilespmem:s28], [sflag:$0x1] =	stream.indirect_vreg.gather [hbm4b:s5+s4], $0x80, v4, vm0, $0xb8;
	[tilespmem:$0x10080] =	vst v63  }
0x118: {  	s21 =	simm.s32 $0x9080;
	v3 =	vadd.s32 v1, v3  }
0x119: {  	[tilespmem:s21], [sflag:$0x1] =	stream.indirect_vreg.gather [hbm4b:s6+s4], $0x80, v4, vm0, $0xb8;
	[tilespmem:$0x10080] =	vst v63  }
0x11a: {  	s22 =	simm.s32 $0x9880  }
0x11b: {  	[tilespmem:s22], [sflag:$0x1] =	stream.indirect_vreg.gather [hbm4b:s7+s4], $0x80, v4, vm0, $0xb8;
	[tilespmem:$0x10080] =	vst v63  }
0x11c: {  	s23 =	simm.s32 $0xA080  }
0x11d: {  	[tilespmem:s23], [sflag:$0x1] =	stream.indirect_vreg.gather [hbm4b:s1+s4], $0x80, v3, vm0, $0xb8;
	[tilespmem:$0x10080] =	vst v63  }
0x11e: {  	s28 =	simm.s32 $0xA880  }
0x11f: {  	[tilespmem:s28], [sflag:$0x1] =	stream.indirect_vreg.gather [hbm4b:s5+s4], $0x80, v3, vm0, $0xb8;
	[tilespmem:$0x10080] =	vst v63  }
0x120: {  	s28 =	simm.s32 $0xB080  }
0x121: {  	[tilespmem:s28], [sflag:$0x1] =	stream.indirect_vreg.gather [hbm4b:s6+s4], $0x80, v3, vm0, $0xb8;
	[tilespmem:$0x10080] =	vst v63  }
0x122: {  	s28 =	simm.s32 $0xB880  }
0x123: {  	[tilespmem:s28], [sflag:$0x1] =	stream.indirect_vreg.gather [hbm4b:s7+s4], $0x80, v3, vm0, $0xb8;
	[tilespmem:$0x10080] =	vst v63  }
0x124: {  	v3 =	vld [tilespmem:$0x30];
	_ =	sdelay $0x4  }
0x125: {  	v43 =	vshll.u32 v3, $0x3  }
0x126: {  	v3 =	vand.u32 $0x7, v3;
	v4 =	vand.u32 $0xFFFFFFC0, v43  }
0x127: {  	v3 =	vor.u32 v3, v4  }
0x128: {  	v4 =	vperm.xlane v3, v0;
	_ =	sdelay $0x1  }
0x129: {  	v4 =	vadd.s32 v1, v4;
	_ =	sdelay $0x3  }
0x12a: {  	s28 =	simm.s32 $0xC080  }
0x12b: {  	[tilespmem:s28], [sflag:$0x1] =	stream.indirect_vreg.gather [hbm4b:s1+s4], $0x80, v4, vm0, $0xb8;
	[tilespmem:$0x10080] =	vst v63  }
0x12c: {  	v3 =	vperm.xlane v3, v2;
	s28 =	simm.s32 $0xC880  }
0x12d: {  	[tilespmem:s28], [sflag:$0x1] =	stream.indirect_vreg.gather [hbm4b:s5+s4], $0x80, v4, vm0, $0xb8;
	[tilespmem:$0x10080] =	vst v63  }
0x12e: {  	s15 =	simm.s32 $0xD080;
	v3 =	vadd.s32 v1, v3  }
0x12f: {  	[tilespmem:s15], [sflag:$0x1] =	stream.indirect_vreg.gather [hbm4b:s6+s4], $0x80, v4, vm0, $0xb8;
	[tilespmem:$0x10080] =	vst v63  }
0x130: {  	s16 =	simm.s32 $0xD880  }
0x131: {  	[tilespmem:s16], [sflag:$0x1] =	stream.indirect_vreg.gather [hbm4b:s7+s4], $0x80, v4, vm0, $0xb8;
	[tilespmem:$0x10080] =	vst v63  }
0x132: {  	s17 =	simm.s32 $0xE080  }
0x133: {  	[tilespmem:s17], [sflag:$0x1] =	stream.indirect_vreg.gather [hbm4b:s1+s4], $0x80, v3, vm0, $0xb8;
	[tilespmem:$0x10080] =	vst v63  }
0x134: {  	s28 =	simm.s32 $0xE880  }
0x135: {  	[tilespmem:s28], [sflag:$0x1] =	stream.indirect_vreg.gather [hbm4b:s5+s4], $0x80, v3, vm0, $0xb8;
	[tilespmem:$0x10080] =	vst v63  }
0x136: {  	s28 =	simm.s32 $0xF080  }
0x137: {  	[tilespmem:s28], [sflag:$0x1] =	stream.indirect_vreg.gather [hbm4b:s6+s4], $0x80, v3, vm0, $0xb8;
	[tilespmem:$0x10080] =	vst v63  }
0x138: {  	s18 =	simm.s32 $0xF880  }
0x139: {  	[tilespmem:s18], [sflag:$0x1] =	stream.indirect_vreg.gather [hbm4b:s7+s4], $0x80, v3, vm0, $0xb8;
	[tilespmem:$0x10080] =	vst v63  }
0x13a: {  	_ =	swait.ge [sflag:s26], $0x10000  }
0x13b: {  	[sflag:s26] =	ssyncset.done $0x0  }
0x13c: {  	s28 =	rddreg [dreg:$0xa];
	[sflag:s26] =	ssyncadd.s32 $0xFFFF0000  }
0x13d: {  	[hbm4b:s28+s4] =	stream.linear.scatter [tilespmem:s13], [sflag:$0x2], $0x10000, $0x38;
	[tilespmem:$0x10080] =	vst v63  }
0x13e: {  	_ =	swait.ge [sflag:s12], $0x10000  }
0x13f: {  	[sflag:s12] =	ssyncset.done $0x0  }
0x140: {  	s28 =	rddreg [dreg:$0xb];
	[sflag:s12] =	ssyncadd.s32 $0xFFFF0000  }
0x141: {  	[tilespmem:s4], [sflag:$0x2] =	stream.linear.gather [hbm4b:s28+s4], $0x40, $0x38;
	[tilespmem:$0x10080] =	vst v63  }
0x142: {  	_ =	swait.ge [sflag:s12], $0x40  }
0x143: {  	[sflag:s12] =	ssyncset.done $0x0  }
0x144: {  	[sflag:s12] =	ssyncadd.s32 $0xFFFFFFC0  }
0x145: {  	v3 =	vld [tilespmem:$0x0];
	_ =	sdelay $0x4  }
0x146: {  	v44 =	vshll.u32 v3, $0x3  }
0x147: {  	v3 =	vand.u32 $0x7, v3;
	v4 =	vand.u32 $0xFFFFFFC0, v44  }
0x148: {  	v3 =	vor.u32 v3, v4  }
0x149: {  	v4 =	vperm.xlane v3, v0;
	_ =	sdelay $0x1  }
0x14a: {  	v4 =	vadd.s32 v1, v4;
	_ =	sdelay $0x4  }
0x14b: {  	[tilespmem:s13], [sflag:$0x1] =	stream.indirect_vreg.gather [hbm4b:s1+s4], $0x80, v4, vm0, $0xb8;
	[tilespmem:$0x10080] =	vst v63  }
0x14c: {  	s28 =	simm.s32 $0x880;
	v3 =	vperm.xlane v3, v2  }
0x14d: {  	[tilespmem:s28], [sflag:$0x1] =	stream.indirect_vreg.gather [hbm4b:s5+s4], $0x80, v4, vm0, $0xb8;
	[tilespmem:$0x10080] =	vst v63  }
0x14e: {  	v3 =	vadd.s32 v1, v3;
	s28 =	simm.s32 $0x1080  }
0x14f: {  	[tilespmem:s28], [sflag:$0x1] =	stream.indirect_vreg.gather [hbm4b:s6+s4], $0x80, v4, vm0, $0xb8;
	[tilespmem:$0x10080] =	vst v63  }
0x150: {  	s28 =	simm.s32 $0x1880  }
0x151: {  	[tilespmem:s28], [sflag:$0x1] =	stream.indirect_vreg.gather [hbm4b:s7+s4], $0x80, v4, vm0, $0xb8;
	[tilespmem:$0x10080] =	vst v63  }
0x152: {  	s0 =	simm.s32 $0x2080  }
0x153: {  	[tilespmem:s0], [sflag:$0x1] =	stream.indirect_vreg.gather [hbm4b:s1+s4], $0x80, v3, vm0, $0xb8;
	[tilespmem:$0x10080] =	vst v63  }
0x154: {  	s3 =	simm.s32 $0x2880  }
0x155: {  	[tilespmem:s3], [sflag:$0x1] =	stream.indirect_vreg.gather [hbm4b:s5+s4], $0x80, v3, vm0, $0xb8;
	[tilespmem:$0x10080] =	vst v63  }
0x156: {  	s11 =	simm.s32 $0x3080  }
0x157: {  	[tilespmem:s11], [sflag:$0x1] =	stream.indirect_vreg.gather [hbm4b:s6+s4], $0x80, v3, vm0, $0xb8;
	[tilespmem:$0x10080] =	vst v63  }
0x158: {  	s28 =	simm.s32 $0x3880  }
0x159: {  	[tilespmem:s28], [sflag:$0x1] =	stream.indirect_vreg.gather [hbm4b:s7+s4], $0x80, v3, vm0, $0xb8;
	[tilespmem:$0x10080] =	vst v63  }
0x15a: {  	v3 =	vld [tilespmem:$0x10];
	_ =	sdelay $0x4  }
0x15b: {  	v45 =	vshll.u32 v3, $0x3  }
0x15c: {  	v3 =	vand.u32 $0x7, v3;
	v4 =	vand.u32 $0xFFFFFFC0, v45  }
0x15d: {  	v3 =	vor.u32 v3, v4  }
0x15e: {  	v4 =	vperm.xlane v3, v0;
	_ =	sdelay $0x1  }
0x15f: {  	v4 =	vadd.s32 v1, v4;
	_ =	sdelay $0x3  }
0x160: {  	s28 =	simm.s32 $0x4080  }
0x161: {  	[tilespmem:s28], [sflag:$0x1] =	stream.indirect_vreg.gather [hbm4b:s1+s4], $0x80, v4, vm0, $0xb8;
	[tilespmem:$0x10080] =	vst v63  }
0x162: {  	v3 =	vperm.xlane v3, v2;
	s28 =	simm.s32 $0x4880  }
0x163: {  	[tilespmem:s28], [sflag:$0x1] =	stream.indirect_vreg.gather [hbm4b:s5+s4], $0x80, v4, vm0, $0xb8;
	[tilespmem:$0x10080] =	vst v63  }
0x164: {  	s24 =	simm.s32 $0x5080;
	v3 =	vadd.s32 v1, v3  }
0x165: {  	[tilespmem:s24], [sflag:$0x1] =	stream.indirect_vreg.gather [hbm4b:s6+s4], $0x80, v4, vm0, $0xb8;
	[tilespmem:$0x10080] =	vst v63  }
0x166: {  	s25 =	simm.s32 $0x5880  }
0x167: {  	[tilespmem:s25], [sflag:$0x1] =	stream.indirect_vreg.gather [hbm4b:s7+s4], $0x80, v4, vm0, $0xb8;
	[tilespmem:$0x10080] =	vst v63  }
0x168: {  	s29 =	simm.s32 $0x6080  }
0x169: {  	[tilespmem:s29], [sflag:$0x1] =	stream.indirect_vreg.gather [hbm4b:s1+s4], $0x80, v3, vm0, $0xb8;
	[tilespmem:$0x10080] =	vst v63  }
0x16a: {  	s30 =	simm.s32 $0x6880  }
0x16b: {  	[tilespmem:s30], [sflag:$0x1] =	stream.indirect_vreg.gather [hbm4b:s5+s4], $0x80, v3, vm0, $0xb8;
	[tilespmem:$0x10080] =	vst v63  }
0x16c: {  	s31 =	simm.s32 $0x7080  }
0x16d: {  	[tilespmem:s31], [sflag:$0x1] =	stream.indirect_vreg.gather [hbm4b:s6+s4], $0x80, v3, vm0, $0xb8;
	[tilespmem:$0x10080] =	vst v63  }
0x16e: {  	s14 =	simm.s32 $0x7880  }
0x16f: {  	[tilespmem:s14], [sflag:$0x1] =	stream.indirect_vreg.gather [hbm4b:s7+s4], $0x80, v3, vm0, $0xb8;
	[tilespmem:$0x10080] =	vst v63  }
0x170: {  	v3 =	vld [tilespmem:$0x20];
	_ =	sdelay $0x4  }
0x171: {  	v46 =	vshll.u32 v3, $0x3  }
0x172: {  	v3 =	vand.u32 $0x7, v3;
	v4 =	vand.u32 $0xFFFFFFC0, v46  }
0x173: {  	v3 =	vor.u32 v3, v4  }
0x174: {  	v4 =	vperm.xlane v3, v0;
	_ =	sdelay $0x1  }
0x175: {  	v4 =	vadd.s32 v1, v4;
	_ =	sdelay $0x3  }
0x176: {  	s19 =	simm.s32 $0x8080  }
0x177: {  	[tilespmem:s19], [sflag:$0x1] =	stream.indirect_vreg.gather [hbm4b:s1+s4], $0x80, v4, vm0, $0xb8;
	[tilespmem:$0x10080] =	vst v63  }
0x178: {  	s28 =	simm.s32 $0x8880;
	v3 =	vperm.xlane v3, v2  }
0x179: {  	[tilespmem:s28], [sflag:$0x1] =	stream.indirect_vreg.gather [hbm4b:s5+s4], $0x80, v4, vm0, $0xb8;
	[tilespmem:$0x10080] =	vst v63  }
0x17a: {  	s21 =	simm.s32 $0x9080;
	v3 =	vadd.s32 v1, v3  }
0x17b: {  	[tilespmem:s21], [sflag:$0x1] =	stream.indirect_vreg.gather [hbm4b:s6+s4], $0x80, v4, vm0, $0xb8;
	[tilespmem:$0x10080] =	vst v63  }
0x17c: {  	s22 =	simm.s32 $0x9880  }
0x17d: {  	[tilespmem:s22], [sflag:$0x1] =	stream.indirect_vreg.gather [hbm4b:s7+s4], $0x80, v4, vm0, $0xb8;
	[tilespmem:$0x10080] =	vst v63  }
0x17e: {  	s23 =	simm.s32 $0xA080  }
0x17f: {  	[tilespmem:s23], [sflag:$0x1] =	stream.indirect_vreg.gather [hbm4b:s1+s4], $0x80, v3, vm0, $0xb8;
	[tilespmem:$0x10080] =	vst v63  }
0x180: {  	s28 =	simm.s32 $0xA880  }
0x181: {  	[tilespmem:s28], [sflag:$0x1] =	stream.indirect_vreg.gather [hbm4b:s5+s4], $0x80, v3, vm0, $0xb8;
	[tilespmem:$0x10080] =	vst v63  }
0x182: {  	s28 =	simm.s32 $0xB080  }
0x183: {  	[tilespmem:s28], [sflag:$0x1] =	stream.indirect_vreg.gather [hbm4b:s6+s4], $0x80, v3, vm0, $0xb8;
	[tilespmem:$0x10080] =	vst v63  }
0x184: {  	s28 =	simm.s32 $0xB880  }
0x185: {  	[tilespmem:s28], [sflag:$0x1] =	stream.indirect_vreg.gather [hbm4b:s7+s4], $0x80, v3, vm0, $0xb8;
	[tilespmem:$0x10080] =	vst v63  }
0x186: {  	v3 =	vld [tilespmem:$0x30];
	_ =	sdelay $0x4  }
0x187: {  	v47 =	vshll.u32 v3, $0x3  }
0x188: {  	v3 =	vand.u32 $0x7, v3;
	v4 =	vand.u32 $0xFFFFFFC0, v47  }
0x189: {  	v3 =	vor.u32 v3, v4  }
0x18a: {  	v4 =	vperm.xlane v3, v0;
	_ =	sdelay $0x1  }
0x18b: {  	v4 =	vadd.s32 v1, v4;
	_ =	sdelay $0x3  }
0x18c: {  	s28 =	simm.s32 $0xC080  }
0x18d: {  	[tilespmem:s28], [sflag:$0x1] =	stream.indirect_vreg.gather [hbm4b:s1+s4], $0x80, v4, vm0, $0xb8;
	[tilespmem:$0x10080] =	vst v63  }
0x18e: {  	v3 =	vperm.xlane v3, v2;
	s28 =	simm.s32 $0xC880  }
0x18f: {  	[tilespmem:s28], [sflag:$0x1] =	stream.indirect_vreg.gather [hbm4b:s5+s4], $0x80, v4, vm0, $0xb8;
	[tilespmem:$0x10080] =	vst v63  }
0x190: {  	s15 =	simm.s32 $0xD080;
	v3 =	vadd.s32 v1, v3  }
0x191: {  	[tilespmem:s15], [sflag:$0x1] =	stream.indirect_vreg.gather [hbm4b:s6+s4], $0x80, v4, vm0, $0xb8;
	[tilespmem:$0x10080] =	vst v63  }
0x192: {  	s16 =	simm.s32 $0xD880  }
0x193: {  	[tilespmem:s16], [sflag:$0x1] =	stream.indirect_vreg.gather [hbm4b:s7+s4], $0x80, v4, vm0, $0xb8;
	[tilespmem:$0x10080] =	vst v63  }
0x194: {  	s17 =	simm.s32 $0xE080  }
0x195: {  	[tilespmem:s17], [sflag:$0x1] =	stream.indirect_vreg.gather [hbm4b:s1+s4], $0x80, v3, vm0, $0xb8;
	[tilespmem:$0x10080] =	vst v63  }
0x196: {  	s28 =	simm.s32 $0xE880  }
0x197: {  	[tilespmem:s28], [sflag:$0x1] =	stream.indirect_vreg.gather [hbm4b:s5+s4], $0x80, v3, vm0, $0xb8;
	[tilespmem:$0x10080] =	vst v63  }
0x198: {  	s28 =	simm.s32 $0xF080  }
0x199: {  	[tilespmem:s28], [sflag:$0x1] =	stream.indirect_vreg.gather [hbm4b:s6+s4], $0x80, v3, vm0, $0xb8;
	[tilespmem:$0x10080] =	vst v63  }
0x19a: {  	s18 =	simm.s32 $0xF880  }
0x19b: {  	[tilespmem:s18], [sflag:$0x1] =	stream.indirect_vreg.gather [hbm4b:s7+s4], $0x80, v3, vm0, $0xb8;
	[tilespmem:$0x10080] =	vst v63  }
0x19c: {  	_ =	swait.ge [sflag:s26], $0x10000  }
0x19d: {  	[sflag:s26] =	ssyncset.done $0x0  }
0x19e: {  	s28 =	rddreg [dreg:$0xc];
	[sflag:s26] =	ssyncadd.s32 $0xFFFF0000  }
0x19f: {  	[hbm4b:s28+s4] =	stream.linear.scatter [tilespmem:s13], [sflag:$0x2], $0x10000, $0x38;
	[tilespmem:$0x10080] =	vst v63  }
0x1a0: {  	_ =	swait.ge [sflag:s12], $0x10000  }
0x1a1: {  	[sflag:s12] =	ssyncset.done $0x0  }
0x1a2: {  	s28 =	rddreg [dreg:$0xd];
	[sflag:s12] =	ssyncadd.s32 $0xFFFF0000  }
0x1a3: {  	[tilespmem:s4], [sflag:$0x2] =	stream.linear.gather [hbm4b:s28+s4], $0x40, $0x38;
	[tilespmem:$0x10080] =	vst v63  }
0x1a4: {  	_ =	swait.ge [sflag:s12], $0x40  }
0x1a5: {  	[sflag:s12] =	ssyncset.done $0x0  }
0x1a6: {  	[sflag:s12] =	ssyncadd.s32 $0xFFFFFFC0  }
0x1a7: {  	v3 =	vld [tilespmem:$0x0];
	_ =	sdelay $0x4  }
0x1a8: {  	v48 =	vshll.u32 v3, $0x3  }
0x1a9: {  	v3 =	vand.u32 $0x7, v3;
	v4 =	vand.u32 $0xFFFFFFC0, v48  }
0x1aa: {  	v3 =	vor.u32 v3, v4  }
0x1ab: {  	v4 =	vperm.xlane v3, v0;
	_ =	sdelay $0x1  }
0x1ac: {  	v4 =	vadd.s32 v1, v4;
	_ =	sdelay $0x4  }
0x1ad: {  	[tilespmem:s13], [sflag:$0x1] =	stream.indirect_vreg.gather [hbm4b:s2+s4], $0x80, v4, vm0, $0xb8;
	[tilespmem:$0x10080] =	vst v63  }
0x1ae: {  	s28 =	simm.s32 $0x880;
	v3 =	vperm.xlane v3, v2  }
0x1af: {  	[tilespmem:s28], [sflag:$0x1] =	stream.indirect_vreg.gather [hbm4b:s8+s4], $0x80, v4, vm0, $0xb8;
	[tilespmem:$0x10080] =	vst v63  }
0x1b0: {  	v3 =	vadd.s32 v1, v3;
	s28 =	simm.s32 $0x1080  }
0x1b1: {  	[tilespmem:s28], [sflag:$0x1] =	stream.indirect_vreg.gather [hbm4b:s9+s4], $0x80, v4, vm0, $0xb8;
	[tilespmem:$0x10080] =	vst v63  }
0x1b2: {  	s28 =	simm.s32 $0x1880  }
0x1b3: {  	[tilespmem:s28], [sflag:$0x1] =	stream.indirect_vreg.gather [hbm4b:s10+s4], $0x80, v4, vm0, $0xb8;
	[tilespmem:$0x10080] =	vst v63  }
0x1b4: {  	s0 =	simm.s32 $0x2080  }
0x1b5: {  	[tilespmem:s0], [sflag:$0x1] =	stream.indirect_vreg.gather [hbm4b:s2+s4], $0x80, v3, vm0, $0xb8;
	[tilespmem:$0x10080] =	vst v63  }
0x1b6: {  	s3 =	simm.s32 $0x2880  }
0x1b7: {  	[tilespmem:s3], [sflag:$0x1] =	stream.indirect_vreg.gather [hbm4b:s8+s4], $0x80, v3, vm0, $0xb8;
	[tilespmem:$0x10080] =	vst v63  }
0x1b8: {  	s11 =	simm.s32 $0x3080  }
0x1b9: {  	[tilespmem:s11], [sflag:$0x1] =	stream.indirect_vreg.gather [hbm4b:s9+s4], $0x80, v3, vm0, $0xb8;
	[tilespmem:$0x10080] =	vst v63  }
0x1ba: {  	s28 =	simm.s32 $0x3880  }
0x1bb: {  	[tilespmem:s28], [sflag:$0x1] =	stream.indirect_vreg.gather [hbm4b:s10+s4], $0x80, v3, vm0, $0xb8;
	[tilespmem:$0x10080] =	vst v63  }
0x1bc: {  	v3 =	vld [tilespmem:$0x10];
	_ =	sdelay $0x4  }
0x1bd: {  	v49 =	vshll.u32 v3, $0x3  }
0x1be: {  	v3 =	vand.u32 $0x7, v3;
	v4 =	vand.u32 $0xFFFFFFC0, v49  }
0x1bf: {  	v3 =	vor.u32 v3, v4  }
0x1c0: {  	v4 =	vperm.xlane v3, v0;
	_ =	sdelay $0x1  }
0x1c1: {  	v4 =	vadd.s32 v1, v4;
	_ =	sdelay $0x3  }
0x1c2: {  	s28 =	simm.s32 $0x4080  }
0x1c3: {  	[tilespmem:s28], [sflag:$0x1] =	stream.indirect_vreg.gather [hbm4b:s2+s4], $0x80, v4, vm0, $0xb8;
	[tilespmem:$0x10080] =	vst v63  }
0x1c4: {  	v3 =	vperm.xlane v3, v2;
	s28 =	simm.s32 $0x4880  }
0x1c5: {  	[tilespmem:s28], [sflag:$0x1] =	stream.indirect_vreg.gather [hbm4b:s8+s4], $0x80, v4, vm0, $0xb8;
	[tilespmem:$0x10080] =	vst v63  }
0x1c6: {  	s24 =	simm.s32 $0x5080;
	v3 =	vadd.s32 v1, v3  }
0x1c7: {  	[tilespmem:s24], [sflag:$0x1] =	stream.indirect_vreg.gather [hbm4b:s9+s4], $0x80, v4, vm0, $0xb8;
	[tilespmem:$0x10080] =	vst v63  }
0x1c8: {  	s25 =	simm.s32 $0x5880  }
0x1c9: {  	[tilespmem:s25], [sflag:$0x1] =	stream.indirect_vreg.gather [hbm4b:s10+s4], $0x80, v4, vm0, $0xb8;
	[tilespmem:$0x10080] =	vst v63  }
0x1ca: {  	s29 =	simm.s32 $0x6080  }
0x1cb: {  	[tilespmem:s29], [sflag:$0x1] =	stream.indirect_vreg.gather [hbm4b:s2+s4], $0x80, v3, vm0, $0xb8;
	[tilespmem:$0x10080] =	vst v63  }
0x1cc: {  	s30 =	simm.s32 $0x6880  }
0x1cd: {  	[tilespmem:s30], [sflag:$0x1] =	stream.indirect_vreg.gather [hbm4b:s8+s4], $0x80, v3, vm0, $0xb8;
	[tilespmem:$0x10080] =	vst v63  }
0x1ce: {  	s31 =	simm.s32 $0x7080  }
0x1cf: {  	[tilespmem:s31], [sflag:$0x1] =	stream.indirect_vreg.gather [hbm4b:s9+s4], $0x80, v3, vm0, $0xb8;
	[tilespmem:$0x10080] =	vst v63  }
0x1d0: {  	s14 =	simm.s32 $0x7880  }
0x1d1: {  	[tilespmem:s14], [sflag:$0x1] =	stream.indirect_vreg.gather [hbm4b:s10+s4], $0x80, v3, vm0, $0xb8;
	[tilespmem:$0x10080] =	vst v63  }
0x1d2: {  	v3 =	vld [tilespmem:$0x20];
	_ =	sdelay $0x4  }
0x1d3: {  	v50 =	vshll.u32 v3, $0x3  }
0x1d4: {  	v3 =	vand.u32 $0x7, v3;
	v4 =	vand.u32 $0xFFFFFFC0, v50  }
0x1d5: {  	v3 =	vor.u32 v3, v4  }
0x1d6: {  	v4 =	vperm.xlane v3, v0;
	_ =	sdelay $0x1  }
0x1d7: {  	v4 =	vadd.s32 v1, v4;
	_ =	sdelay $0x3  }
0x1d8: {  	s19 =	simm.s32 $0x8080  }
0x1d9: {  	[tilespmem:s19], [sflag:$0x1] =	stream.indirect_vreg.gather [hbm4b:s2+s4], $0x80, v4, vm0, $0xb8;
	[tilespmem:$0x10080] =	vst v63  }
0x1da: {  	s28 =	simm.s32 $0x8880;
	v3 =	vperm.xlane v3, v2  }
0x1db: {  	[tilespmem:s28], [sflag:$0x1] =	stream.indirect_vreg.gather [hbm4b:s8+s4], $0x80, v4, vm0, $0xb8;
	[tilespmem:$0x10080] =	vst v63  }
0x1dc: {  	s21 =	simm.s32 $0x9080;
	v3 =	vadd.s32 v1, v3  }
0x1dd: {  	[tilespmem:s21], [sflag:$0x1] =	stream.indirect_vreg.gather [hbm4b:s9+s4], $0x80, v4, vm0, $0xb8;
	[tilespmem:$0x10080] =	vst v63  }
0x1de: {  	s22 =	simm.s32 $0x9880  }
0x1df: {  	[tilespmem:s22], [sflag:$0x1] =	stream.indirect_vreg.gather [hbm4b:s10+s4], $0x80, v4, vm0, $0xb8;
	[tilespmem:$0x10080] =	vst v63  }
0x1e0: {  	s23 =	simm.s32 $0xA080  }
0x1e1: {  	[tilespmem:s23], [sflag:$0x1] =	stream.indirect_vreg.gather [hbm4b:s2+s4], $0x80, v3, vm0, $0xb8;
	[tilespmem:$0x10080] =	vst v63  }
0x1e2: {  	s28 =	simm.s32 $0xA880  }
0x1e3: {  	[tilespmem:s28], [sflag:$0x1] =	stream.indirect_vreg.gather [hbm4b:s8+s4], $0x80, v3, vm0, $0xb8;
	[tilespmem:$0x10080] =	vst v63  }
0x1e4: {  	s28 =	simm.s32 $0xB080  }
0x1e5: {  	[tilespmem:s28], [sflag:$0x1] =	stream.indirect_vreg.gather [hbm4b:s9+s4], $0x80, v3, vm0, $0xb8;
	[tilespmem:$0x10080] =	vst v63  }
0x1e6: {  	s28 =	simm.s32 $0xB880  }
0x1e7: {  	[tilespmem:s28], [sflag:$0x1] =	stream.indirect_vreg.gather [hbm4b:s10+s4], $0x80, v3, vm0, $0xb8;
	[tilespmem:$0x10080] =	vst v63  }
0x1e8: {  	v3 =	vld [tilespmem:$0x30];
	_ =	sdelay $0x4  }
0x1e9: {  	v51 =	vshll.u32 v3, $0x3  }
0x1ea: {  	v3 =	vand.u32 $0x7, v3;
	v4 =	vand.u32 $0xFFFFFFC0, v51  }
0x1eb: {  	v3 =	vor.u32 v3, v4  }
0x1ec: {  	v4 =	vperm.xlane v3, v0;
	_ =	sdelay $0x1  }
0x1ed: {  	v4 =	vadd.s32 v1, v4;
	_ =	sdelay $0x3  }
0x1ee: {  	s28 =	simm.s32 $0xC080  }
0x1ef: {  	[tilespmem:s28], [sflag:$0x1] =	stream.indirect_vreg.gather [hbm4b:s2+s4], $0x80, v4, vm0, $0xb8;
	[tilespmem:$0x10080] =	vst v63  }
0x1f0: {  	v3 =	vperm.xlane v3, v2;
	s28 =	simm.s32 $0xC880  }
0x1f1: {  	[tilespmem:s28], [sflag:$0x1] =	stream.indirect_vreg.gather [hbm4b:s8+s4], $0x80, v4, vm0, $0xb8;
	[tilespmem:$0x10080] =	vst v63  }
0x1f2: {  	s15 =	simm.s32 $0xD080;
	v3 =	vadd.s32 v1, v3  }
0x1f3: {  	[tilespmem:s15], [sflag:$0x1] =	stream.indirect_vreg.gather [hbm4b:s9+s4], $0x80, v4, vm0, $0xb8;
	[tilespmem:$0x10080] =	vst v63  }
0x1f4: {  	s16 =	simm.s32 $0xD880  }
0x1f5: {  	[tilespmem:s16], [sflag:$0x1] =	stream.indirect_vreg.gather [hbm4b:s10+s4], $0x80, v4, vm0, $0xb8;
	[tilespmem:$0x10080] =	vst v63  }
0x1f6: {  	s17 =	simm.s32 $0xE080  }
0x1f7: {  	[tilespmem:s17], [sflag:$0x1] =	stream.indirect_vreg.gather [hbm4b:s2+s4], $0x80, v3, vm0, $0xb8;
	[tilespmem:$0x10080] =	vst v63  }
0x1f8: {  	s28 =	simm.s32 $0xE880  }
0x1f9: {  	[tilespmem:s28], [sflag:$0x1] =	stream.indirect_vreg.gather [hbm4b:s8+s4], $0x80, v3, vm0, $0xb8;
	[tilespmem:$0x10080] =	vst v63  }
0x1fa: {  	s28 =	simm.s32 $0xF080  }
0x1fb: {  	[tilespmem:s28], [sflag:$0x1] =	stream.indirect_vreg.gather [hbm4b:s9+s4], $0x80, v3, vm0, $0xb8;
	[tilespmem:$0x10080] =	vst v63  }
0x1fc: {  	s18 =	simm.s32 $0xF880  }
0x1fd: {  	[tilespmem:s18], [sflag:$0x1] =	stream.indirect_vreg.gather [hbm4b:s10+s4], $0x80, v3, vm0, $0xb8;
	[tilespmem:$0x10080] =	vst v63  }
0x1fe: {  	_ =	swait.ge [sflag:s26], $0x10000  }
0x1ff: {  	[sflag:s26] =	ssyncset.done $0x0  }
0x200: {  	s28 =	rddreg [dreg:$0xe];
	[sflag:s26] =	ssyncadd.s32 $0xFFFF0000  }
0x201: {  	[hbm4b:s28+s4] =	stream.linear.scatter [tilespmem:s13], [sflag:$0x2], $0x10000, $0x38;
	[tilespmem:$0x10080] =	vst v63  }
0x202: {  	_ =	swait.ge [sflag:s12], $0x10000  }
0x203: {  	[sflag:s12] =	ssyncset.done $0x0  }
0x204: {  	s28 =	rddreg [dreg:$0xf];
	[sflag:s12] =	ssyncadd.s32 $0xFFFF0000  }
0x205: {  	[tilespmem:s4], [sflag:$0x2] =	stream.linear.gather [hbm4b:s28+s4], $0x40, $0x38;
	[tilespmem:$0x10080] =	vst v63  }
0x206: {  	_ =	swait.ge [sflag:s12], $0x40  }
0x207: {  	[sflag:s12] =	ssyncset.done $0x0  }
0x208: {  	[sflag:s12] =	ssyncadd.s32 $0xFFFFFFC0  }
0x209: {  	v3 =	vld [tilespmem:$0x0];
	_ =	sdelay $0x4  }
0x20a: {  	v52 =	vshll.u32 v3, $0x3  }
0x20b: {  	v3 =	vand.u32 $0x7, v3;
	v4 =	vand.u32 $0xFFFFFFC0, v52  }
0x20c: {  	v3 =	vor.u32 v3, v4  }
0x20d: {  	v4 =	vperm.xlane v3, v0;
	_ =	sdelay $0x1  }
0x20e: {  	v4 =	vadd.s32 v1, v4;
	_ =	sdelay $0x4  }
0x20f: {  	[tilespmem:s13], [sflag:$0x1] =	stream.indirect_vreg.gather [hbm4b:s2+s4], $0x80, v4, vm0, $0xb8;
	[tilespmem:$0x10080] =	vst v63  }
0x210: {  	s28 =	simm.s32 $0x880;
	v3 =	vperm.xlane v3, v2  }
0x211: {  	[tilespmem:s28], [sflag:$0x1] =	stream.indirect_vreg.gather [hbm4b:s8+s4], $0x80, v4, vm0, $0xb8;
	[tilespmem:$0x10080] =	vst v63  }
0x212: {  	v3 =	vadd.s32 v1, v3;
	s28 =	simm.s32 $0x1080  }
0x213: {  	[tilespmem:s28], [sflag:$0x1] =	stream.indirect_vreg.gather [hbm4b:s9+s4], $0x80, v4, vm0, $0xb8;
	[tilespmem:$0x10080] =	vst v63  }
0x214: {  	s28 =	simm.s32 $0x1880  }
0x215: {  	[tilespmem:s28], [sflag:$0x1] =	stream.indirect_vreg.gather [hbm4b:s10+s4], $0x80, v4, vm0, $0xb8;
	[tilespmem:$0x10080] =	vst v63  }
0x216: {  	s0 =	simm.s32 $0x2080  }
0x217: {  	[tilespmem:s0], [sflag:$0x1] =	stream.indirect_vreg.gather [hbm4b:s2+s4], $0x80, v3, vm0, $0xb8;
	[tilespmem:$0x10080] =	vst v63  }
0x218: {  	s3 =	simm.s32 $0x2880  }
0x219: {  	[tilespmem:s3], [sflag:$0x1] =	stream.indirect_vreg.gather [hbm4b:s8+s4], $0x80, v3, vm0, $0xb8;
	[tilespmem:$0x10080] =	vst v63  }
0x21a: {  	s11 =	simm.s32 $0x3080  }
0x21b: {  	[tilespmem:s11], [sflag:$0x1] =	stream.indirect_vreg.gather [hbm4b:s9+s4], $0x80, v3, vm0, $0xb8;
	[tilespmem:$0x10080] =	vst v63  }
0x21c: {  	s28 =	simm.s32 $0x3880  }
0x21d: {  	[tilespmem:s28], [sflag:$0x1] =	stream.indirect_vreg.gather [hbm4b:s10+s4], $0x80, v3, vm0, $0xb8;
	[tilespmem:$0x10080] =	vst v63  }
0x21e: {  	v3 =	vld [tilespmem:$0x10];
	_ =	sdelay $0x4  }
0x21f: {  	v53 =	vshll.u32 v3, $0x3  }
0x220: {  	v3 =	vand.u32 $0x7, v3;
	v4 =	vand.u32 $0xFFFFFFC0, v53  }
0x221: {  	v3 =	vor.u32 v3, v4  }
0x222: {  	v4 =	vperm.xlane v3, v0;
	_ =	sdelay $0x1  }
0x223: {  	v4 =	vadd.s32 v1, v4;
	_ =	sdelay $0x3  }
0x224: {  	s28 =	simm.s32 $0x4080  }
0x225: {  	[tilespmem:s28], [sflag:$0x1] =	stream.indirect_vreg.gather [hbm4b:s2+s4], $0x80, v4, vm0, $0xb8;
	[tilespmem:$0x10080] =	vst v63  }
0x226: {  	v3 =	vperm.xlane v3, v2;
	s28 =	simm.s32 $0x4880  }
0x227: {  	[tilespmem:s28], [sflag:$0x1] =	stream.indirect_vreg.gather [hbm4b:s8+s4], $0x80, v4, vm0, $0xb8;
	[tilespmem:$0x10080] =	vst v63  }
0x228: {  	s24 =	simm.s32 $0x5080;
	v3 =	vadd.s32 v1, v3  }
0x229: {  	[tilespmem:s24], [sflag:$0x1] =	stream.indirect_vreg.gather [hbm4b:s9+s4], $0x80, v4, vm0, $0xb8;
	[tilespmem:$0x10080] =	vst v63  }
0x22a: {  	s25 =	simm.s32 $0x5880  }
0x22b: {  	[tilespmem:s25], [sflag:$0x1] =	stream.indirect_vreg.gather [hbm4b:s10+s4], $0x80, v4, vm0, $0xb8;
	[tilespmem:$0x10080] =	vst v63  }
0x22c: {  	s29 =	simm.s32 $0x6080  }
0x22d: {  	[tilespmem:s29], [sflag:$0x1] =	stream.indirect_vreg.gather [hbm4b:s2+s4], $0x80, v3, vm0, $0xb8;
	[tilespmem:$0x10080] =	vst v63  }
0x22e: {  	s30 =	simm.s32 $0x6880  }
0x22f: {  	[tilespmem:s30], [sflag:$0x1] =	stream.indirect_vreg.gather [hbm4b:s8+s4], $0x80, v3, vm0, $0xb8;
	[tilespmem:$0x10080] =	vst v63  }
0x230: {  	s31 =	simm.s32 $0x7080  }
0x231: {  	[tilespmem:s31], [sflag:$0x1] =	stream.indirect_vreg.gather [hbm4b:s9+s4], $0x80, v3, vm0, $0xb8;
	[tilespmem:$0x10080] =	vst v63  }
0x232: {  	s14 =	simm.s32 $0x7880  }
0x233: {  	[tilespmem:s14], [sflag:$0x1] =	stream.indirect_vreg.gather [hbm4b:s10+s4], $0x80, v3, vm0, $0xb8;
	[tilespmem:$0x10080] =	vst v63  }
0x234: {  	v3 =	vld [tilespmem:$0x20];
	_ =	sdelay $0x4  }
0x235: {  	v54 =	vshll.u32 v3, $0x3  }
0x236: {  	v3 =	vand.u32 $0x7, v3;
	v4 =	vand.u32 $0xFFFFFFC0, v54  }
0x237: {  	v3 =	vor.u32 v3, v4  }
0x238: {  	v4 =	vperm.xlane v3, v0;
	_ =	sdelay $0x1  }
0x239: {  	v4 =	vadd.s32 v1, v4;
	_ =	sdelay $0x3  }
0x23a: {  	s19 =	simm.s32 $0x8080  }
0x23b: {  	[tilespmem:s19], [sflag:$0x1] =	stream.indirect_vreg.gather [hbm4b:s2+s4], $0x80, v4, vm0, $0xb8;
	[tilespmem:$0x10080] =	vst v63  }
0x23c: {  	s28 =	simm.s32 $0x8880;
	v3 =	vperm.xlane v3, v2  }
0x23d: {  	[tilespmem:s28], [sflag:$0x1] =	stream.indirect_vreg.gather [hbm4b:s8+s4], $0x80, v4, vm0, $0xb8;
	[tilespmem:$0x10080] =	vst v63  }
0x23e: {  	s21 =	simm.s32 $0x9080;
	v3 =	vadd.s32 v1, v3  }
0x23f: {  	[tilespmem:s21], [sflag:$0x1] =	stream.indirect_vreg.gather [hbm4b:s9+s4], $0x80, v4, vm0, $0xb8;
	[tilespmem:$0x10080] =	vst v63  }
0x240: {  	s22 =	simm.s32 $0x9880  }
0x241: {  	[tilespmem:s22], [sflag:$0x1] =	stream.indirect_vreg.gather [hbm4b:s10+s4], $0x80, v4, vm0, $0xb8;
	[tilespmem:$0x10080] =	vst v63  }
0x242: {  	s23 =	simm.s32 $0xA080  }
0x243: {  	[tilespmem:s23], [sflag:$0x1] =	stream.indirect_vreg.gather [hbm4b:s2+s4], $0x80, v3, vm0, $0xb8;
	[tilespmem:$0x10080] =	vst v63  }
0x244: {  	s28 =	simm.s32 $0xA880  }
0x245: {  	[tilespmem:s28], [sflag:$0x1] =	stream.indirect_vreg.gather [hbm4b:s8+s4], $0x80, v3, vm0, $0xb8;
	[tilespmem:$0x10080] =	vst v63  }
0x246: {  	s28 =	simm.s32 $0xB080  }
0x247: {  	[tilespmem:s28], [sflag:$0x1] =	stream.indirect_vreg.gather [hbm4b:s9+s4], $0x80, v3, vm0, $0xb8;
	[tilespmem:$0x10080] =	vst v63  }
0x248: {  	s28 =	simm.s32 $0xB880  }
0x249: {  	[tilespmem:s28], [sflag:$0x1] =	stream.indirect_vreg.gather [hbm4b:s10+s4], $0x80, v3, vm0, $0xb8;
	[tilespmem:$0x10080] =	vst v63  }
0x24a: {  	v3 =	vld [tilespmem:$0x30];
	_ =	sdelay $0x4  }
0x24b: {  	v55 =	vshll.u32 v3, $0x3  }
0x24c: {  	v3 =	vand.u32 $0x7, v3;
	v4 =	vand.u32 $0xFFFFFFC0, v55  }
0x24d: {  	v3 =	vor.u32 v3, v4  }
0x24e: {  	v4 =	vperm.xlane v3, v0;
	_ =	sdelay $0x1  }
0x24f: {  	v4 =	vadd.s32 v1, v4;
	_ =	sdelay $0x3  }
0x250: {  	s28 =	simm.s32 $0xC080  }
0x251: {  	[tilespmem:s28], [sflag:$0x1] =	stream.indirect_vreg.gather [hbm4b:s2+s4], $0x80, v4, vm0, $0xb8;
	[tilespmem:$0x10080] =	vst v63  }
0x252: {  	v3 =	vperm.xlane v3, v2;
	s28 =	simm.s32 $0xC880  }
0x253: {  	[tilespmem:s28], [sflag:$0x1] =	stream.indirect_vreg.gather [hbm4b:s8+s4], $0x80, v4, vm0, $0xb8;
	[tilespmem:$0x10080] =	vst v63  }
0x254: {  	s15 =	simm.s32 $0xD080;
	v3 =	vadd.s32 v1, v3  }
0x255: {  	[tilespmem:s15], [sflag:$0x1] =	stream.indirect_vreg.gather [hbm4b:s9+s4], $0x80, v4, vm0, $0xb8;
	[tilespmem:$0x10080] =	vst v63  }
0x256: {  	s16 =	simm.s32 $0xD880  }
0x257: {  	[tilespmem:s16], [sflag:$0x1] =	stream.indirect_vreg.gather [hbm4b:s10+s4], $0x80, v4, vm0, $0xb8;
	[tilespmem:$0x10080] =	vst v63  }
0x258: {  	s17 =	simm.s32 $0xE080  }
0x259: {  	[tilespmem:s17], [sflag:$0x1] =	stream.indirect_vreg.gather [hbm4b:s2+s4], $0x80, v3, vm0, $0xb8;
	[tilespmem:$0x10080] =	vst v63  }
0x25a: {  	s16 =	simm.s32 $0xE880  }
0x25b: {  	[tilespmem:s16], [sflag:$0x1] =	stream.indirect_vreg.gather [hbm4b:s8+s4], $0x80, v3, vm0, $0xb8;
	[tilespmem:$0x10080] =	vst v63  }
0x25c: {  	s17 =	simm.s32 $0xF080  }
0x25d: {  	[tilespmem:s17], [sflag:$0x1] =	stream.indirect_vreg.gather [hbm4b:s9+s4], $0x80, v3, vm0, $0xb8;
	[tilespmem:$0x10080] =	vst v63  }
0x25e: {  	s18 =	simm.s32 $0xF880  }
0x25f: {  	[tilespmem:s18], [sflag:$0x1] =	stream.indirect_vreg.gather [hbm4b:s10+s4], $0x80, v3, vm0, $0xb8;
	[tilespmem:$0x10080] =	vst v63  }
0x260: {  	_ =	swait.ge [sflag:s26], $0x10000  }
0x261: {  	[sflag:s26] =	ssyncset.done $0x0  }
0x262: {  	s18 =	rddreg [dreg:$0x10];
	[sflag:s26] =	ssyncadd.s32 $0xFFFF0000  }
0x263: {  	[hbm4b:s18+s4] =	stream.linear.scatter [tilespmem:s13], [sflag:$0x2], $0x10000, $0x38;
	[tilespmem:$0x10080] =	vst v63  }
0x264: {  	_ =	swait.ge [sflag:s12], $0x10000  }
0x265: {  	[sflag:s12] =	ssyncset.done $0x0  }
0x266: {  	s15 =	rddreg [dreg:$0x11];
	[sflag:s12] =	ssyncadd.s32 $0xFFFF0000  }
0x267: {  	[tilespmem:s4], [sflag:$0x2] =	stream.linear.gather [hbm4b:s15+s4], $0x40, $0x38;
	[tilespmem:$0x10080] =	vst v63  }
0x268: {  	_ =	swait.ge [sflag:s12], $0x40  }
0x269: {  	[sflag:s12] =	ssyncset.done $0x0  }
0x26a: {  	[sflag:s12] =	ssyncadd.s32 $0xFFFFFFC0  }
0x26b: {  	v3 =	vld [tilespmem:$0x0];
	_ =	sdelay $0x4  }
0x26c: {  	v56 =	vshll.u32 v3, $0x3  }
0x26d: {  	v3 =	vand.u32 $0x7, v3;
	v4 =	vand.u32 $0xFFFFFFC0, v56  }
0x26e: {  	v3 =	vor.u32 v3, v4  }
0x26f: {  	v4 =	vperm.xlane v3, v0;
	_ =	sdelay $0x1  }
0x270: {  	v4 =	vadd.s32 v1, v4;
	_ =	sdelay $0x4  }
0x271: {  	[tilespmem:s13], [sflag:$0x1] =	stream.indirect_vreg.gather [hbm4b:s2+s4], $0x80, v4, vm0, $0xb8;
	[tilespmem:$0x10080] =	vst v63  }
0x272: {  	s16 =	simm.s32 $0x880;
	v3 =	vperm.xlane v3, v2  }
0x273: {  	[tilespmem:s16], [sflag:$0x1] =	stream.indirect_vreg.gather [hbm4b:s8+s4], $0x80, v4, vm0, $0xb8;
	[tilespmem:$0x10080] =	vst v63  }
0x274: {  	s17 =	simm.s32 $0x1080;
	v3 =	vadd.s32 v1, v3  }
0x275: {  	[tilespmem:s17], [sflag:$0x1] =	stream.indirect_vreg.gather [hbm4b:s9+s4], $0x80, v4, vm0, $0xb8;
	[tilespmem:$0x10080] =	vst v63  }
0x276: {  	s18 =	simm.s32 $0x1880  }
0x277: {  	[tilespmem:s18], [sflag:$0x1] =	stream.indirect_vreg.gather [hbm4b:s10+s4], $0x80, v4, vm0, $0xb8;
	[tilespmem:$0x10080] =	vst v63  }
0x278: {  	s0 =	simm.s32 $0x2080  }
0x279: {  	[tilespmem:s0], [sflag:$0x1] =	stream.indirect_vreg.gather [hbm4b:s2+s4], $0x80, v3, vm0, $0xb8;
	[tilespmem:$0x10080] =	vst v63  }
0x27a: {  	s3 =	simm.s32 $0x2880  }
0x27b: {  	[tilespmem:s3], [sflag:$0x1] =	stream.indirect_vreg.gather [hbm4b:s8+s4], $0x80, v3, vm0, $0xb8;
	[tilespmem:$0x10080] =	vst v63  }
0x27c: {  	s11 =	simm.s32 $0x3080  }
0x27d: {  	[tilespmem:s11], [sflag:$0x1] =	stream.indirect_vreg.gather [hbm4b:s9+s4], $0x80, v3, vm0, $0xb8;
	[tilespmem:$0x10080] =	vst v63  }
0x27e: {  	s28 =	simm.s32 $0x3880  }
0x27f: {  	[tilespmem:s28], [sflag:$0x1] =	stream.indirect_vreg.gather [hbm4b:s10+s4], $0x80, v3, vm0, $0xb8;
	[tilespmem:$0x10080] =	vst v63  }
0x280: {  	v3 =	vld [tilespmem:$0x10];
	_ =	sdelay $0x4  }
0x281: {  	v57 =	vshll.u32 v3, $0x3  }
0x282: {  	v3 =	vand.u32 $0x7, v3;
	v4 =	vand.u32 $0xFFFFFFC0, v57  }
0x283: {  	v3 =	vor.u32 v3, v4  }
0x284: {  	v4 =	vperm.xlane v3, v0;
	_ =	sdelay $0x1  }
0x285: {  	v4 =	vadd.s32 v1, v4;
	_ =	sdelay $0x3  }
0x286: {  	s16 =	simm.s32 $0x4080  }
0x287: {  	[tilespmem:s16], [sflag:$0x1] =	stream.indirect_vreg.gather [hbm4b:s2+s4], $0x80, v4, vm0, $0xb8;
	[tilespmem:$0x10080] =	vst v63  }
0x288: {  	s17 =	simm.s32 $0x4880;
	v3 =	vperm.xlane v3, v2  }
0x289: {  	[tilespmem:s17], [sflag:$0x1] =	stream.indirect_vreg.gather [hbm4b:s8+s4], $0x80, v4, vm0, $0xb8;
	[tilespmem:$0x10080] =	vst v63  }
0x28a: {  	s24 =	simm.s32 $0x5080;
	v3 =	vadd.s32 v1, v3  }
0x28b: {  	[tilespmem:s24], [sflag:$0x1] =	stream.indirect_vreg.gather [hbm4b:s9+s4], $0x80, v4, vm0, $0xb8;
	[tilespmem:$0x10080] =	vst v63  }
0x28c: {  	s25 =	simm.s32 $0x5880  }
0x28d: {  	[tilespmem:s25], [sflag:$0x1] =	stream.indirect_vreg.gather [hbm4b:s10+s4], $0x80, v4, vm0, $0xb8;
	[tilespmem:$0x10080] =	vst v63  }
0x28e: {  	s29 =	simm.s32 $0x6080  }
0x28f: {  	[tilespmem:s29], [sflag:$0x1] =	stream.indirect_vreg.gather [hbm4b:s2+s4], $0x80, v3, vm0, $0xb8;
	[tilespmem:$0x10080] =	vst v63  }
0x290: {  	s30 =	simm.s32 $0x6880  }
0x291: {  	[tilespmem:s30], [sflag:$0x1] =	stream.indirect_vreg.gather [hbm4b:s8+s4], $0x80, v3, vm0, $0xb8;
	[tilespmem:$0x10080] =	vst v63  }
0x292: {  	s31 =	simm.s32 $0x7080  }
0x293: {  	[tilespmem:s31], [sflag:$0x1] =	stream.indirect_vreg.gather [hbm4b:s9+s4], $0x80, v3, vm0, $0xb8;
	[tilespmem:$0x10080] =	vst v63  }
0x294: {  	s14 =	simm.s32 $0x7880  }
0x295: {  	[tilespmem:s14], [sflag:$0x1] =	stream.indirect_vreg.gather [hbm4b:s10+s4], $0x80, v3, vm0, $0xb8;
	[tilespmem:$0x10080] =	vst v63  }
0x296: {  	v3 =	vld [tilespmem:$0x20];
	_ =	sdelay $0x4  }
0x297: {  	v58 =	vshll.u32 v3, $0x3  }
0x298: {  	v3 =	vand.u32 $0x7, v3;
	v4 =	vand.u32 $0xFFFFFFC0, v58  }
0x299: {  	v3 =	vor.u32 v3, v4  }
0x29a: {  	v4 =	vperm.xlane v3, v0;
	_ =	sdelay $0x1  }
0x29b: {  	v4 =	vadd.s32 v1, v4;
	_ =	sdelay $0x3  }
0x29c: {  	s19 =	simm.s32 $0x8080  }
0x29d: {  	[tilespmem:s19], [sflag:$0x1] =	stream.indirect_vreg.gather [hbm4b:s2+s4], $0x80, v4, vm0, $0xb8;
	[tilespmem:$0x10080] =	vst v63  }
0x29e: {  	s28 =	simm.s32 $0x8880;
	v3 =	vperm.xlane v3, v2  }
0x29f: {  	[tilespmem:s28], [sflag:$0x1] =	stream.indirect_vreg.gather [hbm4b:s8+s4], $0x80, v4, vm0, $0xb8;
	[tilespmem:$0x10080] =	vst v63  }
0x2a0: {  	s21 =	simm.s32 $0x9080;
	v3 =	vadd.s32 v1, v3  }
0x2a1: {  	[tilespmem:s21], [sflag:$0x1] =	stream.indirect_vreg.gather [hbm4b:s9+s4], $0x80, v4, vm0, $0xb8;
	[tilespmem:$0x10080] =	vst v63  }
0x2a2: {  	s22 =	simm.s32 $0x9880  }
0x2a3: {  	[tilespmem:s22], [sflag:$0x1] =	stream.indirect_vreg.gather [hbm4b:s10+s4], $0x80, v4, vm0, $0xb8;
	[tilespmem:$0x10080] =	vst v63  }
0x2a4: {  	s23 =	simm.s32 $0xA080  }
0x2a5: {  	[tilespmem:s23], [sflag:$0x1] =	stream.indirect_vreg.gather [hbm4b:s2+s4], $0x80, v3, vm0, $0xb8;
	[tilespmem:$0x10080] =	vst v63  }
0x2a6: {  	s16 =	simm.s32 $0xA880  }
0x2a7: {  	[tilespmem:s16], [sflag:$0x1] =	stream.indirect_vreg.gather [hbm4b:s8+s4], $0x80, v3, vm0, $0xb8;
	[tilespmem:$0x10080] =	vst v63  }
0x2a8: {  	s17 =	simm.s32 $0xB080  }
0x2a9: {  	[tilespmem:s17], [sflag:$0x1] =	stream.indirect_vreg.gather [hbm4b:s9+s4], $0x80, v3, vm0, $0xb8;
	[tilespmem:$0x10080] =	vst v63  }
0x2aa: {  	s28 =	simm.s32 $0xB880  }
0x2ab: {  	[tilespmem:s28], [sflag:$0x1] =	stream.indirect_vreg.gather [hbm4b:s10+s4], $0x80, v3, vm0, $0xb8;
	[tilespmem:$0x10080] =	vst v63  }
0x2ac: {  	v3 =	vld [tilespmem:$0x30];
	_ =	sdelay $0x4  }
0x2ad: {  	v59 =	vshll.u32 v3, $0x3  }
0x2ae: {  	v3 =	vand.u32 $0x7, v3;
	v4 =	vand.u32 $0xFFFFFFC0, v59  }
0x2af: {  	v3 =	vor.u32 v3, v4  }
0x2b0: {  	v4 =	vperm.xlane v3, v0;
	_ =	sdelay $0x1  }
0x2b1: {  	v4 =	vadd.s32 v1, v4;
	_ =	sdelay $0x3  }
0x2b2: {  	s28 =	simm.s32 $0xC080  }
0x2b3: {  	[tilespmem:s28], [sflag:$0x1] =	stream.indirect_vreg.gather [hbm4b:s2+s4], $0x80, v4, vm0, $0xb8;
	[tilespmem:$0x10080] =	vst v63  }
0x2b4: {  	v3 =	vperm.xlane v3, v2;
	s28 =	simm.s32 $0xC880  }
0x2b5: {  	[tilespmem:s28], [sflag:$0x1] =	stream.indirect_vreg.gather [hbm4b:s8+s4], $0x80, v4, vm0, $0xb8;
	[tilespmem:$0x10080] =	vst v63  }
0x2b6: {  	v3 =	vadd.s32 v1, v3;
	s28 =	simm.s32 $0xD080  }
0x2b7: {  	[tilespmem:s28], [sflag:$0x1] =	stream.indirect_vreg.gather [hbm4b:s9+s4], $0x80, v4, vm0, $0xb8;
	[tilespmem:$0x10080] =	vst v63  }
0x2b8: {  	s28 =	simm.s32 $0xD880  }
0x2b9: {  	[tilespmem:s28], [sflag:$0x1] =	stream.indirect_vreg.gather [hbm4b:s10+s4], $0x80, v4, vm0, $0xb8;
	[tilespmem:$0x10080] =	vst v63  }
0x2ba: {  	s28 =	simm.s32 $0xE080  }
0x2bb: {  	[tilespmem:s28], [sflag:$0x1] =	stream.indirect_vreg.gather [hbm4b:s2+s4], $0x80, v3, vm0, $0xb8;
	[tilespmem:$0x10080] =	vst v63  }
0x2bc: {  	s28 =	simm.s32 $0xE880  }
0x2bd: {  	[tilespmem:s28], [sflag:$0x1] =	stream.indirect_vreg.gather [hbm4b:s8+s4], $0x80, v3, vm0, $0xb8;
	[tilespmem:$0x10080] =	vst v63  }
0x2be: {  	s28 =	simm.s32 $0xF080  }
0x2bf: {  	[tilespmem:s28], [sflag:$0x1] =	stream.indirect_vreg.gather [hbm4b:s9+s4], $0x80, v3, vm0, $0xb8;
	[tilespmem:$0x10080] =	vst v63  }
0x2c0: {  	s28 =	simm.s32 $0xF880  }
0x2c1: {  	[tilespmem:s28], [sflag:$0x1] =	stream.indirect_vreg.gather [hbm4b:s10+s4], $0x80, v3, vm0, $0xb8;
	[tilespmem:$0x10080] =	vst v63  }
0x2c2: {  	_ =	swait.ge [sflag:s26], $0x10000  }
0x2c3: {  	[sflag:s26] =	ssyncset.done $0x0  }
0x2c4: {  	s28 =	rddreg [dreg:$0x12];
	[sflag:s26] =	ssyncadd.s32 $0xFFFF0000  }
0x2c5: {  	[hbm4b:s28+s4] =	stream.linear.scatter [tilespmem:s13], [sflag:$0x2], $0x10000, $0x38;
	[tilespmem:$0x10080] =	vst v63  }
0x2c6: {  	_ =	swait.ge [sflag:s12], $0x10000  }
0x2c7: {  	[sflag:s12] =	ssyncset.done $0x0  }
0x2c8: {  	s28 =	rddreg [dreg:$0x13];
	[sflag:s12] =	ssyncadd.s32 $0xFFFF0000  }
0x2c9: {  	[tilespmem:s4], [sflag:$0x2] =	stream.linear.gather [hbm4b:s28+s4], $0x40, $0x38;
	[tilespmem:$0x10080] =	vst v63  }
0x2ca: {  	_ =	swait.ge [sflag:s12], $0x40  }
0x2cb: {  	[sflag:s12] =	ssyncset.done $0x0  }
0x2cc: {  	[sflag:s12] =	ssyncadd.s32 $0xFFFFFFC0  }
0x2cd: {  	v3 =	vld [tilespmem:$0x0];
	_ =	sdelay $0x4  }
0x2ce: {  	v60 =	vshll.u32 v3, $0x3  }
0x2cf: {  	v3 =	vand.u32 $0x7, v3;
	v4 =	vand.u32 $0xFFFFFFC0, v60  }
0x2d0: {  	v3 =	vor.u32 v3, v4  }
0x2d1: {  	v4 =	vperm.xlane v3, v0;
	_ =	sdelay $0x1  }
0x2d2: {  	v4 =	vadd.s32 v1, v4;
	_ =	sdelay $0x4  }
0x2d3: {  	[tilespmem:s13], [sflag:$0x1] =	stream.indirect_vreg.gather [hbm4b:s2+s4], $0x80, v4, vm0, $0xb8;
	[tilespmem:$0x10080] =	vst v63  }
0x2d4: {  	s28 =	simm.s32 $0x880;
	v3 =	vperm.xlane v3, v2  }
0x2d5: {  	[tilespmem:s28], [sflag:$0x1] =	stream.indirect_vreg.gather [hbm4b:s8+s4], $0x80, v4, vm0, $0xb8;
	[tilespmem:$0x10080] =	vst v63  }
0x2d6: {  	v3 =	vadd.s32 v1, v3;
	s28 =	simm.s32 $0x1080  }
0x2d7: {  	[tilespmem:s28], [sflag:$0x1] =	stream.indirect_vreg.gather [hbm4b:s9+s4], $0x80, v4, vm0, $0xb8;
	[tilespmem:$0x10080] =	vst v63  }
0x2d8: {  	s15 =	simm.s32 $0x1880  }
0x2d9: {  	[tilespmem:s15], [sflag:$0x1] =	stream.indirect_vreg.gather [hbm4b:s10+s4], $0x80, v4, vm0, $0xb8;
	[tilespmem:$0x10080] =	vst v63  }
0x2da: {  	s18 =	simm.s32 $0x2080  }
0x2db: {  	[tilespmem:s18], [sflag:$0x1] =	stream.indirect_vreg.gather [hbm4b:s2+s4], $0x80, v3, vm0, $0xb8;
	[tilespmem:$0x10080] =	vst v63  }
0x2dc: {  	s0 =	simm.s32 $0x2880  }
0x2dd: {  	[tilespmem:s0], [sflag:$0x1] =	stream.indirect_vreg.gather [hbm4b:s8+s4], $0x80, v3, vm0, $0xb8;
	[tilespmem:$0x10080] =	vst v63  }
0x2de: {  	s3 =	simm.s32 $0x3080  }
0x2df: {  	[tilespmem:s3], [sflag:$0x1] =	stream.indirect_vreg.gather [hbm4b:s9+s4], $0x80, v3, vm0, $0xb8;
	[tilespmem:$0x10080] =	vst v63  }
0x2e0: {  	s28 =	simm.s32 $0x3880  }
0x2e1: {  	[tilespmem:s28], [sflag:$0x1] =	stream.indirect_vreg.gather [hbm4b:s10+s4], $0x80, v3, vm0, $0xb8;
	[tilespmem:$0x10080] =	vst v63  }
0x2e2: {  	v3 =	vld [tilespmem:$0x10];
	_ =	sdelay $0x4  }
0x2e3: {  	v61 =	vshll.u32 v3, $0x3  }
0x2e4: {  	v3 =	vand.u32 $0x7, v3;
	v4 =	vand.u32 $0xFFFFFFC0, v61  }
0x2e5: {  	v3 =	vor.u32 v3, v4  }
0x2e6: {  	v4 =	vperm.xlane v3, v0;
	_ =	sdelay $0x1  }
0x2e7: {  	v4 =	vadd.s32 v1, v4;
	_ =	sdelay $0x3  }
0x2e8: {  	s3 =	simm.s32 $0x4080  }
0x2e9: {  	[tilespmem:s3], [sflag:$0x1] =	stream.indirect_vreg.gather [hbm4b:s2+s4], $0x80, v4, vm0, $0xb8;
	[tilespmem:$0x10080] =	vst v63  }
0x2ea: {  	s15 =	simm.s32 $0x4880;
	v3 =	vperm.xlane v3, v2  }
0x2eb: {  	[tilespmem:s15], [sflag:$0x1] =	stream.indirect_vreg.gather [hbm4b:s8+s4], $0x80, v4, vm0, $0xb8;
	[tilespmem:$0x10080] =	vst v63  }
0x2ec: {  	s11 =	simm.s32 $0x5080;
	v3 =	vadd.s32 v1, v3  }
0x2ed: {  	[tilespmem:s11], [sflag:$0x1] =	stream.indirect_vreg.gather [hbm4b:s9+s4], $0x80, v4, vm0, $0xb8;
	[tilespmem:$0x10080] =	vst v63  }
0x2ee: {  	s24 =	simm.s32 $0x5880  }
0x2ef: {  	[tilespmem:s24], [sflag:$0x1] =	stream.indirect_vreg.gather [hbm4b:s10+s4], $0x80, v4, vm0, $0xb8;
	[tilespmem:$0x10080] =	vst v63  }
0x2f0: {  	s25 =	simm.s32 $0x6080  }
0x2f1: {  	[tilespmem:s25], [sflag:$0x1] =	stream.indirect_vreg.gather [hbm4b:s2+s4], $0x80, v3, vm0, $0xb8;
	[tilespmem:$0x10080] =	vst v63  }
0x2f2: {  	s29 =	simm.s32 $0x6880  }
0x2f3: {  	[tilespmem:s29], [sflag:$0x1] =	stream.indirect_vreg.gather [hbm4b:s8+s4], $0x80, v3, vm0, $0xb8;
	[tilespmem:$0x10080] =	vst v63  }
0x2f4: {  	s30 =	simm.s32 $0x7080  }
0x2f5: {  	[tilespmem:s30], [sflag:$0x1] =	stream.indirect_vreg.gather [hbm4b:s9+s4], $0x80, v3, vm0, $0xb8;
	[tilespmem:$0x10080] =	vst v63  }
0x2f6: {  	s31 =	simm.s32 $0x7880  }
0x2f7: {  	[tilespmem:s31], [sflag:$0x1] =	stream.indirect_vreg.gather [hbm4b:s10+s4], $0x80, v3, vm0, $0xb8;
	[tilespmem:$0x10080] =	vst v63  }
0x2f8: {  	v3 =	vld [tilespmem:$0x20];
	_ =	sdelay $0x4  }
0x2f9: {  	v62 =	vshll.u32 v3, $0x3  }
0x2fa: {  	v3 =	vand.u32 $0x7, v3;
	v4 =	vand.u32 $0xFFFFFFC0, v62  }
0x2fb: {  	v3 =	vor.u32 v3, v4  }
0x2fc: {  	v4 =	vperm.xlane v3, v0;
	_ =	sdelay $0x1  }
0x2fd: {  	v4 =	vadd.s32 v1, v4;
	_ =	sdelay $0x3  }
0x2fe: {  	s14 =	simm.s32 $0x8080  }
0x2ff: {  	[tilespmem:s14], [sflag:$0x1] =	stream.indirect_vreg.gather [hbm4b:s2+s4], $0x80, v4, vm0, $0xb8;
	[tilespmem:$0x10080] =	vst v63  }
0x300: {  	s18 =	simm.s32 $0x8880;
	v3 =	vperm.xlane v3, v2  }
0x301: {  	[tilespmem:s18], [sflag:$0x1] =	stream.indirect_vreg.gather [hbm4b:s8+s4], $0x80, v4, vm0, $0xb8;
	[tilespmem:$0x10080] =	vst v63  }
0x302: {  	s19 =	simm.s32 $0x9080;
	v3 =	vadd.s32 v1, v3  }
0x303: {  	[tilespmem:s19], [sflag:$0x1] =	stream.indirect_vreg.gather [hbm4b:s9+s4], $0x80, v4, vm0, $0xb8;
	[tilespmem:$0x10080] =	vst v63  }
0x304: {  	s21 =	simm.s32 $0x9880  }
0x305: {  	[tilespmem:s21], [sflag:$0x1] =	stream.indirect_vreg.gather [hbm4b:s10+s4], $0x80, v4, vm0, $0xb8;
	[tilespmem:$0x10080] =	vst v63  }
0x306: {  	s22 =	simm.s32 $0xA080  }
0x307: {  	[tilespmem:s22], [sflag:$0x1] =	stream.indirect_vreg.gather [hbm4b:s2+s4], $0x80, v3, vm0, $0xb8;
	[tilespmem:$0x10080] =	vst v63  }
0x308: {  	s23 =	simm.s32 $0xA880  }
0x309: {  	[tilespmem:s23], [sflag:$0x1] =	stream.indirect_vreg.gather [hbm4b:s8+s4], $0x80, v3, vm0, $0xb8;
	[tilespmem:$0x10080] =	vst v63  }
0x30a: {  	s16 =	simm.s32 $0xB080  }
0x30b: {  	[tilespmem:s16], [sflag:$0x1] =	stream.indirect_vreg.gather [hbm4b:s9+s4], $0x80, v3, vm0, $0xb8;
	[tilespmem:$0x10080] =	vst v63  }
0x30c: {  	s21 =	simm.s32 $0xB880  }
0x30d: {  	[tilespmem:s21], [sflag:$0x1] =	stream.indirect_vreg.gather [hbm4b:s10+s4], $0x80, v3, vm0, $0xb8;
	[tilespmem:$0x10080] =	vst v63  }
0x30e: {  	v3 =	vld [tilespmem:$0x30];
	_ =	sdelay $0x4  }
0x30f: {  	v63 =	vshll.u32 v3, $0x3  }
0x310: {  	v3 =	vand.u32 $0x7, v3;
	v4 =	vand.u32 $0xFFFFFFC0, v63  }
0x311: {  	v3 =	vor.u32 v3, v4  }
0x312: {  	v4 =	vperm.xlane v3, v0;
	_ =	sdelay $0x1  }
0x313: {  	v4 =	vadd.s32 v1, v4;
	_ =	sdelay $0x3  }
0x314: {  	s22 =	simm.s32 $0xC080  }
0x315: {  	[tilespmem:s22], [sflag:$0x1] =	stream.indirect_vreg.gather [hbm4b:s2+s4], $0x80, v4, vm0, $0xb8;
	[tilespmem:$0x10080] =	vst v63  }
0x316: {  	s23 =	simm.s32 $0xC880;
	v3 =	vperm.xlane v3, v2  }
0x317: {  	[tilespmem:s23], [sflag:$0x1] =	stream.indirect_vreg.gather [hbm4b:s8+s4], $0x80, v4, vm0, $0xb8;
	[tilespmem:$0x10080] =	vst v63  }
0x318: {  	s17 =	simm.s32 $0xD080;
	v3 =	vadd.s32 v1, v3  }
0x319: {  	[tilespmem:s17], [sflag:$0x1] =	stream.indirect_vreg.gather [hbm4b:s9+s4], $0x80, v4, vm0, $0xb8;
	[tilespmem:$0x10080] =	vst v63  }
0x31a: {  	s24 =	simm.s32 $0xD880  }
0x31b: {  	[tilespmem:s24], [sflag:$0x1] =	stream.indirect_vreg.gather [hbm4b:s10+s4], $0x80, v4, vm0, $0xb8;
	[tilespmem:$0x10080] =	vst v63  }
0x31c: {  	s25 =	simm.s32 $0xE080  }
0x31d: {  	[tilespmem:s25], [sflag:$0x1] =	stream.indirect_vreg.gather [hbm4b:s2+s4], $0x80, v3, vm0, $0xb8;
	[tilespmem:$0x10080] =	vst v63  }
0x31e: {  	s28 =	simm.s32 $0xE880  }
0x31f: {  	[tilespmem:s28], [sflag:$0x1] =	stream.indirect_vreg.gather [hbm4b:s8+s4], $0x80, v3, vm0, $0xb8;
	[tilespmem:$0x10080] =	vst v63  }
0x320: {  	s29 =	simm.s32 $0xF080  }
0x321: {  	[tilespmem:s29], [sflag:$0x1] =	stream.indirect_vreg.gather [hbm4b:s9+s4], $0x80, v3, vm0, $0xb8;
	[tilespmem:$0x10080] =	vst v63  }
0x322: {  	s30 =	simm.s32 $0xF880  }
0x323: {  	[tilespmem:s30], [sflag:$0x1] =	stream.indirect_vreg.gather [hbm4b:s10+s4], $0x80, v3, vm0, $0xb8;
	[tilespmem:$0x10080] =	vst v63  }
0x324: {  	_ =	swait.ge [sflag:s26], $0x10000  }
0x325: {  	p0 =	sne.s32 s20, $0x1;
	[sflag:s26] =	ssyncset.done $0x0  }
.Ltmp0:
0x326: {  	s31 =	rddreg [dreg:$0x14];
	[sflag:s26] =	ssyncadd.s32 $0xFFFF0000;
	(pc) =	sbr.rel @p0 .LBB2_1-.Ltmp0, $4  }
0x327: {  	[hbm4b:s31+s4] =	stream.linear.scatter [tilespmem:s13], [sflag:$0x2], $0x10000, $0x38;
	[tilespmem:$0x10080] =	vst v63  }
0x328: {  	_ =	swait.ge [sflag:s12], $0x10000  }
0x329: {  	[sflag:s12] =	ssyncset.done $0x0  }
0x32a: {  	s20 =	sadd.s32 $0xFFFFFFFF, s20;
	[sflag:s12] =	ssyncadd.s32 $0xFFFF0000  }
0x32b: {  	_ =	sfence.sel $0x180000  }
0x32c: {  	[bflag:$0x0] =	sbarrier.arrive $0xFFFF  }
0x32d: {  	_ =	strace $0x9000004D  }
0x32e: {  	s0 =	stileid.u32;
	[bflag:$0x2] =	sbarrier.arrive $0xFFFF  }
0x32f: {  	p0 =	sne.s32 s0, $0x0;
	s0 =	rddreg [dreg:$0x4]  }
0x330: {  	s0 =	sadd.s32 @!p0 $0x100000, s0  }
0x331: {  	[sflag:s0] =	ssyncadd.tile.s32 @!p0 $0x1;
	_ =	shalt  }
.Lfunc_end2:
_tile_overlayer_lowered:
.L_overlay_start_2:
0x332: {  	(tag) =	ssettag $0x2  }
0x333: {  	s0 =	rddreg [dreg:$0x0];
	s2 =	stileid.u32  }
0x334: {  	s1 =	rddreg [dreg:$0x1];
	p0 =	sne.s32 s2, $0x0  }
0x335: {  	s3 =	rddreg [dreg:$0x2];
	[bflag:$0x3] =	sbarrier.arrive $0xFFFF;
	s2 =	simm.s32 @!p0 $0x1C02  }
0x336: {  	[timem:s3], [sflag:s2] =	dma.local @!p0 [hbm:s0], s1  }
0x337: {  	s0 =	simm.s32 @!p0 $0x2  }
0x338: {  	_ =	swait.ge @!p0 [sflag:s0], s1  }
0x339: {  	s1 =	ssub.s32 @!p0 $0x0, s1;
	[sflag:s0] =	ssyncset.done @!p0 $0x0  }
0x33a: {  	[sflag:s0] =	ssyncadd.s32 @!p0 s1  }
0x33b: {  	[bflag:$0x3] =	sbarrier.arrive $0xFFFF  }
0x33c: {  	_ =	shalt  }

</sc_bundles>
